<compile_context>
chip_gen: v7x
topology: tpu7x:2x2x1
jax: 0.10.2.dev20260603
libtpu: 0.0.44.dev20260713+nightly
codegen_flags: <defaults>
</compile_context>

<pallas_src>
import jax
import jax.numpy as jnp
from jax import lax
from jax.experimental import pallas as pl
from jax.experimental.pallas import tpu as pltpu
from jax.experimental.pallas import tpu_sc as plsc

B, D, H, W, C = 2, 96, 160, 192, 2
N = B * D
ROWS = 16
NCHUNK = H // ROWS
NW = 32
SLICES_PER_W = N // NW
XBLKS = W // 16


def _warp_body(vol_hbm, flow_hbm, out_hbm, img0, img1, fy_v, fx_v, o0_v, o1_v,
               isem, fsems, osems):
    wid = lax.axis_index("s") * 2 + lax.axis_index("c")
    lane = lax.iota(jnp.int32, 16)
    lane_f = lane.astype(jnp.float32)

    def flow_copies(n, c, b):
        return (
            pltpu.make_async_copy(
                flow_hbm.at[n, 0, pl.ds(c * ROWS, ROWS)], fy_v.at[b], fsems[b]),
            pltpu.make_async_copy(
                flow_hbm.at[n, 1, pl.ds(c * ROWS, ROWS)], fx_v.at[b], fsems[b]),
        )

    def out_copies(n, c, b):
        return (
            pltpu.make_async_copy(
                o0_v.at[b], out_hbm.at[n, 0, pl.ds(c * ROWS, ROWS)], osems[b]),
            pltpu.make_async_copy(
                o1_v.at[b], out_hbm.at[n, 1, pl.ds(c * ROWS, ROWS)], osems[b]),
        )

    def compute_chunk(c, b):
        @plsc.parallel_loop(0, ROWS, unroll=2)
        def _row(r):
            y = c * ROWS + r
            yf = (jnp.zeros((16,), jnp.int32) + y).astype(jnp.float32)
            for j in range(XBLKS):
                fy = fy_v[b, r, pl.ds(j * 16, 16)]
                fx = fx_v[b, r, pl.ds(j * 16, 16)]
                qy = yf - fy
                qx = (lane_f - fx) + float(j * 16)
                qyc = jnp.minimum(jnp.maximum(qy, 0.0), float(H - 2))
                qxc = jnp.minimum(jnp.maximum(qx, 0.0), float(W - 2))
                y0 = qyc.astype(jnp.int32)
                x0 = qxc.astype(jnp.int32)
                ay = jnp.minimum(jnp.maximum(qy - y0.astype(jnp.float32), 0.0), 1.0)
                ax = jnp.minimum(jnp.maximum(qx - x0.astype(jnp.float32), 0.0), 1.0)
                x1 = x0 + 1
                y1 = y0 + 1
                tl0 = plsc.load_gather(img0, [y0, x0])
                tl1 = plsc.load_gather(img1, [y0, x0])
                tr0 = plsc.load_gather(img0, [y0, x1])
                tr1 = plsc.load_gather(img1, [y0, x1])
                bl0 = plsc.load_gather(img0, [y1, x0])
                bl1 = plsc.load_gather(img1, [y1, x0])
                br0 = plsc.load_gather(img0, [y1, x1])
                br1 = plsc.load_gather(img1, [y1, x1])
                top0 = tl0 + ax * (tr0 - tl0)
                top1 = tl1 + ax * (tr1 - tl1)
                bot0 = bl0 + ax * (br0 - bl0)
                bot1 = bl1 + ax * (br1 - bl1)
                o0_v[b, r, pl.ds(j * 16, 16)] = top0 + ay * (bot0 - top0)
                o1_v[b, r, pl.ds(j * 16, 16)] = top1 + ay * (bot1 - top1)

    @pl.loop(0, SLICES_PER_W)
    def _slice(k):
        n = wid * SLICES_PER_W + k
        ic0 = pltpu.make_async_copy(vol_hbm.at[n, 0], img0, isem)
        ic1 = pltpu.make_async_copy(vol_hbm.at[n, 1], img1, isem)
        ic0.start()
        ic1.start()
        for cp in flow_copies(n, 0, 0):
            cp.start()
        ic0.wait()
        ic1.wait()

        @pl.loop(0, NCHUNK, step=2)
        def _chunk(c0):
            for b in range(2):
                c = c0 + b
                if b == 0:
                    for cp in flow_copies(n, c + 1, 1):
                        cp.start()
                else:
                    @pl.when(c0 < NCHUNK - 2)
                    def _():
                        for cp in flow_copies(n, c + 1, 0):
                            cp.start()

                for cp in flow_copies(n, c, b):
                    cp.wait()

                @pl.when(c0 >= 2)
                def _():
                    for cp in out_copies(n, c - 2, b):
                        cp.wait()

                compute_chunk(c, b)
                for cp in out_copies(n, c, b):
                    cp.start()

        for b in range(2):
            for cp in out_copies(n, NCHUNK - 2 + b, b):
                cp.wait()


def kernel(vol, flow):
    vol_p = jnp.transpose(vol.reshape(N, H, W, C), (0, 3, 1, 2))
    flow_p = jnp.transpose(flow.reshape(N, H, W, 3), (0, 3, 1, 2))
    run = pl.kernel(
        _warp_body,
        out_type=jax.ShapeDtypeStruct((N, C, H, W), jnp.float32),
        mesh=plsc.VectorSubcoreMesh(core_axis_name="c", subcore_axis_name="s"),
        compiler_params=pltpu.CompilerParams(
            needs_layout_passes=False, use_tc_tiling_on_sc=False),
        scratch_types=[
            pltpu.VMEM((H, W), jnp.float32),
            pltpu.VMEM((H, W), jnp.float32),
            pltpu.VMEM((2, ROWS, W), jnp.float32),
            pltpu.VMEM((2, ROWS, W), jnp.float32),
            pltpu.VMEM((2, ROWS, W), jnp.float32),
            pltpu.VMEM((2, ROWS, W), jnp.float32),
            pltpu.SemaphoreType.DMA,
            [pltpu.SemaphoreType.DMA, pltpu.SemaphoreType.DMA],
            [pltpu.SemaphoreType.DMA, pltpu.SemaphoreType.DMA],
        ],
    )
    out = run(vol_p, flow_p)
    return jnp.transpose(out, (0, 2, 3, 1)).reshape(B, D, H, W, C)

# --- scband reference (transcript-rebuilt; emitter-appended) ---
"""Pipeline reference for scband-spatial-transformer-11879879541403 (READ-ONLY COPY).

The authoritative reference and input builder live on the scoring server;
editing this copy changes nothing except your own understanding.
"""

import jax, jax.numpy as jnp
import numpy as np


def _dense_image_warp(image, flow):
    # Faithful port of tfa.image.dense_image_warp with bilinear interpolation.
    # image: [N, H, W, C], flow: [N, H, W, 2] (y, x displacement).
    N, H, W, C = image.shape
    gy, gx = jnp.meshgrid(jnp.arange(H, dtype=image.dtype), jnp.arange(W, dtype=image.dtype), indexing='ij')
    qy = gy[None, :, :] - flow[..., 0]
    qx = gx[None, :, :] - flow[..., 1]
    y0f = jnp.clip(jnp.floor(qy), 0.0, float(H - 2))
    x0f = jnp.clip(jnp.floor(qx), 0.0, float(W - 2))
    ay = jnp.clip(qy - y0f, 0.0, 1.0)[..., None]
    ax = jnp.clip(qx - x0f, 0.0, 1.0)[..., None]
    y0 = y0f.astype(jnp.int32)
    x0 = x0f.astype(jnp.int32)
    b = jnp.arange(N)[:, None, None]
    tl = image[b, y0, x0]
    tr = image[b, y0, x0 + 1]
    bl = image[b, y0 + 1, x0]
    br = image[b, y0 + 1, x0 + 1]
    top = tl + ax * (tr - tl)
    bot = bl + ax * (br - bl)
    return top + ay * (bot - top)


def setup_inputs(seed: int = 0) -> dict:
    key = jax.random.key(seed)
    k1, k2 = jax.random.split(key)
    vol = jax.random.normal(k1, (2, 96, 160, 192, 2), dtype=jnp.float32)
    flow = jax.random.normal(k2, (2, 96, 160, 192, 3), dtype=jnp.float32)
    return {"vol": vol, "flow": flow}


def reference(vol, flow):
    B, D, H, W, C = vol.shape
    vol_flat = vol.reshape(B * D, H, W, C)
    flow_flat = flow.reshape(B * D, H, W, 3)
    moved_flat = _dense_image_warp(vol_flat, flow_flat[..., :2])
    return moved_flat.reshape(B, D, H, W, C)

if __name__ == "__main__":
    import jax
    _d = setup_inputs()
    print(jax.jit(kernel)(*tuple(_d.values())))

</pallas_src>

<mosaic_0001>
#map = affine_map<(d0, d1) -> (0, 0, 0, 0)>
module attributes {stable_mosaic.version = 14 : i64} {
  func.func @_warp_body(%arg0: i32, %arg1: i32, %arg2: memref<192x2x160x192xf32, #tpu.memory_space<hbm>>, %arg3: memref<192x3x160x192xf32, #tpu.memory_space<hbm>>, %arg4: memref<192x2x160x192xf32, #tpu.memory_space<hbm>>, %arg5: memref<160x192xf32, #tpu.memory_space<vmem>>, %arg6: memref<160x192xf32, #tpu.memory_space<vmem>>, %arg7: memref<2x16x192xf32, #tpu.memory_space<vmem>>, %arg8: memref<2x16x192xf32, #tpu.memory_space<vmem>>, %arg9: memref<2x16x192xf32, #tpu.memory_space<vmem>>, %arg10: memref<2x16x192xf32, #tpu.memory_space<vmem>>, %arg11: memref<!tpu.dma_semaphore, #tpu.memory_space<semaphore_mem>>, %arg12: memref<!tpu.dma_semaphore, #tpu.memory_space<semaphore_mem>>, %arg13: memref<!tpu.dma_semaphore, #tpu.memory_space<semaphore_mem>>, %arg14: memref<!tpu.dma_semaphore, #tpu.memory_space<semaphore_mem>>, %arg15: memref<!tpu.dma_semaphore, #tpu.memory_space<semaphore_mem>>) attributes {dimension_semantics = [#tpu.dimension_semantics<core_parallel>, #tpu.dimension_semantics<subcore_parallel>], iteration_bounds = array<i64: 2, 16>, scalar_prefetch = 0 : i64, scratch_operands = 11 : i64, tpu.core_type = #tpu.core_type<sc_vector_subcore>, window_params = [{transform_indices = #map}, {transform_indices = #map}, {transform_indices = #map}]} {
    %mul3A = arith.constant 2 : i32
    %mul3A_0 = arith.muli %arg1, %mul3A : i32
    %add3A = arith.addi %mul3A_0, %arg0 : i32
    %iota3A = tpu.iota {dimensions = array<i32: 0>} : vector<16xi32>
    %convert_element_type3A = arith.sitofp %iota3A : vector<16xi32> to vector<16xf32>
    %scan3A = arith.constant 0 : i32
    %scan3A_1 = arith.constant 6 : i32
    %scan3A_2 = arith.addi %scan3A, %scan3A_1 : i32
    %scan3A_3 = arith.constant 1 : i32
    scf.for %scan3A_5 = %scan3A to %scan3A_2 step %scan3A_3  : i32 {
      %mul3A_6 = arith.constant 1 : i32
      %mul3A_7 = arith.muli %scan3A_5, %mul3A_6 : i32
      %add3A_8 = arith.constant 0 : i32
      %add3A_9 = arith.addi %add3A_8, %mul3A_7 : i32
      %mul3A_10 = arith.constant 6 : i32
      %mul3A_11 = arith.muli %add3A, %mul3A_10 : i32
      %add3A_12 = arith.addi %mul3A_11, %add3A_9 : i32
      %dma_start3A = arith.constant 0 : i32
      %dma_start3A_13 = arith.constant 0 : i32
      %dma_start3A_14 = arith.constant 0 : i32
      %dma_start3A_15 = tpu.memref_slice %arg2[%add3A_12, %dma_start3A, %dma_start3A_13, %dma_start3A_14] : memref<192x2x160x192xf32, #tpu.memory_space<hbm>> -> memref<1x1x160x192xf32, #tpu.memory_space<hbm>>
      %dma_start3A_16 = tpu.memref_squeeze %dma_start3A_15 : memref<1x1x160x192xf32, #tpu.memory_space<hbm>> -> memref<160x192xf32, #tpu.memory_space<hbm>>
      %dma_start3A_17 = arith.constant 0 : i32
      %dma_start3A_18 = arith.constant 0 : i32
      %dma_start3A_19 = tpu.memref_slice %arg2[%add3A_12, %dma_start3A, %dma_start3A_17, %dma_start3A_18] : memref<192x2x160x192xf32, #tpu.memory_space<hbm>> -> memref<1x1x160x192xf32, #tpu.memory_space<hbm>>
      %dma_start3A_20 = tpu.memref_squeeze %dma_start3A_19 : memref<1x1x160x192xf32, #tpu.memory_space<hbm>> -> memref<160x192xf32, #tpu.memory_space<hbm>>
      tpu.enqueue_dma source(%dma_start3A_20 : memref<160x192xf32, #tpu.memory_space<hbm>>) target(%arg5 : memref<160x192xf32, #tpu.memory_space<vmem>>) target_semaphore(%arg11 : memref<!tpu.dma_semaphore, #tpu.memory_space<semaphore_mem>>)
      %dma_start3A_21 = arith.constant 1 : i32
      %dma_start3A_22 = arith.constant 0 : i32
      %dma_start3A_23 = arith.constant 0 : i32
      %dma_start3A_24 = tpu.memref_slice %arg2[%add3A_12, %dma_start3A_21, %dma_start3A_22, %dma_start3A_23] : memref<192x2x160x192xf32, #tpu.memory_space<hbm>> -> memref<1x1x160x192xf32, #tpu.memory_space<hbm>>
      %dma_start3A_25 = tpu.memref_squeeze %dma_start3A_24 : memref<1x1x160x192xf32, #tpu.memory_space<hbm>> -> memref<160x192xf32, #tpu.memory_space<hbm>>
      %dma_start3A_26 = arith.constant 0 : i32
      %dma_start3A_27 = arith.constant 0 : i32
      %dma_start3A_28 = tpu.memref_slice %arg2[%add3A_12, %dma_start3A_21, %dma_start3A_26, %dma_start3A_27] : memref<192x2x160x192xf32, #tpu.memory_space<hbm>> -> memref<1x1x160x192xf32, #tpu.memory_space<hbm>>
      %dma_start3A_29 = tpu.memref_squeeze %dma_start3A_28 : memref<1x1x160x192xf32, #tpu.memory_space<hbm>> -> memref<160x192xf32, #tpu.memory_space<hbm>>
      tpu.enqueue_dma source(%dma_start3A_29 : memref<160x192xf32, #tpu.memory_space<hbm>>) target(%arg6 : memref<160x192xf32, #tpu.memory_space<vmem>>) target_semaphore(%arg11 : memref<!tpu.dma_semaphore, #tpu.memory_space<semaphore_mem>>)
      %dma_start3A_30 = arith.constant 0 : i32
      %dma_start3A_31 = arith.constant 0 : i32
      %dma_start3A_32 = arith.constant 0 : i32
      %dma_start3A_33 = arith.constant 0 : i32
      %dma_start3A_34 = tpu.memref_slice %arg7[%dma_start3A_31, %dma_start3A_32, %dma_start3A_33] : memref<2x16x192xf32, #tpu.memory_space<vmem>> -> memref<1x16x192xf32, #tpu.memory_space<vmem>>
      %dma_start3A_35 = tpu.memref_squeeze %dma_start3A_34 : memref<1x16x192xf32, #tpu.memory_space<vmem>> -> memref<16x192xf32, #tpu.memory_space<vmem>>
      %dma_start3A_36 = arith.constant 0 : i32
      %dma_start3A_37 = arith.constant 0 : i32
      %dma_start3A_38 = tpu.memref_slice %arg3[%add3A_12, %dma_start3A_30, %dma_start3A_36, %dma_start3A_37] : memref<192x3x160x192xf32, #tpu.memory_space<hbm>> -> memref<1x1x16x192xf32, #tpu.memory_space<hbm>>
      %dma_start3A_39 = tpu.memref_squeeze %dma_start3A_38 : memref<1x1x16x192xf32, #tpu.memory_space<hbm>> -> memref<16x192xf32, #tpu.memory_space<hbm>>
      %dma_start3A_40 = arith.constant 0 : i32
      %dma_start3A_41 = arith.constant 0 : i32
      %dma_start3A_42 = tpu.memref_slice %arg7[%dma_start3A_31, %dma_start3A_40, %dma_start3A_41] : memref<2x16x192xf32, #tpu.memory_space<vmem>> -> memref<1x16x192xf32, #tpu.memory_space<vmem>>
      %dma_start3A_43 = tpu.memref_squeeze %dma_start3A_42 : memref<1x16x192xf32, #tpu.memory_space<vmem>> -> memref<16x192xf32, #tpu.memory_space<vmem>>
      %dma_start3A_44 = arith.constant 0 : i32
      %dma_start3A_45 = arith.constant 0 : i32
      %dma_start3A_46 = tpu.memref_slice %arg3[%add3A_12, %dma_start3A_30, %dma_start3A_44, %dma_start3A_45] : memref<192x3x160x192xf32, #tpu.memory_space<hbm>> -> memref<1x1x16x192xf32, #tpu.memory_space<hbm>>
      %dma_start3A_47 = tpu.memref_squeeze %dma_start3A_46 : memref<1x1x16x192xf32, #tpu.memory_space<hbm>> -> memref<16x192xf32, #tpu.memory_space<hbm>>
      tpu.enqueue_dma source(%dma_start3A_47 : memref<16x192xf32, #tpu.memory_space<hbm>>) target(%dma_start3A_43 : memref<16x192xf32, #tpu.memory_space<vmem>>) target_semaphore(%arg12 : memref<!tpu.dma_semaphore, #tpu.memory_space<semaphore_mem>>)
      %dma_start3A_48 = arith.constant 1 : i32
      %dma_start3A_49 = arith.constant 0 : i32
      %dma_start3A_50 = arith.constant 0 : i32
      %dma_start3A_51 = arith.constant 0 : i32
      %dma_start3A_52 = tpu.memref_slice %arg8[%dma_start3A_49, %dma_start3A_50, %dma_start3A_51] : memref<2x16x192xf32, #tpu.memory_space<vmem>> -> memref<1x16x192xf32, #tpu.memory_space<vmem>>
      %dma_start3A_53 = tpu.memref_squeeze %dma_start3A_52 : memref<1x16x192xf32, #tpu.memory_space<vmem>> -> memref<16x192xf32, #tpu.memory_space<vmem>>
      %dma_start3A_54 = arith.constant 0 : i32
      %dma_start3A_55 = arith.constant 0 : i32
      %dma_start3A_56 = tpu.memref_slice %arg3[%add3A_12, %dma_start3A_48, %dma_start3A_54, %dma_start3A_55] : memref<192x3x160x192xf32, #tpu.memory_space<hbm>> -> memref<1x1x16x192xf32, #tpu.memory_space<hbm>>
      %dma_start3A_57 = tpu.memref_squeeze %dma_start3A_56 : memref<1x1x16x192xf32, #tpu.memory_space<hbm>> -> memref<16x192xf32, #tpu.memory_space<hbm>>
      %dma_start3A_58 = arith.constant 0 : i32
      %dma_start3A_59 = arith.constant 0 : i32
      %dma_start3A_60 = tpu.memref_slice %arg8[%dma_start3A_49, %dma_start3A_58, %dma_start3A_59] : memref<2x16x192xf32, #tpu.memory_space<vmem>> -> memref<1x16x192xf32, #tpu.memory_space<vmem>>
      %dma_start3A_61 = tpu.memref_squeeze %dma_start3A_60 : memref<1x16x192xf32, #tpu.memory_space<vmem>> -> memref<16x192xf32, #tpu.memory_space<vmem>>
      %dma_start3A_62 = arith.constant 0 : i32
      %dma_start3A_63 = arith.constant 0 : i32
      %dma_start3A_64 = tpu.memref_slice %arg3[%add3A_12, %dma_start3A_48, %dma_start3A_62, %dma_start3A_63] : memref<192x3x160x192xf32, #tpu.memory_space<hbm>> -> memref<1x1x16x192xf32, #tpu.memory_space<hbm>>
      %dma_start3A_65 = tpu.memref_squeeze %dma_start3A_64 : memref<1x1x16x192xf32, #tpu.memory_space<hbm>> -> memref<16x192xf32, #tpu.memory_space<hbm>>
      tpu.enqueue_dma source(%dma_start3A_65 : memref<16x192xf32, #tpu.memory_space<hbm>>) target(%dma_start3A_61 : memref<16x192xf32, #tpu.memory_space<vmem>>) target_semaphore(%arg12 : memref<!tpu.dma_semaphore, #tpu.memory_space<semaphore_mem>>)
      %dma_wait3A = arith.constant 0 : i32
      %dma_wait3A_66 = arith.constant 0 : i32
      %dma_wait3A_67 = arith.constant 0 : i32
      %dma_wait3A_68 = tpu.memref_slice %arg2[%add3A_12, %dma_wait3A, %dma_wait3A_66, %dma_wait3A_67] : memref<192x2x160x192xf32, #tpu.memory_space<hbm>> -> memref<1x1x160x192xf32, #tpu.memory_space<hbm>>
      %dma_wait3A_69 = tpu.memref_squeeze %dma_wait3A_68 : memref<1x1x160x192xf32, #tpu.memory_space<hbm>> -> memref<160x192xf32, #tpu.memory_space<hbm>>
      %dma_wait3A_70 = arith.constant 0 : i32
      %dma_wait3A_71 = arith.constant 0 : i32
      %dma_wait3A_72 = tpu.memref_slice %arg2[%add3A_12, %dma_wait3A, %dma_wait3A_70, %dma_wait3A_71] : memref<192x2x160x192xf32, #tpu.memory_space<hbm>> -> memref<1x1x160x192xf32, #tpu.memory_space<hbm>>
      %dma_wait3A_73 = tpu.memref_squeeze %dma_wait3A_72 : memref<1x1x160x192xf32, #tpu.memory_space<hbm>> -> memref<160x192xf32, #tpu.memory_space<hbm>>
      tpu.wait_dma2 semaphore(%arg11 : memref<!tpu.dma_semaphore, #tpu.memory_space<semaphore_mem>>) src(%dma_wait3A_73 : memref<160x192xf32, #tpu.memory_space<hbm>>) dst(%arg5 : memref<160x192xf32, #tpu.memory_space<vmem>>)
      %dma_wait3A_74 = arith.constant 1 : i32
      %dma_wait3A_75 = arith.constant 0 : i32
      %dma_wait3A_76 = arith.constant 0 : i32
      %dma_wait3A_77 = tpu.memref_slice %arg2[%add3A_12, %dma_wait3A_74, %dma_wait3A_75, %dma_wait3A_76] : memref<192x2x160x192xf32, #tpu.memory_space<hbm>> -> memref<1x1x160x192xf32, #tpu.memory_space<hbm>>
      %dma_wait3A_78 = tpu.memref_squeeze %dma_wait3A_77 : memref<1x1x160x192xf32, #tpu.memory_space<hbm>> -> memref<160x192xf32, #tpu.memory_space<hbm>>
      %dma_wait3A_79 = arith.constant 0 : i32
      %dma_wait3A_80 = arith.constant 0 : i32
      %dma_wait3A_81 = tpu.memref_slice %arg2[%add3A_12, %dma_wait3A_74, %dma_wait3A_79, %dma_wait3A_80] : memref<192x2x160x192xf32, #tpu.memory_space<hbm>> -> memref<1x1x160x192xf32, #tpu.memory_space<hbm>>
      %dma_wait3A_82 = tpu.memref_squeeze %dma_wait3A_81 : memref<1x1x160x192xf32, #tpu.memory_space<hbm>> -> memref<160x192xf32, #tpu.memory_space<hbm>>
      tpu.wait_dma2 semaphore(%arg11 : memref<!tpu.dma_semaphore, #tpu.memory_space<semaphore_mem>>) src(%dma_wait3A_82 : memref<160x192xf32, #tpu.memory_space<hbm>>) dst(%arg6 : memref<160x192xf32, #tpu.memory_space<vmem>>)
      %scan3A_83 = arith.constant 0 : i32
      %scan3A_84 = arith.constant 5 : i32
      %scan3A_85 = arith.addi %scan3A_83, %scan3A_84 : i32
      %scan3A_86 = arith.constant 1 : i32
      scf.for %scan3A_160 = %scan3A_83 to %scan3A_85 step %scan3A_86  : i32 {
        %mul3A_161 = arith.constant 2 : i32
        %mul3A_162 = arith.muli %scan3A_160, %mul3A_161 : i32
        %add3A_163 = arith.constant 0 : i32
        %add3A_164 = arith.addi %add3A_163, %mul3A_162 : i32
        %add3A_165 = arith.constant 0 : i32
        %add3A_166 = arith.addi %add3A_164, %add3A_165 : i32
        %add3A_167 = arith.constant 1 : i32
        %add3A_168 = arith.addi %add3A_166, %add3A_167 : i32
        %mul3A_169 = arith.constant 16 : i32
        %mul3A_170 = arith.muli %add3A_168, %mul3A_169 : i32
        %mul3A_171 = arith.constant 16 : i32
        %mul3A_172 = arith.muli %add3A_168, %mul3A_171 : i32
        %dma_start3A_173 = arith.constant 0 : i32
        %dma_start3A_174 = arith.constant 1 : i32
        %dma_start3A_175 = arith.constant 0 : i32
        %dma_start3A_176 = arith.constant 0 : i32
        %dma_start3A_177 = tpu.memref_slice %arg7[%dma_start3A_174, %dma_start3A_175, %dma_start3A_176] : memref<2x16x192xf32, #tpu.memory_space<vmem>> -> memref<1x16x192xf32, #tpu.memory_space<vmem>>
        %dma_start3A_178 = tpu.memref_squeeze %dma_start3A_177 : memref<1x16x192xf32, #tpu.memory_space<vmem>> -> memref<16x192xf32, #tpu.memory_space<vmem>>
        %dma_start3A_179 = arith.constant 0 : i32
        %dma_start3A_180 = tpu.memref_slice %arg3[%add3A_12, %dma_start3A_173, %mul3A_170, %dma_start3A_179] : memref<192x3x160x192xf32, #tpu.memory_space<hbm>> -> memref<1x1x16x192xf32, #tpu.memory_space<hbm>>
        %dma_start3A_181 = tpu.memref_squeeze %dma_start3A_180 : memref<1x1x16x192xf32, #tpu.memory_space<hbm>> -> memref<16x192xf32, #tpu.memory_space<hbm>>
        %dma_start3A_182 = arith.constant 0 : i32
        %dma_start3A_183 = arith.constant 0 : i32
        %dma_start3A_184 = tpu.memref_slice %arg7[%dma_start3A_174, %dma_start3A_182, %dma_start3A_183] : memref<2x16x192xf32, #tpu.memory_space<vmem>> -> memref<1x16x192xf32, #tpu.memory_space<vmem>>
        %dma_start3A_185 = tpu.memref_squeeze %dma_start3A_184 : memref<1x16x192xf32, #tpu.memory_space<vmem>> -> memref<16x192xf32, #tpu.memory_space<vmem>>
        %dma_start3A_186 = arith.constant 0 : i32
        %dma_start3A_187 = tpu.memref_slice %arg3[%add3A_12, %dma_start3A_173, %mul3A_170, %dma_start3A_186] : memref<192x3x160x192xf32, #tpu.memory_space<hbm>> -> memref<1x1x16x192xf32, #tpu.memory_space<hbm>>
        %dma_start3A_188 = tpu.memref_squeeze %dma_start3A_187 : memref<1x1x16x192xf32, #tpu.memory_space<hbm>> -> memref<16x192xf32, #tpu.memory_space<hbm>>
        tpu.enqueue_dma source(%dma_start3A_188 : memref<16x192xf32, #tpu.memory_space<hbm>>) target(%dma_start3A_185 : memref<16x192xf32, #tpu.memory_space<vmem>>) target_semaphore(%arg13 : memref<!tpu.dma_semaphore, #tpu.memory_space<semaphore_mem>>)
        %dma_start3A_189 = arith.constant 1 : i32
        %dma_start3A_190 = arith.constant 1 : i32
        %dma_start3A_191 = arith.constant 0 : i32
        %dma_start3A_192 = arith.constant 0 : i32
        %dma_start3A_193 = tpu.memref_slice %arg8[%dma_start3A_190, %dma_start3A_191, %dma_start3A_192] : memref<2x16x192xf32, #tpu.memory_space<vmem>> -> memref<1x16x192xf32, #tpu.memory_space<vmem>>
        %dma_start3A_194 = tpu.memref_squeeze %dma_start3A_193 : memref<1x16x192xf32, #tpu.memory_space<vmem>> -> memref<16x192xf32, #tpu.memory_space<vmem>>
        %dma_start3A_195 = arith.constant 0 : i32
        %dma_start3A_196 = tpu.memref_slice %arg3[%add3A_12, %dma_start3A_189, %mul3A_172, %dma_start3A_195] : memref<192x3x160x192xf32, #tpu.memory_space<hbm>> -> memref<1x1x16x192xf32, #tpu.memory_space<hbm>>
        %dma_start3A_197 = tpu.memref_squeeze %dma_start3A_196 : memref<1x1x16x192xf32, #tpu.memory_space<hbm>> -> memref<16x192xf32, #tpu.memory_space<hbm>>
        %dma_start3A_198 = arith.constant 0 : i32
        %dma_start3A_199 = arith.constant 0 : i32
        %dma_start3A_200 = tpu.memref_slice %arg8[%dma_start3A_190, %dma_start3A_198, %dma_start3A_199] : memref<2x16x192xf32, #tpu.memory_space<vmem>> -> memref<1x16x192xf32, #tpu.memory_space<vmem>>
        %dma_start3A_201 = tpu.memref_squeeze %dma_start3A_200 : memref<1x16x192xf32, #tpu.memory_space<vmem>> -> memref<16x192xf32, #tpu.memory_space<vmem>>
        %dma_start3A_202 = arith.constant 0 : i32
        %dma_start3A_203 = tpu.memref_slice %arg3[%add3A_12, %dma_start3A_189, %mul3A_172, %dma_start3A_202] : memref<192x3x160x192xf32, #tpu.memory_space<hbm>> -> memref<1x1x16x192xf32, #tpu.memory_space<hbm>>
        %dma_start3A_204 = tpu.memref_squeeze %dma_start3A_203 : memref<1x1x16x192xf32, #tpu.memory_space<hbm>> -> memref<16x192xf32, #tpu.memory_space<hbm>>
        tpu.enqueue_dma source(%dma_start3A_204 : memref<16x192xf32, #tpu.memory_space<hbm>>) target(%dma_start3A_201 : memref<16x192xf32, #tpu.memory_space<vmem>>) target_semaphore(%arg13 : memref<!tpu.dma_semaphore, #tpu.memory_space<semaphore_mem>>)
        %mul3A_205 = arith.constant 16 : i32
        %mul3A_206 = arith.muli %add3A_166, %mul3A_205 : i32
        %mul3A_207 = arith.constant 16 : i32
        %mul3A_208 = arith.muli %add3A_166, %mul3A_207 : i32
        %dma_wait3A_209 = arith.constant 0 : i32
        %dma_wait3A_210 = arith.constant 0 : i32
        %dma_wait3A_211 = arith.constant 0 : i32
        %dma_wait3A_212 = arith.constant 0 : i32
        %dma_wait3A_213 = tpu.memref_slice %arg7[%dma_wait3A_210, %dma_wait3A_211, %dma_wait3A_212] : memref<2x16x192xf32, #tpu.memory_space<vmem>> -> memref<1x16x192xf32, #tpu.memory_space<vmem>>
        %dma_wait3A_214 = tpu.memref_squeeze %dma_wait3A_213 : memref<1x16x192xf32, #tpu.memory_space<vmem>> -> memref<16x192xf32, #tpu.memory_space<vmem>>
        %dma_wait3A_215 = arith.constant 0 : i32
        %dma_wait3A_216 = tpu.memref_slice %arg3[%add3A_12, %dma_wait3A_209, %mul3A_206, %dma_wait3A_215] : memref<192x3x160x192xf32, #tpu.memory_space<hbm>> -> memref<1x1x16x192xf32, #tpu.memory_space<hbm>>
        %dma_wait3A_217 = tpu.memref_squeeze %dma_wait3A_216 : memref<1x1x16x192xf32, #tpu.memory_space<hbm>> -> memref<16x192xf32, #tpu.memory_space<hbm>>
        %dma_wait3A_218 = arith.constant 0 : i32
        %dma_wait3A_219 = arith.constant 0 : i32
        %dma_wait3A_220 = tpu.memref_slice %arg7[%dma_wait3A_210, %dma_wait3A_218, %dma_wait3A_219] : memref<2x16x192xf32, #tpu.memory_space<vmem>> -> memref<1x16x192xf32, #tpu.memory_space<vmem>>
        %dma_wait3A_221 = tpu.memref_squeeze %dma_wait3A_220 : memref<1x16x192xf32, #tpu.memory_space<vmem>> -> memref<16x192xf32, #tpu.memory_space<vmem>>
        %dma_wait3A_222 = arith.constant 0 : i32
        %dma_wait3A_223 = tpu.memref_slice %arg3[%add3A_12, %dma_wait3A_209, %mul3A_206, %dma_wait3A_222] : memref<192x3x160x192xf32, #tpu.memory_space<hbm>> -> memref<1x1x16x192xf32, #tpu.memory_space<hbm>>
        %dma_wait3A_224 = tpu.memref_squeeze %dma_wait3A_223 : memref<1x1x16x192xf32, #tpu.memory_space<hbm>> -> memref<16x192xf32, #tpu.memory_space<hbm>>
        tpu.wait_dma2 semaphore(%arg12 : memref<!tpu.dma_semaphore, #tpu.memory_space<semaphore_mem>>) src(%dma_wait3A_224 : memref<16x192xf32, #tpu.memory_space<hbm>>) dst(%dma_wait3A_221 : memref<16x192xf32, #tpu.memory_space<vmem>>)
        %dma_wait3A_225 = arith.constant 1 : i32
        %dma_wait3A_226 = arith.constant 0 : i32
        %dma_wait3A_227 = arith.constant 0 : i32
        %dma_wait3A_228 = arith.constant 0 : i32
        %dma_wait3A_229 = tpu.memref_slice %arg8[%dma_wait3A_226, %dma_wait3A_227, %dma_wait3A_228] : memref<2x16x192xf32, #tpu.memory_space<vmem>> -> memref<1x16x192xf32, #tpu.memory_space<vmem>>
        %dma_wait3A_230 = tpu.memref_squeeze %dma_wait3A_229 : memref<1x16x192xf32, #tpu.memory_space<vmem>> -> memref<16x192xf32, #tpu.memory_space<vmem>>
        %dma_wait3A_231 = arith.constant 0 : i32
        %dma_wait3A_232 = tpu.memref_slice %arg3[%add3A_12, %dma_wait3A_225, %mul3A_208, %dma_wait3A_231] : memref<192x3x160x192xf32, #tpu.memory_space<hbm>> -> memref<1x1x16x192xf32, #tpu.memory_space<hbm>>
        %dma_wait3A_233 = tpu.memref_squeeze %dma_wait3A_232 : memref<1x1x16x192xf32, #tpu.memory_space<hbm>> -> memref<16x192xf32, #tpu.memory_space<hbm>>
        %dma_wait3A_234 = arith.constant 0 : i32
        %dma_wait3A_235 = arith.constant 0 : i32
        %dma_wait3A_236 = tpu.memref_slice %arg8[%dma_wait3A_226, %dma_wait3A_234, %dma_wait3A_235] : memref<2x16x192xf32, #tpu.memory_space<vmem>> -> memref<1x16x192xf32, #tpu.memory_space<vmem>>
        %dma_wait3A_237 = tpu.memref_squeeze %dma_wait3A_236 : memref<1x16x192xf32, #tpu.memory_space<vmem>> -> memref<16x192xf32, #tpu.memory_space<vmem>>
        %dma_wait3A_238 = arith.constant 0 : i32
        %dma_wait3A_239 = tpu.memref_slice %arg3[%add3A_12, %dma_wait3A_225, %mul3A_208, %dma_wait3A_238] : memref<192x3x160x192xf32, #tpu.memory_space<hbm>> -> memref<1x1x16x192xf32, #tpu.memory_space<hbm>>
        %dma_wait3A_240 = tpu.memref_squeeze %dma_wait3A_239 : memref<1x1x16x192xf32, #tpu.memory_space<hbm>> -> memref<16x192xf32, #tpu.memory_space<hbm>>
        tpu.wait_dma2 semaphore(%arg12 : memref<!tpu.dma_semaphore, #tpu.memory_space<semaphore_mem>>) src(%dma_wait3A_240 : memref<16x192xf32, #tpu.memory_space<hbm>>) dst(%dma_wait3A_237 : memref<16x192xf32, #tpu.memory_space<vmem>>)
        %ge3A = arith.constant 2 : i32
        %ge3A_241 = arith.cmpi sge, %add3A_164, %ge3A : i32
        %convert_element_type3A_242 = arith.extui %ge3A_241 : i1 to i32
        %cond3A = arith.constant 0 : i32
        %cond3A_243 = arith.cmpi ne, %convert_element_type3A_242, %cond3A : i32
        scf.if %cond3A_243 {
          %sub3A = arith.constant 2 : i32
          %sub3A_368 = arith.subi %add3A_166, %sub3A : i32
          %mul3A_369 = arith.constant 16 : i32
          %mul3A_370 = arith.muli %sub3A_368, %mul3A_369 : i32
          %mul3A_371 = arith.constant 16 : i32
          %mul3A_372 = arith.muli %sub3A_368, %mul3A_371 : i32
          %dma_wait3A_373 = arith.constant 0 : i32
          %dma_wait3A_374 = arith.constant 0 : i32
          %dma_wait3A_375 = arith.constant 0 : i32
          %dma_wait3A_376 = arith.constant 0 : i32
          %dma_wait3A_377 = tpu.memref_slice %arg9[%dma_wait3A_373, %dma_wait3A_375, %dma_wait3A_376] : memref<2x16x192xf32, #tpu.memory_space<vmem>> -> memref<1x16x192xf32, #tpu.memory_space<vmem>>
          %dma_wait3A_378 = tpu.memref_squeeze %dma_wait3A_377 : memref<1x16x192xf32, #tpu.memory_space<vmem>> -> memref<16x192xf32, #tpu.memory_space<vmem>>
          %dma_wait3A_379 = arith.constant 0 : i32
          %dma_wait3A_380 = tpu.memref_slice %arg4[%add3A_12, %dma_wait3A_374, %mul3A_370, %dma_wait3A_379] : memref<192x2x160x192xf32, #tpu.memory_space<hbm>> -> memref<1x1x16x192xf32, #tpu.memory_space<hbm>>
          %dma_wait3A_381 = tpu.memref_squeeze %dma_wait3A_380 : memref<1x1x16x192xf32, #tpu.memory_space<hbm>> -> memref<16x192xf32, #tpu.memory_space<hbm>>
          %dma_wait3A_382 = arith.constant 0 : i32
          %dma_wait3A_383 = tpu.memref_slice %arg4[%add3A_12, %dma_wait3A_374, %mul3A_370, %dma_wait3A_382] : memref<192x2x160x192xf32, #tpu.memory_space<hbm>> -> memref<1x1x16x192xf32, #tpu.memory_space<hbm>>
          %dma_wait3A_384 = tpu.memref_squeeze %dma_wait3A_383 : memref<1x1x16x192xf32, #tpu.memory_space<hbm>> -> memref<16x192xf32, #tpu.memory_space<hbm>>
          %dma_wait3A_385 = arith.constant 0 : i32
          %dma_wait3A_386 = arith.constant 0 : i32
          %dma_wait3A_387 = tpu.memref_slice %arg9[%dma_wait3A_373, %dma_wait3A_385, %dma_wait3A_386] : memref<2x16x192xf32, #tpu.memory_space<vmem>> -> memref<1x16x192xf32, #tpu.memory_space<vmem>>
          %dma_wait3A_388 = tpu.memref_squeeze %dma_wait3A_387 : memref<1x16x192xf32, #tpu.memory_space<vmem>> -> memref<16x192xf32, #tpu.memory_space<vmem>>
          tpu.wait_dma2 semaphore(%arg14 : memref<!tpu.dma_semaphore, #tpu.memory_space<semaphore_mem>>) src(%dma_wait3A_388 : memref<16x192xf32, #tpu.memory_space<vmem>>) dst(%dma_wait3A_384 : memref<16x192xf32, #tpu.memory_space<hbm>>)
          %dma_wait3A_389 = arith.constant 0 : i32
          %dma_wait3A_390 = arith.constant 1 : i32
          %dma_wait3A_391 = arith.constant 0 : i32
          %dma_wait3A_392 = arith.constant 0 : i32
          %dma_wait3A_393 = tpu.memref_slice %arg10[%dma_wait3A_389, %dma_wait3A_391, %dma_wait3A_392] : memref<2x16x192xf32, #tpu.memory_space<vmem>> -> memref<1x16x192xf32, #tpu.memory_space<vmem>>
          %dma_wait3A_394 = tpu.memref_squeeze %dma_wait3A_393 : memref<1x16x192xf32, #tpu.memory_space<vmem>> -> memref<16x192xf32, #tpu.memory_space<vmem>>
          %dma_wait3A_395 = arith.constant 0 : i32
          %dma_wait3A_396 = tpu.memref_slice %arg4[%add3A_12, %dma_wait3A_390, %mul3A_372, %dma_wait3A_395] : memref<192x2x160x192xf32, #tpu.memory_space<hbm>> -> memref<1x1x16x192xf32, #tpu.memory_space<hbm>>
          %dma_wait3A_397 = tpu.memref_squeeze %dma_wait3A_396 : memref<1x1x16x192xf32, #tpu.memory_space<hbm>> -> memref<16x192xf32, #tpu.memory_space<hbm>>
          %dma_wait3A_398 = arith.constant 0 : i32
          %dma_wait3A_399 = tpu.memref_slice %arg4[%add3A_12, %dma_wait3A_390, %mul3A_372, %dma_wait3A_398] : memref<192x2x160x192xf32, #tpu.memory_space<hbm>> -> memref<1x1x16x192xf32, #tpu.memory_space<hbm>>
          %dma_wait3A_400 = tpu.memref_squeeze %dma_wait3A_399 : memref<1x1x16x192xf32, #tpu.memory_space<hbm>> -> memref<16x192xf32, #tpu.memory_space<hbm>>
          %dma_wait3A_401 = arith.constant 0 : i32
          %dma_wait3A_402 = arith.constant 0 : i32
          %dma_wait3A_403 = tpu.memref_slice %arg10[%dma_wait3A_389, %dma_wait3A_401, %dma_wait3A_402] : memref<2x16x192xf32, #tpu.memory_space<vmem>> -> memref<1x16x192xf32, #tpu.memory_space<vmem>>
          %dma_wait3A_404 = tpu.memref_squeeze %dma_wait3A_403 : memref<1x16x192xf32, #tpu.memory_space<vmem>> -> memref<16x192xf32, #tpu.memory_space<vmem>>
          tpu.wait_dma2 semaphore(%arg14 : memref<!tpu.dma_semaphore, #tpu.memory_space<semaphore_mem>>) src(%dma_wait3A_404 : memref<16x192xf32, #tpu.memory_space<vmem>>) dst(%dma_wait3A_400 : memref<16x192xf32, #tpu.memory_space<hbm>>)
        } else {
        }
        %parallel_loop3A = arith.constant 0 : i32
        %parallel_loop3A_244 = arith.constant 16 : i32
        %parallel_loop3A_245 = arith.constant 1 : i32
        scf.for %parallel_loop3A_368 = %parallel_loop3A to %parallel_loop3A_244 step %parallel_loop3A_245  : i32 {
          %parallel_loop3A_369 = arith.constant 16 : i32
          %parallel_loop3A_370 = arith.muli %add3A_166, %parallel_loop3A_369 : i32
          %parallel_loop3A_371 = arith.addi %parallel_loop3A_370, %parallel_loop3A_368 : i32
          %parallel_loop3A_372 = arith.constant 0 : i32
          %parallel_loop3A_373 = vector.broadcast %parallel_loop3A_372 : i32 to vector<16xi32>
          %parallel_loop3A_374 = vector.broadcast %parallel_loop3A_371 : i32 to vector<16xi32>
          %parallel_loop3A_375 = arith.addi %parallel_loop3A_373, %parallel_loop3A_374 : vector<16xi32>
          %parallel_loop3A_376 = arith.sitofp %parallel_loop3A_375 : vector<16xi32> to vector<16xf32>
          %parallel_loop3A_377 = arith.constant 0 : i32
          %parallel_loop3A_378 = arith.index_cast %parallel_loop3A_377 : i32 to index
          %parallel_loop3A_379 = arith.index_cast %parallel_loop3A_368 : i32 to index
          %parallel_loop3A_380 = arith.constant 0 : index
          %parallel_loop3A_381 = tpu.vector_load %arg7[%parallel_loop3A_378, %parallel_loop3A_379, %parallel_loop3A_380] {strides = array<i32>} : memref<2x16x192xf32, #tpu.memory_space<vmem>>, vector<16xf32>,
          %parallel_loop3A_382 = arith.constant 0 : i32
          %parallel_loop3A_383 = arith.index_cast %parallel_loop3A_382 : i32 to index
          %parallel_loop3A_384 = arith.index_cast %parallel_loop3A_368 : i32 to index
          %parallel_loop3A_385 = arith.constant 0 : index
          %parallel_loop3A_386 = tpu.vector_load %arg8[%parallel_loop3A_383, %parallel_loop3A_384, %parallel_loop3A_385] {strides = array<i32>} : memref<2x16x192xf32, #tpu.memory_space<vmem>>, vector<16xf32>,
          %parallel_loop3A_387 = arith.subf %parallel_loop3A_376, %parallel_loop3A_381 : vector<16xf32>
          %parallel_loop3A_388 = arith.subf %convert_element_type3A, %parallel_loop3A_386 : vector<16xf32>
          %parallel_loop3A_389 = arith.constant 0.000000e+00 : f32
          %parallel_loop3A_390 = vector.broadcast %parallel_loop3A_389 : f32 to vector<16xf32>
          %parallel_loop3A_391 = arith.addf %parallel_loop3A_388, %parallel_loop3A_390 : vector<16xf32>
          %parallel_loop3A_392 = arith.constant 0.000000e+00 : f32
          %parallel_loop3A_393 = vector.broadcast %parallel_loop3A_392 : f32 to vector<16xf32>
          %parallel_loop3A_394 = arith.maximumf %parallel_loop3A_387, %parallel_loop3A_393 : vector<16xf32>
          %parallel_loop3A_395 = arith.constant 1.580000e+02 : f32
          %parallel_loop3A_396 = vector.broadcast %parallel_loop3A_395 : f32 to vector<16xf32>
          %parallel_loop3A_397 = arith.minimumf %parallel_loop3A_394, %parallel_loop3A_396 : vector<16xf32>
          %parallel_loop3A_398 = arith.constant 0.000000e+00 : f32
          %parallel_loop3A_399 = vector.broadcast %parallel_loop3A_398 : f32 to vector<16xf32>
          %parallel_loop3A_400 = arith.maximumf %parallel_loop3A_391, %parallel_loop3A_399 : vector<16xf32>
          %parallel_loop3A_401 = arith.constant 1.900000e+02 : f32
          %parallel_loop3A_402 = vector.broadcast %parallel_loop3A_401 : f32 to vector<16xf32>
          %parallel_loop3A_403 = arith.minimumf %parallel_loop3A_400, %parallel_loop3A_402 : vector<16xf32>
          %parallel_loop3A_404 = arith.fptosi %parallel_loop3A_397 : vector<16xf32> to vector<16xi32>
          %parallel_loop3A_405 = arith.fptosi %parallel_loop3A_403 : vector<16xf32> to vector<16xi32>
          %parallel_loop3A_406 = arith.sitofp %parallel_loop3A_404 : vector<16xi32> to vector<16xf32>
          %parallel_loop3A_407 = arith.subf %parallel_loop3A_387, %parallel_loop3A_406 : vector<16xf32>
          %parallel_loop3A_408 = arith.constant 0.000000e+00 : f32
          %parallel_loop3A_409 = vector.broadcast %parallel_loop3A_408 : f32 to vector<16xf32>
          %parallel_loop3A_410 = arith.maximumf %parallel_loop3A_407, %parallel_loop3A_409 : vector<16xf32>
          %parallel_loop3A_411 = arith.constant 1.000000e+00 : f32
          %parallel_loop3A_412 = vector.broadcast %parallel_loop3A_411 : f32 to vector<16xf32>
          %parallel_loop3A_413 = arith.minimumf %parallel_loop3A_410, %parallel_loop3A_412 : vector<16xf32>
          %parallel_loop3A_414 = arith.sitofp %parallel_loop3A_405 : vector<16xi32> to vector<16xf32>
          %parallel_loop3A_415 = arith.subf %parallel_loop3A_391, %parallel_loop3A_414 : vector<16xf32>
          %parallel_loop3A_416 = arith.constant 0.000000e+00 : f32
          %parallel_loop3A_417 = vector.broadcast %parallel_loop3A_416 : f32 to vector<16xf32>
          %parallel_loop3A_418 = arith.maximumf %parallel_loop3A_415, %parallel_loop3A_417 : vector<16xf32>
          %parallel_loop3A_419 = arith.constant 1.000000e+00 : f32
          %parallel_loop3A_420 = vector.broadcast %parallel_loop3A_419 : f32 to vector<16xf32>
          %parallel_loop3A_421 = arith.minimumf %parallel_loop3A_418, %parallel_loop3A_420 : vector<16xf32>
          %parallel_loop3A_422 = arith.constant 1 : i32
          %parallel_loop3A_423 = vector.broadcast %parallel_loop3A_422 : i32 to vector<16xi32>
          %parallel_loop3A_424 = arith.addi %parallel_loop3A_405, %parallel_loop3A_423 : vector<16xi32>
          %parallel_loop3A_425 = arith.constant 1 : i32
          %parallel_loop3A_426 = vector.broadcast %parallel_loop3A_425 : i32 to vector<16xi32>
          %parallel_loop3A_427 = arith.addi %parallel_loop3A_404, %parallel_loop3A_426 : vector<16xi32>
          %parallel_loop3A_428 = tpu.vector_load_idx %arg5[%parallel_loop3A_404, %parallel_loop3A_405] : memref<160x192xf32, #tpu.memory_space<vmem>>[vector<16xi32>, vector<16xi32>], vector<16xf32>,
          %parallel_loop3A_429 = tpu.vector_load_idx %arg6[%parallel_loop3A_404, %parallel_loop3A_405] : memref<160x192xf32, #tpu.memory_space<vmem>>[vector<16xi32>, vector<16xi32>], vector<16xf32>,
          %parallel_loop3A_430 = tpu.vector_load_idx %arg5[%parallel_loop3A_404, %parallel_loop3A_424] : memref<160x192xf32, #tpu.memory_space<vmem>>[vector<16xi32>, vector<16xi32>], vector<16xf32>,
          %parallel_loop3A_431 = tpu.vector_load_idx %arg6[%parallel_loop3A_404, %parallel_loop3A_424] : memref<160x192xf32, #tpu.memory_space<vmem>>[vector<16xi32>, vector<16xi32>], vector<16xf32>,
          %parallel_loop3A_432 = tpu.vector_load_idx %arg5[%parallel_loop3A_427, %parallel_loop3A_405] : memref<160x192xf32, #tpu.memory_space<vmem>>[vector<16xi32>, vector<16xi32>], vector<16xf32>,
          %parallel_loop3A_433 = tpu.vector_load_idx %arg6[%parallel_loop3A_427, %parallel_loop3A_405] : memref<160x192xf32, #tpu.memory_space<vmem>>[vector<16xi32>, vector<16xi32>], vector<16xf32>,
          %parallel_loop3A_434 = tpu.vector_load_idx %arg5[%parallel_loop3A_427, %parallel_loop3A_424] : memref<160x192xf32, #tpu.memory_space<vmem>>[vector<16xi32>, vector<16xi32>], vector<16xf32>,
          %parallel_loop3A_435 = tpu.vector_load_idx %arg6[%parallel_loop3A_427, %parallel_loop3A_424] : memref<160x192xf32, #tpu.memory_space<vmem>>[vector<16xi32>, vector<16xi32>], vector<16xf32>,
          %parallel_loop3A_436 = arith.subf %parallel_loop3A_430, %parallel_loop3A_428 : vector<16xf32>
          %parallel_loop3A_437 = arith.mulf %parallel_loop3A_421, %parallel_loop3A_436 : vector<16xf32>
          %parallel_loop3A_438 = arith.addf %parallel_loop3A_428, %parallel_loop3A_437 : vector<16xf32>
          %parallel_loop3A_439 = arith.subf %parallel_loop3A_431, %parallel_loop3A_429 : vector<16xf32>
          %parallel_loop3A_440 = arith.mulf %parallel_loop3A_421, %parallel_loop3A_439 : vector<16xf32>
          %parallel_loop3A_441 = arith.addf %parallel_loop3A_429, %parallel_loop3A_440 : vector<16xf32>
          %parallel_loop3A_442 = arith.subf %parallel_loop3A_434, %parallel_loop3A_432 : vector<16xf32>
          %parallel_loop3A_443 = arith.mulf %parallel_loop3A_421, %parallel_loop3A_442 : vector<16xf32>
          %parallel_loop3A_444 = arith.addf %parallel_loop3A_432, %parallel_loop3A_443 : vector<16xf32>
          %parallel_loop3A_445 = arith.subf %parallel_loop3A_435, %parallel_loop3A_433 : vector<16xf32>
          %parallel_loop3A_446 = arith.mulf %parallel_loop3A_421, %parallel_loop3A_445 : vector<16xf32>
          %parallel_loop3A_447 = arith.addf %parallel_loop3A_433, %parallel_loop3A_446 : vector<16xf32>
          %parallel_loop3A_448 = arith.subf %parallel_loop3A_444, %parallel_loop3A_438 : vector<16xf32>
          %parallel_loop3A_449 = arith.mulf %parallel_loop3A_413, %parallel_loop3A_448 : vector<16xf32>
          %parallel_loop3A_450 = arith.addf %parallel_loop3A_438, %parallel_loop3A_449 : vector<16xf32>
          %parallel_loop3A_451 = arith.constant 0 : i32
          %parallel_loop3A_452 = arith.index_cast %parallel_loop3A_451 : i32 to index
          %parallel_loop3A_453 = arith.index_cast %parallel_loop3A_368 : i32 to index
          %parallel_loop3A_454 = arith.constant 0 : index
          %parallel_loop3A_455 = tpu.vector_load %arg9[%parallel_loop3A_452, %parallel_loop3A_453, %parallel_loop3A_454] {strides = array<i32>} : memref<2x16x192xf32, #tpu.memory_space<vmem>>, vector<16xf32>,
          tpu.vector_store %arg9[%parallel_loop3A_452, %parallel_loop3A_453, %parallel_loop3A_454], %parallel_loop3A_450 {strides = array<i32>} : memref<2x16x192xf32, #tpu.memory_space<vmem>>, vector<16xf32>,
          %parallel_loop3A_456 = arith.subf %parallel_loop3A_447, %parallel_loop3A_441 : vector<16xf32>
          %parallel_loop3A_457 = arith.mulf %parallel_loop3A_413, %parallel_loop3A_456 : vector<16xf32>
          %parallel_loop3A_458 = arith.addf %parallel_loop3A_441, %parallel_loop3A_457 : vector<16xf32>
          %parallel_loop3A_459 = arith.constant 0 : i32
          %parallel_loop3A_460 = arith.index_cast %parallel_loop3A_459 : i32 to index
          %parallel_loop3A_461 = arith.index_cast %parallel_loop3A_368 : i32 to index
          %parallel_loop3A_462 = arith.constant 0 : index
          %parallel_loop3A_463 = tpu.vector_load %arg10[%parallel_loop3A_460, %parallel_loop3A_461, %parallel_loop3A_462] {strides = array<i32>} : memref<2x16x192xf32, #tpu.memory_space<vmem>>, vector<16xf32>,
          tpu.vector_store %arg10[%parallel_loop3A_460, %parallel_loop3A_461, %parallel_loop3A_462], %parallel_loop3A_458 {strides = array<i32>} : memref<2x16x192xf32, #tpu.memory_space<vmem>>, vector<16xf32>,
          %parallel_loop3A_464 = arith.constant 0 : i32
          %parallel_loop3A_465 = arith.index_cast %parallel_loop3A_464 : i32 to index
          %parallel_loop3A_466 = arith.index_cast %parallel_loop3A_368 : i32 to index
          %parallel_loop3A_467 = arith.constant 16 : index
          %parallel_loop3A_468 = tpu.vector_load %arg7[%parallel_loop3A_465, %parallel_loop3A_466, %parallel_loop3A_467] {strides = array<i32>} : memref<2x16x192xf32, #tpu.memory_space<vmem>>, vector<16xf32>,
          %parallel_loop3A_469 = arith.constant 0 : i32
          %parallel_loop3A_470 = arith.index_cast %parallel_loop3A_469 : i32 to index
          %parallel_loop3A_471 = arith.index_cast %parallel_loop3A_368 : i32 to index
          %parallel_loop3A_472 = arith.constant 16 : index
          %parallel_loop3A_473 = tpu.vector_load %arg8[%parallel_loop3A_470, %parallel_loop3A_471, %parallel_loop3A_472] {strides = array<i32>} : memref<2x16x192xf32, #tpu.memory_space<vmem>>, vector<16xf32>,
          %parallel_loop3A_474 = arith.subf %parallel_loop3A_376, %parallel_loop3A_468 : vector<16xf32>
          %parallel_loop3A_475 = arith.subf %convert_element_type3A, %parallel_loop3A_473 : vector<16xf32>
          %parallel_loop3A_476 = arith.constant 1.600000e+01 : f32
          %parallel_loop3A_477 = vector.broadcast %parallel_loop3A_476 : f32 to vector<16xf32>
          %parallel_loop3A_478 = arith.addf %parallel_loop3A_475, %parallel_loop3A_477 : vector<16xf32>
          %parallel_loop3A_479 = arith.constant 0.000000e+00 : f32
          %parallel_loop3A_480 = vector.broadcast %parallel_loop3A_479 : f32 to vector<16xf32>
          %parallel_loop3A_481 = arith.maximumf %parallel_loop3A_474, %parallel_loop3A_480 : vector<16xf32>
          %parallel_loop3A_482 = arith.constant 1.580000e+02 : f32
          %parallel_loop3A_483 = vector.broadcast %parallel_loop3A_482 : f32 to vector<16xf32>
          %parallel_loop3A_484 = arith.minimumf %parallel_loop3A_481, %parallel_loop3A_483 : vector<16xf32>
          %parallel_loop3A_485 = arith.constant 0.000000e+00 : f32
          %parallel_loop3A_486 = vector.broadcast %parallel_loop3A_485 : f32 to vector<16xf32>
          %parallel_loop3A_487 = arith.maximumf %parallel_loop3A_478, %parallel_loop3A_486 : vector<16xf32>
          %parallel_loop3A_488 = arith.constant 1.900000e+02 : f32
          %parallel_loop3A_489 = vector.broadcast %parallel_loop3A_488 : f32 to vector<16xf32>
          %parallel_loop3A_490 = arith.minimumf %parallel_loop3A_487, %parallel_loop3A_489 : vector<16xf32>
          %parallel_loop3A_491 = arith.fptosi %parallel_loop3A_484 : vector<16xf32> to vector<16xi32>
          %parallel_loop3A_492 = arith.fptosi %parallel_loop3A_490 : vector<16xf32> to vector<16xi32>
          %parallel_loop3A_493 = arith.sitofp %parallel_loop3A_491 : vector<16xi32> to vector<16xf32>
          %parallel_loop3A_494 = arith.subf %parallel_loop3A_474, %parallel_loop3A_493 : vector<16xf32>
          %parallel_loop3A_495 = arith.constant 0.000000e+00 : f32
          %parallel_loop3A_496 = vector.broadcast %parallel_loop3A_495 : f32 to vector<16xf32>
          %parallel_loop3A_497 = arith.maximumf %parallel_loop3A_494, %parallel_loop3A_496 : vector<16xf32>
          %parallel_loop3A_498 = arith.constant 1.000000e+00 : f32
          %parallel_loop3A_499 = vector.broadcast %parallel_loop3A_498 : f32 to vector<16xf32>
          %parallel_loop3A_500 = arith.minimumf %parallel_loop3A_497, %parallel_loop3A_499 : vector<16xf32>
          %parallel_loop3A_501 = arith.sitofp %parallel_loop3A_492 : vector<16xi32> to vector<16xf32>
          %parallel_loop3A_502 = arith.subf %parallel_loop3A_478, %parallel_loop3A_501 : vector<16xf32>
          %parallel_loop3A_503 = arith.constant 0.000000e+00 : f32
          %parallel_loop3A_504 = vector.broadcast %parallel_loop3A_503 : f32 to vector<16xf32>
          %parallel_loop3A_505 = arith.maximumf %parallel_loop3A_502, %parallel_loop3A_504 : vector<16xf32>
          %parallel_loop3A_506 = arith.constant 1.000000e+00 : f32
          %parallel_loop3A_507 = vector.broadcast %parallel_loop3A_506 : f32 to vector<16xf32>
          %parallel_loop3A_508 = arith.minimumf %parallel_loop3A_505, %parallel_loop3A_507 : vector<16xf32>
          %parallel_loop3A_509 = arith.constant 1 : i32
          %parallel_loop3A_510 = vector.broadcast %parallel_loop3A_509 : i32 to vector<16xi32>
          %parallel_loop3A_511 = arith.addi %parallel_loop3A_492, %parallel_loop3A_510 : vector<16xi32>
          %parallel_loop3A_512 = arith.constant 1 : i32
          %parallel_loop3A_513 = vector.broadcast %parallel_loop3A_512 : i32 to vector<16xi32>
          %parallel_loop3A_514 = arith.addi %parallel_loop3A_491, %parallel_loop3A_513 : vector<16xi32>
          %parallel_loop3A_515 = tpu.vector_load_idx %arg5[%parallel_loop3A_491, %parallel_loop3A_492] : memref<160x192xf32, #tpu.memory_space<vmem>>[vector<16xi32>, vector<16xi32>], vector<16xf32>,
          %parallel_loop3A_516 = tpu.vector_load_idx %arg6[%parallel_loop3A_491, %parallel_loop3A_492] : memref<160x192xf32, #tpu.memory_space<vmem>>[vector<16xi32>, vector<16xi32>], vector<16xf32>,
          %parallel_loop3A_517 = tpu.vector_load_idx %arg5[%parallel_loop3A_491, %parallel_loop3A_511] : memref<160x192xf32, #tpu.memory_space<vmem>>[vector<16xi32>, vector<16xi32>], vector<16xf32>,
          %parallel_loop3A_518 = tpu.vector_load_idx %arg6[%parallel_loop3A_491, %parallel_loop3A_511] : memref<160x192xf32, #tpu.memory_space<vmem>>[vector<16xi32>, vector<16xi32>], vector<16xf32>,
          %parallel_loop3A_519 = tpu.vector_load_idx %arg5[%parallel_loop3A_514, %parallel_loop3A_492] : memref<160x192xf32, #tpu.memory_space<vmem>>[vector<16xi32>, vector<16xi32>], vector<16xf32>,
          %parallel_loop3A_520 = tpu.vector_load_idx %arg6[%parallel_loop3A_514, %parallel_loop3A_492] : memref<160x192xf32, #tpu.memory_space<vmem>>[vector<16xi32>, vector<16xi32>], vector<16xf32>,
          %parallel_loop3A_521 = tpu.vector_load_idx %arg5[%parallel_loop3A_514, %parallel_loop3A_511] : memref<160x192xf32, #tpu.memory_space<vmem>>[vector<16xi32>, vector<16xi32>], vector<16xf32>,
          %parallel_loop3A_522 = tpu.vector_load_idx %arg6[%parallel_loop3A_514, %parallel_loop3A_511] : memref<160x192xf32, #tpu.memory_space<vmem>>[vector<16xi32>, vector<16xi32>], vector<16xf32>,
          %parallel_loop3A_523 = arith.subf %parallel_loop3A_517, %parallel_loop3A_515 : vector<16xf32>
          %parallel_loop3A_524 = arith.mulf %parallel_loop3A_508, %parallel_loop3A_523 : vector<16xf32>
          %parallel_loop3A_525 = arith.addf %parallel_loop3A_515, %parallel_loop3A_524 : vector<16xf32>
          %parallel_loop3A_526 = arith.subf %parallel_loop3A_518, %parallel_loop3A_516 : vector<16xf32>
          %parallel_loop3A_527 = arith.mulf %parallel_loop3A_508, %parallel_loop3A_526 : vector<16xf32>
          %parallel_loop3A_528 = arith.addf %parallel_loop3A_516, %parallel_loop3A_527 : vector<16xf32>
          %parallel_loop3A_529 = arith.subf %parallel_loop3A_521, %parallel_loop3A_519 : vector<16xf32>
          %parallel_loop3A_530 = arith.mulf %parallel_loop3A_508, %parallel_loop3A_529 : vector<16xf32>
          %parallel_loop3A_531 = arith.addf %parallel_loop3A_519, %parallel_loop3A_530 : vector<16xf32>
          %parallel_loop3A_532 = arith.subf %parallel_loop3A_522, %parallel_loop3A_520 : vector<16xf32>
          %parallel_loop3A_533 = arith.mulf %parallel_loop3A_508, %parallel_loop3A_532 : vector<16xf32>
          %parallel_loop3A_534 = arith.addf %parallel_loop3A_520, %parallel_loop3A_533 : vector<16xf32>
          %parallel_loop3A_535 = arith.subf %parallel_loop3A_531, %parallel_loop3A_525 : vector<16xf32>
          %parallel_loop3A_536 = arith.mulf %parallel_loop3A_500, %parallel_loop3A_535 : vector<16xf32>
          %parallel_loop3A_537 = arith.addf %parallel_loop3A_525, %parallel_loop3A_536 : vector<16xf32>
          %parallel_loop3A_538 = arith.constant 0 : i32
          %parallel_loop3A_539 = arith.index_cast %parallel_loop3A_538 : i32 to index
          %parallel_loop3A_540 = arith.index_cast %parallel_loop3A_368 : i32 to index
          %parallel_loop3A_541 = arith.constant 16 : index
          %parallel_loop3A_542 = tpu.vector_load %arg9[%parallel_loop3A_539, %parallel_loop3A_540, %parallel_loop3A_541] {strides = array<i32>} : memref<2x16x192xf32, #tpu.memory_space<vmem>>, vector<16xf32>,
          tpu.vector_store %arg9[%parallel_loop3A_539, %parallel_loop3A_540, %parallel_loop3A_541], %parallel_loop3A_537 {strides = array<i32>} : memref<2x16x192xf32, #tpu.memory_space<vmem>>, vector<16xf32>,
          %parallel_loop3A_543 = arith.subf %parallel_loop3A_534, %parallel_loop3A_528 : vector<16xf32>
          %parallel_loop3A_544 = arith.mulf %parallel_loop3A_500, %parallel_loop3A_543 : vector<16xf32>
          %parallel_loop3A_545 = arith.addf %parallel_loop3A_528, %parallel_loop3A_544 : vector<16xf32>
          %parallel_loop3A_546 = arith.constant 0 : i32
          %parallel_loop3A_547 = arith.index_cast %parallel_loop3A_546 : i32 to index
          %parallel_loop3A_548 = arith.index_cast %parallel_loop3A_368 : i32 to index
          %parallel_loop3A_549 = arith.constant 16 : index
          %parallel_loop3A_550 = tpu.vector_load %arg10[%parallel_loop3A_547, %parallel_loop3A_548, %parallel_loop3A_549] {strides = array<i32>} : memref<2x16x192xf32, #tpu.memory_space<vmem>>, vector<16xf32>,
          tpu.vector_store %arg10[%parallel_loop3A_547, %parallel_loop3A_548, %parallel_loop3A_549], %parallel_loop3A_545 {strides = array<i32>} : memref<2x16x192xf32, #tpu.memory_space<vmem>>, vector<16xf32>,
          %parallel_loop3A_551 = arith.constant 0 : i32
          %parallel_loop3A_552 = arith.index_cast %parallel_loop3A_551 : i32 to index
          %parallel_loop3A_553 = arith.index_cast %parallel_loop3A_368 : i32 to index
          %parallel_loop3A_554 = arith.constant 32 : index
          %parallel_loop3A_555 = tpu.vector_load %arg7[%parallel_loop3A_552, %parallel_loop3A_553, %parallel_loop3A_554] {strides = array<i32>} : memref<2x16x192xf32, #tpu.memory_space<vmem>>, vector<16xf32>,
          %parallel_loop3A_556 = arith.constant 0 : i32
          %parallel_loop3A_557 = arith.index_cast %parallel_loop3A_556 : i32 to index
          %parallel_loop3A_558 = arith.index_cast %parallel_loop3A_368 : i32 to index
          %parallel_loop3A_559 = arith.constant 32 : index
          %parallel_loop3A_560 = tpu.vector_load %arg8[%parallel_loop3A_557, %parallel_loop3A_558, %parallel_loop3A_559] {strides = array<i32>} : memref<2x16x192xf32, #tpu.memory_space<vmem>>, vector<16xf32>,
          %parallel_loop3A_561 = arith.subf %parallel_loop3A_376, %parallel_loop3A_555 : vector<16xf32>
          %parallel_loop3A_562 = arith.subf %convert_element_type3A, %parallel_loop3A_560 : vector<16xf32>
          %parallel_loop3A_563 = arith.constant 3.200000e+01 : f32
          %parallel_loop3A_564 = vector.broadcast %parallel_loop3A_563 : f32 to vector<16xf32>
          %parallel_loop3A_565 = arith.addf %parallel_loop3A_562, %parallel_loop3A_564 : vector<16xf32>
          %parallel_loop3A_566 = arith.constant 0.000000e+00 : f32
          %parallel_loop3A_567 = vector.broadcast %parallel_loop3A_566 : f32 to vector<16xf32>
          %parallel_loop3A_568 = arith.maximumf %parallel_loop3A_561, %parallel_loop3A_567 : vector<16xf32>
          %parallel_loop3A_569 = arith.constant 1.580000e+02 : f32
          %parallel_loop3A_570 = vector.broadcast %parallel_loop3A_569 : f32 to vector<16xf32>
          %parallel_loop3A_571 = arith.minimumf %parallel_loop3A_568, %parallel_loop3A_570 : vector<16xf32>
          %parallel_loop3A_572 = arith.constant 0.000000e+00 : f32
          %parallel_loop3A_573 = vector.broadcast %parallel_loop3A_572 : f32 to vector<16xf32>
          %parallel_loop3A_574 = arith.maximumf %parallel_loop3A_565, %parallel_loop3A_573 : vector<16xf32>
          %parallel_loop3A_575 = arith.constant 1.900000e+02 : f32
          %parallel_loop3A_576 = vector.broadcast %parallel_loop3A_575 : f32 to vector<16xf32>
          %parallel_loop3A_577 = arith.minimumf %parallel_loop3A_574, %parallel_loop3A_576 : vector<16xf32>
          %parallel_loop3A_578 = arith.fptosi %parallel_loop3A_571 : vector<16xf32> to vector<16xi32>
          %parallel_loop3A_579 = arith.fptosi %parallel_loop3A_577 : vector<16xf32> to vector<16xi32>
          %parallel_loop3A_580 = arith.sitofp %parallel_loop3A_578 : vector<16xi32> to vector<16xf32>
          %parallel_loop3A_581 = arith.subf %parallel_loop3A_561, %parallel_loop3A_580 : vector<16xf32>
          %parallel_loop3A_582 = arith.constant 0.000000e+00 : f32
          %parallel_loop3A_583 = vector.broadcast %parallel_loop3A_582 : f32 to vector<16xf32>
          %parallel_loop3A_584 = arith.maximumf %parallel_loop3A_581, %parallel_loop3A_583 : vector<16xf32>
          %parallel_loop3A_585 = arith.constant 1.000000e+00 : f32
          %parallel_loop3A_586 = vector.broadcast %parallel_loop3A_585 : f32 to vector<16xf32>
          %parallel_loop3A_587 = arith.minimumf %parallel_loop3A_584, %parallel_loop3A_586 : vector<16xf32>
          %parallel_loop3A_588 = arith.sitofp %parallel_loop3A_579 : vector<16xi32> to vector<16xf32>
          %parallel_loop3A_589 = arith.subf %parallel_loop3A_565, %parallel_loop3A_588 : vector<16xf32>
          %parallel_loop3A_590 = arith.constant 0.000000e+00 : f32
          %parallel_loop3A_591 = vector.broadcast %parallel_loop3A_590 : f32 to vector<16xf32>
          %parallel_loop3A_592 = arith.maximumf %parallel_loop3A_589, %parallel_loop3A_591 : vector<16xf32>
          %parallel_loop3A_593 = arith.constant 1.000000e+00 : f32
          %parallel_loop3A_594 = vector.broadcast %parallel_loop3A_593 : f32 to vector<16xf32>
          %parallel_loop3A_595 = arith.minimumf %parallel_loop3A_592, %parallel_loop3A_594 : vector<16xf32>
          %parallel_loop3A_596 = arith.constant 1 : i32
          %parallel_loop3A_597 = vector.broadcast %parallel_loop3A_596 : i32 to vector<16xi32>
          %parallel_loop3A_598 = arith.addi %parallel_loop3A_579, %parallel_loop3A_597 : vector<16xi32>
          %parallel_loop3A_599 = arith.constant 1 : i32
          %parallel_loop3A_600 = vector.broadcast %parallel_loop3A_599 : i32 to vector<16xi32>
          %parallel_loop3A_601 = arith.addi %parallel_loop3A_578, %parallel_loop3A_600 : vector<16xi32>
          %parallel_loop3A_602 = tpu.vector_load_idx %arg5[%parallel_loop3A_578, %parallel_loop3A_579] : memref<160x192xf32, #tpu.memory_space<vmem>>[vector<16xi32>, vector<16xi32>], vector<16xf32>,
          %parallel_loop3A_603 = tpu.vector_load_idx %arg6[%parallel_loop3A_578, %parallel_loop3A_579] : memref<160x192xf32, #tpu.memory_space<vmem>>[vector<16xi32>, vector<16xi32>], vector<16xf32>,
          %parallel_loop3A_604 = tpu.vector_load_idx %arg5[%parallel_loop3A_578, %parallel_loop3A_598] : memref<160x192xf32, #tpu.memory_space<vmem>>[vector<16xi32>, vector<16xi32>], vector<16xf32>,
          %parallel_loop3A_605 = tpu.vector_load_idx %arg6[%parallel_loop3A_578, %parallel_loop3A_598] : memref<160x192xf32, #tpu.memory_space<vmem>>[vector<16xi32>, vector<16xi32>], vector<16xf32>,
          %parallel_loop3A_606 = tpu.vector_load_idx %arg5[%parallel_loop3A_601, %parallel_loop3A_579] : memref<160x192xf32, #tpu.memory_space<vmem>>[vector<16xi32>, vector<16xi32>], vector<16xf32>,
          %parallel_loop3A_607 = tpu.vector_load_idx %arg6[%parallel_loop3A_601, %parallel_loop3A_579] : memref<160x192xf32, #tpu.memory_space<vmem>>[vector<16xi32>, vector<16xi32>], vector<16xf32>,
          %parallel_loop3A_608 = tpu.vector_load_idx %arg5[%parallel_loop3A_601, %parallel_loop3A_598] : memref<160x192xf32, #tpu.memory_space<vmem>>[vector<16xi32>, vector<16xi32>], vector<16xf32>,
          %parallel_loop3A_609 = tpu.vector_load_idx %arg6[%parallel_loop3A_601, %parallel_loop3A_598] : memref<160x192xf32, #tpu.memory_space<vmem>>[vector<16xi32>, vector<16xi32>], vector<16xf32>,
          %parallel_loop3A_610 = arith.subf %parallel_loop3A_604, %parallel_loop3A_602 : vector<16xf32>
          %parallel_loop3A_611 = arith.mulf %parallel_loop3A_595, %parallel_loop3A_610 : vector<16xf32>
          %parallel_loop3A_612 = arith.addf %parallel_loop3A_602, %parallel_loop3A_611 : vector<16xf32>
          %parallel_loop3A_613 = arith.subf %parallel_loop3A_605, %parallel_loop3A_603 : vector<16xf32>
          %parallel_loop3A_614 = arith.mulf %parallel_loop3A_595, %parallel_loop3A_613 : vector<16xf32>
          %parallel_loop3A_615 = arith.addf %parallel_loop3A_603, %parallel_loop3A_614 : vector<16xf32>
          %parallel_loop3A_616 = arith.subf %parallel_loop3A_608, %parallel_loop3A_606 : vector<16xf32>
          %parallel_loop3A_617 = arith.mulf %parallel_loop3A_595, %parallel_loop3A_616 : vector<16xf32>
          %parallel_loop3A_618 = arith.addf %parallel_loop3A_606, %parallel_loop3A_617 : vector<16xf32>
          %parallel_loop3A_619 = arith.subf %parallel_loop3A_609, %parallel_loop3A_607 : vector<16xf32>
          %parallel_loop3A_620 = arith.mulf %parallel_loop3A_595, %parallel_loop3A_619 : vector<16xf32>
          %parallel_loop3A_621 = arith.addf %parallel_loop3A_607, %parallel_loop3A_620 : vector<16xf32>
          %parallel_loop3A_622 = arith.subf %parallel_loop3A_618, %parallel_loop3A_612 : vector<16xf32>
          %parallel_loop3A_623 = arith.mulf %parallel_loop3A_587, %parallel_loop3A_622 : vector<16xf32>
          %parallel_loop3A_624 = arith.addf %parallel_loop3A_612, %parallel_loop3A_623 : vector<16xf32>
          %parallel_loop3A_625 = arith.constant 0 : i32
          %parallel_loop3A_626 = arith.index_cast %parallel_loop3A_625 : i32 to index
          %parallel_loop3A_627 = arith.index_cast %parallel_loop3A_368 : i32 to index
          %parallel_loop3A_628 = arith.constant 32 : index
          %parallel_loop3A_629 = tpu.vector_load %arg9[%parallel_loop3A_626, %parallel_loop3A_627, %parallel_loop3A_628] {strides = array<i32>} : memref<2x16x192xf32, #tpu.memory_space<vmem>>, vector<16xf32>,
          tpu.vector_store %arg9[%parallel_loop3A_626, %parallel_loop3A_627, %parallel_loop3A_628], %parallel_loop3A_624 {strides = array<i32>} : memref<2x16x192xf32, #tpu.memory_space<vmem>>, vector<16xf32>,
          %parallel_loop3A_630 = arith.subf %parallel_loop3A_621, %parallel_loop3A_615 : vector<16xf32>
          %parallel_loop3A_631 = arith.mulf %parallel_loop3A_587, %parallel_loop3A_630 : vector<16xf32>
          %parallel_loop3A_632 = arith.addf %parallel_loop3A_615, %parallel_loop3A_631 : vector<16xf32>
          %parallel_loop3A_633 = arith.constant 0 : i32
          %parallel_loop3A_634 = arith.index_cast %parallel_loop3A_633 : i32 to index
          %parallel_loop3A_635 = arith.index_cast %parallel_loop3A_368 : i32 to index
          %parallel_loop3A_636 = arith.constant 32 : index
          %parallel_loop3A_637 = tpu.vector_load %arg10[%parallel_loop3A_634, %parallel_loop3A_635, %parallel_loop3A_636] {strides = array<i32>} : memref<2x16x192xf32, #tpu.memory_space<vmem>>, vector<16xf32>,
          tpu.vector_store %arg10[%parallel_loop3A_634, %parallel_loop3A_635, %parallel_loop3A_636], %parallel_loop3A_632 {strides = array<i32>} : memref<2x16x192xf32, #tpu.memory_space<vmem>>, vector<16xf32>,
          %parallel_loop3A_638 = arith.constant 0 : i32
          %parallel_loop3A_639 = arith.index_cast %parallel_loop3A_638 : i32 to index
          %parallel_loop3A_640 = arith.index_cast %parallel_loop3A_368 : i32 to index
          %parallel_loop3A_641 = arith.constant 48 : index
          %parallel_loop3A_642 = tpu.vector_load %arg7[%parallel_loop3A_639, %parallel_loop3A_640, %parallel_loop3A_641] {strides = array<i32>} : memref<2x16x192xf32, #tpu.memory_space<vmem>>, vector<16xf32>,
          %parallel_loop3A_643 = arith.constant 0 : i32
          %parallel_loop3A_644 = arith.index_cast %parallel_loop3A_643 : i32 to index
          %parallel_loop3A_645 = arith.index_cast %parallel_loop3A_368 : i32 to index
          %parallel_loop3A_646 = arith.constant 48 : index
          %parallel_loop3A_647 = tpu.vector_load %arg8[%parallel_loop3A_644, %parallel_loop3A_645, %parallel_loop3A_646] {strides = array<i32>} : memref<2x16x192xf32, #tpu.memory_space<vmem>>, vector<16xf32>,
          %parallel_loop3A_648 = arith.subf %parallel_loop3A_376, %parallel_loop3A_642 : vector<16xf32>
          %parallel_loop3A_649 = arith.subf %convert_element_type3A, %parallel_loop3A_647 : vector<16xf32>
          %parallel_loop3A_650 = arith.constant 4.800000e+01 : f32
          %parallel_loop3A_651 = vector.broadcast %parallel_loop3A_650 : f32 to vector<16xf32>
          %parallel_loop3A_652 = arith.addf %parallel_loop3A_649, %parallel_loop3A_651 : vector<16xf32>
          %parallel_loop3A_653 = arith.constant 0.000000e+00 : f32
          %parallel_loop3A_654 = vector.broadcast %parallel_loop3A_653 : f32 to vector<16xf32>
          %parallel_loop3A_655 = arith.maximumf %parallel_loop3A_648, %parallel_loop3A_654 : vector<16xf32>
          %parallel_loop3A_656 = arith.constant 1.580000e+02 : f32
          %parallel_loop3A_657 = vector.broadcast %parallel_loop3A_656 : f32 to vector<16xf32>
          %parallel_loop3A_658 = arith.minimumf %parallel_loop3A_655, %parallel_loop3A_657 : vector<16xf32>
          %parallel_loop3A_659 = arith.constant 0.000000e+00 : f32
          %parallel_loop3A_660 = vector.broadcast %parallel_loop3A_659 : f32 to vector<16xf32>
          %parallel_loop3A_661 = arith.maximumf %parallel_loop3A_652, %parallel_loop3A_660 : vector<16xf32>
          %parallel_loop3A_662 = arith.constant 1.900000e+02 : f32
          %parallel_loop3A_663 = vector.broadcast %parallel_loop3A_662 : f32 to vector<16xf32>
          %parallel_loop3A_664 = arith.minimumf %parallel_loop3A_661, %parallel_loop3A_663 : vector<16xf32>
          %parallel_loop3A_665 = arith.fptosi %parallel_loop3A_658 : vector<16xf32> to vector<16xi32>
          %parallel_loop3A_666 = arith.fptosi %parallel_loop3A_664 : vector<16xf32> to vector<16xi32>
          %parallel_loop3A_667 = arith.sitofp %parallel_loop3A_665 : vector<16xi32> to vector<16xf32>
          %parallel_loop3A_668 = arith.subf %parallel_loop3A_648, %parallel_loop3A_667 : vector<16xf32>
          %parallel_loop3A_669 = arith.constant 0.000000e+00 : f32
          %parallel_loop3A_670 = vector.broadcast %parallel_loop3A_669 : f32 to vector<16xf32>
          %parallel_loop3A_671 = arith.maximumf %parallel_loop3A_668, %parallel_loop3A_670 : vector<16xf32>
          %parallel_loop3A_672 = arith.constant 1.000000e+00 : f32
          %parallel_loop3A_673 = vector.broadcast %parallel_loop3A_672 : f32 to vector<16xf32>
          %parallel_loop3A_674 = arith.minimumf %parallel_loop3A_671, %parallel_loop3A_673 : vector<16xf32>
          %parallel_loop3A_675 = arith.sitofp %parallel_loop3A_666 : vector<16xi32> to vector<16xf32>
          %parallel_loop3A_676 = arith.subf %parallel_loop3A_652, %parallel_loop3A_675 : vector<16xf32>
          %parallel_loop3A_677 = arith.constant 0.000000e+00 : f32
          %parallel_loop3A_678 = vector.broadcast %parallel_loop3A_677 : f32 to vector<16xf32>
          %parallel_loop3A_679 = arith.maximumf %parallel_loop3A_676, %parallel_loop3A_678 : vector<16xf32>
          %parallel_loop3A_680 = arith.constant 1.000000e+00 : f32
          %parallel_loop3A_681 = vector.broadcast %parallel_loop3A_680 : f32 to vector<16xf32>
          %parallel_loop3A_682 = arith.minimumf %parallel_loop3A_679, %parallel_loop3A_681 : vector<16xf32>
          %parallel_loop3A_683 = arith.constant 1 : i32
          %parallel_loop3A_684 = vector.broadcast %parallel_loop3A_683 : i32 to vector<16xi32>
          %parallel_loop3A_685 = arith.addi %parallel_loop3A_666, %parallel_loop3A_684 : vector<16xi32>
          %parallel_loop3A_686 = arith.constant 1 : i32
          %parallel_loop3A_687 = vector.broadcast %parallel_loop3A_686 : i32 to vector<16xi32>
          %parallel_loop3A_688 = arith.addi %parallel_loop3A_665, %parallel_loop3A_687 : vector<16xi32>
          %parallel_loop3A_689 = tpu.vector_load_idx %arg5[%parallel_loop3A_665, %parallel_loop3A_666] : memref<160x192xf32, #tpu.memory_space<vmem>>[vector<16xi32>, vector<16xi32>], vector<16xf32>,
          %parallel_loop3A_690 = tpu.vector_load_idx %arg6[%parallel_loop3A_665, %parallel_loop3A_666] : memref<160x192xf32, #tpu.memory_space<vmem>>[vector<16xi32>, vector<16xi32>], vector<16xf32>,
          %parallel_loop3A_691 = tpu.vector_load_idx %arg5[%parallel_loop3A_665, %parallel_loop3A_685] : memref<160x192xf32, #tpu.memory_space<vmem>>[vector<16xi32>, vector<16xi32>], vector<16xf32>,
          %parallel_loop3A_692 = tpu.vector_load_idx %arg6[%parallel_loop3A_665, %parallel_loop3A_685] : memref<160x192xf32, #tpu.memory_space<vmem>>[vector<16xi32>, vector<16xi32>], vector<16xf32>,
          %parallel_loop3A_693 = tpu.vector_load_idx %arg5[%parallel_loop3A_688, %parallel_loop3A_666] : memref<160x192xf32, #tpu.memory_space<vmem>>[vector<16xi32>, vector<16xi32>], vector<16xf32>,
          %parallel_loop3A_694 = tpu.vector_load_idx %arg6[%parallel_loop3A_688, %parallel_loop3A_666] : memref<160x192xf32, #tpu.memory_space<vmem>>[vector<16xi32>, vector<16xi32>], vector<16xf32>,
          %parallel_loop3A_695 = tpu.vector_load_idx %arg5[%parallel_loop3A_688, %parallel_loop3A_685] : memref<160x192xf32, #tpu.memory_space<vmem>>[vector<16xi32>, vector<16xi32>], vector<16xf32>,
          %parallel_loop3A_696 = tpu.vector_load_idx %arg6[%parallel_loop3A_688, %parallel_loop3A_685] : memref<160x192xf32, #tpu.memory_space<vmem>>[vector<16xi32>, vector<16xi32>], vector<16xf32>,
          %parallel_loop3A_697 = arith.subf %parallel_loop3A_691, %parallel_loop3A_689 : vector<16xf32>
          %parallel_loop3A_698 = arith.mulf %parallel_loop3A_682, %parallel_loop3A_697 : vector<16xf32>
          %parallel_loop3A_699 = arith.addf %parallel_loop3A_689, %parallel_loop3A_698 : vector<16xf32>
          %parallel_loop3A_700 = arith.subf %parallel_loop3A_692, %parallel_loop3A_690 : vector<16xf32>
          %parallel_loop3A_701 = arith.mulf %parallel_loop3A_682, %parallel_loop3A_700 : vector<16xf32>
          %parallel_loop3A_702 = arith.addf %parallel_loop3A_690, %parallel_loop3A_701 : vector<16xf32>
          %parallel_loop3A_703 = arith.subf %parallel_loop3A_695, %parallel_loop3A_693 : vector<16xf32>
          %parallel_loop3A_704 = arith.mulf %parallel_loop3A_682, %parallel_loop3A_703 : vector<16xf32>
          %parallel_loop3A_705 = arith.addf %parallel_loop3A_693, %parallel_loop3A_704 : vector<16xf32>
          %parallel_loop3A_706 = arith.subf %parallel_loop3A_696, %parallel_loop3A_694 : vector<16xf32>
          %parallel_loop3A_707 = arith.mulf %parallel_loop3A_682, %parallel_loop3A_706 : vector<16xf32>
          %parallel_loop3A_708 = arith.addf %parallel_loop3A_694, %parallel_loop3A_707 : vector<16xf32>
          %parallel_loop3A_709 = arith.subf %parallel_loop3A_705, %parallel_loop3A_699 : vector<16xf32>
          %parallel_loop3A_710 = arith.mulf %parallel_loop3A_674, %parallel_loop3A_709 : vector<16xf32>
          %parallel_loop3A_711 = arith.addf %parallel_loop3A_699, %parallel_loop3A_710 : vector<16xf32>
          %parallel_loop3A_712 = arith.constant 0 : i32
          %parallel_loop3A_713 = arith.index_cast %parallel_loop3A_712 : i32 to index
          %parallel_loop3A_714 = arith.index_cast %parallel_loop3A_368 : i32 to index
          %parallel_loop3A_715 = arith.constant 48 : index
          %parallel_loop3A_716 = tpu.vector_load %arg9[%parallel_loop3A_713, %parallel_loop3A_714, %parallel_loop3A_715] {strides = array<i32>} : memref<2x16x192xf32, #tpu.memory_space<vmem>>, vector<16xf32>,
          tpu.vector_store %arg9[%parallel_loop3A_713, %parallel_loop3A_714, %parallel_loop3A_715], %parallel_loop3A_711 {strides = array<i32>} : memref<2x16x192xf32, #tpu.memory_space<vmem>>, vector<16xf32>,
          %parallel_loop3A_717 = arith.subf %parallel_loop3A_708, %parallel_loop3A_702 : vector<16xf32>
          %parallel_loop3A_718 = arith.mulf %parallel_loop3A_674, %parallel_loop3A_717 : vector<16xf32>
          %parallel_loop3A_719 = arith.addf %parallel_loop3A_702, %parallel_loop3A_718 : vector<16xf32>
          %parallel_loop3A_720 = arith.constant 0 : i32
          %parallel_loop3A_721 = arith.index_cast %parallel_loop3A_720 : i32 to index
          %parallel_loop3A_722 = arith.index_cast %parallel_loop3A_368 : i32 to index
          %parallel_loop3A_723 = arith.constant 48 : index
          %parallel_loop3A_724 = tpu.vector_load %arg10[%parallel_loop3A_721, %parallel_loop3A_722, %parallel_loop3A_723] {strides = array<i32>} : memref<2x16x192xf32, #tpu.memory_space<vmem>>, vector<16xf32>,
          tpu.vector_store %arg10[%parallel_loop3A_721, %parallel_loop3A_722, %parallel_loop3A_723], %parallel_loop3A_719 {strides = array<i32>} : memref<2x16x192xf32, #tpu.memory_space<vmem>>, vector<16xf32>,
          %parallel_loop3A_725 = arith.constant 0 : i32
          %parallel_loop3A_726 = arith.index_cast %parallel_loop3A_725 : i32 to index
          %parallel_loop3A_727 = arith.index_cast %parallel_loop3A_368 : i32 to index
          %parallel_loop3A_728 = arith.constant 64 : index
          %parallel_loop3A_729 = tpu.vector_load %arg7[%parallel_loop3A_726, %parallel_loop3A_727, %parallel_loop3A_728] {strides = array<i32>} : memref<2x16x192xf32, #tpu.memory_space<vmem>>, vector<16xf32>,
          %parallel_loop3A_730 = arith.constant 0 : i32
          %parallel_loop3A_731 = arith.index_cast %parallel_loop3A_730 : i32 to index
          %parallel_loop3A_732 = arith.index_cast %parallel_loop3A_368 : i32 to index
          %parallel_loop3A_733 = arith.constant 64 : index
          %parallel_loop3A_734 = tpu.vector_load %arg8[%parallel_loop3A_731, %parallel_loop3A_732, %parallel_loop3A_733] {strides = array<i32>} : memref<2x16x192xf32, #tpu.memory_space<vmem>>, vector<16xf32>,
          %parallel_loop3A_735 = arith.subf %parallel_loop3A_376, %parallel_loop3A_729 : vector<16xf32>
          %parallel_loop3A_736 = arith.subf %convert_element_type3A, %parallel_loop3A_734 : vector<16xf32>
          %parallel_loop3A_737 = arith.constant 6.400000e+01 : f32
          %parallel_loop3A_738 = vector.broadcast %parallel_loop3A_737 : f32 to vector<16xf32>
          %parallel_loop3A_739 = arith.addf %parallel_loop3A_736, %parallel_loop3A_738 : vector<16xf32>
          %parallel_loop3A_740 = arith.constant 0.000000e+00 : f32
          %parallel_loop3A_741 = vector.broadcast %parallel_loop3A_740 : f32 to vector<16xf32>
          %parallel_loop3A_742 = arith.maximumf %parallel_loop3A_735, %parallel_loop3A_741 : vector<16xf32>
          %parallel_loop3A_743 = arith.constant 1.580000e+02 : f32
          %parallel_loop3A_744 = vector.broadcast %parallel_loop3A_743 : f32 to vector<16xf32>
          %parallel_loop3A_745 = arith.minimumf %parallel_loop3A_742, %parallel_loop3A_744 : vector<16xf32>
          %parallel_loop3A_746 = arith.constant 0.000000e+00 : f32
          %parallel_loop3A_747 = vector.broadcast %parallel_loop3A_746 : f32 to vector<16xf32>
          %parallel_loop3A_748 = arith.maximumf %parallel_loop3A_739, %parallel_loop3A_747 : vector<16xf32>
          %parallel_loop3A_749 = arith.constant 1.900000e+02 : f32
          %parallel_loop3A_750 = vector.broadcast %parallel_loop3A_749 : f32 to vector<16xf32>
          %parallel_loop3A_751 = arith.minimumf %parallel_loop3A_748, %parallel_loop3A_750 : vector<16xf32>
          %parallel_loop3A_752 = arith.fptosi %parallel_loop3A_745 : vector<16xf32> to vector<16xi32>
          %parallel_loop3A_753 = arith.fptosi %parallel_loop3A_751 : vector<16xf32> to vector<16xi32>
          %parallel_loop3A_754 = arith.sitofp %parallel_loop3A_752 : vector<16xi32> to vector<16xf32>
          %parallel_loop3A_755 = arith.subf %parallel_loop3A_735, %parallel_loop3A_754 : vector<16xf32>
          %parallel_loop3A_756 = arith.constant 0.000000e+00 : f32
          %parallel_loop3A_757 = vector.broadcast %parallel_loop3A_756 : f32 to vector<16xf32>
          %parallel_loop3A_758 = arith.maximumf %parallel_loop3A_755, %parallel_loop3A_757 : vector<16xf32>
          %parallel_loop3A_759 = arith.constant 1.000000e+00 : f32
          %parallel_loop3A_760 = vector.broadcast %parallel_loop3A_759 : f32 to vector<16xf32>
          %parallel_loop3A_761 = arith.minimumf %parallel_loop3A_758, %parallel_loop3A_760 : vector<16xf32>
          %parallel_loop3A_762 = arith.sitofp %parallel_loop3A_753 : vector<16xi32> to vector<16xf32>
          %parallel_loop3A_763 = arith.subf %parallel_loop3A_739, %parallel_loop3A_762 : vector<16xf32>
          %parallel_loop3A_764 = arith.constant 0.000000e+00 : f32
          %parallel_loop3A_765 = vector.broadcast %parallel_loop3A_764 : f32 to vector<16xf32>
          %parallel_loop3A_766 = arith.maximumf %parallel_loop3A_763, %parallel_loop3A_765 : vector<16xf32>
          %parallel_loop3A_767 = arith.constant 1.000000e+00 : f32
          %parallel_loop3A_768 = vector.broadcast %parallel_loop3A_767 : f32 to vector<16xf32>
          %parallel_loop3A_769 = arith.minimumf %parallel_loop3A_766, %parallel_loop3A_768 : vector<16xf32>
          %parallel_loop3A_770 = arith.constant 1 : i32
          %parallel_loop3A_771 = vector.broadcast %parallel_loop3A_770 : i32 to vector<16xi32>
          %parallel_loop3A_772 = arith.addi %parallel_loop3A_753, %parallel_loop3A_771 : vector<16xi32>
          %parallel_loop3A_773 = arith.constant 1 : i32
          %parallel_loop3A_774 = vector.broadcast %parallel_loop3A_773 : i32 to vector<16xi32>
          %parallel_loop3A_775 = arith.addi %parallel_loop3A_752, %parallel_loop3A_774 : vector<16xi32>
          %parallel_loop3A_776 = tpu.vector_load_idx %arg5[%parallel_loop3A_752, %parallel_loop3A_753] : memref<160x192xf32, #tpu.memory_space<vmem>>[vector<16xi32>, vector<16xi32>], vector<16xf32>,
          %parallel_loop3A_777 = tpu.vector_load_idx %arg6[%parallel_loop3A_752, %parallel_loop3A_753] : memref<160x192xf32, #tpu.memory_space<vmem>>[vector<16xi32>, vector<16xi32>], vector<16xf32>,
          %parallel_loop3A_778 = tpu.vector_load_idx %arg5[%parallel_loop3A_752, %parallel_loop3A_772] : memref<160x192xf32, #tpu.memory_space<vmem>>[vector<16xi32>, vector<16xi32>], vector<16xf32>,
          %parallel_loop3A_779 = tpu.vector_load_idx %arg6[%parallel_loop3A_752, %parallel_loop3A_772] : memref<160x192xf32, #tpu.memory_space<vmem>>[vector<16xi32>, vector<16xi32>], vector<16xf32>,
          %parallel_loop3A_780 = tpu.vector_load_idx %arg5[%parallel_loop3A_775, %parallel_loop3A_753] : memref<160x192xf32, #tpu.memory_space<vmem>>[vector<16xi32>, vector<16xi32>], vector<16xf32>,
          %parallel_loop3A_781 = tpu.vector_load_idx %arg6[%parallel_loop3A_775, %parallel_loop3A_753] : memref<160x192xf32, #tpu.memory_space<vmem>>[vector<16xi32>, vector<16xi32>], vector<16xf32>,
          %parallel_loop3A_782 = tpu.vector_load_idx %arg5[%parallel_loop3A_775, %parallel_loop3A_772] : memref<160x192xf32, #tpu.memory_space<vmem>>[vector<16xi32>, vector<16xi32>], vector<16xf32>,
          %parallel_loop3A_783 = tpu.vector_load_idx %arg6[%parallel_loop3A_775, %parallel_loop3A_772] : memref<160x192xf32, #tpu.memory_space<vmem>>[vector<16xi32>, vector<16xi32>], vector<16xf32>,
          %parallel_loop3A_784 = arith.subf %parallel_loop3A_778, %parallel_loop3A_776 : vector<16xf32>
          %parallel_loop3A_785 = arith.mulf %parallel_loop3A_769, %parallel_loop3A_784 : vector<16xf32>
          %parallel_loop3A_786 = arith.addf %parallel_loop3A_776, %parallel_loop3A_785 : vector<16xf32>
          %parallel_loop3A_787 = arith.subf %parallel_loop3A_779, %parallel_loop3A_777 : vector<16xf32>
          %parallel_loop3A_788 = arith.mulf %parallel_loop3A_769, %parallel_loop3A_787 : vector<16xf32>
          %parallel_loop3A_789 = arith.addf %parallel_loop3A_777, %parallel_loop3A_788 : vector<16xf32>
          %parallel_loop3A_790 = arith.subf %parallel_loop3A_782, %parallel_loop3A_780 : vector<16xf32>
          %parallel_loop3A_791 = arith.mulf %parallel_loop3A_769, %parallel_loop3A_790 : vector<16xf32>
          %parallel_loop3A_792 = arith.addf %parallel_loop3A_780, %parallel_loop3A_791 : vector<16xf32>
          %parallel_loop3A_793 = arith.subf %parallel_loop3A_783, %parallel_loop3A_781 : vector<16xf32>
          %parallel_loop3A_794 = arith.mulf %parallel_loop3A_769, %parallel_loop3A_793 : vector<16xf32>
          %parallel_loop3A_795 = arith.addf %parallel_loop3A_781, %parallel_loop3A_794 : vector<16xf32>
          %parallel_loop3A_796 = arith.subf %parallel_loop3A_792, %parallel_loop3A_786 : vector<16xf32>
          %parallel_loop3A_797 = arith.mulf %parallel_loop3A_761, %parallel_loop3A_796 : vector<16xf32>
          %parallel_loop3A_798 = arith.addf %parallel_loop3A_786, %parallel_loop3A_797 : vector<16xf32>
          %parallel_loop3A_799 = arith.constant 0 : i32
          %parallel_loop3A_800 = arith.index_cast %parallel_loop3A_799 : i32 to index
          %parallel_loop3A_801 = arith.index_cast %parallel_loop3A_368 : i32 to index
          %parallel_loop3A_802 = arith.constant 64 : index
          %parallel_loop3A_803 = tpu.vector_load %arg9[%parallel_loop3A_800, %parallel_loop3A_801, %parallel_loop3A_802] {strides = array<i32>} : memref<2x16x192xf32, #tpu.memory_space<vmem>>, vector<16xf32>,
          tpu.vector_store %arg9[%parallel_loop3A_800, %parallel_loop3A_801, %parallel_loop3A_802], %parallel_loop3A_798 {strides = array<i32>} : memref<2x16x192xf32, #tpu.memory_space<vmem>>, vector<16xf32>,
          %parallel_loop3A_804 = arith.subf %parallel_loop3A_795, %parallel_loop3A_789 : vector<16xf32>
          %parallel_loop3A_805 = arith.mulf %parallel_loop3A_761, %parallel_loop3A_804 : vector<16xf32>
          %parallel_loop3A_806 = arith.addf %parallel_loop3A_789, %parallel_loop3A_805 : vector<16xf32>
          %parallel_loop3A_807 = arith.constant 0 : i32
          %parallel_loop3A_808 = arith.index_cast %parallel_loop3A_807 : i32 to index
          %parallel_loop3A_809 = arith.index_cast %parallel_loop3A_368 : i32 to index
          %parallel_loop3A_810 = arith.constant 64 : index
          %parallel_loop3A_811 = tpu.vector_load %arg10[%parallel_loop3A_808, %parallel_loop3A_809, %parallel_loop3A_810] {strides = array<i32>} : memref<2x16x192xf32, #tpu.memory_space<vmem>>, vector<16xf32>,
          tpu.vector_store %arg10[%parallel_loop3A_808, %parallel_loop3A_809, %parallel_loop3A_810], %parallel_loop3A_806 {strides = array<i32>} : memref<2x16x192xf32, #tpu.memory_space<vmem>>, vector<16xf32>,
          %parallel_loop3A_812 = arith.constant 0 : i32
          %parallel_loop3A_813 = arith.index_cast %parallel_loop3A_812 : i32 to index
          %parallel_loop3A_814 = arith.index_cast %parallel_loop3A_368 : i32 to index
          %parallel_loop3A_815 = arith.constant 80 : index
          %parallel_loop3A_816 = tpu.vector_load %arg7[%parallel_loop3A_813, %parallel_loop3A_814, %parallel_loop3A_815] {strides = array<i32>} : memref<2x16x192xf32, #tpu.memory_space<vmem>>, vector<16xf32>,
          %parallel_loop3A_817 = arith.constant 0 : i32
          %parallel_loop3A_818 = arith.index_cast %parallel_loop3A_817 : i32 to index
          %parallel_loop3A_819 = arith.index_cast %parallel_loop3A_368 : i32 to index
          %parallel_loop3A_820 = arith.constant 80 : index
          %parallel_loop3A_821 = tpu.vector_load %arg8[%parallel_loop3A_818, %parallel_loop3A_819, %parallel_loop3A_820] {strides = array<i32>} : memref<2x16x192xf32, #tpu.memory_space<vmem>>, vector<16xf32>,
          %parallel_loop3A_822 = arith.subf %parallel_loop3A_376, %parallel_loop3A_816 : vector<16xf32>
          %parallel_loop3A_823 = arith.subf %convert_element_type3A, %parallel_loop3A_821 : vector<16xf32>
          %parallel_loop3A_824 = arith.constant 8.000000e+01 : f32
          %parallel_loop3A_825 = vector.broadcast %parallel_loop3A_824 : f32 to vector<16xf32>
          %parallel_loop3A_826 = arith.addf %parallel_loop3A_823, %parallel_loop3A_825 : vector<16xf32>
          %parallel_loop3A_827 = arith.constant 0.000000e+00 : f32
          %parallel_loop3A_828 = vector.broadcast %parallel_loop3A_827 : f32 to vector<16xf32>
          %parallel_loop3A_829 = arith.maximumf %parallel_loop3A_822, %parallel_loop3A_828 : vector<16xf32>
          %parallel_loop3A_830 = arith.constant 1.580000e+02 : f32
          %parallel_loop3A_831 = vector.broadcast %parallel_loop3A_830 : f32 to vector<16xf32>
          %parallel_loop3A_832 = arith.minimumf %parallel_loop3A_829, %parallel_loop3A_831 : vector<16xf32>
          %parallel_loop3A_833 = arith.constant 0.000000e+00 : f32
          %parallel_loop3A_834 = vector.broadcast %parallel_loop3A_833 : f32 to vector<16xf32>
          %parallel_loop3A_835 = arith.maximumf %parallel_loop3A_826, %parallel_loop3A_834 : vector<16xf32>
          %parallel_loop3A_836 = arith.constant 1.900000e+02 : f32
          %parallel_loop3A_837 = vector.broadcast %parallel_loop3A_836 : f32 to vector<16xf32>
          %parallel_loop3A_838 = arith.minimumf %parallel_loop3A_835, %parallel_loop3A_837 : vector<16xf32>
          %parallel_loop3A_839 = arith.fptosi %parallel_loop3A_832 : vector<16xf32> to vector<16xi32>
          %parallel_loop3A_840 = arith.fptosi %parallel_loop3A_838 : vector<16xf32> to vector<16xi32>
          %parallel_loop3A_841 = arith.sitofp %parallel_loop3A_839 : vector<16xi32> to vector<16xf32>
          %parallel_loop3A_842 = arith.subf %parallel_loop3A_822, %parallel_loop3A_841 : vector<16xf32>
          %parallel_loop3A_843 = arith.constant 0.000000e+00 : f32
          %parallel_loop3A_844 = vector.broadcast %parallel_loop3A_843 : f32 to vector<16xf32>
          %parallel_loop3A_845 = arith.maximumf %parallel_loop3A_842, %parallel_loop3A_844 : vector<16xf32>
          %parallel_loop3A_846 = arith.constant 1.000000e+00 : f32
          %parallel_loop3A_847 = vector.broadcast %parallel_loop3A_846 : f32 to vector<16xf32>
          %parallel_loop3A_848 = arith.minimumf %parallel_loop3A_845, %parallel_loop3A_847 : vector<16xf32>
          %parallel_loop3A_849 = arith.sitofp %parallel_loop3A_840 : vector<16xi32> to vector<16xf32>
          %parallel_loop3A_850 = arith.subf %parallel_loop3A_826, %parallel_loop3A_849 : vector<16xf32>
          %parallel_loop3A_851 = arith.constant 0.000000e+00 : f32
          %parallel_loop3A_852 = vector.broadcast %parallel_loop3A_851 : f32 to vector<16xf32>
          %parallel_loop3A_853 = arith.maximumf %parallel_loop3A_850, %parallel_loop3A_852 : vector<16xf32>
          %parallel_loop3A_854 = arith.constant 1.000000e+00 : f32
          %parallel_loop3A_855 = vector.broadcast %parallel_loop3A_854 : f32 to vector<16xf32>
          %parallel_loop3A_856 = arith.minimumf %parallel_loop3A_853, %parallel_loop3A_855 : vector<16xf32>
          %parallel_loop3A_857 = arith.constant 1 : i32
          %parallel_loop3A_858 = vector.broadcast %parallel_loop3A_857 : i32 to vector<16xi32>
          %parallel_loop3A_859 = arith.addi %parallel_loop3A_840, %parallel_loop3A_858 : vector<16xi32>
          %parallel_loop3A_860 = arith.constant 1 : i32
          %parallel_loop3A_861 = vector.broadcast %parallel_loop3A_860 : i32 to vector<16xi32>
          %parallel_loop3A_862 = arith.addi %parallel_loop3A_839, %parallel_loop3A_861 : vector<16xi32>
          %parallel_loop3A_863 = tpu.vector_load_idx %arg5[%parallel_loop3A_839, %parallel_loop3A_840] : memref<160x192xf32, #tpu.memory_space<vmem>>[vector<16xi32>, vector<16xi32>], vector<16xf32>,
          %parallel_loop3A_864 = tpu.vector_load_idx %arg6[%parallel_loop3A_839, %parallel_loop3A_840] : memref<160x192xf32, #tpu.memory_space<vmem>>[vector<16xi32>, vector<16xi32>], vector<16xf32>,
          %parallel_loop3A_865 = tpu.vector_load_idx %arg5[%parallel_loop3A_839, %parallel_loop3A_859] : memref<160x192xf32, #tpu.memory_space<vmem>>[vector<16xi32>, vector<16xi32>], vector<16xf32>,
          %parallel_loop3A_866 = tpu.vector_load_idx %arg6[%parallel_loop3A_839, %parallel_loop3A_859] : memref<160x192xf32, #tpu.memory_space<vmem>>[vector<16xi32>, vector<16xi32>], vector<16xf32>,
          %parallel_loop3A_867 = tpu.vector_load_idx %arg5[%parallel_loop3A_862, %parallel_loop3A_840] : memref<160x192xf32, #tpu.memory_space<vmem>>[vector<16xi32>, vector<16xi32>], vector<16xf32>,
          %parallel_loop3A_868 = tpu.vector_load_idx %arg6[%parallel_loop3A_862, %parallel_loop3A_840] : memref<160x192xf32, #tpu.memory_space<vmem>>[vector<16xi32>, vector<16xi32>], vector<16xf32>,
          %parallel_loop3A_869 = tpu.vector_load_idx %arg5[%parallel_loop3A_862, %parallel_loop3A_859] : memref<160x192xf32, #tpu.memory_space<vmem>>[vector<16xi32>, vector<16xi32>], vector<16xf32>,
          %parallel_loop3A_870 = tpu.vector_load_idx %arg6[%parallel_loop3A_862, %parallel_loop3A_859] : memref<160x192xf32, #tpu.memory_space<vmem>>[vector<16xi32>, vector<16xi32>], vector<16xf32>,
          %parallel_loop3A_871 = arith.subf %parallel_loop3A_865, %parallel_loop3A_863 : vector<16xf32>
          %parallel_loop3A_872 = arith.mulf %parallel_loop3A_856, %parallel_loop3A_871 : vector<16xf32>
          %parallel_loop3A_873 = arith.addf %parallel_loop3A_863, %parallel_loop3A_872 : vector<16xf32>
          %parallel_loop3A_874 = arith.subf %parallel_loop3A_866, %parallel_loop3A_864 : vector<16xf32>
          %parallel_loop3A_875 = arith.mulf %parallel_loop3A_856, %parallel_loop3A_874 : vector<16xf32>
          %parallel_loop3A_876 = arith.addf %parallel_loop3A_864, %parallel_loop3A_875 : vector<16xf32>
          %parallel_loop3A_877 = arith.subf %parallel_loop3A_869, %parallel_loop3A_867 : vector<16xf32>
          %parallel_loop3A_878 = arith.mulf %parallel_loop3A_856, %parallel_loop3A_877 : vector<16xf32>
          %parallel_loop3A_879 = arith.addf %parallel_loop3A_867, %parallel_loop3A_878 : vector<16xf32>
          %parallel_loop3A_880 = arith.subf %parallel_loop3A_870, %parallel_loop3A_868 : vector<16xf32>
          %parallel_loop3A_881 = arith.mulf %parallel_loop3A_856, %parallel_loop3A_880 : vector<16xf32>
          %parallel_loop3A_882 = arith.addf %parallel_loop3A_868, %parallel_loop3A_881 : vector<16xf32>
          %parallel_loop3A_883 = arith.subf %parallel_loop3A_879, %parallel_loop3A_873 : vector<16xf32>
          %parallel_loop3A_884 = arith.mulf %parallel_loop3A_848, %parallel_loop3A_883 : vector<16xf32>
          %parallel_loop3A_885 = arith.addf %parallel_loop3A_873, %parallel_loop3A_884 : vector<16xf32>
          %parallel_loop3A_886 = arith.constant 0 : i32
          %parallel_loop3A_887 = arith.index_cast %parallel_loop3A_886 : i32 to index
          %parallel_loop3A_888 = arith.index_cast %parallel_loop3A_368 : i32 to index
          %parallel_loop3A_889 = arith.constant 80 : index
          %parallel_loop3A_890 = tpu.vector_load %arg9[%parallel_loop3A_887, %parallel_loop3A_888, %parallel_loop3A_889] {strides = array<i32>} : memref<2x16x192xf32, #tpu.memory_space<vmem>>, vector<16xf32>,
          tpu.vector_store %arg9[%parallel_loop3A_887, %parallel_loop3A_888, %parallel_loop3A_889], %parallel_loop3A_885 {strides = array<i32>} : memref<2x16x192xf32, #tpu.memory_space<vmem>>, vector<16xf32>,
          %parallel_loop3A_891 = arith.subf %parallel_loop3A_882, %parallel_loop3A_876 : vector<16xf32>
          %parallel_loop3A_892 = arith.mulf %parallel_loop3A_848, %parallel_loop3A_891 : vector<16xf32>
          %parallel_loop3A_893 = arith.addf %parallel_loop3A_876, %parallel_loop3A_892 : vector<16xf32>
          %parallel_loop3A_894 = arith.constant 0 : i32
          %parallel_loop3A_895 = arith.index_cast %parallel_loop3A_894 : i32 to index
          %parallel_loop3A_896 = arith.index_cast %parallel_loop3A_368 : i32 to index
          %parallel_loop3A_897 = arith.constant 80 : index
          %parallel_loop3A_898 = tpu.vector_load %arg10[%parallel_loop3A_895, %parallel_loop3A_896, %parallel_loop3A_897] {strides = array<i32>} : memref<2x16x192xf32, #tpu.memory_space<vmem>>, vector<16xf32>,
          tpu.vector_store %arg10[%parallel_loop3A_895, %parallel_loop3A_896, %parallel_loop3A_897], %parallel_loop3A_893 {strides = array<i32>} : memref<2x16x192xf32, #tpu.memory_space<vmem>>, vector<16xf32>,
          %parallel_loop3A_899 = arith.constant 0 : i32
          %parallel_loop3A_900 = arith.index_cast %parallel_loop3A_899 : i32 to index
          %parallel_loop3A_901 = arith.index_cast %parallel_loop3A_368 : i32 to index
          %parallel_loop3A_902 = arith.constant 96 : index
          %parallel_loop3A_903 = tpu.vector_load %arg7[%parallel_loop3A_900, %parallel_loop3A_901, %parallel_loop3A_902] {strides = array<i32>} : memref<2x16x192xf32, #tpu.memory_space<vmem>>, vector<16xf32>,
          %parallel_loop3A_904 = arith.constant 0 : i32
          %parallel_loop3A_905 = arith.index_cast %parallel_loop3A_904 : i32 to index
          %parallel_loop3A_906 = arith.index_cast %parallel_loop3A_368 : i32 to index
          %parallel_loop3A_907 = arith.constant 96 : index
          %parallel_loop3A_908 = tpu.vector_load %arg8[%parallel_loop3A_905, %parallel_loop3A_906, %parallel_loop3A_907] {strides = array<i32>} : memref<2x16x192xf32, #tpu.memory_space<vmem>>, vector<16xf32>,
          %parallel_loop3A_909 = arith.subf %parallel_loop3A_376, %parallel_loop3A_903 : vector<16xf32>
          %parallel_loop3A_910 = arith.subf %convert_element_type3A, %parallel_loop3A_908 : vector<16xf32>
          %parallel_loop3A_911 = arith.constant 9.600000e+01 : f32
          %parallel_loop3A_912 = vector.broadcast %parallel_loop3A_911 : f32 to vector<16xf32>
          %parallel_loop3A_913 = arith.addf %parallel_loop3A_910, %parallel_loop3A_912 : vector<16xf32>
          %parallel_loop3A_914 = arith.constant 0.000000e+00 : f32
          %parallel_loop3A_915 = vector.broadcast %parallel_loop3A_914 : f32 to vector<16xf32>
          %parallel_loop3A_916 = arith.maximumf %parallel_loop3A_909, %parallel_loop3A_915 : vector<16xf32>
          %parallel_loop3A_917 = arith.constant 1.580000e+02 : f32
          %parallel_loop3A_918 = vector.broadcast %parallel_loop3A_917 : f32 to vector<16xf32>
          %parallel_loop3A_919 = arith.minimumf %parallel_loop3A_916, %parallel_loop3A_918 : vector<16xf32>
          %parallel_loop3A_920 = arith.constant 0.000000e+00 : f32
          %parallel_loop3A_921 = vector.broadcast %parallel_loop3A_920 : f32 to vector<16xf32>
          %parallel_loop3A_922 = arith.maximumf %parallel_loop3A_913, %parallel_loop3A_921 : vector<16xf32>
          %parallel_loop3A_923 = arith.constant 1.900000e+02 : f32
          %parallel_loop3A_924 = vector.broadcast %parallel_loop3A_923 : f32 to vector<16xf32>
          %parallel_loop3A_925 = arith.minimumf %parallel_loop3A_922, %parallel_loop3A_924 : vector<16xf32>
          %parallel_loop3A_926 = arith.fptosi %parallel_loop3A_919 : vector<16xf32> to vector<16xi32>
          %parallel_loop3A_927 = arith.fptosi %parallel_loop3A_925 : vector<16xf32> to vector<16xi32>
          %parallel_loop3A_928 = arith.sitofp %parallel_loop3A_926 : vector<16xi32> to vector<16xf32>
          %parallel_loop3A_929 = arith.subf %parallel_loop3A_909, %parallel_loop3A_928 : vector<16xf32>
          %parallel_loop3A_930 = arith.constant 0.000000e+00 : f32
          %parallel_loop3A_931 = vector.broadcast %parallel_loop3A_930 : f32 to vector<16xf32>
          %parallel_loop3A_932 = arith.maximumf %parallel_loop3A_929, %parallel_loop3A_931 : vector<16xf32>
          %parallel_loop3A_933 = arith.constant 1.000000e+00 : f32
          %parallel_loop3A_934 = vector.broadcast %parallel_loop3A_933 : f32 to vector<16xf32>
          %parallel_loop3A_935 = arith.minimumf %parallel_loop3A_932, %parallel_loop3A_934 : vector<16xf32>
          %parallel_loop3A_936 = arith.sitofp %parallel_loop3A_927 : vector<16xi32> to vector<16xf32>
          %parallel_loop3A_937 = arith.subf %parallel_loop3A_913, %parallel_loop3A_936 : vector<16xf32>
          %parallel_loop3A_938 = arith.constant 0.000000e+00 : f32
          %parallel_loop3A_939 = vector.broadcast %parallel_loop3A_938 : f32 to vector<16xf32>
          %parallel_loop3A_940 = arith.maximumf %parallel_loop3A_937, %parallel_loop3A_939 : vector<16xf32>
          %parallel_loop3A_941 = arith.constant 1.000000e+00 : f32
          %parallel_loop3A_942 = vector.broadcast %parallel_loop3A_941 : f32 to vector<16xf32>
          %parallel_loop3A_943 = arith.minimumf %parallel_loop3A_940, %parallel_loop3A_942 : vector<16xf32>
          %parallel_loop3A_944 = arith.constant 1 : i32
          %parallel_loop3A_945 = vector.broadcast %parallel_loop3A_944 : i32 to vector<16xi32>
          %parallel_loop3A_946 = arith.addi %parallel_loop3A_927, %parallel_loop3A_945 : vector<16xi32>
          %parallel_loop3A_947 = arith.constant 1 : i32
          %parallel_loop3A_948 = vector.broadcast %parallel_loop3A_947 : i32 to vector<16xi32>
          %parallel_loop3A_949 = arith.addi %parallel_loop3A_926, %parallel_loop3A_948 : vector<16xi32>
          %parallel_loop3A_950 = tpu.vector_load_idx %arg5[%parallel_loop3A_926, %parallel_loop3A_927] : memref<160x192xf32, #tpu.memory_space<vmem>>[vector<16xi32>, vector<16xi32>], vector<16xf32>,
          %parallel_loop3A_951 = tpu.vector_load_idx %arg6[%parallel_loop3A_926, %parallel_loop3A_927] : memref<160x192xf32, #tpu.memory_space<vmem>>[vector<16xi32>, vector<16xi32>], vector<16xf32>,
          %parallel_loop3A_952 = tpu.vector_load_idx %arg5[%parallel_loop3A_926, %parallel_loop3A_946] : memref<160x192xf32, #tpu.memory_space<vmem>>[vector<16xi32>, vector<16xi32>], vector<16xf32>,
          %parallel_loop3A_953 = tpu.vector_load_idx %arg6[%parallel_loop3A_926, %parallel_loop3A_946] : memref<160x192xf32, #tpu.memory_space<vmem>>[vector<16xi32>, vector<16xi32>], vector<16xf32>,
          %parallel_loop3A_954 = tpu.vector_load_idx %arg5[%parallel_loop3A_949, %parallel_loop3A_927] : memref<160x192xf32, #tpu.memory_space<vmem>>[vector<16xi32>, vector<16xi32>], vector<16xf32>,
          %parallel_loop3A_955 = tpu.vector_load_idx %arg6[%parallel_loop3A_949, %parallel_loop3A_927] : memref<160x192xf32, #tpu.memory_space<vmem>>[vector<16xi32>, vector<16xi32>], vector<16xf32>,
          %parallel_loop3A_956 = tpu.vector_load_idx %arg5[%parallel_loop3A_949, %parallel_loop3A_946] : memref<160x192xf32, #tpu.memory_space<vmem>>[vector<16xi32>, vector<16xi32>], vector<16xf32>,
          %parallel_loop3A_957 = tpu.vector_load_idx %arg6[%parallel_loop3A_949, %parallel_loop3A_946] : memref<160x192xf32, #tpu.memory_space<vmem>>[vector<16xi32>, vector<16xi32>], vector<16xf32>,
          %parallel_loop3A_958 = arith.subf %parallel_loop3A_952, %parallel_loop3A_950 : vector<16xf32>
          %parallel_loop3A_959 = arith.mulf %parallel_loop3A_943, %parallel_loop3A_958 : vector<16xf32>
          %parallel_loop3A_960 = arith.addf %parallel_loop3A_950, %parallel_loop3A_959 : vector<16xf32>
          %parallel_loop3A_961 = arith.subf %parallel_loop3A_953, %parallel_loop3A_951 : vector<16xf32>
          %parallel_loop3A_962 = arith.mulf %parallel_loop3A_943, %parallel_loop3A_961 : vector<16xf32>
          %parallel_loop3A_963 = arith.addf %parallel_loop3A_951, %parallel_loop3A_962 : vector<16xf32>
          %parallel_loop3A_964 = arith.subf %parallel_loop3A_956, %parallel_loop3A_954 : vector<16xf32>
          %parallel_loop3A_965 = arith.mulf %parallel_loop3A_943, %parallel_loop3A_964 : vector<16xf32>
          %parallel_loop3A_966 = arith.addf %parallel_loop3A_954, %parallel_loop3A_965 : vector<16xf32>
          %parallel_loop3A_967 = arith.subf %parallel_loop3A_957, %parallel_loop3A_955 : vector<16xf32>
          %parallel_loop3A_968 = arith.mulf %parallel_loop3A_943, %parallel_loop3A_967 : vector<16xf32>
          %parallel_loop3A_969 = arith.addf %parallel_loop3A_955, %parallel_loop3A_968 : vector<16xf32>
          %parallel_loop3A_970 = arith.subf %parallel_loop3A_966, %parallel_loop3A_960 : vector<16xf32>
          %parallel_loop3A_971 = arith.mulf %parallel_loop3A_935, %parallel_loop3A_970 : vector<16xf32>
          %parallel_loop3A_972 = arith.addf %parallel_loop3A_960, %parallel_loop3A_971 : vector<16xf32>
          %parallel_loop3A_973 = arith.constant 0 : i32
          %parallel_loop3A_974 = arith.index_cast %parallel_loop3A_973 : i32 to index
          %parallel_loop3A_975 = arith.index_cast %parallel_loop3A_368 : i32 to index
          %parallel_loop3A_976 = arith.constant 96 : index
          %parallel_loop3A_977 = tpu.vector_load %arg9[%parallel_loop3A_974, %parallel_loop3A_975, %parallel_loop3A_976] {strides = array<i32>} : memref<2x16x192xf32, #tpu.memory_space<vmem>>, vector<16xf32>,
          tpu.vector_store %arg9[%parallel_loop3A_974, %parallel_loop3A_975, %parallel_loop3A_976], %parallel_loop3A_972 {strides = array<i32>} : memref<2x16x192xf32, #tpu.memory_space<vmem>>, vector<16xf32>,
          %parallel_loop3A_978 = arith.subf %parallel_loop3A_969, %parallel_loop3A_963 : vector<16xf32>
          %parallel_loop3A_979 = arith.mulf %parallel_loop3A_935, %parallel_loop3A_978 : vector<16xf32>
          %parallel_loop3A_980 = arith.addf %parallel_loop3A_963, %parallel_loop3A_979 : vector<16xf32>
          %parallel_loop3A_981 = arith.constant 0 : i32
          %parallel_loop3A_982 = arith.index_cast %parallel_loop3A_981 : i32 to index
          %parallel_loop3A_983 = arith.index_cast %parallel_loop3A_368 : i32 to index
          %parallel_loop3A_984 = arith.constant 96 : index
          %parallel_loop3A_985 = tpu.vector_load %arg10[%parallel_loop3A_982, %parallel_loop3A_983, %parallel_loop3A_984] {strides = array<i32>} : memref<2x16x192xf32, #tpu.memory_space<vmem>>, vector<16xf32>,
          tpu.vector_store %arg10[%parallel_loop3A_982, %parallel_loop3A_983, %parallel_loop3A_984], %parallel_loop3A_980 {strides = array<i32>} : memref<2x16x192xf32, #tpu.memory_space<vmem>>, vector<16xf32>,
          %parallel_loop3A_986 = arith.constant 0 : i32
          %parallel_loop3A_987 = arith.index_cast %parallel_loop3A_986 : i32 to index
          %parallel_loop3A_988 = arith.index_cast %parallel_loop3A_368 : i32 to index
          %parallel_loop3A_989 = arith.constant 112 : index
          %parallel_loop3A_990 = tpu.vector_load %arg7[%parallel_loop3A_987, %parallel_loop3A_988, %parallel_loop3A_989] {strides = array<i32>} : memref<2x16x192xf32, #tpu.memory_space<vmem>>, vector<16xf32>,
          %parallel_loop3A_991 = arith.constant 0 : i32
          %parallel_loop3A_992 = arith.index_cast %parallel_loop3A_991 : i32 to index
          %parallel_loop3A_993 = arith.index_cast %parallel_loop3A_368 : i32 to index
          %parallel_loop3A_994 = arith.constant 112 : index
          %parallel_loop3A_995 = tpu.vector_load %arg8[%parallel_loop3A_992, %parallel_loop3A_993, %parallel_loop3A_994] {strides = array<i32>} : memref<2x16x192xf32, #tpu.memory_space<vmem>>, vector<16xf32>,
          %parallel_loop3A_996 = arith.subf %parallel_loop3A_376, %parallel_loop3A_990 : vector<16xf32>
          %parallel_loop3A_997 = arith.subf %convert_element_type3A, %parallel_loop3A_995 : vector<16xf32>
          %parallel_loop3A_998 = arith.constant 1.120000e+02 : f32
          %parallel_loop3A_999 = vector.broadcast %parallel_loop3A_998 : f32 to vector<16xf32>
          %parallel_loop3A_1000 = arith.addf %parallel_loop3A_997, %parallel_loop3A_999 : vector<16xf32>
          %parallel_loop3A_1001 = arith.constant 0.000000e+00 : f32
          %parallel_loop3A_1002 = vector.broadcast %parallel_loop3A_1001 : f32 to vector<16xf32>
          %parallel_loop3A_1003 = arith.maximumf %parallel_loop3A_996, %parallel_loop3A_1002 : vector<16xf32>
          %parallel_loop3A_1004 = arith.constant 1.580000e+02 : f32
          %parallel_loop3A_1005 = vector.broadcast %parallel_loop3A_1004 : f32 to vector<16xf32>
          %parallel_loop3A_1006 = arith.minimumf %parallel_loop3A_1003, %parallel_loop3A_1005 : vector<16xf32>
          %parallel_loop3A_1007 = arith.constant 0.000000e+00 : f32
          %parallel_loop3A_1008 = vector.broadcast %parallel_loop3A_1007 : f32 to vector<16xf32>
          %parallel_loop3A_1009 = arith.maximumf %parallel_loop3A_1000, %parallel_loop3A_1008 : vector<16xf32>
          %parallel_loop3A_1010 = arith.constant 1.900000e+02 : f32
          %parallel_loop3A_1011 = vector.broadcast %parallel_loop3A_1010 : f32 to vector<16xf32>
          %parallel_loop3A_1012 = arith.minimumf %parallel_loop3A_1009, %parallel_loop3A_1011 : vector<16xf32>
          %parallel_loop3A_1013 = arith.fptosi %parallel_loop3A_1006 : vector<16xf32> to vector<16xi32>
          %parallel_loop3A_1014 = arith.fptosi %parallel_loop3A_1012 : vector<16xf32> to vector<16xi32>
          %parallel_loop3A_1015 = arith.sitofp %parallel_loop3A_1013 : vector<16xi32> to vector<16xf32>
          %parallel_loop3A_1016 = arith.subf %parallel_loop3A_996, %parallel_loop3A_1015 : vector<16xf32>
          %parallel_loop3A_1017 = arith.constant 0.000000e+00 : f32
          %parallel_loop3A_1018 = vector.broadcast %parallel_loop3A_1017 : f32 to vector<16xf32>
          %parallel_loop3A_1019 = arith.maximumf %parallel_loop3A_1016, %parallel_loop3A_1018 : vector<16xf32>
          %parallel_loop3A_1020 = arith.constant 1.000000e+00 : f32
          %parallel_loop3A_1021 = vector.broadcast %parallel_loop3A_1020 : f32 to vector<16xf32>
          %parallel_loop3A_1022 = arith.minimumf %parallel_loop3A_1019, %parallel_loop3A_1021 : vector<16xf32>
          %parallel_loop3A_1023 = arith.sitofp %parallel_loop3A_1014 : vector<16xi32> to vector<16xf32>
          %parallel_loop3A_1024 = arith.subf %parallel_loop3A_1000, %parallel_loop3A_1023 : vector<16xf32>
          %parallel_loop3A_1025 = arith.constant 0.000000e+00 : f32
          %parallel_loop3A_1026 = vector.broadcast %parallel_loop3A_1025 : f32 to vector<16xf32>
          %parallel_loop3A_1027 = arith.maximumf %parallel_loop3A_1024, %parallel_loop3A_1026 : vector<16xf32>
          %parallel_loop3A_1028 = arith.constant 1.000000e+00 : f32
          %parallel_loop3A_1029 = vector.broadcast %parallel_loop3A_1028 : f32 to vector<16xf32>
          %parallel_loop3A_1030 = arith.minimumf %parallel_loop3A_1027, %parallel_loop3A_1029 : vector<16xf32>
          %parallel_loop3A_1031 = arith.constant 1 : i32
          %parallel_loop3A_1032 = vector.broadcast %parallel_loop3A_1031 : i32 to vector<16xi32>
          %parallel_loop3A_1033 = arith.addi %parallel_loop3A_1014, %parallel_loop3A_1032 : vector<16xi32>
          %parallel_loop3A_1034 = arith.constant 1 : i32
          %parallel_loop3A_1035 = vector.broadcast %parallel_loop3A_1034 : i32 to vector<16xi32>
          %parallel_loop3A_1036 = arith.addi %parallel_loop3A_1013, %parallel_loop3A_1035 : vector<16xi32>
          %parallel_loop3A_1037 = tpu.vector_load_idx %arg5[%parallel_loop3A_1013, %parallel_loop3A_1014] : memref<160x192xf32, #tpu.memory_space<vmem>>[vector<16xi32>, vector<16xi32>], vector<16xf32>,
          %parallel_loop3A_1038 = tpu.vector_load_idx %arg6[%parallel_loop3A_1013, %parallel_loop3A_1014] : memref<160x192xf32, #tpu.memory_space<vmem>>[vector<16xi32>, vector<16xi32>], vector<16xf32>,
          %parallel_loop3A_1039 = tpu.vector_load_idx %arg5[%parallel_loop3A_1013, %parallel_loop3A_1033] : memref<160x192xf32, #tpu.memory_space<vmem>>[vector<16xi32>, vector<16xi32>], vector<16xf32>,
          %parallel_loop3A_1040 = tpu.vector_load_idx %arg6[%parallel_loop3A_1013, %parallel_loop3A_1033] : memref<160x192xf32, #tpu.memory_space<vmem>>[vector<16xi32>, vector<16xi32>], vector<16xf32>,
          %parallel_loop3A_1041 = tpu.vector_load_idx %arg5[%parallel_loop3A_1036, %parallel_loop3A_1014] : memref<160x192xf32, #tpu.memory_space<vmem>>[vector<16xi32>, vector<16xi32>], vector<16xf32>,
          %parallel_loop3A_1042 = tpu.vector_load_idx %arg6[%parallel_loop3A_1036, %parallel_loop3A_1014] : memref<160x192xf32, #tpu.memory_space<vmem>>[vector<16xi32>, vector<16xi32>], vector<16xf32>,
          %parallel_loop3A_1043 = tpu.vector_load_idx %arg5[%parallel_loop3A_1036, %parallel_loop3A_1033] : memref<160x192xf32, #tpu.memory_space<vmem>>[vector<16xi32>, vector<16xi32>], vector<16xf32>,
          %parallel_loop3A_1044 = tpu.vector_load_idx %arg6[%parallel_loop3A_1036, %parallel_loop3A_1033] : memref<160x192xf32, #tpu.memory_space<vmem>>[vector<16xi32>, vector<16xi32>], vector<16xf32>,
          %parallel_loop3A_1045 = arith.subf %parallel_loop3A_1039, %parallel_loop3A_1037 : vector<16xf32>
          %parallel_loop3A_1046 = arith.mulf %parallel_loop3A_1030, %parallel_loop3A_1045 : vector<16xf32>
          %parallel_loop3A_1047 = arith.addf %parallel_loop3A_1037, %parallel_loop3A_1046 : vector<16xf32>
          %parallel_loop3A_1048 = arith.subf %parallel_loop3A_1040, %parallel_loop3A_1038 : vector<16xf32>
          %parallel_loop3A_1049 = arith.mulf %parallel_loop3A_1030, %parallel_loop3A_1048 : vector<16xf32>
          %parallel_loop3A_1050 = arith.addf %parallel_loop3A_1038, %parallel_loop3A_1049 : vector<16xf32>
          %parallel_loop3A_1051 = arith.subf %parallel_loop3A_1043, %parallel_loop3A_1041 : vector<16xf32>
          %parallel_loop3A_1052 = arith.mulf %parallel_loop3A_1030, %parallel_loop3A_1051 : vector<16xf32>
          %parallel_loop3A_1053 = arith.addf %parallel_loop3A_1041, %parallel_loop3A_1052 : vector<16xf32>
          %parallel_loop3A_1054 = arith.subf %parallel_loop3A_1044, %parallel_loop3A_1042 : vector<16xf32>
          %parallel_loop3A_1055 = arith.mulf %parallel_loop3A_1030, %parallel_loop3A_1054 : vector<16xf32>
          %parallel_loop3A_1056 = arith.addf %parallel_loop3A_1042, %parallel_loop3A_1055 : vector<16xf32>
          %parallel_loop3A_1057 = arith.subf %parallel_loop3A_1053, %parallel_loop3A_1047 : vector<16xf32>
          %parallel_loop3A_1058 = arith.mulf %parallel_loop3A_1022, %parallel_loop3A_1057 : vector<16xf32>
          %parallel_loop3A_1059 = arith.addf %parallel_loop3A_1047, %parallel_loop3A_1058 : vector<16xf32>
          %parallel_loop3A_1060 = arith.constant 0 : i32
          %parallel_loop3A_1061 = arith.index_cast %parallel_loop3A_1060 : i32 to index
          %parallel_loop3A_1062 = arith.index_cast %parallel_loop3A_368 : i32 to index
          %parallel_loop3A_1063 = arith.constant 112 : index
          %parallel_loop3A_1064 = tpu.vector_load %arg9[%parallel_loop3A_1061, %parallel_loop3A_1062, %parallel_loop3A_1063] {strides = array<i32>} : memref<2x16x192xf32, #tpu.memory_space<vmem>>, vector<16xf32>,
          tpu.vector_store %arg9[%parallel_loop3A_1061, %parallel_loop3A_1062, %parallel_loop3A_1063], %parallel_loop3A_1059 {strides = array<i32>} : memref<2x16x192xf32, #tpu.memory_space<vmem>>, vector<16xf32>,
          %parallel_loop3A_1065 = arith.subf %parallel_loop3A_1056, %parallel_loop3A_1050 : vector<16xf32>
          %parallel_loop3A_1066 = arith.mulf %parallel_loop3A_1022, %parallel_loop3A_1065 : vector<16xf32>
          %parallel_loop3A_1067 = arith.addf %parallel_loop3A_1050, %parallel_loop3A_1066 : vector<16xf32>
          %parallel_loop3A_1068 = arith.constant 0 : i32
          %parallel_loop3A_1069 = arith.index_cast %parallel_loop3A_1068 : i32 to index
          %parallel_loop3A_1070 = arith.index_cast %parallel_loop3A_368 : i32 to index
          %parallel_loop3A_1071 = arith.constant 112 : index
          %parallel_loop3A_1072 = tpu.vector_load %arg10[%parallel_loop3A_1069, %parallel_loop3A_1070, %parallel_loop3A_1071] {strides = array<i32>} : memref<2x16x192xf32, #tpu.memory_space<vmem>>, vector<16xf32>,
          tpu.vector_store %arg10[%parallel_loop3A_1069, %parallel_loop3A_1070, %parallel_loop3A_1071], %parallel_loop3A_1067 {strides = array<i32>} : memref<2x16x192xf32, #tpu.memory_space<vmem>>, vector<16xf32>,
          %parallel_loop3A_1073 = arith.constant 0 : i32
          %parallel_loop3A_1074 = arith.index_cast %parallel_loop3A_1073 : i32 to index
          %parallel_loop3A_1075 = arith.index_cast %parallel_loop3A_368 : i32 to index
          %parallel_loop3A_1076 = arith.constant 128 : index
          %parallel_loop3A_1077 = tpu.vector_load %arg7[%parallel_loop3A_1074, %parallel_loop3A_1075, %parallel_loop3A_1076] {strides = array<i32>} : memref<2x16x192xf32, #tpu.memory_space<vmem>>, vector<16xf32>,
          %parallel_loop3A_1078 = arith.constant 0 : i32
          %parallel_loop3A_1079 = arith.index_cast %parallel_loop3A_1078 : i32 to index
          %parallel_loop3A_1080 = arith.index_cast %parallel_loop3A_368 : i32 to index
          %parallel_loop3A_1081 = arith.constant 128 : index
          %parallel_loop3A_1082 = tpu.vector_load %arg8[%parallel_loop3A_1079, %parallel_loop3A_1080, %parallel_loop3A_1081] {strides = array<i32>} : memref<2x16x192xf32, #tpu.memory_space<vmem>>, vector<16xf32>,
          %parallel_loop3A_1083 = arith.subf %parallel_loop3A_376, %parallel_loop3A_1077 : vector<16xf32>
          %parallel_loop3A_1084 = arith.subf %convert_element_type3A, %parallel_loop3A_1082 : vector<16xf32>
          %parallel_loop3A_1085 = arith.constant 1.280000e+02 : f32
          %parallel_loop3A_1086 = vector.broadcast %parallel_loop3A_1085 : f32 to vector<16xf32>
          %parallel_loop3A_1087 = arith.addf %parallel_loop3A_1084, %parallel_loop3A_1086 : vector<16xf32>
          %parallel_loop3A_1088 = arith.constant 0.000000e+00 : f32
          %parallel_loop3A_1089 = vector.broadcast %parallel_loop3A_1088 : f32 to vector<16xf32>
          %parallel_loop3A_1090 = arith.maximumf %parallel_loop3A_1083, %parallel_loop3A_1089 : vector<16xf32>
          %parallel_loop3A_1091 = arith.constant 1.580000e+02 : f32
          %parallel_loop3A_1092 = vector.broadcast %parallel_loop3A_1091 : f32 to vector<16xf32>
          %parallel_loop3A_1093 = arith.minimumf %parallel_loop3A_1090, %parallel_loop3A_1092 : vector<16xf32>
          %parallel_loop3A_1094 = arith.constant 0.000000e+00 : f32
          %parallel_loop3A_1095 = vector.broadcast %parallel_loop3A_1094 : f32 to vector<16xf32>
          %parallel_loop3A_1096 = arith.maximumf %parallel_loop3A_1087, %parallel_loop3A_1095 : vector<16xf32>
          %parallel_loop3A_1097 = arith.constant 1.900000e+02 : f32
          %parallel_loop3A_1098 = vector.broadcast %parallel_loop3A_1097 : f32 to vector<16xf32>
          %parallel_loop3A_1099 = arith.minimumf %parallel_loop3A_1096, %parallel_loop3A_1098 : vector<16xf32>
          %parallel_loop3A_1100 = arith.fptosi %parallel_loop3A_1093 : vector<16xf32> to vector<16xi32>
          %parallel_loop3A_1101 = arith.fptosi %parallel_loop3A_1099 : vector<16xf32> to vector<16xi32>
          %parallel_loop3A_1102 = arith.sitofp %parallel_loop3A_1100 : vector<16xi32> to vector<16xf32>
          %parallel_loop3A_1103 = arith.subf %parallel_loop3A_1083, %parallel_loop3A_1102 : vector<16xf32>
          %parallel_loop3A_1104 = arith.constant 0.000000e+00 : f32
          %parallel_loop3A_1105 = vector.broadcast %parallel_loop3A_1104 : f32 to vector<16xf32>
          %parallel_loop3A_1106 = arith.maximumf %parallel_loop3A_1103, %parallel_loop3A_1105 : vector<16xf32>
          %parallel_loop3A_1107 = arith.constant 1.000000e+00 : f32
          %parallel_loop3A_1108 = vector.broadcast %parallel_loop3A_1107 : f32 to vector<16xf32>
          %parallel_loop3A_1109 = arith.minimumf %parallel_loop3A_1106, %parallel_loop3A_1108 : vector<16xf32>
          %parallel_loop3A_1110 = arith.sitofp %parallel_loop3A_1101 : vector<16xi32> to vector<16xf32>
          %parallel_loop3A_1111 = arith.subf %parallel_loop3A_1087, %parallel_loop3A_1110 : vector<16xf32>
          %parallel_loop3A_1112 = arith.constant 0.000000e+00 : f32
          %parallel_loop3A_1113 = vector.broadcast %parallel_loop3A_1112 : f32 to vector<16xf32>
          %parallel_loop3A_1114 = arith.maximumf %parallel_loop3A_1111, %parallel_loop3A_1113 : vector<16xf32>
          %parallel_loop3A_1115 = arith.constant 1.000000e+00 : f32
          %parallel_loop3A_1116 = vector.broadcast %parallel_loop3A_1115 : f32 to vector<16xf32>
          %parallel_loop3A_1117 = arith.minimumf %parallel_loop3A_1114, %parallel_loop3A_1116 : vector<16xf32>
          %parallel_loop3A_1118 = arith.constant 1 : i32
          %parallel_loop3A_1119 = vector.broadcast %parallel_loop3A_1118 : i32 to vector<16xi32>
          %parallel_loop3A_1120 = arith.addi %parallel_loop3A_1101, %parallel_loop3A_1119 : vector<16xi32>
          %parallel_loop3A_1121 = arith.constant 1 : i32
          %parallel_loop3A_1122 = vector.broadcast %parallel_loop3A_1121 : i32 to vector<16xi32>
          %parallel_loop3A_1123 = arith.addi %parallel_loop3A_1100, %parallel_loop3A_1122 : vector<16xi32>
          %parallel_loop3A_1124 = tpu.vector_load_idx %arg5[%parallel_loop3A_1100, %parallel_loop3A_1101] : memref<160x192xf32, #tpu.memory_space<vmem>>[vector<16xi32>, vector<16xi32>], vector<16xf32>,
          %parallel_loop3A_1125 = tpu.vector_load_idx %arg6[%parallel_loop3A_1100, %parallel_loop3A_1101] : memref<160x192xf32, #tpu.memory_space<vmem>>[vector<16xi32>, vector<16xi32>], vector<16xf32>,
          %parallel_loop3A_1126 = tpu.vector_load_idx %arg5[%parallel_loop3A_1100, %parallel_loop3A_1120] : memref<160x192xf32, #tpu.memory_space<vmem>>[vector<16xi32>, vector<16xi32>], vector<16xf32>,
          %parallel_loop3A_1127 = tpu.vector_load_idx %arg6[%parallel_loop3A_1100, %parallel_loop3A_1120] : memref<160x192xf32, #tpu.memory_space<vmem>>[vector<16xi32>, vector<16xi32>], vector<16xf32>,
          %parallel_loop3A_1128 = tpu.vector_load_idx %arg5[%parallel_loop3A_1123, %parallel_loop3A_1101] : memref<160x192xf32, #tpu.memory_space<vmem>>[vector<16xi32>, vector<16xi32>], vector<16xf32>,
          %parallel_loop3A_1129 = tpu.vector_load_idx %arg6[%parallel_loop3A_1123, %parallel_loop3A_1101] : memref<160x192xf32, #tpu.memory_space<vmem>>[vector<16xi32>, vector<16xi32>], vector<16xf32>,
          %parallel_loop3A_1130 = tpu.vector_load_idx %arg5[%parallel_loop3A_1123, %parallel_loop3A_1120] : memref<160x192xf32, #tpu.memory_space<vmem>>[vector<16xi32>, vector<16xi32>], vector<16xf32>,
          %parallel_loop3A_1131 = tpu.vector_load_idx %arg6[%parallel_loop3A_1123, %parallel_loop3A_1120] : memref<160x192xf32, #tpu.memory_space<vmem>>[vector<16xi32>, vector<16xi32>], vector<16xf32>,
          %parallel_loop3A_1132 = arith.subf %parallel_loop3A_1126, %parallel_loop3A_1124 : vector<16xf32>
          %parallel_loop3A_1133 = arith.mulf %parallel_loop3A_1117, %parallel_loop3A_1132 : vector<16xf32>
          %parallel_loop3A_1134 = arith.addf %parallel_loop3A_1124, %parallel_loop3A_1133 : vector<16xf32>
          %parallel_loop3A_1135 = arith.subf %parallel_loop3A_1127, %parallel_loop3A_1125 : vector<16xf32>
          %parallel_loop3A_1136 = arith.mulf %parallel_loop3A_1117, %parallel_loop3A_1135 : vector<16xf32>
          %parallel_loop3A_1137 = arith.addf %parallel_loop3A_1125, %parallel_loop3A_1136 : vector<16xf32>
          %parallel_loop3A_1138 = arith.subf %parallel_loop3A_1130, %parallel_loop3A_1128 : vector<16xf32>
          %parallel_loop3A_1139 = arith.mulf %parallel_loop3A_1117, %parallel_loop3A_1138 : vector<16xf32>
          %parallel_loop3A_1140 = arith.addf %parallel_loop3A_1128, %parallel_loop3A_1139 : vector<16xf32>
          %parallel_loop3A_1141 = arith.subf %parallel_loop3A_1131, %parallel_loop3A_1129 : vector<16xf32>
          %parallel_loop3A_1142 = arith.mulf %parallel_loop3A_1117, %parallel_loop3A_1141 : vector<16xf32>
          %parallel_loop3A_1143 = arith.addf %parallel_loop3A_1129, %parallel_loop3A_1142 : vector<16xf32>
          %parallel_loop3A_1144 = arith.subf %parallel_loop3A_1140, %parallel_loop3A_1134 : vector<16xf32>
          %parallel_loop3A_1145 = arith.mulf %parallel_loop3A_1109, %parallel_loop3A_1144 : vector<16xf32>
          %parallel_loop3A_1146 = arith.addf %parallel_loop3A_1134, %parallel_loop3A_1145 : vector<16xf32>
          %parallel_loop3A_1147 = arith.constant 0 : i32
          %parallel_loop3A_1148 = arith.index_cast %parallel_loop3A_1147 : i32 to index
          %parallel_loop3A_1149 = arith.index_cast %parallel_loop3A_368 : i32 to index
          %parallel_loop3A_1150 = arith.constant 128 : index
          %parallel_loop3A_1151 = tpu.vector_load %arg9[%parallel_loop3A_1148, %parallel_loop3A_1149, %parallel_loop3A_1150] {strides = array<i32>} : memref<2x16x192xf32, #tpu.memory_space<vmem>>, vector<16xf32>,
          tpu.vector_store %arg9[%parallel_loop3A_1148, %parallel_loop3A_1149, %parallel_loop3A_1150], %parallel_loop3A_1146 {strides = array<i32>} : memref<2x16x192xf32, #tpu.memory_space<vmem>>, vector<16xf32>,
          %parallel_loop3A_1152 = arith.subf %parallel_loop3A_1143, %parallel_loop3A_1137 : vector<16xf32>
          %parallel_loop3A_1153 = arith.mulf %parallel_loop3A_1109, %parallel_loop3A_1152 : vector<16xf32>
          %parallel_loop3A_1154 = arith.addf %parallel_loop3A_1137, %parallel_loop3A_1153 : vector<16xf32>
          %parallel_loop3A_1155 = arith.constant 0 : i32
          %parallel_loop3A_1156 = arith.index_cast %parallel_loop3A_1155 : i32 to index
          %parallel_loop3A_1157 = arith.index_cast %parallel_loop3A_368 : i32 to index
          %parallel_loop3A_1158 = arith.constant 128 : index
          %parallel_loop3A_1159 = tpu.vector_load %arg10[%parallel_loop3A_1156, %parallel_loop3A_1157, %parallel_loop3A_1158] {strides = array<i32>} : memref<2x16x192xf32, #tpu.memory_space<vmem>>, vector<16xf32>,
          tpu.vector_store %arg10[%parallel_loop3A_1156, %parallel_loop3A_1157, %parallel_loop3A_1158], %parallel_loop3A_1154 {strides = array<i32>} : memref<2x16x192xf32, #tpu.memory_space<vmem>>, vector<16xf32>,
          %parallel_loop3A_1160 = arith.constant 0 : i32
          %parallel_loop3A_1161 = arith.index_cast %parallel_loop3A_1160 : i32 to index
          %parallel_loop3A_1162 = arith.index_cast %parallel_loop3A_368 : i32 to index
          %parallel_loop3A_1163 = arith.constant 144 : index
          %parallel_loop3A_1164 = tpu.vector_load %arg7[%parallel_loop3A_1161, %parallel_loop3A_1162, %parallel_loop3A_1163] {strides = array<i32>} : memref<2x16x192xf32, #tpu.memory_space<vmem>>, vector<16xf32>,
          %parallel_loop3A_1165 = arith.constant 0 : i32
          %parallel_loop3A_1166 = arith.index_cast %parallel_loop3A_1165 : i32 to index
          %parallel_loop3A_1167 = arith.index_cast %parallel_loop3A_368 : i32 to index
          %parallel_loop3A_1168 = arith.constant 144 : index
          %parallel_loop3A_1169 = tpu.vector_load %arg8[%parallel_loop3A_1166, %parallel_loop3A_1167, %parallel_loop3A_1168] {strides = array<i32>} : memref<2x16x192xf32, #tpu.memory_space<vmem>>, vector<16xf32>,
          %parallel_loop3A_1170 = arith.subf %parallel_loop3A_376, %parallel_loop3A_1164 : vector<16xf32>
          %parallel_loop3A_1171 = arith.subf %convert_element_type3A, %parallel_loop3A_1169 : vector<16xf32>
          %parallel_loop3A_1172 = arith.constant 1.440000e+02 : f32
          %parallel_loop3A_1173 = vector.broadcast %parallel_loop3A_1172 : f32 to vector<16xf32>
          %parallel_loop3A_1174 = arith.addf %parallel_loop3A_1171, %parallel_loop3A_1173 : vector<16xf32>
          %parallel_loop3A_1175 = arith.constant 0.000000e+00 : f32
          %parallel_loop3A_1176 = vector.broadcast %parallel_loop3A_1175 : f32 to vector<16xf32>
          %parallel_loop3A_1177 = arith.maximumf %parallel_loop3A_1170, %parallel_loop3A_1176 : vector<16xf32>
          %parallel_loop3A_1178 = arith.constant 1.580000e+02 : f32
          %parallel_loop3A_1179 = vector.broadcast %parallel_loop3A_1178 : f32 to vector<16xf32>
          %parallel_loop3A_1180 = arith.minimumf %parallel_loop3A_1177, %parallel_loop3A_1179 : vector<16xf32>
          %parallel_loop3A_1181 = arith.constant 0.000000e+00 : f32
          %parallel_loop3A_1182 = vector.broadcast %parallel_loop3A_1181 : f32 to vector<16xf32>
          %parallel_loop3A_1183 = arith.maximumf %parallel_loop3A_1174, %parallel_loop3A_1182 : vector<16xf32>
          %parallel_loop3A_1184 = arith.constant 1.900000e+02 : f32
          %parallel_loop3A_1185 = vector.broadcast %parallel_loop3A_1184 : f32 to vector<16xf32>
          %parallel_loop3A_1186 = arith.minimumf %parallel_loop3A_1183, %parallel_loop3A_1185 : vector<16xf32>
          %parallel_loop3A_1187 = arith.fptosi %parallel_loop3A_1180 : vector<16xf32> to vector<16xi32>
          %parallel_loop3A_1188 = arith.fptosi %parallel_loop3A_1186 : vector<16xf32> to vector<16xi32>
          %parallel_loop3A_1189 = arith.sitofp %parallel_loop3A_1187 : vector<16xi32> to vector<16xf32>
          %parallel_loop3A_1190 = arith.subf %parallel_loop3A_1170, %parallel_loop3A_1189 : vector<16xf32>
          %parallel_loop3A_1191 = arith.constant 0.000000e+00 : f32
          %parallel_loop3A_1192 = vector.broadcast %parallel_loop3A_1191 : f32 to vector<16xf32>
          %parallel_loop3A_1193 = arith.maximumf %parallel_loop3A_1190, %parallel_loop3A_1192 : vector<16xf32>
          %parallel_loop3A_1194 = arith.constant 1.000000e+00 : f32
          %parallel_loop3A_1195 = vector.broadcast %parallel_loop3A_1194 : f32 to vector<16xf32>
          %parallel_loop3A_1196 = arith.minimumf %parallel_loop3A_1193, %parallel_loop3A_1195 : vector<16xf32>
          %parallel_loop3A_1197 = arith.sitofp %parallel_loop3A_1188 : vector<16xi32> to vector<16xf32>
          %parallel_loop3A_1198 = arith.subf %parallel_loop3A_1174, %parallel_loop3A_1197 : vector<16xf32>
          %parallel_loop3A_1199 = arith.constant 0.000000e+00 : f32
          %parallel_loop3A_1200 = vector.broadcast %parallel_loop3A_1199 : f32 to vector<16xf32>
          %parallel_loop3A_1201 = arith.maximumf %parallel_loop3A_1198, %parallel_loop3A_1200 : vector<16xf32>
          %parallel_loop3A_1202 = arith.constant 1.000000e+00 : f32
          %parallel_loop3A_1203 = vector.broadcast %parallel_loop3A_1202 : f32 to vector<16xf32>
          %parallel_loop3A_1204 = arith.minimumf %parallel_loop3A_1201, %parallel_loop3A_1203 : vector<16xf32>
          %parallel_loop3A_1205 = arith.constant 1 : i32
          %parallel_loop3A_1206 = vector.broadcast %parallel_loop3A_1205 : i32 to vector<16xi32>
          %parallel_loop3A_1207 = arith.addi %parallel_loop3A_1188, %parallel_loop3A_1206 : vector<16xi32>
          %parallel_loop3A_1208 = arith.constant 1 : i32
          %parallel_loop3A_1209 = vector.broadcast %parallel_loop3A_1208 : i32 to vector<16xi32>
          %parallel_loop3A_1210 = arith.addi %parallel_loop3A_1187, %parallel_loop3A_1209 : vector<16xi32>
          %parallel_loop3A_1211 = tpu.vector_load_idx %arg5[%parallel_loop3A_1187, %parallel_loop3A_1188] : memref<160x192xf32, #tpu.memory_space<vmem>>[vector<16xi32>, vector<16xi32>], vector<16xf32>,
          %parallel_loop3A_1212 = tpu.vector_load_idx %arg6[%parallel_loop3A_1187, %parallel_loop3A_1188] : memref<160x192xf32, #tpu.memory_space<vmem>>[vector<16xi32>, vector<16xi32>], vector<16xf32>,
          %parallel_loop3A_1213 = tpu.vector_load_idx %arg5[%parallel_loop3A_1187, %parallel_loop3A_1207] : memref<160x192xf32, #tpu.memory_space<vmem>>[vector<16xi32>, vector<16xi32>], vector<16xf32>,
          %parallel_loop3A_1214 = tpu.vector_load_idx %arg6[%parallel_loop3A_1187, %parallel_loop3A_1207] : memref<160x192xf32, #tpu.memory_space<vmem>>[vector<16xi32>, vector<16xi32>], vector<16xf32>,
          %parallel_loop3A_1215 = tpu.vector_load_idx %arg5[%parallel_loop3A_1210, %parallel_loop3A_1188] : memref<160x192xf32, #tpu.memory_space<vmem>>[vector<16xi32>, vector<16xi32>], vector<16xf32>,
          %parallel_loop3A_1216 = tpu.vector_load_idx %arg6[%parallel_loop3A_1210, %parallel_loop3A_1188] : memref<160x192xf32, #tpu.memory_space<vmem>>[vector<16xi32>, vector<16xi32>], vector<16xf32>,
          %parallel_loop3A_1217 = tpu.vector_load_idx %arg5[%parallel_loop3A_1210, %parallel_loop3A_1207] : memref<160x192xf32, #tpu.memory_space<vmem>>[vector<16xi32>, vector<16xi32>], vector<16xf32>,
          %parallel_loop3A_1218 = tpu.vector_load_idx %arg6[%parallel_loop3A_1210, %parallel_loop3A_1207] : memref<160x192xf32, #tpu.memory_space<vmem>>[vector<16xi32>, vector<16xi32>], vector<16xf32>,
          %parallel_loop3A_1219 = arith.subf %parallel_loop3A_1213, %parallel_loop3A_1211 : vector<16xf32>
          %parallel_loop3A_1220 = arith.mulf %parallel_loop3A_1204, %parallel_loop3A_1219 : vector<16xf32>
          %parallel_loop3A_1221 = arith.addf %parallel_loop3A_1211, %parallel_loop3A_1220 : vector<16xf32>
          %parallel_loop3A_1222 = arith.subf %parallel_loop3A_1214, %parallel_loop3A_1212 : vector<16xf32>
          %parallel_loop3A_1223 = arith.mulf %parallel_loop3A_1204, %parallel_loop3A_1222 : vector<16xf32>
          %parallel_loop3A_1224 = arith.addf %parallel_loop3A_1212, %parallel_loop3A_1223 : vector<16xf32>
          %parallel_loop3A_1225 = arith.subf %parallel_loop3A_1217, %parallel_loop3A_1215 : vector<16xf32>
          %parallel_loop3A_1226 = arith.mulf %parallel_loop3A_1204, %parallel_loop3A_1225 : vector<16xf32>
          %parallel_loop3A_1227 = arith.addf %parallel_loop3A_1215, %parallel_loop3A_1226 : vector<16xf32>
          %parallel_loop3A_1228 = arith.subf %parallel_loop3A_1218, %parallel_loop3A_1216 : vector<16xf32>
          %parallel_loop3A_1229 = arith.mulf %parallel_loop3A_1204, %parallel_loop3A_1228 : vector<16xf32>
          %parallel_loop3A_1230 = arith.addf %parallel_loop3A_1216, %parallel_loop3A_1229 : vector<16xf32>
          %parallel_loop3A_1231 = arith.subf %parallel_loop3A_1227, %parallel_loop3A_1221 : vector<16xf32>
          %parallel_loop3A_1232 = arith.mulf %parallel_loop3A_1196, %parallel_loop3A_1231 : vector<16xf32>
          %parallel_loop3A_1233 = arith.addf %parallel_loop3A_1221, %parallel_loop3A_1232 : vector<16xf32>
          %parallel_loop3A_1234 = arith.constant 0 : i32
          %parallel_loop3A_1235 = arith.index_cast %parallel_loop3A_1234 : i32 to index
          %parallel_loop3A_1236 = arith.index_cast %parallel_loop3A_368 : i32 to index
          %parallel_loop3A_1237 = arith.constant 144 : index
          %parallel_loop3A_1238 = tpu.vector_load %arg9[%parallel_loop3A_1235, %parallel_loop3A_1236, %parallel_loop3A_1237] {strides = array<i32>} : memref<2x16x192xf32, #tpu.memory_space<vmem>>, vector<16xf32>,
          tpu.vector_store %arg9[%parallel_loop3A_1235, %parallel_loop3A_1236, %parallel_loop3A_1237], %parallel_loop3A_1233 {strides = array<i32>} : memref<2x16x192xf32, #tpu.memory_space<vmem>>, vector<16xf32>,
          %parallel_loop3A_1239 = arith.subf %parallel_loop3A_1230, %parallel_loop3A_1224 : vector<16xf32>
          %parallel_loop3A_1240 = arith.mulf %parallel_loop3A_1196, %parallel_loop3A_1239 : vector<16xf32>
          %parallel_loop3A_1241 = arith.addf %parallel_loop3A_1224, %parallel_loop3A_1240 : vector<16xf32>
          %parallel_loop3A_1242 = arith.constant 0 : i32
          %parallel_loop3A_1243 = arith.index_cast %parallel_loop3A_1242 : i32 to index
          %parallel_loop3A_1244 = arith.index_cast %parallel_loop3A_368 : i32 to index
          %parallel_loop3A_1245 = arith.constant 144 : index
          %parallel_loop3A_1246 = tpu.vector_load %arg10[%parallel_loop3A_1243, %parallel_loop3A_1244, %parallel_loop3A_1245] {strides = array<i32>} : memref<2x16x192xf32, #tpu.memory_space<vmem>>, vector<16xf32>,
          tpu.vector_store %arg10[%parallel_loop3A_1243, %parallel_loop3A_1244, %parallel_loop3A_1245], %parallel_loop3A_1241 {strides = array<i32>} : memref<2x16x192xf32, #tpu.memory_space<vmem>>, vector<16xf32>,
          %parallel_loop3A_1247 = arith.constant 0 : i32
          %parallel_loop3A_1248 = arith.index_cast %parallel_loop3A_1247 : i32 to index
          %parallel_loop3A_1249 = arith.index_cast %parallel_loop3A_368 : i32 to index
          %parallel_loop3A_1250 = arith.constant 160 : index
          %parallel_loop3A_1251 = tpu.vector_load %arg7[%parallel_loop3A_1248, %parallel_loop3A_1249, %parallel_loop3A_1250] {strides = array<i32>} : memref<2x16x192xf32, #tpu.memory_space<vmem>>, vector<16xf32>,
          %parallel_loop3A_1252 = arith.constant 0 : i32
          %parallel_loop3A_1253 = arith.index_cast %parallel_loop3A_1252 : i32 to index
          %parallel_loop3A_1254 = arith.index_cast %parallel_loop3A_368 : i32 to index
          %parallel_loop3A_1255 = arith.constant 160 : index
          %parallel_loop3A_1256 = tpu.vector_load %arg8[%parallel_loop3A_1253, %parallel_loop3A_1254, %parallel_loop3A_1255] {strides = array<i32>} : memref<2x16x192xf32, #tpu.memory_space<vmem>>, vector<16xf32>,
          %parallel_loop3A_1257 = arith.subf %parallel_loop3A_376, %parallel_loop3A_1251 : vector<16xf32>
          %parallel_loop3A_1258 = arith.subf %convert_element_type3A, %parallel_loop3A_1256 : vector<16xf32>
          %parallel_loop3A_1259 = arith.constant 1.600000e+02 : f32
          %parallel_loop3A_1260 = vector.broadcast %parallel_loop3A_1259 : f32 to vector<16xf32>
          %parallel_loop3A_1261 = arith.addf %parallel_loop3A_1258, %parallel_loop3A_1260 : vector<16xf32>
          %parallel_loop3A_1262 = arith.constant 0.000000e+00 : f32
          %parallel_loop3A_1263 = vector.broadcast %parallel_loop3A_1262 : f32 to vector<16xf32>
          %parallel_loop3A_1264 = arith.maximumf %parallel_loop3A_1257, %parallel_loop3A_1263 : vector<16xf32>
          %parallel_loop3A_1265 = arith.constant 1.580000e+02 : f32
          %parallel_loop3A_1266 = vector.broadcast %parallel_loop3A_1265 : f32 to vector<16xf32>
          %parallel_loop3A_1267 = arith.minimumf %parallel_loop3A_1264, %parallel_loop3A_1266 : vector<16xf32>
          %parallel_loop3A_1268 = arith.constant 0.000000e+00 : f32
          %parallel_loop3A_1269 = vector.broadcast %parallel_loop3A_1268 : f32 to vector<16xf32>
          %parallel_loop3A_1270 = arith.maximumf %parallel_loop3A_1261, %parallel_loop3A_1269 : vector<16xf32>
          %parallel_loop3A_1271 = arith.constant 1.900000e+02 : f32
          %parallel_loop3A_1272 = vector.broadcast %parallel_loop3A_1271 : f32 to vector<16xf32>
          %parallel_loop3A_1273 = arith.minimumf %parallel_loop3A_1270, %parallel_loop3A_1272 : vector<16xf32>
          %parallel_loop3A_1274 = arith.fptosi %parallel_loop3A_1267 : vector<16xf32> to vector<16xi32>
          %parallel_loop3A_1275 = arith.fptosi %parallel_loop3A_1273 : vector<16xf32> to vector<16xi32>
          %parallel_loop3A_1276 = arith.sitofp %parallel_loop3A_1274 : vector<16xi32> to vector<16xf32>
          %parallel_loop3A_1277 = arith.subf %parallel_loop3A_1257, %parallel_loop3A_1276 : vector<16xf32>
          %parallel_loop3A_1278 = arith.constant 0.000000e+00 : f32
          %parallel_loop3A_1279 = vector.broadcast %parallel_loop3A_1278 : f32 to vector<16xf32>
          %parallel_loop3A_1280 = arith.maximumf %parallel_loop3A_1277, %parallel_loop3A_1279 : vector<16xf32>
          %parallel_loop3A_1281 = arith.constant 1.000000e+00 : f32
          %parallel_loop3A_1282 = vector.broadcast %parallel_loop3A_1281 : f32 to vector<16xf32>
          %parallel_loop3A_1283 = arith.minimumf %parallel_loop3A_1280, %parallel_loop3A_1282 : vector<16xf32>
          %parallel_loop3A_1284 = arith.sitofp %parallel_loop3A_1275 : vector<16xi32> to vector<16xf32>
          %parallel_loop3A_1285 = arith.subf %parallel_loop3A_1261, %parallel_loop3A_1284 : vector<16xf32>
          %parallel_loop3A_1286 = arith.constant 0.000000e+00 : f32
          %parallel_loop3A_1287 = vector.broadcast %parallel_loop3A_1286 : f32 to vector<16xf32>
          %parallel_loop3A_1288 = arith.maximumf %parallel_loop3A_1285, %parallel_loop3A_1287 : vector<16xf32>
          %parallel_loop3A_1289 = arith.constant 1.000000e+00 : f32
          %parallel_loop3A_1290 = vector.broadcast %parallel_loop3A_1289 : f32 to vector<16xf32>
          %parallel_loop3A_1291 = arith.minimumf %parallel_loop3A_1288, %parallel_loop3A_1290 : vector<16xf32>
          %parallel_loop3A_1292 = arith.constant 1 : i32
          %parallel_loop3A_1293 = vector.broadcast %parallel_loop3A_1292 : i32 to vector<16xi32>
          %parallel_loop3A_1294 = arith.addi %parallel_loop3A_1275, %parallel_loop3A_1293 : vector<16xi32>
          %parallel_loop3A_1295 = arith.constant 1 : i32
          %parallel_loop3A_1296 = vector.broadcast %parallel_loop3A_1295 : i32 to vector<16xi32>
          %parallel_loop3A_1297 = arith.addi %parallel_loop3A_1274, %parallel_loop3A_1296 : vector<16xi32>
          %parallel_loop3A_1298 = tpu.vector_load_idx %arg5[%parallel_loop3A_1274, %parallel_loop3A_1275] : memref<160x192xf32, #tpu.memory_space<vmem>>[vector<16xi32>, vector<16xi32>], vector<16xf32>,
          %parallel_loop3A_1299 = tpu.vector_load_idx %arg6[%parallel_loop3A_1274, %parallel_loop3A_1275] : memref<160x192xf32, #tpu.memory_space<vmem>>[vector<16xi32>, vector<16xi32>], vector<16xf32>,
          %parallel_loop3A_1300 = tpu.vector_load_idx %arg5[%parallel_loop3A_1274, %parallel_loop3A_1294] : memref<160x192xf32, #tpu.memory_space<vmem>>[vector<16xi32>, vector<16xi32>], vector<16xf32>,
          %parallel_loop3A_1301 = tpu.vector_load_idx %arg6[%parallel_loop3A_1274, %parallel_loop3A_1294] : memref<160x192xf32, #tpu.memory_space<vmem>>[vector<16xi32>, vector<16xi32>], vector<16xf32>,
          %parallel_loop3A_1302 = tpu.vector_load_idx %arg5[%parallel_loop3A_1297, %parallel_loop3A_1275] : memref<160x192xf32, #tpu.memory_space<vmem>>[vector<16xi32>, vector<16xi32>], vector<16xf32>,
          %parallel_loop3A_1303 = tpu.vector_load_idx %arg6[%parallel_loop3A_1297, %parallel_loop3A_1275] : memref<160x192xf32, #tpu.memory_space<vmem>>[vector<16xi32>, vector<16xi32>], vector<16xf32>,
          %parallel_loop3A_1304 = tpu.vector_load_idx %arg5[%parallel_loop3A_1297, %parallel_loop3A_1294] : memref<160x192xf32, #tpu.memory_space<vmem>>[vector<16xi32>, vector<16xi32>], vector<16xf32>,
          %parallel_loop3A_1305 = tpu.vector_load_idx %arg6[%parallel_loop3A_1297, %parallel_loop3A_1294] : memref<160x192xf32, #tpu.memory_space<vmem>>[vector<16xi32>, vector<16xi32>], vector<16xf32>,
          %parallel_loop3A_1306 = arith.subf %parallel_loop3A_1300, %parallel_loop3A_1298 : vector<16xf32>
          %parallel_loop3A_1307 = arith.mulf %parallel_loop3A_1291, %parallel_loop3A_1306 : vector<16xf32>
          %parallel_loop3A_1308 = arith.addf %parallel_loop3A_1298, %parallel_loop3A_1307 : vector<16xf32>
          %parallel_loop3A_1309 = arith.subf %parallel_loop3A_1301, %parallel_loop3A_1299 : vector<16xf32>
          %parallel_loop3A_1310 = arith.mulf %parallel_loop3A_1291, %parallel_loop3A_1309 : vector<16xf32>
          %parallel_loop3A_1311 = arith.addf %parallel_loop3A_1299, %parallel_loop3A_1310 : vector<16xf32>
          %parallel_loop3A_1312 = arith.subf %parallel_loop3A_1304, %parallel_loop3A_1302 : vector<16xf32>
          %parallel_loop3A_1313 = arith.mulf %parallel_loop3A_1291, %parallel_loop3A_1312 : vector<16xf32>
          %parallel_loop3A_1314 = arith.addf %parallel_loop3A_1302, %parallel_loop3A_1313 : vector<16xf32>
          %parallel_loop3A_1315 = arith.subf %parallel_loop3A_1305, %parallel_loop3A_1303 : vector<16xf32>
          %parallel_loop3A_1316 = arith.mulf %parallel_loop3A_1291, %parallel_loop3A_1315 : vector<16xf32>
          %parallel_loop3A_1317 = arith.addf %parallel_loop3A_1303, %parallel_loop3A_1316 : vector<16xf32>
          %parallel_loop3A_1318 = arith.subf %parallel_loop3A_1314, %parallel_loop3A_1308 : vector<16xf32>
          %parallel_loop3A_1319 = arith.mulf %parallel_loop3A_1283, %parallel_loop3A_1318 : vector<16xf32>
          %parallel_loop3A_1320 = arith.addf %parallel_loop3A_1308, %parallel_loop3A_1319 : vector<16xf32>
          %parallel_loop3A_1321 = arith.constant 0 : i32
          %parallel_loop3A_1322 = arith.index_cast %parallel_loop3A_1321 : i32 to index
          %parallel_loop3A_1323 = arith.index_cast %parallel_loop3A_368 : i32 to index
          %parallel_loop3A_1324 = arith.constant 160 : index
          %parallel_loop3A_1325 = tpu.vector_load %arg9[%parallel_loop3A_1322, %parallel_loop3A_1323, %parallel_loop3A_1324] {strides = array<i32>} : memref<2x16x192xf32, #tpu.memory_space<vmem>>, vector<16xf32>,
          tpu.vector_store %arg9[%parallel_loop3A_1322, %parallel_loop3A_1323, %parallel_loop3A_1324], %parallel_loop3A_1320 {strides = array<i32>} : memref<2x16x192xf32, #tpu.memory_space<vmem>>, vector<16xf32>,
          %parallel_loop3A_1326 = arith.subf %parallel_loop3A_1317, %parallel_loop3A_1311 : vector<16xf32>
          %parallel_loop3A_1327 = arith.mulf %parallel_loop3A_1283, %parallel_loop3A_1326 : vector<16xf32>
          %parallel_loop3A_1328 = arith.addf %parallel_loop3A_1311, %parallel_loop3A_1327 : vector<16xf32>
          %parallel_loop3A_1329 = arith.constant 0 : i32
          %parallel_loop3A_1330 = arith.index_cast %parallel_loop3A_1329 : i32 to index
          %parallel_loop3A_1331 = arith.index_cast %parallel_loop3A_368 : i32 to index
          %parallel_loop3A_1332 = arith.constant 160 : index
          %parallel_loop3A_1333 = tpu.vector_load %arg10[%parallel_loop3A_1330, %parallel_loop3A_1331, %parallel_loop3A_1332] {strides = array<i32>} : memref<2x16x192xf32, #tpu.memory_space<vmem>>, vector<16xf32>,
          tpu.vector_store %arg10[%parallel_loop3A_1330, %parallel_loop3A_1331, %parallel_loop3A_1332], %parallel_loop3A_1328 {strides = array<i32>} : memref<2x16x192xf32, #tpu.memory_space<vmem>>, vector<16xf32>,
          %parallel_loop3A_1334 = arith.constant 0 : i32
          %parallel_loop3A_1335 = arith.index_cast %parallel_loop3A_1334 : i32 to index
          %parallel_loop3A_1336 = arith.index_cast %parallel_loop3A_368 : i32 to index
          %parallel_loop3A_1337 = arith.constant 176 : index
          %parallel_loop3A_1338 = tpu.vector_load %arg7[%parallel_loop3A_1335, %parallel_loop3A_1336, %parallel_loop3A_1337] {strides = array<i32>} : memref<2x16x192xf32, #tpu.memory_space<vmem>>, vector<16xf32>,
          %parallel_loop3A_1339 = arith.constant 0 : i32
          %parallel_loop3A_1340 = arith.index_cast %parallel_loop3A_1339 : i32 to index
          %parallel_loop3A_1341 = arith.index_cast %parallel_loop3A_368 : i32 to index
          %parallel_loop3A_1342 = arith.constant 176 : index
          %parallel_loop3A_1343 = tpu.vector_load %arg8[%parallel_loop3A_1340, %parallel_loop3A_1341, %parallel_loop3A_1342] {strides = array<i32>} : memref<2x16x192xf32, #tpu.memory_space<vmem>>, vector<16xf32>,
          %parallel_loop3A_1344 = arith.subf %parallel_loop3A_376, %parallel_loop3A_1338 : vector<16xf32>
          %parallel_loop3A_1345 = arith.subf %convert_element_type3A, %parallel_loop3A_1343 : vector<16xf32>
          %parallel_loop3A_1346 = arith.constant 1.760000e+02 : f32
          %parallel_loop3A_1347 = vector.broadcast %parallel_loop3A_1346 : f32 to vector<16xf32>
          %parallel_loop3A_1348 = arith.addf %parallel_loop3A_1345, %parallel_loop3A_1347 : vector<16xf32>
          %parallel_loop3A_1349 = arith.constant 0.000000e+00 : f32
          %parallel_loop3A_1350 = vector.broadcast %parallel_loop3A_1349 : f32 to vector<16xf32>
          %parallel_loop3A_1351 = arith.maximumf %parallel_loop3A_1344, %parallel_loop3A_1350 : vector<16xf32>
          %parallel_loop3A_1352 = arith.constant 1.580000e+02 : f32
          %parallel_loop3A_1353 = vector.broadcast %parallel_loop3A_1352 : f32 to vector<16xf32>
          %parallel_loop3A_1354 = arith.minimumf %parallel_loop3A_1351, %parallel_loop3A_1353 : vector<16xf32>
          %parallel_loop3A_1355 = arith.constant 0.000000e+00 : f32
          %parallel_loop3A_1356 = vector.broadcast %parallel_loop3A_1355 : f32 to vector<16xf32>
          %parallel_loop3A_1357 = arith.maximumf %parallel_loop3A_1348, %parallel_loop3A_1356 : vector<16xf32>
          %parallel_loop3A_1358 = arith.constant 1.900000e+02 : f32
          %parallel_loop3A_1359 = vector.broadcast %parallel_loop3A_1358 : f32 to vector<16xf32>
          %parallel_loop3A_1360 = arith.minimumf %parallel_loop3A_1357, %parallel_loop3A_1359 : vector<16xf32>
          %parallel_loop3A_1361 = arith.fptosi %parallel_loop3A_1354 : vector<16xf32> to vector<16xi32>
          %parallel_loop3A_1362 = arith.fptosi %parallel_loop3A_1360 : vector<16xf32> to vector<16xi32>
          %parallel_loop3A_1363 = arith.sitofp %parallel_loop3A_1361 : vector<16xi32> to vector<16xf32>
          %parallel_loop3A_1364 = arith.subf %parallel_loop3A_1344, %parallel_loop3A_1363 : vector<16xf32>
          %parallel_loop3A_1365 = arith.constant 0.000000e+00 : f32
          %parallel_loop3A_1366 = vector.broadcast %parallel_loop3A_1365 : f32 to vector<16xf32>
          %parallel_loop3A_1367 = arith.maximumf %parallel_loop3A_1364, %parallel_loop3A_1366 : vector<16xf32>
          %parallel_loop3A_1368 = arith.constant 1.000000e+00 : f32
          %parallel_loop3A_1369 = vector.broadcast %parallel_loop3A_1368 : f32 to vector<16xf32>
          %parallel_loop3A_1370 = arith.minimumf %parallel_loop3A_1367, %parallel_loop3A_1369 : vector<16xf32>
          %parallel_loop3A_1371 = arith.sitofp %parallel_loop3A_1362 : vector<16xi32> to vector<16xf32>
          %parallel_loop3A_1372 = arith.subf %parallel_loop3A_1348, %parallel_loop3A_1371 : vector<16xf32>
          %parallel_loop3A_1373 = arith.constant 0.000000e+00 : f32
          %parallel_loop3A_1374 = vector.broadcast %parallel_loop3A_1373 : f32 to vector<16xf32>
          %parallel_loop3A_1375 = arith.maximumf %parallel_loop3A_1372, %parallel_loop3A_1374 : vector<16xf32>
          %parallel_loop3A_1376 = arith.constant 1.000000e+00 : f32
          %parallel_loop3A_1377 = vector.broadcast %parallel_loop3A_1376 : f32 to vector<16xf32>
          %parallel_loop3A_1378 = arith.minimumf %parallel_loop3A_1375, %parallel_loop3A_1377 : vector<16xf32>
          %parallel_loop3A_1379 = arith.constant 1 : i32
          %parallel_loop3A_1380 = vector.broadcast %parallel_loop3A_1379 : i32 to vector<16xi32>
          %parallel_loop3A_1381 = arith.addi %parallel_loop3A_1362, %parallel_loop3A_1380 : vector<16xi32>
          %parallel_loop3A_1382 = arith.constant 1 : i32
          %parallel_loop3A_1383 = vector.broadcast %parallel_loop3A_1382 : i32 to vector<16xi32>
          %parallel_loop3A_1384 = arith.addi %parallel_loop3A_1361, %parallel_loop3A_1383 : vector<16xi32>
          %parallel_loop3A_1385 = tpu.vector_load_idx %arg5[%parallel_loop3A_1361, %parallel_loop3A_1362] : memref<160x192xf32, #tpu.memory_space<vmem>>[vector<16xi32>, vector<16xi32>], vector<16xf32>,
          %parallel_loop3A_1386 = tpu.vector_load_idx %arg6[%parallel_loop3A_1361, %parallel_loop3A_1362] : memref<160x192xf32, #tpu.memory_space<vmem>>[vector<16xi32>, vector<16xi32>], vector<16xf32>,
          %parallel_loop3A_1387 = tpu.vector_load_idx %arg5[%parallel_loop3A_1361, %parallel_loop3A_1381] : memref<160x192xf32, #tpu.memory_space<vmem>>[vector<16xi32>, vector<16xi32>], vector<16xf32>,
          %parallel_loop3A_1388 = tpu.vector_load_idx %arg6[%parallel_loop3A_1361, %parallel_loop3A_1381] : memref<160x192xf32, #tpu.memory_space<vmem>>[vector<16xi32>, vector<16xi32>], vector<16xf32>,
          %parallel_loop3A_1389 = tpu.vector_load_idx %arg5[%parallel_loop3A_1384, %parallel_loop3A_1362] : memref<160x192xf32, #tpu.memory_space<vmem>>[vector<16xi32>, vector<16xi32>], vector<16xf32>,
          %parallel_loop3A_1390 = tpu.vector_load_idx %arg6[%parallel_loop3A_1384, %parallel_loop3A_1362] : memref<160x192xf32, #tpu.memory_space<vmem>>[vector<16xi32>, vector<16xi32>], vector<16xf32>,
          %parallel_loop3A_1391 = tpu.vector_load_idx %arg5[%parallel_loop3A_1384, %parallel_loop3A_1381] : memref<160x192xf32, #tpu.memory_space<vmem>>[vector<16xi32>, vector<16xi32>], vector<16xf32>,
          %parallel_loop3A_1392 = tpu.vector_load_idx %arg6[%parallel_loop3A_1384, %parallel_loop3A_1381] : memref<160x192xf32, #tpu.memory_space<vmem>>[vector<16xi32>, vector<16xi32>], vector<16xf32>,
          %parallel_loop3A_1393 = arith.subf %parallel_loop3A_1387, %parallel_loop3A_1385 : vector<16xf32>
          %parallel_loop3A_1394 = arith.mulf %parallel_loop3A_1378, %parallel_loop3A_1393 : vector<16xf32>
          %parallel_loop3A_1395 = arith.addf %parallel_loop3A_1385, %parallel_loop3A_1394 : vector<16xf32>
          %parallel_loop3A_1396 = arith.subf %parallel_loop3A_1388, %parallel_loop3A_1386 : vector<16xf32>
          %parallel_loop3A_1397 = arith.mulf %parallel_loop3A_1378, %parallel_loop3A_1396 : vector<16xf32>
          %parallel_loop3A_1398 = arith.addf %parallel_loop3A_1386, %parallel_loop3A_1397 : vector<16xf32>
          %parallel_loop3A_1399 = arith.subf %parallel_loop3A_1391, %parallel_loop3A_1389 : vector<16xf32>
          %parallel_loop3A_1400 = arith.mulf %parallel_loop3A_1378, %parallel_loop3A_1399 : vector<16xf32>
          %parallel_loop3A_1401 = arith.addf %parallel_loop3A_1389, %parallel_loop3A_1400 : vector<16xf32>
          %parallel_loop3A_1402 = arith.subf %parallel_loop3A_1392, %parallel_loop3A_1390 : vector<16xf32>
          %parallel_loop3A_1403 = arith.mulf %parallel_loop3A_1378, %parallel_loop3A_1402 : vector<16xf32>
          %parallel_loop3A_1404 = arith.addf %parallel_loop3A_1390, %parallel_loop3A_1403 : vector<16xf32>
          %parallel_loop3A_1405 = arith.subf %parallel_loop3A_1401, %parallel_loop3A_1395 : vector<16xf32>
          %parallel_loop3A_1406 = arith.mulf %parallel_loop3A_1370, %parallel_loop3A_1405 : vector<16xf32>
          %parallel_loop3A_1407 = arith.addf %parallel_loop3A_1395, %parallel_loop3A_1406 : vector<16xf32>
          %parallel_loop3A_1408 = arith.constant 0 : i32
          %parallel_loop3A_1409 = arith.index_cast %parallel_loop3A_1408 : i32 to index
          %parallel_loop3A_1410 = arith.index_cast %parallel_loop3A_368 : i32 to index
          %parallel_loop3A_1411 = arith.constant 176 : index
          %parallel_loop3A_1412 = tpu.vector_load %arg9[%parallel_loop3A_1409, %parallel_loop3A_1410, %parallel_loop3A_1411] {strides = array<i32>} : memref<2x16x192xf32, #tpu.memory_space<vmem>>, vector<16xf32>,
          tpu.vector_store %arg9[%parallel_loop3A_1409, %parallel_loop3A_1410, %parallel_loop3A_1411], %parallel_loop3A_1407 {strides = array<i32>} : memref<2x16x192xf32, #tpu.memory_space<vmem>>, vector<16xf32>,
          %parallel_loop3A_1413 = arith.subf %parallel_loop3A_1404, %parallel_loop3A_1398 : vector<16xf32>
          %parallel_loop3A_1414 = arith.mulf %parallel_loop3A_1370, %parallel_loop3A_1413 : vector<16xf32>
          %parallel_loop3A_1415 = arith.addf %parallel_loop3A_1398, %parallel_loop3A_1414 : vector<16xf32>
          %parallel_loop3A_1416 = arith.constant 0 : i32
          %parallel_loop3A_1417 = arith.index_cast %parallel_loop3A_1416 : i32 to index
          %parallel_loop3A_1418 = arith.index_cast %parallel_loop3A_368 : i32 to index
          %parallel_loop3A_1419 = arith.constant 176 : index
          %parallel_loop3A_1420 = tpu.vector_load %arg10[%parallel_loop3A_1417, %parallel_loop3A_1418, %parallel_loop3A_1419] {strides = array<i32>} : memref<2x16x192xf32, #tpu.memory_space<vmem>>, vector<16xf32>,
          tpu.vector_store %arg10[%parallel_loop3A_1417, %parallel_loop3A_1418, %parallel_loop3A_1419], %parallel_loop3A_1415 {strides = array<i32>} : memref<2x16x192xf32, #tpu.memory_space<vmem>>, vector<16xf32>,
        } {sc.loop_unroll_factor = 2 : i64, sc.parallel_access}
        %mul3A_246 = arith.constant 16 : i32
        %mul3A_247 = arith.muli %add3A_166, %mul3A_246 : i32
        %mul3A_248 = arith.constant 16 : i32
        %mul3A_249 = arith.muli %add3A_166, %mul3A_248 : i32
        %dma_start3A_250 = arith.constant 0 : i32
        %dma_start3A_251 = arith.constant 0 : i32
        %dma_start3A_252 = arith.constant 0 : i32
        %dma_start3A_253 = arith.constant 0 : i32
        %dma_start3A_254 = tpu.memref_slice %arg9[%dma_start3A_250, %dma_start3A_252, %dma_start3A_253] : memref<2x16x192xf32, #tpu.memory_space<vmem>> -> memref<1x16x192xf32, #tpu.memory_space<vmem>>
        %dma_start3A_255 = tpu.memref_squeeze %dma_start3A_254 : memref<1x16x192xf32, #tpu.memory_space<vmem>> -> memref<16x192xf32, #tpu.memory_space<vmem>>
        %dma_start3A_256 = arith.constant 0 : i32
        %dma_start3A_257 = tpu.memref_slice %arg4[%add3A_12, %dma_start3A_251, %mul3A_247, %dma_start3A_256] : memref<192x2x160x192xf32, #tpu.memory_space<hbm>> -> memref<1x1x16x192xf32, #tpu.memory_space<hbm>>
        %dma_start3A_258 = tpu.memref_squeeze %dma_start3A_257 : memref<1x1x16x192xf32, #tpu.memory_space<hbm>> -> memref<16x192xf32, #tpu.memory_space<hbm>>
        %dma_start3A_259 = arith.constant 0 : i32
        %dma_start3A_260 = tpu.memref_slice %arg4[%add3A_12, %dma_start3A_251, %mul3A_247, %dma_start3A_259] : memref<192x2x160x192xf32, #tpu.memory_space<hbm>> -> memref<1x1x16x192xf32, #tpu.memory_space<hbm>>
        %dma_start3A_261 = tpu.memref_squeeze %dma_start3A_260 : memref<1x1x16x192xf32, #tpu.memory_space<hbm>> -> memref<16x192xf32, #tpu.memory_space<hbm>>
        %dma_start3A_262 = arith.constant 0 : i32
        %dma_start3A_263 = arith.constant 0 : i32
        %dma_start3A_264 = tpu.memref_slice %arg9[%dma_start3A_250, %dma_start3A_262, %dma_start3A_263] : memref<2x16x192xf32, #tpu.memory_space<vmem>> -> memref<1x16x192xf32, #tpu.memory_space<vmem>>
        %dma_start3A_265 = tpu.memref_squeeze %dma_start3A_264 : memref<1x16x192xf32, #tpu.memory_space<vmem>> -> memref<16x192xf32, #tpu.memory_space<vmem>>
        tpu.enqueue_dma source(%dma_start3A_265 : memref<16x192xf32, #tpu.memory_space<vmem>>) target(%dma_start3A_261 : memref<16x192xf32, #tpu.memory_space<hbm>>) target_semaphore(%arg14 : memref<!tpu.dma_semaphore, #tpu.memory_space<semaphore_mem>>)
        %dma_start3A_266 = arith.constant 0 : i32
        %dma_start3A_267 = arith.constant 1 : i32
        %dma_start3A_268 = arith.constant 0 : i32
        %dma_start3A_269 = arith.constant 0 : i32
        %dma_start3A_270 = tpu.memref_slice %arg10[%dma_start3A_266, %dma_start3A_268, %dma_start3A_269] : memref<2x16x192xf32, #tpu.memory_space<vmem>> -> memref<1x16x192xf32, #tpu.memory_space<vmem>>
        %dma_start3A_271 = tpu.memref_squeeze %dma_start3A_270 : memref<1x16x192xf32, #tpu.memory_space<vmem>> -> memref<16x192xf32, #tpu.memory_space<vmem>>
        %dma_start3A_272 = arith.constant 0 : i32
        %dma_start3A_273 = tpu.memref_slice %arg4[%add3A_12, %dma_start3A_267, %mul3A_249, %dma_start3A_272] : memref<192x2x160x192xf32, #tpu.memory_space<hbm>> -> memref<1x1x16x192xf32, #tpu.memory_space<hbm>>
        %dma_start3A_274 = tpu.memref_squeeze %dma_start3A_273 : memref<1x1x16x192xf32, #tpu.memory_space<hbm>> -> memref<16x192xf32, #tpu.memory_space<hbm>>
        %dma_start3A_275 = arith.constant 0 : i32
        %dma_start3A_276 = tpu.memref_slice %arg4[%add3A_12, %dma_start3A_267, %mul3A_249, %dma_start3A_275] : memref<192x2x160x192xf32, #tpu.memory_space<hbm>> -> memref<1x1x16x192xf32, #tpu.memory_space<hbm>>
        %dma_start3A_277 = tpu.memref_squeeze %dma_start3A_276 : memref<1x1x16x192xf32, #tpu.memory_space<hbm>> -> memref<16x192xf32, #tpu.memory_space<hbm>>
        %dma_start3A_278 = arith.constant 0 : i32
        %dma_start3A_279 = arith.constant 0 : i32
        %dma_start3A_280 = tpu.memref_slice %arg10[%dma_start3A_266, %dma_start3A_278, %dma_start3A_279] : memref<2x16x192xf32, #tpu.memory_space<vmem>> -> memref<1x16x192xf32, #tpu.memory_space<vmem>>
        %dma_start3A_281 = tpu.memref_squeeze %dma_start3A_280 : memref<1x16x192xf32, #tpu.memory_space<vmem>> -> memref<16x192xf32, #tpu.memory_space<vmem>>
        tpu.enqueue_dma source(%dma_start3A_281 : memref<16x192xf32, #tpu.memory_space<vmem>>) target(%dma_start3A_277 : memref<16x192xf32, #tpu.memory_space<hbm>>) target_semaphore(%arg14 : memref<!tpu.dma_semaphore, #tpu.memory_space<semaphore_mem>>)
        %add3A_282 = arith.constant 1 : i32
        %add3A_283 = arith.addi %add3A_164, %add3A_282 : i32
        %lt3A = arith.constant 8 : i32
        %lt3A_284 = arith.cmpi slt, %add3A_164, %lt3A : i32
        %convert_element_type3A_285 = arith.extui %lt3A_284 : i1 to i32
        %cond3A_286 = arith.constant 0 : i32
        %cond3A_287 = arith.cmpi ne, %convert_element_type3A_285, %cond3A_286 : i32
        scf.if %cond3A_287 {
          %add3A_368 = arith.constant 1 : i32
          %add3A_369 = arith.addi %add3A_283, %add3A_368 : i32
          %mul3A_370 = arith.constant 16 : i32
          %mul3A_371 = arith.muli %add3A_369, %mul3A_370 : i32
          %mul3A_372 = arith.constant 16 : i32
          %mul3A_373 = arith.muli %add3A_369, %mul3A_372 : i32
          %dma_start3A_374 = arith.constant 0 : i32
          %dma_start3A_375 = arith.constant 0 : i32
          %dma_start3A_376 = arith.constant 0 : i32
          %dma_start3A_377 = arith.constant 0 : i32
          %dma_start3A_378 = tpu.memref_slice %arg7[%dma_start3A_375, %dma_start3A_376, %dma_start3A_377] : memref<2x16x192xf32, #tpu.memory_space<vmem>> -> memref<1x16x192xf32, #tpu.memory_space<vmem>>
          %dma_start3A_379 = tpu.memref_squeeze %dma_start3A_378 : memref<1x16x192xf32, #tpu.memory_space<vmem>> -> memref<16x192xf32, #tpu.memory_space<vmem>>
          %dma_start3A_380 = arith.constant 0 : i32
          %dma_start3A_381 = tpu.memref_slice %arg3[%add3A_12, %dma_start3A_374, %mul3A_371, %dma_start3A_380] : memref<192x3x160x192xf32, #tpu.memory_space<hbm>> -> memref<1x1x16x192xf32, #tpu.memory_space<hbm>>
          %dma_start3A_382 = tpu.memref_squeeze %dma_start3A_381 : memref<1x1x16x192xf32, #tpu.memory_space<hbm>> -> memref<16x192xf32, #tpu.memory_space<hbm>>
          %dma_start3A_383 = arith.constant 0 : i32
          %dma_start3A_384 = arith.constant 0 : i32
          %dma_start3A_385 = tpu.memref_slice %arg7[%dma_start3A_375, %dma_start3A_383, %dma_start3A_384] : memref<2x16x192xf32, #tpu.memory_space<vmem>> -> memref<1x16x192xf32, #tpu.memory_space<vmem>>
          %dma_start3A_386 = tpu.memref_squeeze %dma_start3A_385 : memref<1x16x192xf32, #tpu.memory_space<vmem>> -> memref<16x192xf32, #tpu.memory_space<vmem>>
          %dma_start3A_387 = arith.constant 0 : i32
          %dma_start3A_388 = tpu.memref_slice %arg3[%add3A_12, %dma_start3A_374, %mul3A_371, %dma_start3A_387] : memref<192x3x160x192xf32, #tpu.memory_space<hbm>> -> memref<1x1x16x192xf32, #tpu.memory_space<hbm>>
          %dma_start3A_389 = tpu.memref_squeeze %dma_start3A_388 : memref<1x1x16x192xf32, #tpu.memory_space<hbm>> -> memref<16x192xf32, #tpu.memory_space<hbm>>
          tpu.enqueue_dma source(%dma_start3A_389 : memref<16x192xf32, #tpu.memory_space<hbm>>) target(%dma_start3A_386 : memref<16x192xf32, #tpu.memory_space<vmem>>) target_semaphore(%arg12 : memref<!tpu.dma_semaphore, #tpu.memory_space<semaphore_mem>>)
          %dma_start3A_390 = arith.constant 1 : i32
          %dma_start3A_391 = arith.constant 0 : i32
          %dma_start3A_392 = arith.constant 0 : i32
          %dma_start3A_393 = arith.constant 0 : i32
          %dma_start3A_394 = tpu.memref_slice %arg8[%dma_start3A_391, %dma_start3A_392, %dma_start3A_393] : memref<2x16x192xf32, #tpu.memory_space<vmem>> -> memref<1x16x192xf32, #tpu.memory_space<vmem>>
          %dma_start3A_395 = tpu.memref_squeeze %dma_start3A_394 : memref<1x16x192xf32, #tpu.memory_space<vmem>> -> memref<16x192xf32, #tpu.memory_space<vmem>>
          %dma_start3A_396 = arith.constant 0 : i32
          %dma_start3A_397 = tpu.memref_slice %arg3[%add3A_12, %dma_start3A_390, %mul3A_373, %dma_start3A_396] : memref<192x3x160x192xf32, #tpu.memory_space<hbm>> -> memref<1x1x16x192xf32, #tpu.memory_space<hbm>>
          %dma_start3A_398 = tpu.memref_squeeze %dma_start3A_397 : memref<1x1x16x192xf32, #tpu.memory_space<hbm>> -> memref<16x192xf32, #tpu.memory_space<hbm>>
          %dma_start3A_399 = arith.constant 0 : i32
          %dma_start3A_400 = arith.constant 0 : i32
          %dma_start3A_401 = tpu.memref_slice %arg8[%dma_start3A_391, %dma_start3A_399, %dma_start3A_400] : memref<2x16x192xf32, #tpu.memory_space<vmem>> -> memref<1x16x192xf32, #tpu.memory_space<vmem>>
          %dma_start3A_402 = tpu.memref_squeeze %dma_start3A_401 : memref<1x16x192xf32, #tpu.memory_space<vmem>> -> memref<16x192xf32, #tpu.memory_space<vmem>>
          %dma_start3A_403 = arith.constant 0 : i32
          %dma_start3A_404 = tpu.memref_slice %arg3[%add3A_12, %dma_start3A_390, %mul3A_373, %dma_start3A_403] : memref<192x3x160x192xf32, #tpu.memory_space<hbm>> -> memref<1x1x16x192xf32, #tpu.memory_space<hbm>>
          %dma_start3A_405 = tpu.memref_squeeze %dma_start3A_404 : memref<1x1x16x192xf32, #tpu.memory_space<hbm>> -> memref<16x192xf32, #tpu.memory_space<hbm>>
          tpu.enqueue_dma source(%dma_start3A_405 : memref<16x192xf32, #tpu.memory_space<hbm>>) target(%dma_start3A_402 : memref<16x192xf32, #tpu.memory_space<vmem>>) target_semaphore(%arg12 : memref<!tpu.dma_semaphore, #tpu.memory_space<semaphore_mem>>)
        } else {
        }
        %mul3A_288 = arith.constant 16 : i32
        %mul3A_289 = arith.muli %add3A_283, %mul3A_288 : i32
        %mul3A_290 = arith.constant 16 : i32
        %mul3A_291 = arith.muli %add3A_283, %mul3A_290 : i32
        %dma_wait3A_292 = arith.constant 0 : i32
        %dma_wait3A_293 = arith.constant 1 : i32
        %dma_wait3A_294 = arith.constant 0 : i32
        %dma_wait3A_295 = arith.constant 0 : i32
        %dma_wait3A_296 = tpu.memref_slice %arg7[%dma_wait3A_293, %dma_wait3A_294, %dma_wait3A_295] : memref<2x16x192xf32, #tpu.memory_space<vmem>> -> memref<1x16x192xf32, #tpu.memory_space<vmem>>
        %dma_wait3A_297 = tpu.memref_squeeze %dma_wait3A_296 : memref<1x16x192xf32, #tpu.memory_space<vmem>> -> memref<16x192xf32, #tpu.memory_space<vmem>>
        %dma_wait3A_298 = arith.constant 0 : i32
        %dma_wait3A_299 = tpu.memref_slice %arg3[%add3A_12, %dma_wait3A_292, %mul3A_289, %dma_wait3A_298] : memref<192x3x160x192xf32, #tpu.memory_space<hbm>> -> memref<1x1x16x192xf32, #tpu.memory_space<hbm>>
        %dma_wait3A_300 = tpu.memref_squeeze %dma_wait3A_299 : memref<1x1x16x192xf32, #tpu.memory_space<hbm>> -> memref<16x192xf32, #tpu.memory_space<hbm>>
        %dma_wait3A_301 = arith.constant 0 : i32
        %dma_wait3A_302 = arith.constant 0 : i32
        %dma_wait3A_303 = tpu.memref_slice %arg7[%dma_wait3A_293, %dma_wait3A_301, %dma_wait3A_302] : memref<2x16x192xf32, #tpu.memory_space<vmem>> -> memref<1x16x192xf32, #tpu.memory_space<vmem>>
        %dma_wait3A_304 = tpu.memref_squeeze %dma_wait3A_303 : memref<1x16x192xf32, #tpu.memory_space<vmem>> -> memref<16x192xf32, #tpu.memory_space<vmem>>
        %dma_wait3A_305 = arith.constant 0 : i32
        %dma_wait3A_306 = tpu.memref_slice %arg3[%add3A_12, %dma_wait3A_292, %mul3A_289, %dma_wait3A_305] : memref<192x3x160x192xf32, #tpu.memory_space<hbm>> -> memref<1x1x16x192xf32, #tpu.memory_space<hbm>>
        %dma_wait3A_307 = tpu.memref_squeeze %dma_wait3A_306 : memref<1x1x16x192xf32, #tpu.memory_space<hbm>> -> memref<16x192xf32, #tpu.memory_space<hbm>>
        tpu.wait_dma2 semaphore(%arg13 : memref<!tpu.dma_semaphore, #tpu.memory_space<semaphore_mem>>) src(%dma_wait3A_307 : memref<16x192xf32, #tpu.memory_space<hbm>>) dst(%dma_wait3A_304 : memref<16x192xf32, #tpu.memory_space<vmem>>)
        %dma_wait3A_308 = arith.constant 1 : i32
        %dma_wait3A_309 = arith.constant 1 : i32
        %dma_wait3A_310 = arith.constant 0 : i32
        %dma_wait3A_311 = arith.constant 0 : i32
        %dma_wait3A_312 = tpu.memref_slice %arg8[%dma_wait3A_309, %dma_wait3A_310, %dma_wait3A_311] : memref<2x16x192xf32, #tpu.memory_space<vmem>> -> memref<1x16x192xf32, #tpu.memory_space<vmem>>
        %dma_wait3A_313 = tpu.memref_squeeze %dma_wait3A_312 : memref<1x16x192xf32, #tpu.memory_space<vmem>> -> memref<16x192xf32, #tpu.memory_space<vmem>>
        %dma_wait3A_314 = arith.constant 0 : i32
        %dma_wait3A_315 = tpu.memref_slice %arg3[%add3A_12, %dma_wait3A_308, %mul3A_291, %dma_wait3A_314] : memref<192x3x160x192xf32, #tpu.memory_space<hbm>> -> memref<1x1x16x192xf32, #tpu.memory_space<hbm>>
        %dma_wait3A_316 = tpu.memref_squeeze %dma_wait3A_315 : memref<1x1x16x192xf32, #tpu.memory_space<hbm>> -> memref<16x192xf32, #tpu.memory_space<hbm>>
        %dma_wait3A_317 = arith.constant 0 : i32
        %dma_wait3A_318 = arith.constant 0 : i32
        %dma_wait3A_319 = tpu.memref_slice %arg8[%dma_wait3A_309, %dma_wait3A_317, %dma_wait3A_318] : memref<2x16x192xf32, #tpu.memory_space<vmem>> -> memref<1x16x192xf32, #tpu.memory_space<vmem>>
        %dma_wait3A_320 = tpu.memref_squeeze %dma_wait3A_319 : memref<1x16x192xf32, #tpu.memory_space<vmem>> -> memref<16x192xf32, #tpu.memory_space<vmem>>
        %dma_wait3A_321 = arith.constant 0 : i32
        %dma_wait3A_322 = tpu.memref_slice %arg3[%add3A_12, %dma_wait3A_308, %mul3A_291, %dma_wait3A_321] : memref<192x3x160x192xf32, #tpu.memory_space<hbm>> -> memref<1x1x16x192xf32, #tpu.memory_space<hbm>>
        %dma_wait3A_323 = tpu.memref_squeeze %dma_wait3A_322 : memref<1x1x16x192xf32, #tpu.memory_space<hbm>> -> memref<16x192xf32, #tpu.memory_space<hbm>>
        tpu.wait_dma2 semaphore(%arg13 : memref<!tpu.dma_semaphore, #tpu.memory_space<semaphore_mem>>) src(%dma_wait3A_323 : memref<16x192xf32, #tpu.memory_space<hbm>>) dst(%dma_wait3A_320 : memref<16x192xf32, #tpu.memory_space<vmem>>)
        %ge3A_324 = arith.constant 2 : i32
        %ge3A_325 = arith.cmpi sge, %add3A_164, %ge3A_324 : i32
        %convert_element_type3A_326 = arith.extui %ge3A_325 : i1 to i32
        %cond3A_327 = arith.constant 0 : i32
        %cond3A_328 = arith.cmpi ne, %convert_element_type3A_326, %cond3A_327 : i32
        scf.if %cond3A_328 {
          %sub3A = arith.constant 2 : i32
          %sub3A_368 = arith.subi %add3A_283, %sub3A : i32
          %mul3A_369 = arith.constant 16 : i32
          %mul3A_370 = arith.muli %sub3A_368, %mul3A_369 : i32
          %mul3A_371 = arith.constant 16 : i32
          %mul3A_372 = arith.muli %sub3A_368, %mul3A_371 : i32
          %dma_wait3A_373 = arith.constant 1 : i32
          %dma_wait3A_374 = arith.constant 0 : i32
          %dma_wait3A_375 = arith.constant 0 : i32
          %dma_wait3A_376 = arith.constant 0 : i32
          %dma_wait3A_377 = tpu.memref_slice %arg9[%dma_wait3A_373, %dma_wait3A_375, %dma_wait3A_376] : memref<2x16x192xf32, #tpu.memory_space<vmem>> -> memref<1x16x192xf32, #tpu.memory_space<vmem>>
          %dma_wait3A_378 = tpu.memref_squeeze %dma_wait3A_377 : memref<1x16x192xf32, #tpu.memory_space<vmem>> -> memref<16x192xf32, #tpu.memory_space<vmem>>
          %dma_wait3A_379 = arith.constant 0 : i32
          %dma_wait3A_380 = tpu.memref_slice %arg4[%add3A_12, %dma_wait3A_374, %mul3A_370, %dma_wait3A_379] : memref<192x2x160x192xf32, #tpu.memory_space<hbm>> -> memref<1x1x16x192xf32, #tpu.memory_space<hbm>>
          %dma_wait3A_381 = tpu.memref_squeeze %dma_wait3A_380 : memref<1x1x16x192xf32, #tpu.memory_space<hbm>> -> memref<16x192xf32, #tpu.memory_space<hbm>>
          %dma_wait3A_382 = arith.constant 0 : i32
          %dma_wait3A_383 = tpu.memref_slice %arg4[%add3A_12, %dma_wait3A_374, %mul3A_370, %dma_wait3A_382] : memref<192x2x160x192xf32, #tpu.memory_space<hbm>> -> memref<1x1x16x192xf32, #tpu.memory_space<hbm>>
          %dma_wait3A_384 = tpu.memref_squeeze %dma_wait3A_383 : memref<1x1x16x192xf32, #tpu.memory_space<hbm>> -> memref<16x192xf32, #tpu.memory_space<hbm>>
          %dma_wait3A_385 = arith.constant 0 : i32
          %dma_wait3A_386 = arith.constant 0 : i32
          %dma_wait3A_387 = tpu.memref_slice %arg9[%dma_wait3A_373, %dma_wait3A_385, %dma_wait3A_386] : memref<2x16x192xf32, #tpu.memory_space<vmem>> -> memref<1x16x192xf32, #tpu.memory_space<vmem>>
          %dma_wait3A_388 = tpu.memref_squeeze %dma_wait3A_387 : memref<1x16x192xf32, #tpu.memory_space<vmem>> -> memref<16x192xf32, #tpu.memory_space<vmem>>
          tpu.wait_dma2 semaphore(%arg15 : memref<!tpu.dma_semaphore, #tpu.memory_space<semaphore_mem>>) src(%dma_wait3A_388 : memref<16x192xf32, #tpu.memory_space<vmem>>) dst(%dma_wait3A_384 : memref<16x192xf32, #tpu.memory_space<hbm>>)
          %dma_wait3A_389 = arith.constant 1 : i32
          %dma_wait3A_390 = arith.constant 1 : i32
          %dma_wait3A_391 = arith.constant 0 : i32
          %dma_wait3A_392 = arith.constant 0 : i32
          %dma_wait3A_393 = tpu.memref_slice %arg10[%dma_wait3A_389, %dma_wait3A_391, %dma_wait3A_392] : memref<2x16x192xf32, #tpu.memory_space<vmem>> -> memref<1x16x192xf32, #tpu.memory_space<vmem>>
          %dma_wait3A_394 = tpu.memref_squeeze %dma_wait3A_393 : memref<1x16x192xf32, #tpu.memory_space<vmem>> -> memref<16x192xf32, #tpu.memory_space<vmem>>
          %dma_wait3A_395 = arith.constant 0 : i32
          %dma_wait3A_396 = tpu.memref_slice %arg4[%add3A_12, %dma_wait3A_390, %mul3A_372, %dma_wait3A_395] : memref<192x2x160x192xf32, #tpu.memory_space<hbm>> -> memref<1x1x16x192xf32, #tpu.memory_space<hbm>>
          %dma_wait3A_397 = tpu.memref_squeeze %dma_wait3A_396 : memref<1x1x16x192xf32, #tpu.memory_space<hbm>> -> memref<16x192xf32, #tpu.memory_space<hbm>>
          %dma_wait3A_398 = arith.constant 0 : i32
          %dma_wait3A_399 = tpu.memref_slice %arg4[%add3A_12, %dma_wait3A_390, %mul3A_372, %dma_wait3A_398] : memref<192x2x160x192xf32, #tpu.memory_space<hbm>> -> memref<1x1x16x192xf32, #tpu.memory_space<hbm>>
          %dma_wait3A_400 = tpu.memref_squeeze %dma_wait3A_399 : memref<1x1x16x192xf32, #tpu.memory_space<hbm>> -> memref<16x192xf32, #tpu.memory_space<hbm>>
          %dma_wait3A_401 = arith.constant 0 : i32
          %dma_wait3A_402 = arith.constant 0 : i32
          %dma_wait3A_403 = tpu.memref_slice %arg10[%dma_wait3A_389, %dma_wait3A_401, %dma_wait3A_402] : memref<2x16x192xf32, #tpu.memory_space<vmem>> -> memref<1x16x192xf32, #tpu.memory_space<vmem>>
          %dma_wait3A_404 = tpu.memref_squeeze %dma_wait3A_403 : memref<1x16x192xf32, #tpu.memory_space<vmem>> -> memref<16x192xf32, #tpu.memory_space<vmem>>
          tpu.wait_dma2 semaphore(%arg15 : memref<!tpu.dma_semaphore, #tpu.memory_space<semaphore_mem>>) src(%dma_wait3A_404 : memref<16x192xf32, #tpu.memory_space<vmem>>) dst(%dma_wait3A_400 : memref<16x192xf32, #tpu.memory_space<hbm>>)
        } else {
        }
        %parallel_loop3A_329 = arith.constant 0 : i32
        %parallel_loop3A_330 = arith.constant 16 : i32
        %parallel_loop3A_331 = arith.constant 1 : i32
        scf.for %parallel_loop3A_368 = %parallel_loop3A_329 to %parallel_loop3A_330 step %parallel_loop3A_331  : i32 {
          %parallel_loop3A_369 = arith.constant 16 : i32
          %parallel_loop3A_370 = arith.muli %add3A_283, %parallel_loop3A_369 : i32
          %parallel_loop3A_371 = arith.addi %parallel_loop3A_370, %parallel_loop3A_368 : i32
          %parallel_loop3A_372 = arith.constant 0 : i32
          %parallel_loop3A_373 = vector.broadcast %parallel_loop3A_372 : i32 to vector<16xi32>
          %parallel_loop3A_374 = vector.broadcast %parallel_loop3A_371 : i32 to vector<16xi32>
          %parallel_loop3A_375 = arith.addi %parallel_loop3A_373, %parallel_loop3A_374 : vector<16xi32>
          %parallel_loop3A_376 = arith.sitofp %parallel_loop3A_375 : vector<16xi32> to vector<16xf32>
          %parallel_loop3A_377 = arith.constant 1 : i32
          %parallel_loop3A_378 = arith.index_cast %parallel_loop3A_377 : i32 to index
          %parallel_loop3A_379 = arith.index_cast %parallel_loop3A_368 : i32 to index
          %parallel_loop3A_380 = arith.constant 0 : index
          %parallel_loop3A_381 = tpu.vector_load %arg7[%parallel_loop3A_378, %parallel_loop3A_379, %parallel_loop3A_380] {strides = array<i32>} : memref<2x16x192xf32, #tpu.memory_space<vmem>>, vector<16xf32>,
          %parallel_loop3A_382 = arith.constant 1 : i32
          %parallel_loop3A_383 = arith.index_cast %parallel_loop3A_382 : i32 to index
          %parallel_loop3A_384 = arith.index_cast %parallel_loop3A_368 : i32 to index
          %parallel_loop3A_385 = arith.constant 0 : index
          %parallel_loop3A_386 = tpu.vector_load %arg8[%parallel_loop3A_383, %parallel_loop3A_384, %parallel_loop3A_385] {strides = array<i32>} : memref<2x16x192xf32, #tpu.memory_space<vmem>>, vector<16xf32>,
          %parallel_loop3A_387 = arith.subf %parallel_loop3A_376, %parallel_loop3A_381 : vector<16xf32>
          %parallel_loop3A_388 = arith.subf %convert_element_type3A, %parallel_loop3A_386 : vector<16xf32>
          %parallel_loop3A_389 = arith.constant 0.000000e+00 : f32
          %parallel_loop3A_390 = vector.broadcast %parallel_loop3A_389 : f32 to vector<16xf32>
          %parallel_loop3A_391 = arith.addf %parallel_loop3A_388, %parallel_loop3A_390 : vector<16xf32>
          %parallel_loop3A_392 = arith.constant 0.000000e+00 : f32
          %parallel_loop3A_393 = vector.broadcast %parallel_loop3A_392 : f32 to vector<16xf32>
          %parallel_loop3A_394 = arith.maximumf %parallel_loop3A_387, %parallel_loop3A_393 : vector<16xf32>
          %parallel_loop3A_395 = arith.constant 1.580000e+02 : f32
          %parallel_loop3A_396 = vector.broadcast %parallel_loop3A_395 : f32 to vector<16xf32>
          %parallel_loop3A_397 = arith.minimumf %parallel_loop3A_394, %parallel_loop3A_396 : vector<16xf32>
          %parallel_loop3A_398 = arith.constant 0.000000e+00 : f32
          %parallel_loop3A_399 = vector.broadcast %parallel_loop3A_398 : f32 to vector<16xf32>
          %parallel_loop3A_400 = arith.maximumf %parallel_loop3A_391, %parallel_loop3A_399 : vector<16xf32>
          %parallel_loop3A_401 = arith.constant 1.900000e+02 : f32
          %parallel_loop3A_402 = vector.broadcast %parallel_loop3A_401 : f32 to vector<16xf32>
          %parallel_loop3A_403 = arith.minimumf %parallel_loop3A_400, %parallel_loop3A_402 : vector<16xf32>
          %parallel_loop3A_404 = arith.fptosi %parallel_loop3A_397 : vector<16xf32> to vector<16xi32>
          %parallel_loop3A_405 = arith.fptosi %parallel_loop3A_403 : vector<16xf32> to vector<16xi32>
          %parallel_loop3A_406 = arith.sitofp %parallel_loop3A_404 : vector<16xi32> to vector<16xf32>
          %parallel_loop3A_407 = arith.subf %parallel_loop3A_387, %parallel_loop3A_406 : vector<16xf32>
          %parallel_loop3A_408 = arith.constant 0.000000e+00 : f32
          %parallel_loop3A_409 = vector.broadcast %parallel_loop3A_408 : f32 to vector<16xf32>
          %parallel_loop3A_410 = arith.maximumf %parallel_loop3A_407, %parallel_loop3A_409 : vector<16xf32>
          %parallel_loop3A_411 = arith.constant 1.000000e+00 : f32
          %parallel_loop3A_412 = vector.broadcast %parallel_loop3A_411 : f32 to vector<16xf32>
          %parallel_loop3A_413 = arith.minimumf %parallel_loop3A_410, %parallel_loop3A_412 : vector<16xf32>
          %parallel_loop3A_414 = arith.sitofp %parallel_loop3A_405 : vector<16xi32> to vector<16xf32>
          %parallel_loop3A_415 = arith.subf %parallel_loop3A_391, %parallel_loop3A_414 : vector<16xf32>
          %parallel_loop3A_416 = arith.constant 0.000000e+00 : f32
          %parallel_loop3A_417 = vector.broadcast %parallel_loop3A_416 : f32 to vector<16xf32>
          %parallel_loop3A_418 = arith.maximumf %parallel_loop3A_415, %parallel_loop3A_417 : vector<16xf32>
          %parallel_loop3A_419 = arith.constant 1.000000e+00 : f32
          %parallel_loop3A_420 = vector.broadcast %parallel_loop3A_419 : f32 to vector<16xf32>
          %parallel_loop3A_421 = arith.minimumf %parallel_loop3A_418, %parallel_loop3A_420 : vector<16xf32>
          %parallel_loop3A_422 = arith.constant 1 : i32
          %parallel_loop3A_423 = vector.broadcast %parallel_loop3A_422 : i32 to vector<16xi32>
          %parallel_loop3A_424 = arith.addi %parallel_loop3A_405, %parallel_loop3A_423 : vector<16xi32>
          %parallel_loop3A_425 = arith.constant 1 : i32
          %parallel_loop3A_426 = vector.broadcast %parallel_loop3A_425 : i32 to vector<16xi32>
          %parallel_loop3A_427 = arith.addi %parallel_loop3A_404, %parallel_loop3A_426 : vector<16xi32>
          %parallel_loop3A_428 = tpu.vector_load_idx %arg5[%parallel_loop3A_404, %parallel_loop3A_405] : memref<160x192xf32, #tpu.memory_space<vmem>>[vector<16xi32>, vector<16xi32>], vector<16xf32>,
          %parallel_loop3A_429 = tpu.vector_load_idx %arg6[%parallel_loop3A_404, %parallel_loop3A_405] : memref<160x192xf32, #tpu.memory_space<vmem>>[vector<16xi32>, vector<16xi32>], vector<16xf32>,
          %parallel_loop3A_430 = tpu.vector_load_idx %arg5[%parallel_loop3A_404, %parallel_loop3A_424] : memref<160x192xf32, #tpu.memory_space<vmem>>[vector<16xi32>, vector<16xi32>], vector<16xf32>,
          %parallel_loop3A_431 = tpu.vector_load_idx %arg6[%parallel_loop3A_404, %parallel_loop3A_424] : memref<160x192xf32, #tpu.memory_space<vmem>>[vector<16xi32>, vector<16xi32>], vector<16xf32>,
          %parallel_loop3A_432 = tpu.vector_load_idx %arg5[%parallel_loop3A_427, %parallel_loop3A_405] : memref<160x192xf32, #tpu.memory_space<vmem>>[vector<16xi32>, vector<16xi32>], vector<16xf32>,
          %parallel_loop3A_433 = tpu.vector_load_idx %arg6[%parallel_loop3A_427, %parallel_loop3A_405] : memref<160x192xf32, #tpu.memory_space<vmem>>[vector<16xi32>, vector<16xi32>], vector<16xf32>,
          %parallel_loop3A_434 = tpu.vector_load_idx %arg5[%parallel_loop3A_427, %parallel_loop3A_424] : memref<160x192xf32, #tpu.memory_space<vmem>>[vector<16xi32>, vector<16xi32>], vector<16xf32>,
          %parallel_loop3A_435 = tpu.vector_load_idx %arg6[%parallel_loop3A_427, %parallel_loop3A_424] : memref<160x192xf32, #tpu.memory_space<vmem>>[vector<16xi32>, vector<16xi32>], vector<16xf32>,
          %parallel_loop3A_436 = arith.subf %parallel_loop3A_430, %parallel_loop3A_428 : vector<16xf32>
          %parallel_loop3A_437 = arith.mulf %parallel_loop3A_421, %parallel_loop3A_436 : vector<16xf32>
          %parallel_loop3A_438 = arith.addf %parallel_loop3A_428, %parallel_loop3A_437 : vector<16xf32>
          %parallel_loop3A_439 = arith.subf %parallel_loop3A_431, %parallel_loop3A_429 : vector<16xf32>
          %parallel_loop3A_440 = arith.mulf %parallel_loop3A_421, %parallel_loop3A_439 : vector<16xf32>
          %parallel_loop3A_441 = arith.addf %parallel_loop3A_429, %parallel_loop3A_440 : vector<16xf32>
          %parallel_loop3A_442 = arith.subf %parallel_loop3A_434, %parallel_loop3A_432 : vector<16xf32>
          %parallel_loop3A_443 = arith.mulf %parallel_loop3A_421, %parallel_loop3A_442 : vector<16xf32>
          %parallel_loop3A_444 = arith.addf %parallel_loop3A_432, %parallel_loop3A_443 : vector<16xf32>
          %parallel_loop3A_445 = arith.subf %parallel_loop3A_435, %parallel_loop3A_433 : vector<16xf32>
          %parallel_loop3A_446 = arith.mulf %parallel_loop3A_421, %parallel_loop3A_445 : vector<16xf32>
          %parallel_loop3A_447 = arith.addf %parallel_loop3A_433, %parallel_loop3A_446 : vector<16xf32>
          %parallel_loop3A_448 = arith.subf %parallel_loop3A_444, %parallel_loop3A_438 : vector<16xf32>
          %parallel_loop3A_449 = arith.mulf %parallel_loop3A_413, %parallel_loop3A_448 : vector<16xf32>
          %parallel_loop3A_450 = arith.addf %parallel_loop3A_438, %parallel_loop3A_449 : vector<16xf32>
          %parallel_loop3A_451 = arith.constant 1 : i32
          %parallel_loop3A_452 = arith.index_cast %parallel_loop3A_451 : i32 to index
          %parallel_loop3A_453 = arith.index_cast %parallel_loop3A_368 : i32 to index
          %parallel_loop3A_454 = arith.constant 0 : index
          %parallel_loop3A_455 = tpu.vector_load %arg9[%parallel_loop3A_452, %parallel_loop3A_453, %parallel_loop3A_454] {strides = array<i32>} : memref<2x16x192xf32, #tpu.memory_space<vmem>>, vector<16xf32>,
          tpu.vector_store %arg9[%parallel_loop3A_452, %parallel_loop3A_453, %parallel_loop3A_454], %parallel_loop3A_450 {strides = array<i32>} : memref<2x16x192xf32, #tpu.memory_space<vmem>>, vector<16xf32>,
          %parallel_loop3A_456 = arith.subf %parallel_loop3A_447, %parallel_loop3A_441 : vector<16xf32>
          %parallel_loop3A_457 = arith.mulf %parallel_loop3A_413, %parallel_loop3A_456 : vector<16xf32>
          %parallel_loop3A_458 = arith.addf %parallel_loop3A_441, %parallel_loop3A_457 : vector<16xf32>
          %parallel_loop3A_459 = arith.constant 1 : i32
          %parallel_loop3A_460 = arith.index_cast %parallel_loop3A_459 : i32 to index
          %parallel_loop3A_461 = arith.index_cast %parallel_loop3A_368 : i32 to index
          %parallel_loop3A_462 = arith.constant 0 : index
          %parallel_loop3A_463 = tpu.vector_load %arg10[%parallel_loop3A_460, %parallel_loop3A_461, %parallel_loop3A_462] {strides = array<i32>} : memref<2x16x192xf32, #tpu.memory_space<vmem>>, vector<16xf32>,
          tpu.vector_store %arg10[%parallel_loop3A_460, %parallel_loop3A_461, %parallel_loop3A_462], %parallel_loop3A_458 {strides = array<i32>} : memref<2x16x192xf32, #tpu.memory_space<vmem>>, vector<16xf32>,
          %parallel_loop3A_464 = arith.constant 1 : i32
          %parallel_loop3A_465 = arith.index_cast %parallel_loop3A_464 : i32 to index
          %parallel_loop3A_466 = arith.index_cast %parallel_loop3A_368 : i32 to index
          %parallel_loop3A_467 = arith.constant 16 : index
          %parallel_loop3A_468 = tpu.vector_load %arg7[%parallel_loop3A_465, %parallel_loop3A_466, %parallel_loop3A_467] {strides = array<i32>} : memref<2x16x192xf32, #tpu.memory_space<vmem>>, vector<16xf32>,
          %parallel_loop3A_469 = arith.constant 1 : i32
          %parallel_loop3A_470 = arith.index_cast %parallel_loop3A_469 : i32 to index
          %parallel_loop3A_471 = arith.index_cast %parallel_loop3A_368 : i32 to index
          %parallel_loop3A_472 = arith.constant 16 : index
          %parallel_loop3A_473 = tpu.vector_load %arg8[%parallel_loop3A_470, %parallel_loop3A_471, %parallel_loop3A_472] {strides = array<i32>} : memref<2x16x192xf32, #tpu.memory_space<vmem>>, vector<16xf32>,
          %parallel_loop3A_474 = arith.subf %parallel_loop3A_376, %parallel_loop3A_468 : vector<16xf32>
          %parallel_loop3A_475 = arith.subf %convert_element_type3A, %parallel_loop3A_473 : vector<16xf32>
          %parallel_loop3A_476 = arith.constant 1.600000e+01 : f32
          %parallel_loop3A_477 = vector.broadcast %parallel_loop3A_476 : f32 to vector<16xf32>
          %parallel_loop3A_478 = arith.addf %parallel_loop3A_475, %parallel_loop3A_477 : vector<16xf32>
          %parallel_loop3A_479 = arith.constant 0.000000e+00 : f32
          %parallel_loop3A_480 = vector.broadcast %parallel_loop3A_479 : f32 to vector<16xf32>
          %parallel_loop3A_481 = arith.maximumf %parallel_loop3A_474, %parallel_loop3A_480 : vector<16xf32>
          %parallel_loop3A_482 = arith.constant 1.580000e+02 : f32
          %parallel_loop3A_483 = vector.broadcast %parallel_loop3A_482 : f32 to vector<16xf32>
          %parallel_loop3A_484 = arith.minimumf %parallel_loop3A_481, %parallel_loop3A_483 : vector<16xf32>
          %parallel_loop3A_485 = arith.constant 0.000000e+00 : f32
          %parallel_loop3A_486 = vector.broadcast %parallel_loop3A_485 : f32 to vector<16xf32>
          %parallel_loop3A_487 = arith.maximumf %parallel_loop3A_478, %parallel_loop3A_486 : vector<16xf32>
          %parallel_loop3A_488 = arith.constant 1.900000e+02 : f32
          %parallel_loop3A_489 = vector.broadcast %parallel_loop3A_488 : f32 to vector<16xf32>
          %parallel_loop3A_490 = arith.minimumf %parallel_loop3A_487, %parallel_loop3A_489 : vector<16xf32>
          %parallel_loop3A_491 = arith.fptosi %parallel_loop3A_484 : vector<16xf32> to vector<16xi32>
          %parallel_loop3A_492 = arith.fptosi %parallel_loop3A_490 : vector<16xf32> to vector<16xi32>
          %parallel_loop3A_493 = arith.sitofp %parallel_loop3A_491 : vector<16xi32> to vector<16xf32>
          %parallel_loop3A_494 = arith.subf %parallel_loop3A_474, %parallel_loop3A_493 : vector<16xf32>
          %parallel_loop3A_495 = arith.constant 0.000000e+00 : f32
          %parallel_loop3A_496 = vector.broadcast %parallel_loop3A_495 : f32 to vector<16xf32>
          %parallel_loop3A_497 = arith.maximumf %parallel_loop3A_494, %parallel_loop3A_496 : vector<16xf32>
          %parallel_loop3A_498 = arith.constant 1.000000e+00 : f32
          %parallel_loop3A_499 = vector.broadcast %parallel_loop3A_498 : f32 to vector<16xf32>
          %parallel_loop3A_500 = arith.minimumf %parallel_loop3A_497, %parallel_loop3A_499 : vector<16xf32>
          %parallel_loop3A_501 = arith.sitofp %parallel_loop3A_492 : vector<16xi32> to vector<16xf32>
          %parallel_loop3A_502 = arith.subf %parallel_loop3A_478, %parallel_loop3A_501 : vector<16xf32>
          %parallel_loop3A_503 = arith.constant 0.000000e+00 : f32
          %parallel_loop3A_504 = vector.broadcast %parallel_loop3A_503 : f32 to vector<16xf32>
          %parallel_loop3A_505 = arith.maximumf %parallel_loop3A_502, %parallel_loop3A_504 : vector<16xf32>
          %parallel_loop3A_506 = arith.constant 1.000000e+00 : f32
          %parallel_loop3A_507 = vector.broadcast %parallel_loop3A_506 : f32 to vector<16xf32>
          %parallel_loop3A_508 = arith.minimumf %parallel_loop3A_505, %parallel_loop3A_507 : vector<16xf32>
          %parallel_loop3A_509 = arith.constant 1 : i32
          %parallel_loop3A_510 = vector.broadcast %parallel_loop3A_509 : i32 to vector<16xi32>
          %parallel_loop3A_511 = arith.addi %parallel_loop3A_492, %parallel_loop3A_510 : vector<16xi32>
          %parallel_loop3A_512 = arith.constant 1 : i32
          %parallel_loop3A_513 = vector.broadcast %parallel_loop3A_512 : i32 to vector<16xi32>
          %parallel_loop3A_514 = arith.addi %parallel_loop3A_491, %parallel_loop3A_513 : vector<16xi32>
          %parallel_loop3A_515 = tpu.vector_load_idx %arg5[%parallel_loop3A_491, %parallel_loop3A_492] : memref<160x192xf32, #tpu.memory_space<vmem>>[vector<16xi32>, vector<16xi32>], vector<16xf32>,
          %parallel_loop3A_516 = tpu.vector_load_idx %arg6[%parallel_loop3A_491, %parallel_loop3A_492] : memref<160x192xf32, #tpu.memory_space<vmem>>[vector<16xi32>, vector<16xi32>], vector<16xf32>,
          %parallel_loop3A_517 = tpu.vector_load_idx %arg5[%parallel_loop3A_491, %parallel_loop3A_511] : memref<160x192xf32, #tpu.memory_space<vmem>>[vector<16xi32>, vector<16xi32>], vector<16xf32>,
          %parallel_loop3A_518 = tpu.vector_load_idx %arg6[%parallel_loop3A_491, %parallel_loop3A_511] : memref<160x192xf32, #tpu.memory_space<vmem>>[vector<16xi32>, vector<16xi32>], vector<16xf32>,
          %parallel_loop3A_519 = tpu.vector_load_idx %arg5[%parallel_loop3A_514, %parallel_loop3A_492] : memref<160x192xf32, #tpu.memory_space<vmem>>[vector<16xi32>, vector<16xi32>], vector<16xf32>,
          %parallel_loop3A_520 = tpu.vector_load_idx %arg6[%parallel_loop3A_514, %parallel_loop3A_492] : memref<160x192xf32, #tpu.memory_space<vmem>>[vector<16xi32>, vector<16xi32>], vector<16xf32>,
          %parallel_loop3A_521 = tpu.vector_load_idx %arg5[%parallel_loop3A_514, %parallel_loop3A_511] : memref<160x192xf32, #tpu.memory_space<vmem>>[vector<16xi32>, vector<16xi32>], vector<16xf32>,
          %parallel_loop3A_522 = tpu.vector_load_idx %arg6[%parallel_loop3A_514, %parallel_loop3A_511] : memref<160x192xf32, #tpu.memory_space<vmem>>[vector<16xi32>, vector<16xi32>], vector<16xf32>,
          %parallel_loop3A_523 = arith.subf %parallel_loop3A_517, %parallel_loop3A_515 : vector<16xf32>
          %parallel_loop3A_524 = arith.mulf %parallel_loop3A_508, %parallel_loop3A_523 : vector<16xf32>
          %parallel_loop3A_525 = arith.addf %parallel_loop3A_515, %parallel_loop3A_524 : vector<16xf32>
          %parallel_loop3A_526 = arith.subf %parallel_loop3A_518, %parallel_loop3A_516 : vector<16xf32>
          %parallel_loop3A_527 = arith.mulf %parallel_loop3A_508, %parallel_loop3A_526 : vector<16xf32>
          %parallel_loop3A_528 = arith.addf %parallel_loop3A_516, %parallel_loop3A_527 : vector<16xf32>
          %parallel_loop3A_529 = arith.subf %parallel_loop3A_521, %parallel_loop3A_519 : vector<16xf32>
          %parallel_loop3A_530 = arith.mulf %parallel_loop3A_508, %parallel_loop3A_529 : vector<16xf32>
          %parallel_loop3A_531 = arith.addf %parallel_loop3A_519, %parallel_loop3A_530 : vector<16xf32>
          %parallel_loop3A_532 = arith.subf %parallel_loop3A_522, %parallel_loop3A_520 : vector<16xf32>
          %parallel_loop3A_533 = arith.mulf %parallel_loop3A_508, %parallel_loop3A_532 : vector<16xf32>
          %parallel_loop3A_534 = arith.addf %parallel_loop3A_520, %parallel_loop3A_533 : vector<16xf32>
          %parallel_loop3A_535 = arith.subf %parallel_loop3A_531, %parallel_loop3A_525 : vector<16xf32>
          %parallel_loop3A_536 = arith.mulf %parallel_loop3A_500, %parallel_loop3A_535 : vector<16xf32>
          %parallel_loop3A_537 = arith.addf %parallel_loop3A_525, %parallel_loop3A_536 : vector<16xf32>
          %parallel_loop3A_538 = arith.constant 1 : i32
          %parallel_loop3A_539 = arith.index_cast %parallel_loop3A_538 : i32 to index
          %parallel_loop3A_540 = arith.index_cast %parallel_loop3A_368 : i32 to index
          %parallel_loop3A_541 = arith.constant 16 : index
          %parallel_loop3A_542 = tpu.vector_load %arg9[%parallel_loop3A_539, %parallel_loop3A_540, %parallel_loop3A_541] {strides = array<i32>} : memref<2x16x192xf32, #tpu.memory_space<vmem>>, vector<16xf32>,
          tpu.vector_store %arg9[%parallel_loop3A_539, %parallel_loop3A_540, %parallel_loop3A_541], %parallel_loop3A_537 {strides = array<i32>} : memref<2x16x192xf32, #tpu.memory_space<vmem>>, vector<16xf32>,
          %parallel_loop3A_543 = arith.subf %parallel_loop3A_534, %parallel_loop3A_528 : vector<16xf32>
          %parallel_loop3A_544 = arith.mulf %parallel_loop3A_500, %parallel_loop3A_543 : vector<16xf32>
          %parallel_loop3A_545 = arith.addf %parallel_loop3A_528, %parallel_loop3A_544 : vector<16xf32>
          %parallel_loop3A_546 = arith.constant 1 : i32
          %parallel_loop3A_547 = arith.index_cast %parallel_loop3A_546 : i32 to index
          %parallel_loop3A_548 = arith.index_cast %parallel_loop3A_368 : i32 to index
          %parallel_loop3A_549 = arith.constant 16 : index
          %parallel_loop3A_550 = tpu.vector_load %arg10[%parallel_loop3A_547, %parallel_loop3A_548, %parallel_loop3A_549] {strides = array<i32>} : memref<2x16x192xf32, #tpu.memory_space<vmem>>, vector<16xf32>,
          tpu.vector_store %arg10[%parallel_loop3A_547, %parallel_loop3A_548, %parallel_loop3A_549], %parallel_loop3A_545 {strides = array<i32>} : memref<2x16x192xf32, #tpu.memory_space<vmem>>, vector<16xf32>,
          %parallel_loop3A_551 = arith.constant 1 : i32
          %parallel_loop3A_552 = arith.index_cast %parallel_loop3A_551 : i32 to index
          %parallel_loop3A_553 = arith.index_cast %parallel_loop3A_368 : i32 to index
          %parallel_loop3A_554 = arith.constant 32 : index
          %parallel_loop3A_555 = tpu.vector_load %arg7[%parallel_loop3A_552, %parallel_loop3A_553, %parallel_loop3A_554] {strides = array<i32>} : memref<2x16x192xf32, #tpu.memory_space<vmem>>, vector<16xf32>,
          %parallel_loop3A_556 = arith.constant 1 : i32
          %parallel_loop3A_557 = arith.index_cast %parallel_loop3A_556 : i32 to index
          %parallel_loop3A_558 = arith.index_cast %parallel_loop3A_368 : i32 to index
          %parallel_loop3A_559 = arith.constant 32 : index
          %parallel_loop3A_560 = tpu.vector_load %arg8[%parallel_loop3A_557, %parallel_loop3A_558, %parallel_loop3A_559] {strides = array<i32>} : memref<2x16x192xf32, #tpu.memory_space<vmem>>, vector<16xf32>,
          %parallel_loop3A_561 = arith.subf %parallel_loop3A_376, %parallel_loop3A_555 : vector<16xf32>
          %parallel_loop3A_562 = arith.subf %convert_element_type3A, %parallel_loop3A_560 : vector<16xf32>
          %parallel_loop3A_563 = arith.constant 3.200000e+01 : f32
          %parallel_loop3A_564 = vector.broadcast %parallel_loop3A_563 : f32 to vector<16xf32>
          %parallel_loop3A_565 = arith.addf %parallel_loop3A_562, %parallel_loop3A_564 : vector<16xf32>
          %parallel_loop3A_566 = arith.constant 0.000000e+00 : f32
          %parallel_loop3A_567 = vector.broadcast %parallel_loop3A_566 : f32 to vector<16xf32>
          %parallel_loop3A_568 = arith.maximumf %parallel_loop3A_561, %parallel_loop3A_567 : vector<16xf32>
          %parallel_loop3A_569 = arith.constant 1.580000e+02 : f32
          %parallel_loop3A_570 = vector.broadcast %parallel_loop3A_569 : f32 to vector<16xf32>
          %parallel_loop3A_571 = arith.minimumf %parallel_loop3A_568, %parallel_loop3A_570 : vector<16xf32>
          %parallel_loop3A_572 = arith.constant 0.000000e+00 : f32
          %parallel_loop3A_573 = vector.broadcast %parallel_loop3A_572 : f32 to vector<16xf32>
          %parallel_loop3A_574 = arith.maximumf %parallel_loop3A_565, %parallel_loop3A_573 : vector<16xf32>
          %parallel_loop3A_575 = arith.constant 1.900000e+02 : f32
          %parallel_loop3A_576 = vector.broadcast %parallel_loop3A_575 : f32 to vector<16xf32>
          %parallel_loop3A_577 = arith.minimumf %parallel_loop3A_574, %parallel_loop3A_576 : vector<16xf32>
          %parallel_loop3A_578 = arith.fptosi %parallel_loop3A_571 : vector<16xf32> to vector<16xi32>
          %parallel_loop3A_579 = arith.fptosi %parallel_loop3A_577 : vector<16xf32> to vector<16xi32>
          %parallel_loop3A_580 = arith.sitofp %parallel_loop3A_578 : vector<16xi32> to vector<16xf32>
          %parallel_loop3A_581 = arith.subf %parallel_loop3A_561, %parallel_loop3A_580 : vector<16xf32>
          %parallel_loop3A_582 = arith.constant 0.000000e+00 : f32
          %parallel_loop3A_583 = vector.broadcast %parallel_loop3A_582 : f32 to vector<16xf32>
          %parallel_loop3A_584 = arith.maximumf %parallel_loop3A_581, %parallel_loop3A_583 : vector<16xf32>
          %parallel_loop3A_585 = arith.constant 1.000000e+00 : f32
          %parallel_loop3A_586 = vector.broadcast %parallel_loop3A_585 : f32 to vector<16xf32>
          %parallel_loop3A_587 = arith.minimumf %parallel_loop3A_584, %parallel_loop3A_586 : vector<16xf32>
          %parallel_loop3A_588 = arith.sitofp %parallel_loop3A_579 : vector<16xi32> to vector<16xf32>
          %parallel_loop3A_589 = arith.subf %parallel_loop3A_565, %parallel_loop3A_588 : vector<16xf32>
          %parallel_loop3A_590 = arith.constant 0.000000e+00 : f32
          %parallel_loop3A_591 = vector.broadcast %parallel_loop3A_590 : f32 to vector<16xf32>
          %parallel_loop3A_592 = arith.maximumf %parallel_loop3A_589, %parallel_loop3A_591 : vector<16xf32>
          %parallel_loop3A_593 = arith.constant 1.000000e+00 : f32
          %parallel_loop3A_594 = vector.broadcast %parallel_loop3A_593 : f32 to vector<16xf32>
          %parallel_loop3A_595 = arith.minimumf %parallel_loop3A_592, %parallel_loop3A_594 : vector<16xf32>
          %parallel_loop3A_596 = arith.constant 1 : i32
          %parallel_loop3A_597 = vector.broadcast %parallel_loop3A_596 : i32 to vector<16xi32>
          %parallel_loop3A_598 = arith.addi %parallel_loop3A_579, %parallel_loop3A_597 : vector<16xi32>
          %parallel_loop3A_599 = arith.constant 1 : i32
          %parallel_loop3A_600 = vector.broadcast %parallel_loop3A_599 : i32 to vector<16xi32>
          %parallel_loop3A_601 = arith.addi %parallel_loop3A_578, %parallel_loop3A_600 : vector<16xi32>
          %parallel_loop3A_602 = tpu.vector_load_idx %arg5[%parallel_loop3A_578, %parallel_loop3A_579] : memref<160x192xf32, #tpu.memory_space<vmem>>[vector<16xi32>, vector<16xi32>], vector<16xf32>,
          %parallel_loop3A_603 = tpu.vector_load_idx %arg6[%parallel_loop3A_578, %parallel_loop3A_579] : memref<160x192xf32, #tpu.memory_space<vmem>>[vector<16xi32>, vector<16xi32>], vector<16xf32>,
          %parallel_loop3A_604 = tpu.vector_load_idx %arg5[%parallel_loop3A_578, %parallel_loop3A_598] : memref<160x192xf32, #tpu.memory_space<vmem>>[vector<16xi32>, vector<16xi32>], vector<16xf32>,
          %parallel_loop3A_605 = tpu.vector_load_idx %arg6[%parallel_loop3A_578, %parallel_loop3A_598] : memref<160x192xf32, #tpu.memory_space<vmem>>[vector<16xi32>, vector<16xi32>], vector<16xf32>,
          %parallel_loop3A_606 = tpu.vector_load_idx %arg5[%parallel_loop3A_601, %parallel_loop3A_579] : memref<160x192xf32, #tpu.memory_space<vmem>>[vector<16xi32>, vector<16xi32>], vector<16xf32>,
          %parallel_loop3A_607 = tpu.vector_load_idx %arg6[%parallel_loop3A_601, %parallel_loop3A_579] : memref<160x192xf32, #tpu.memory_space<vmem>>[vector<16xi32>, vector<16xi32>], vector<16xf32>,
          %parallel_loop3A_608 = tpu.vector_load_idx %arg5[%parallel_loop3A_601, %parallel_loop3A_598] : memref<160x192xf32, #tpu.memory_space<vmem>>[vector<16xi32>, vector<16xi32>], vector<16xf32>,
          %parallel_loop3A_609 = tpu.vector_load_idx %arg6[%parallel_loop3A_601, %parallel_loop3A_598] : memref<160x192xf32, #tpu.memory_space<vmem>>[vector<16xi32>, vector<16xi32>], vector<16xf32>,
          %parallel_loop3A_610 = arith.subf %parallel_loop3A_604, %parallel_loop3A_602 : vector<16xf32>
          %parallel_loop3A_611 = arith.mulf %parallel_loop3A_595, %parallel_loop3A_610 : vector<16xf32>
          %parallel_loop3A_612 = arith.addf %parallel_loop3A_602, %parallel_loop3A_611 : vector<16xf32>
          %parallel_loop3A_613 = arith.subf %parallel_loop3A_605, %parallel_loop3A_603 : vector<16xf32>
          %parallel_loop3A_614 = arith.mulf %parallel_loop3A_595, %parallel_loop3A_613 : vector<16xf32>
          %parallel_loop3A_615 = arith.addf %parallel_loop3A_603, %parallel_loop3A_614 : vector<16xf32>
          %parallel_loop3A_616 = arith.subf %parallel_loop3A_608, %parallel_loop3A_606 : vector<16xf32>
          %parallel_loop3A_617 = arith.mulf %parallel_loop3A_595, %parallel_loop3A_616 : vector<16xf32>
          %parallel_loop3A_618 = arith.addf %parallel_loop3A_606, %parallel_loop3A_617 : vector<16xf32>
          %parallel_loop3A_619 = arith.subf %parallel_loop3A_609, %parallel_loop3A_607 : vector<16xf32>
          %parallel_loop3A_620 = arith.mulf %parallel_loop3A_595, %parallel_loop3A_619 : vector<16xf32>
          %parallel_loop3A_621 = arith.addf %parallel_loop3A_607, %parallel_loop3A_620 : vector<16xf32>
          %parallel_loop3A_622 = arith.subf %parallel_loop3A_618, %parallel_loop3A_612 : vector<16xf32>
          %parallel_loop3A_623 = arith.mulf %parallel_loop3A_587, %parallel_loop3A_622 : vector<16xf32>
          %parallel_loop3A_624 = arith.addf %parallel_loop3A_612, %parallel_loop3A_623 : vector<16xf32>
          %parallel_loop3A_625 = arith.constant 1 : i32
          %parallel_loop3A_626 = arith.index_cast %parallel_loop3A_625 : i32 to index
          %parallel_loop3A_627 = arith.index_cast %parallel_loop3A_368 : i32 to index
          %parallel_loop3A_628 = arith.constant 32 : index
          %parallel_loop3A_629 = tpu.vector_load %arg9[%parallel_loop3A_626, %parallel_loop3A_627, %parallel_loop3A_628] {strides = array<i32>} : memref<2x16x192xf32, #tpu.memory_space<vmem>>, vector<16xf32>,
          tpu.vector_store %arg9[%parallel_loop3A_626, %parallel_loop3A_627, %parallel_loop3A_628], %parallel_loop3A_624 {strides = array<i32>} : memref<2x16x192xf32, #tpu.memory_space<vmem>>, vector<16xf32>,
          %parallel_loop3A_630 = arith.subf %parallel_loop3A_621, %parallel_loop3A_615 : vector<16xf32>
          %parallel_loop3A_631 = arith.mulf %parallel_loop3A_587, %parallel_loop3A_630 : vector<16xf32>
          %parallel_loop3A_632 = arith.addf %parallel_loop3A_615, %parallel_loop3A_631 : vector<16xf32>
          %parallel_loop3A_633 = arith.constant 1 : i32
          %parallel_loop3A_634 = arith.index_cast %parallel_loop3A_633 : i32 to index
          %parallel_loop3A_635 = arith.index_cast %parallel_loop3A_368 : i32 to index
          %parallel_loop3A_636 = arith.constant 32 : index
          %parallel_loop3A_637 = tpu.vector_load %arg10[%parallel_loop3A_634, %parallel_loop3A_635, %parallel_loop3A_636] {strides = array<i32>} : memref<2x16x192xf32, #tpu.memory_space<vmem>>, vector<16xf32>,
          tpu.vector_store %arg10[%parallel_loop3A_634, %parallel_loop3A_635, %parallel_loop3A_636], %parallel_loop3A_632 {strides = array<i32>} : memref<2x16x192xf32, #tpu.memory_space<vmem>>, vector<16xf32>,
          %parallel_loop3A_638 = arith.constant 1 : i32
          %parallel_loop3A_639 = arith.index_cast %parallel_loop3A_638 : i32 to index
          %parallel_loop3A_640 = arith.index_cast %parallel_loop3A_368 : i32 to index
          %parallel_loop3A_641 = arith.constant 48 : index
          %parallel_loop3A_642 = tpu.vector_load %arg7[%parallel_loop3A_639, %parallel_loop3A_640, %parallel_loop3A_641] {strides = array<i32>} : memref<2x16x192xf32, #tpu.memory_space<vmem>>, vector<16xf32>,
          %parallel_loop3A_643 = arith.constant 1 : i32
          %parallel_loop3A_644 = arith.index_cast %parallel_loop3A_643 : i32 to index
          %parallel_loop3A_645 = arith.index_cast %parallel_loop3A_368 : i32 to index
          %parallel_loop3A_646 = arith.constant 48 : index
          %parallel_loop3A_647 = tpu.vector_load %arg8[%parallel_loop3A_644, %parallel_loop3A_645, %parallel_loop3A_646] {strides = array<i32>} : memref<2x16x192xf32, #tpu.memory_space<vmem>>, vector<16xf32>,
          %parallel_loop3A_648 = arith.subf %parallel_loop3A_376, %parallel_loop3A_642 : vector<16xf32>
          %parallel_loop3A_649 = arith.subf %convert_element_type3A, %parallel_loop3A_647 : vector<16xf32>
          %parallel_loop3A_650 = arith.constant 4.800000e+01 : f32
          %parallel_loop3A_651 = vector.broadcast %parallel_loop3A_650 : f32 to vector<16xf32>
          %parallel_loop3A_652 = arith.addf %parallel_loop3A_649, %parallel_loop3A_651 : vector<16xf32>
          %parallel_loop3A_653 = arith.constant 0.000000e+00 : f32
          %parallel_loop3A_654 = vector.broadcast %parallel_loop3A_653 : f32 to vector<16xf32>
          %parallel_loop3A_655 = arith.maximumf %parallel_loop3A_648, %parallel_loop3A_654 : vector<16xf32>
          %parallel_loop3A_656 = arith.constant 1.580000e+02 : f32
          %parallel_loop3A_657 = vector.broadcast %parallel_loop3A_656 : f32 to vector<16xf32>
          %parallel_loop3A_658 = arith.minimumf %parallel_loop3A_655, %parallel_loop3A_657 : vector<16xf32>
          %parallel_loop3A_659 = arith.constant 0.000000e+00 : f32
          %parallel_loop3A_660 = vector.broadcast %parallel_loop3A_659 : f32 to vector<16xf32>
          %parallel_loop3A_661 = arith.maximumf %parallel_loop3A_652, %parallel_loop3A_660 : vector<16xf32>
          %parallel_loop3A_662 = arith.constant 1.900000e+02 : f32
          %parallel_loop3A_663 = vector.broadcast %parallel_loop3A_662 : f32 to vector<16xf32>
          %parallel_loop3A_664 = arith.minimumf %parallel_loop3A_661, %parallel_loop3A_663 : vector<16xf32>
          %parallel_loop3A_665 = arith.fptosi %parallel_loop3A_658 : vector<16xf32> to vector<16xi32>
          %parallel_loop3A_666 = arith.fptosi %parallel_loop3A_664 : vector<16xf32> to vector<16xi32>
          %parallel_loop3A_667 = arith.sitofp %parallel_loop3A_665 : vector<16xi32> to vector<16xf32>
          %parallel_loop3A_668 = arith.subf %parallel_loop3A_648, %parallel_loop3A_667 : vector<16xf32>
          %parallel_loop3A_669 = arith.constant 0.000000e+00 : f32
          %parallel_loop3A_670 = vector.broadcast %parallel_loop3A_669 : f32 to vector<16xf32>
          %parallel_loop3A_671 = arith.maximumf %parallel_loop3A_668, %parallel_loop3A_670 : vector<16xf32>
          %parallel_loop3A_672 = arith.constant 1.000000e+00 : f32
          %parallel_loop3A_673 = vector.broadcast %parallel_loop3A_672 : f32 to vector<16xf32>
          %parallel_loop3A_674 = arith.minimumf %parallel_loop3A_671, %parallel_loop3A_673 : vector<16xf32>
          %parallel_loop3A_675 = arith.sitofp %parallel_loop3A_666 : vector<16xi32> to vector<16xf32>
          %parallel_loop3A_676 = arith.subf %parallel_loop3A_652, %parallel_loop3A_675 : vector<16xf32>
          %parallel_loop3A_677 = arith.constant 0.000000e+00 : f32
          %parallel_loop3A_678 = vector.broadcast %parallel_loop3A_677 : f32 to vector<16xf32>
          %parallel_loop3A_679 = arith.maximumf %parallel_loop3A_676, %parallel_loop3A_678 : vector<16xf32>
          %parallel_loop3A_680 = arith.constant 1.000000e+00 : f32
          %parallel_loop3A_681 = vector.broadcast %parallel_loop3A_680 : f32 to vector<16xf32>
          %parallel_loop3A_682 = arith.minimumf %parallel_loop3A_679, %parallel_loop3A_681 : vector<16xf32>
          %parallel_loop3A_683 = arith.constant 1 : i32
          %parallel_loop3A_684 = vector.broadcast %parallel_loop3A_683 : i32 to vector<16xi32>
          %parallel_loop3A_685 = arith.addi %parallel_loop3A_666, %parallel_loop3A_684 : vector<16xi32>
          %parallel_loop3A_686 = arith.constant 1 : i32
          %parallel_loop3A_687 = vector.broadcast %parallel_loop3A_686 : i32 to vector<16xi32>
          %parallel_loop3A_688 = arith.addi %parallel_loop3A_665, %parallel_loop3A_687 : vector<16xi32>
          %parallel_loop3A_689 = tpu.vector_load_idx %arg5[%parallel_loop3A_665, %parallel_loop3A_666] : memref<160x192xf32, #tpu.memory_space<vmem>>[vector<16xi32>, vector<16xi32>], vector<16xf32>,
          %parallel_loop3A_690 = tpu.vector_load_idx %arg6[%parallel_loop3A_665, %parallel_loop3A_666] : memref<160x192xf32, #tpu.memory_space<vmem>>[vector<16xi32>, vector<16xi32>], vector<16xf32>,
          %parallel_loop3A_691 = tpu.vector_load_idx %arg5[%parallel_loop3A_665, %parallel_loop3A_685] : memref<160x192xf32, #tpu.memory_space<vmem>>[vector<16xi32>, vector<16xi32>], vector<16xf32>,
          %parallel_loop3A_692 = tpu.vector_load_idx %arg6[%parallel_loop3A_665, %parallel_loop3A_685] : memref<160x192xf32, #tpu.memory_space<vmem>>[vector<16xi32>, vector<16xi32>], vector<16xf32>,
          %parallel_loop3A_693 = tpu.vector_load_idx %arg5[%parallel_loop3A_688, %parallel_loop3A_666] : memref<160x192xf32, #tpu.memory_space<vmem>>[vector<16xi32>, vector<16xi32>], vector<16xf32>,
          %parallel_loop3A_694 = tpu.vector_load_idx %arg6[%parallel_loop3A_688, %parallel_loop3A_666] : memref<160x192xf32, #tpu.memory_space<vmem>>[vector<16xi32>, vector<16xi32>], vector<16xf32>,
          %parallel_loop3A_695 = tpu.vector_load_idx %arg5[%parallel_loop3A_688, %parallel_loop3A_685] : memref<160x192xf32, #tpu.memory_space<vmem>>[vector<16xi32>, vector<16xi32>], vector<16xf32>,
          %parallel_loop3A_696 = tpu.vector_load_idx %arg6[%parallel_loop3A_688, %parallel_loop3A_685] : memref<160x192xf32, #tpu.memory_space<vmem>>[vector<16xi32>, vector<16xi32>], vector<16xf32>,
          %parallel_loop3A_697 = arith.subf %parallel_loop3A_691, %parallel_loop3A_689 : vector<16xf32>
          %parallel_loop3A_698 = arith.mulf %parallel_loop3A_682, %parallel_loop3A_697 : vector<16xf32>
          %parallel_loop3A_699 = arith.addf %parallel_loop3A_689, %parallel_loop3A_698 : vector<16xf32>
          %parallel_loop3A_700 = arith.subf %parallel_loop3A_692, %parallel_loop3A_690 : vector<16xf32>
          %parallel_loop3A_701 = arith.mulf %parallel_loop3A_682, %parallel_loop3A_700 : vector<16xf32>
          %parallel_loop3A_702 = arith.addf %parallel_loop3A_690, %parallel_loop3A_701 : vector<16xf32>
          %parallel_loop3A_703 = arith.subf %parallel_loop3A_695, %parallel_loop3A_693 : vector<16xf32>
          %parallel_loop3A_704 = arith.mulf %parallel_loop3A_682, %parallel_loop3A_703 : vector<16xf32>
          %parallel_loop3A_705 = arith.addf %parallel_loop3A_693, %parallel_loop3A_704 : vector<16xf32>
          %parallel_loop3A_706 = arith.subf %parallel_loop3A_696, %parallel_loop3A_694 : vector<16xf32>
          %parallel_loop3A_707 = arith.mulf %parallel_loop3A_682, %parallel_loop3A_706 : vector<16xf32>
          %parallel_loop3A_708 = arith.addf %parallel_loop3A_694, %parallel_loop3A_707 : vector<16xf32>
          %parallel_loop3A_709 = arith.subf %parallel_loop3A_705, %parallel_loop3A_699 : vector<16xf32>
          %parallel_loop3A_710 = arith.mulf %parallel_loop3A_674, %parallel_loop3A_709 : vector<16xf32>
          %parallel_loop3A_711 = arith.addf %parallel_loop3A_699, %parallel_loop3A_710 : vector<16xf32>
          %parallel_loop3A_712 = arith.constant 1 : i32
          %parallel_loop3A_713 = arith.index_cast %parallel_loop3A_712 : i32 to index
          %parallel_loop3A_714 = arith.index_cast %parallel_loop3A_368 : i32 to index
          %parallel_loop3A_715 = arith.constant 48 : index
          %parallel_loop3A_716 = tpu.vector_load %arg9[%parallel_loop3A_713, %parallel_loop3A_714, %parallel_loop3A_715] {strides = array<i32>} : memref<2x16x192xf32, #tpu.memory_space<vmem>>, vector<16xf32>,
          tpu.vector_store %arg9[%parallel_loop3A_713, %parallel_loop3A_714, %parallel_loop3A_715], %parallel_loop3A_711 {strides = array<i32>} : memref<2x16x192xf32, #tpu.memory_space<vmem>>, vector<16xf32>,
          %parallel_loop3A_717 = arith.subf %parallel_loop3A_708, %parallel_loop3A_702 : vector<16xf32>
          %parallel_loop3A_718 = arith.mulf %parallel_loop3A_674, %parallel_loop3A_717 : vector<16xf32>
          %parallel_loop3A_719 = arith.addf %parallel_loop3A_702, %parallel_loop3A_718 : vector<16xf32>
          %parallel_loop3A_720 = arith.constant 1 : i32
          %parallel_loop3A_721 = arith.index_cast %parallel_loop3A_720 : i32 to index
          %parallel_loop3A_722 = arith.index_cast %parallel_loop3A_368 : i32 to index
          %parallel_loop3A_723 = arith.constant 48 : index
          %parallel_loop3A_724 = tpu.vector_load %arg10[%parallel_loop3A_721, %parallel_loop3A_722, %parallel_loop3A_723] {strides = array<i32>} : memref<2x16x192xf32, #tpu.memory_space<vmem>>, vector<16xf32>,
          tpu.vector_store %arg10[%parallel_loop3A_721, %parallel_loop3A_722, %parallel_loop3A_723], %parallel_loop3A_719 {strides = array<i32>} : memref<2x16x192xf32, #tpu.memory_space<vmem>>, vector<16xf32>,
          %parallel_loop3A_725 = arith.constant 1 : i32
          %parallel_loop3A_726 = arith.index_cast %parallel_loop3A_725 : i32 to index
          %parallel_loop3A_727 = arith.index_cast %parallel_loop3A_368 : i32 to index
          %parallel_loop3A_728 = arith.constant 64 : index
          %parallel_loop3A_729 = tpu.vector_load %arg7[%parallel_loop3A_726, %parallel_loop3A_727, %parallel_loop3A_728] {strides = array<i32>} : memref<2x16x192xf32, #tpu.memory_space<vmem>>, vector<16xf32>,
          %parallel_loop3A_730 = arith.constant 1 : i32
          %parallel_loop3A_731 = arith.index_cast %parallel_loop3A_730 : i32 to index
          %parallel_loop3A_732 = arith.index_cast %parallel_loop3A_368 : i32 to index
          %parallel_loop3A_733 = arith.constant 64 : index
          %parallel_loop3A_734 = tpu.vector_load %arg8[%parallel_loop3A_731, %parallel_loop3A_732, %parallel_loop3A_733] {strides = array<i32>} : memref<2x16x192xf32, #tpu.memory_space<vmem>>, vector<16xf32>,
          %parallel_loop3A_735 = arith.subf %parallel_loop3A_376, %parallel_loop3A_729 : vector<16xf32>
          %parallel_loop3A_736 = arith.subf %convert_element_type3A, %parallel_loop3A_734 : vector<16xf32>
          %parallel_loop3A_737 = arith.constant 6.400000e+01 : f32
          %parallel_loop3A_738 = vector.broadcast %parallel_loop3A_737 : f32 to vector<16xf32>
          %parallel_loop3A_739 = arith.addf %parallel_loop3A_736, %parallel_loop3A_738 : vector<16xf32>
          %parallel_loop3A_740 = arith.constant 0.000000e+00 : f32
          %parallel_loop3A_741 = vector.broadcast %parallel_loop3A_740 : f32 to vector<16xf32>
          %parallel_loop3A_742 = arith.maximumf %parallel_loop3A_735, %parallel_loop3A_741 : vector<16xf32>
          %parallel_loop3A_743 = arith.constant 1.580000e+02 : f32
          %parallel_loop3A_744 = vector.broadcast %parallel_loop3A_743 : f32 to vector<16xf32>
          %parallel_loop3A_745 = arith.minimumf %parallel_loop3A_742, %parallel_loop3A_744 : vector<16xf32>
          %parallel_loop3A_746 = arith.constant 0.000000e+00 : f32
          %parallel_loop3A_747 = vector.broadcast %parallel_loop3A_746 : f32 to vector<16xf32>
          %parallel_loop3A_748 = arith.maximumf %parallel_loop3A_739, %parallel_loop3A_747 : vector<16xf32>
          %parallel_loop3A_749 = arith.constant 1.900000e+02 : f32
          %parallel_loop3A_750 = vector.broadcast %parallel_loop3A_749 : f32 to vector<16xf32>
          %parallel_loop3A_751 = arith.minimumf %parallel_loop3A_748, %parallel_loop3A_750 : vector<16xf32>
          %parallel_loop3A_752 = arith.fptosi %parallel_loop3A_745 : vector<16xf32> to vector<16xi32>
          %parallel_loop3A_753 = arith.fptosi %parallel_loop3A_751 : vector<16xf32> to vector<16xi32>
          %parallel_loop3A_754 = arith.sitofp %parallel_loop3A_752 : vector<16xi32> to vector<16xf32>
          %parallel_loop3A_755 = arith.subf %parallel_loop3A_735, %parallel_loop3A_754 : vector<16xf32>
          %parallel_loop3A_756 = arith.constant 0.000000e+00 : f32
          %parallel_loop3A_757 = vector.broadcast %parallel_loop3A_756 : f32 to vector<16xf32>
          %parallel_loop3A_758 = arith.maximumf %parallel_loop3A_755, %parallel_loop3A_757 : vector<16xf32>
          %parallel_loop3A_759 = arith.constant 1.000000e+00 : f32
          %parallel_loop3A_760 = vector.broadcast %parallel_loop3A_759 : f32 to vector<16xf32>
          %parallel_loop3A_761 = arith.minimumf %parallel_loop3A_758, %parallel_loop3A_760 : vector<16xf32>
          %parallel_loop3A_762 = arith.sitofp %parallel_loop3A_753 : vector<16xi32> to vector<16xf32>
          %parallel_loop3A_763 = arith.subf %parallel_loop3A_739, %parallel_loop3A_762 : vector<16xf32>
          %parallel_loop3A_764 = arith.constant 0.000000e+00 : f32
          %parallel_loop3A_765 = vector.broadcast %parallel_loop3A_764 : f32 to vector<16xf32>
          %parallel_loop3A_766 = arith.maximumf %parallel_loop3A_763, %parallel_loop3A_765 : vector<16xf32>
          %parallel_loop3A_767 = arith.constant 1.000000e+00 : f32
          %parallel_loop3A_768 = vector.broadcast %parallel_loop3A_767 : f32 to vector<16xf32>
          %parallel_loop3A_769 = arith.minimumf %parallel_loop3A_766, %parallel_loop3A_768 : vector<16xf32>
          %parallel_loop3A_770 = arith.constant 1 : i32
          %parallel_loop3A_771 = vector.broadcast %parallel_loop3A_770 : i32 to vector<16xi32>
          %parallel_loop3A_772 = arith.addi %parallel_loop3A_753, %parallel_loop3A_771 : vector<16xi32>
          %parallel_loop3A_773 = arith.constant 1 : i32
          %parallel_loop3A_774 = vector.broadcast %parallel_loop3A_773 : i32 to vector<16xi32>
          %parallel_loop3A_775 = arith.addi %parallel_loop3A_752, %parallel_loop3A_774 : vector<16xi32>
          %parallel_loop3A_776 = tpu.vector_load_idx %arg5[%parallel_loop3A_752, %parallel_loop3A_753] : memref<160x192xf32, #tpu.memory_space<vmem>>[vector<16xi32>, vector<16xi32>], vector<16xf32>,
          %parallel_loop3A_777 = tpu.vector_load_idx %arg6[%parallel_loop3A_752, %parallel_loop3A_753] : memref<160x192xf32, #tpu.memory_space<vmem>>[vector<16xi32>, vector<16xi32>], vector<16xf32>,
          %parallel_loop3A_778 = tpu.vector_load_idx %arg5[%parallel_loop3A_752, %parallel_loop3A_772] : memref<160x192xf32, #tpu.memory_space<vmem>>[vector<16xi32>, vector<16xi32>], vector<16xf32>,
          %parallel_loop3A_779 = tpu.vector_load_idx %arg6[%parallel_loop3A_752, %parallel_loop3A_772] : memref<160x192xf32, #tpu.memory_space<vmem>>[vector<16xi32>, vector<16xi32>], vector<16xf32>,
          %parallel_loop3A_780 = tpu.vector_load_idx %arg5[%parallel_loop3A_775, %parallel_loop3A_753] : memref<160x192xf32, #tpu.memory_space<vmem>>[vector<16xi32>, vector<16xi32>], vector<16xf32>,
          %parallel_loop3A_781 = tpu.vector_load_idx %arg6[%parallel_loop3A_775, %parallel_loop3A_753] : memref<160x192xf32, #tpu.memory_space<vmem>>[vector<16xi32>, vector<16xi32>], vector<16xf32>,
          %parallel_loop3A_782 = tpu.vector_load_idx %arg5[%parallel_loop3A_775, %parallel_loop3A_772] : memref<160x192xf32, #tpu.memory_space<vmem>>[vector<16xi32>, vector<16xi32>], vector<16xf32>,
          %parallel_loop3A_783 = tpu.vector_load_idx %arg6[%parallel_loop3A_775, %parallel_loop3A_772] : memref<160x192xf32, #tpu.memory_space<vmem>>[vector<16xi32>, vector<16xi32>], vector<16xf32>,
          %parallel_loop3A_784 = arith.subf %parallel_loop3A_778, %parallel_loop3A_776 : vector<16xf32>
          %parallel_loop3A_785 = arith.mulf %parallel_loop3A_769, %parallel_loop3A_784 : vector<16xf32>
          %parallel_loop3A_786 = arith.addf %parallel_loop3A_776, %parallel_loop3A_785 : vector<16xf32>
          %parallel_loop3A_787 = arith.subf %parallel_loop3A_779, %parallel_loop3A_777 : vector<16xf32>
          %parallel_loop3A_788 = arith.mulf %parallel_loop3A_769, %parallel_loop3A_787 : vector<16xf32>
          %parallel_loop3A_789 = arith.addf %parallel_loop3A_777, %parallel_loop3A_788 : vector<16xf32>
          %parallel_loop3A_790 = arith.subf %parallel_loop3A_782, %parallel_loop3A_780 : vector<16xf32>
          %parallel_loop3A_791 = arith.mulf %parallel_loop3A_769, %parallel_loop3A_790 : vector<16xf32>
          %parallel_loop3A_792 = arith.addf %parallel_loop3A_780, %parallel_loop3A_791 : vector<16xf32>
          %parallel_loop3A_793 = arith.subf %parallel_loop3A_783, %parallel_loop3A_781 : vector<16xf32>
          %parallel_loop3A_794 = arith.mulf %parallel_loop3A_769, %parallel_loop3A_793 : vector<16xf32>
          %parallel_loop3A_795 = arith.addf %parallel_loop3A_781, %parallel_loop3A_794 : vector<16xf32>
          %parallel_loop3A_796 = arith.subf %parallel_loop3A_792, %parallel_loop3A_786 : vector<16xf32>
          %parallel_loop3A_797 = arith.mulf %parallel_loop3A_761, %parallel_loop3A_796 : vector<16xf32>
          %parallel_loop3A_798 = arith.addf %parallel_loop3A_786, %parallel_loop3A_797 : vector<16xf32>
          %parallel_loop3A_799 = arith.constant 1 : i32
          %parallel_loop3A_800 = arith.index_cast %parallel_loop3A_799 : i32 to index
          %parallel_loop3A_801 = arith.index_cast %parallel_loop3A_368 : i32 to index
          %parallel_loop3A_802 = arith.constant 64 : index
          %parallel_loop3A_803 = tpu.vector_load %arg9[%parallel_loop3A_800, %parallel_loop3A_801, %parallel_loop3A_802] {strides = array<i32>} : memref<2x16x192xf32, #tpu.memory_space<vmem>>, vector<16xf32>,
          tpu.vector_store %arg9[%parallel_loop3A_800, %parallel_loop3A_801, %parallel_loop3A_802], %parallel_loop3A_798 {strides = array<i32>} : memref<2x16x192xf32, #tpu.memory_space<vmem>>, vector<16xf32>,
          %parallel_loop3A_804 = arith.subf %parallel_loop3A_795, %parallel_loop3A_789 : vector<16xf32>
          %parallel_loop3A_805 = arith.mulf %parallel_loop3A_761, %parallel_loop3A_804 : vector<16xf32>
          %parallel_loop3A_806 = arith.addf %parallel_loop3A_789, %parallel_loop3A_805 : vector<16xf32>
          %parallel_loop3A_807 = arith.constant 1 : i32
          %parallel_loop3A_808 = arith.index_cast %parallel_loop3A_807 : i32 to index
          %parallel_loop3A_809 = arith.index_cast %parallel_loop3A_368 : i32 to index
          %parallel_loop3A_810 = arith.constant 64 : index
          %parallel_loop3A_811 = tpu.vector_load %arg10[%parallel_loop3A_808, %parallel_loop3A_809, %parallel_loop3A_810] {strides = array<i32>} : memref<2x16x192xf32, #tpu.memory_space<vmem>>, vector<16xf32>,
          tpu.vector_store %arg10[%parallel_loop3A_808, %parallel_loop3A_809, %parallel_loop3A_810], %parallel_loop3A_806 {strides = array<i32>} : memref<2x16x192xf32, #tpu.memory_space<vmem>>, vector<16xf32>,
          %parallel_loop3A_812 = arith.constant 1 : i32
          %parallel_loop3A_813 = arith.index_cast %parallel_loop3A_812 : i32 to index
          %parallel_loop3A_814 = arith.index_cast %parallel_loop3A_368 : i32 to index
          %parallel_loop3A_815 = arith.constant 80 : index
          %parallel_loop3A_816 = tpu.vector_load %arg7[%parallel_loop3A_813, %parallel_loop3A_814, %parallel_loop3A_815] {strides = array<i32>} : memref<2x16x192xf32, #tpu.memory_space<vmem>>, vector<16xf32>,
          %parallel_loop3A_817 = arith.constant 1 : i32
          %parallel_loop3A_818 = arith.index_cast %parallel_loop3A_817 : i32 to index
          %parallel_loop3A_819 = arith.index_cast %parallel_loop3A_368 : i32 to index
          %parallel_loop3A_820 = arith.constant 80 : index
          %parallel_loop3A_821 = tpu.vector_load %arg8[%parallel_loop3A_818, %parallel_loop3A_819, %parallel_loop3A_820] {strides = array<i32>} : memref<2x16x192xf32, #tpu.memory_space<vmem>>, vector<16xf32>,
          %parallel_loop3A_822 = arith.subf %parallel_loop3A_376, %parallel_loop3A_816 : vector<16xf32>
          %parallel_loop3A_823 = arith.subf %convert_element_type3A, %parallel_loop3A_821 : vector<16xf32>
          %parallel_loop3A_824 = arith.constant 8.000000e+01 : f32
          %parallel_loop3A_825 = vector.broadcast %parallel_loop3A_824 : f32 to vector<16xf32>
          %parallel_loop3A_826 = arith.addf %parallel_loop3A_823, %parallel_loop3A_825 : vector<16xf32>
          %parallel_loop3A_827 = arith.constant 0.000000e+00 : f32
          %parallel_loop3A_828 = vector.broadcast %parallel_loop3A_827 : f32 to vector<16xf32>
          %parallel_loop3A_829 = arith.maximumf %parallel_loop3A_822, %parallel_loop3A_828 : vector<16xf32>
          %parallel_loop3A_830 = arith.constant 1.580000e+02 : f32
          %parallel_loop3A_831 = vector.broadcast %parallel_loop3A_830 : f32 to vector<16xf32>
          %parallel_loop3A_832 = arith.minimumf %parallel_loop3A_829, %parallel_loop3A_831 : vector<16xf32>
          %parallel_loop3A_833 = arith.constant 0.000000e+00 : f32
          %parallel_loop3A_834 = vector.broadcast %parallel_loop3A_833 : f32 to vector<16xf32>
          %parallel_loop3A_835 = arith.maximumf %parallel_loop3A_826, %parallel_loop3A_834 : vector<16xf32>
          %parallel_loop3A_836 = arith.constant 1.900000e+02 : f32
          %parallel_loop3A_837 = vector.broadcast %parallel_loop3A_836 : f32 to vector<16xf32>
          %parallel_loop3A_838 = arith.minimumf %parallel_loop3A_835, %parallel_loop3A_837 : vector<16xf32>
          %parallel_loop3A_839 = arith.fptosi %parallel_loop3A_832 : vector<16xf32> to vector<16xi32>
          %parallel_loop3A_840 = arith.fptosi %parallel_loop3A_838 : vector<16xf32> to vector<16xi32>
          %parallel_loop3A_841 = arith.sitofp %parallel_loop3A_839 : vector<16xi32> to vector<16xf32>
          %parallel_loop3A_842 = arith.subf %parallel_loop3A_822, %parallel_loop3A_841 : vector<16xf32>
          %parallel_loop3A_843 = arith.constant 0.000000e+00 : f32
          %parallel_loop3A_844 = vector.broadcast %parallel_loop3A_843 : f32 to vector<16xf32>
          %parallel_loop3A_845 = arith.maximumf %parallel_loop3A_842, %parallel_loop3A_844 : vector<16xf32>
          %parallel_loop3A_846 = arith.constant 1.000000e+00 : f32
          %parallel_loop3A_847 = vector.broadcast %parallel_loop3A_846 : f32 to vector<16xf32>
          %parallel_loop3A_848 = arith.minimumf %parallel_loop3A_845, %parallel_loop3A_847 : vector<16xf32>
          %parallel_loop3A_849 = arith.sitofp %parallel_loop3A_840 : vector<16xi32> to vector<16xf32>
          %parallel_loop3A_850 = arith.subf %parallel_loop3A_826, %parallel_loop3A_849 : vector<16xf32>
          %parallel_loop3A_851 = arith.constant 0.000000e+00 : f32
          %parallel_loop3A_852 = vector.broadcast %parallel_loop3A_851 : f32 to vector<16xf32>
          %parallel_loop3A_853 = arith.maximumf %parallel_loop3A_850, %parallel_loop3A_852 : vector<16xf32>
          %parallel_loop3A_854 = arith.constant 1.000000e+00 : f32
          %parallel_loop3A_855 = vector.broadcast %parallel_loop3A_854 : f32 to vector<16xf32>
          %parallel_loop3A_856 = arith.minimumf %parallel_loop3A_853, %parallel_loop3A_855 : vector<16xf32>
          %parallel_loop3A_857 = arith.constant 1 : i32
          %parallel_loop3A_858 = vector.broadcast %parallel_loop3A_857 : i32 to vector<16xi32>
          %parallel_loop3A_859 = arith.addi %parallel_loop3A_840, %parallel_loop3A_858 : vector<16xi32>
          %parallel_loop3A_860 = arith.constant 1 : i32
          %parallel_loop3A_861 = vector.broadcast %parallel_loop3A_860 : i32 to vector<16xi32>
          %parallel_loop3A_862 = arith.addi %parallel_loop3A_839, %parallel_loop3A_861 : vector<16xi32>
          %parallel_loop3A_863 = tpu.vector_load_idx %arg5[%parallel_loop3A_839, %parallel_loop3A_840] : memref<160x192xf32, #tpu.memory_space<vmem>>[vector<16xi32>, vector<16xi32>], vector<16xf32>,
          %parallel_loop3A_864 = tpu.vector_load_idx %arg6[%parallel_loop3A_839, %parallel_loop3A_840] : memref<160x192xf32, #tpu.memory_space<vmem>>[vector<16xi32>, vector<16xi32>], vector<16xf32>,
          %parallel_loop3A_865 = tpu.vector_load_idx %arg5[%parallel_loop3A_839, %parallel_loop3A_859] : memref<160x192xf32, #tpu.memory_space<vmem>>[vector<16xi32>, vector<16xi32>], vector<16xf32>,
          %parallel_loop3A_866 = tpu.vector_load_idx %arg6[%parallel_loop3A_839, %parallel_loop3A_859] : memref<160x192xf32, #tpu.memory_space<vmem>>[vector<16xi32>, vector<16xi32>], vector<16xf32>,
          %parallel_loop3A_867 = tpu.vector_load_idx %arg5[%parallel_loop3A_862, %parallel_loop3A_840] : memref<160x192xf32, #tpu.memory_space<vmem>>[vector<16xi32>, vector<16xi32>], vector<16xf32>,
          %parallel_loop3A_868 = tpu.vector_load_idx %arg6[%parallel_loop3A_862, %parallel_loop3A_840] : memref<160x192xf32, #tpu.memory_space<vmem>>[vector<16xi32>, vector<16xi32>], vector<16xf32>,
          %parallel_loop3A_869 = tpu.vector_load_idx %arg5[%parallel_loop3A_862, %parallel_loop3A_859] : memref<160x192xf32, #tpu.memory_space<vmem>>[vector<16xi32>, vector<16xi32>], vector<16xf32>,
          %parallel_loop3A_870 = tpu.vector_load_idx %arg6[%parallel_loop3A_862, %parallel_loop3A_859] : memref<160x192xf32, #tpu.memory_space<vmem>>[vector<16xi32>, vector<16xi32>], vector<16xf32>,
          %parallel_loop3A_871 = arith.subf %parallel_loop3A_865, %parallel_loop3A_863 : vector<16xf32>
          %parallel_loop3A_872 = arith.mulf %parallel_loop3A_856, %parallel_loop3A_871 : vector<16xf32>
          %parallel_loop3A_873 = arith.addf %parallel_loop3A_863, %parallel_loop3A_872 : vector<16xf32>
          %parallel_loop3A_874 = arith.subf %parallel_loop3A_866, %parallel_loop3A_864 : vector<16xf32>
          %parallel_loop3A_875 = arith.mulf %parallel_loop3A_856, %parallel_loop3A_874 : vector<16xf32>
          %parallel_loop3A_876 = arith.addf %parallel_loop3A_864, %parallel_loop3A_875 : vector<16xf32>
          %parallel_loop3A_877 = arith.subf %parallel_loop3A_869, %parallel_loop3A_867 : vector<16xf32>
          %parallel_loop3A_878 = arith.mulf %parallel_loop3A_856, %parallel_loop3A_877 : vector<16xf32>
          %parallel_loop3A_879 = arith.addf %parallel_loop3A_867, %parallel_loop3A_878 : vector<16xf32>
          %parallel_loop3A_880 = arith.subf %parallel_loop3A_870, %parallel_loop3A_868 : vector<16xf32>
          %parallel_loop3A_881 = arith.mulf %parallel_loop3A_856, %parallel_loop3A_880 : vector<16xf32>
          %parallel_loop3A_882 = arith.addf %parallel_loop3A_868, %parallel_loop3A_881 : vector<16xf32>
          %parallel_loop3A_883 = arith.subf %parallel_loop3A_879, %parallel_loop3A_873 : vector<16xf32>
          %parallel_loop3A_884 = arith.mulf %parallel_loop3A_848, %parallel_loop3A_883 : vector<16xf32>
          %parallel_loop3A_885 = arith.addf %parallel_loop3A_873, %parallel_loop3A_884 : vector<16xf32>
          %parallel_loop3A_886 = arith.constant 1 : i32
          %parallel_loop3A_887 = arith.index_cast %parallel_loop3A_886 : i32 to index
          %parallel_loop3A_888 = arith.index_cast %parallel_loop3A_368 : i32 to index
          %parallel_loop3A_889 = arith.constant 80 : index
          %parallel_loop3A_890 = tpu.vector_load %arg9[%parallel_loop3A_887, %parallel_loop3A_888, %parallel_loop3A_889] {strides = array<i32>} : memref<2x16x192xf32, #tpu.memory_space<vmem>>, vector<16xf32>,
          tpu.vector_store %arg9[%parallel_loop3A_887, %parallel_loop3A_888, %parallel_loop3A_889], %parallel_loop3A_885 {strides = array<i32>} : memref<2x16x192xf32, #tpu.memory_space<vmem>>, vector<16xf32>,
          %parallel_loop3A_891 = arith.subf %parallel_loop3A_882, %parallel_loop3A_876 : vector<16xf32>
          %parallel_loop3A_892 = arith.mulf %parallel_loop3A_848, %parallel_loop3A_891 : vector<16xf32>
          %parallel_loop3A_893 = arith.addf %parallel_loop3A_876, %parallel_loop3A_892 : vector<16xf32>
          %parallel_loop3A_894 = arith.constant 1 : i32
          %parallel_loop3A_895 = arith.index_cast %parallel_loop3A_894 : i32 to index
          %parallel_loop3A_896 = arith.index_cast %parallel_loop3A_368 : i32 to index
          %parallel_loop3A_897 = arith.constant 80 : index
          %parallel_loop3A_898 = tpu.vector_load %arg10[%parallel_loop3A_895, %parallel_loop3A_896, %parallel_loop3A_897] {strides = array<i32>} : memref<2x16x192xf32, #tpu.memory_space<vmem>>, vector<16xf32>,
          tpu.vector_store %arg10[%parallel_loop3A_895, %parallel_loop3A_896, %parallel_loop3A_897], %parallel_loop3A_893 {strides = array<i32>} : memref<2x16x192xf32, #tpu.memory_space<vmem>>, vector<16xf32>,
          %parallel_loop3A_899 = arith.constant 1 : i32
          %parallel_loop3A_900 = arith.index_cast %parallel_loop3A_899 : i32 to index
          %parallel_loop3A_901 = arith.index_cast %parallel_loop3A_368 : i32 to index
          %parallel_loop3A_902 = arith.constant 96 : index
          %parallel_loop3A_903 = tpu.vector_load %arg7[%parallel_loop3A_900, %parallel_loop3A_901, %parallel_loop3A_902] {strides = array<i32>} : memref<2x16x192xf32, #tpu.memory_space<vmem>>, vector<16xf32>,
          %parallel_loop3A_904 = arith.constant 1 : i32
          %parallel_loop3A_905 = arith.index_cast %parallel_loop3A_904 : i32 to index
          %parallel_loop3A_906 = arith.index_cast %parallel_loop3A_368 : i32 to index
          %parallel_loop3A_907 = arith.constant 96 : index
          %parallel_loop3A_908 = tpu.vector_load %arg8[%parallel_loop3A_905, %parallel_loop3A_906, %parallel_loop3A_907] {strides = array<i32>} : memref<2x16x192xf32, #tpu.memory_space<vmem>>, vector<16xf32>,
          %parallel_loop3A_909 = arith.subf %parallel_loop3A_376, %parallel_loop3A_903 : vector<16xf32>
          %parallel_loop3A_910 = arith.subf %convert_element_type3A, %parallel_loop3A_908 : vector<16xf32>
          %parallel_loop3A_911 = arith.constant 9.600000e+01 : f32
          %parallel_loop3A_912 = vector.broadcast %parallel_loop3A_911 : f32 to vector<16xf32>
          %parallel_loop3A_913 = arith.addf %parallel_loop3A_910, %parallel_loop3A_912 : vector<16xf32>
          %parallel_loop3A_914 = arith.constant 0.000000e+00 : f32
          %parallel_loop3A_915 = vector.broadcast %parallel_loop3A_914 : f32 to vector<16xf32>
          %parallel_loop3A_916 = arith.maximumf %parallel_loop3A_909, %parallel_loop3A_915 : vector<16xf32>
          %parallel_loop3A_917 = arith.constant 1.580000e+02 : f32
          %parallel_loop3A_918 = vector.broadcast %parallel_loop3A_917 : f32 to vector<16xf32>
          %parallel_loop3A_919 = arith.minimumf %parallel_loop3A_916, %parallel_loop3A_918 : vector<16xf32>
          %parallel_loop3A_920 = arith.constant 0.000000e+00 : f32
          %parallel_loop3A_921 = vector.broadcast %parallel_loop3A_920 : f32 to vector<16xf32>
          %parallel_loop3A_922 = arith.maximumf %parallel_loop3A_913, %parallel_loop3A_921 : vector<16xf32>
          %parallel_loop3A_923 = arith.constant 1.900000e+02 : f32
          %parallel_loop3A_924 = vector.broadcast %parallel_loop3A_923 : f32 to vector<16xf32>
          %parallel_loop3A_925 = arith.minimumf %parallel_loop3A_922, %parallel_loop3A_924 : vector<16xf32>
          %parallel_loop3A_926 = arith.fptosi %parallel_loop3A_919 : vector<16xf32> to vector<16xi32>
          %parallel_loop3A_927 = arith.fptosi %parallel_loop3A_925 : vector<16xf32> to vector<16xi32>
          %parallel_loop3A_928 = arith.sitofp %parallel_loop3A_926 : vector<16xi32> to vector<16xf32>
          %parallel_loop3A_929 = arith.subf %parallel_loop3A_909, %parallel_loop3A_928 : vector<16xf32>
          %parallel_loop3A_930 = arith.constant 0.000000e+00 : f32
          %parallel_loop3A_931 = vector.broadcast %parallel_loop3A_930 : f32 to vector<16xf32>
          %parallel_loop3A_932 = arith.maximumf %parallel_loop3A_929, %parallel_loop3A_931 : vector<16xf32>
          %parallel_loop3A_933 = arith.constant 1.000000e+00 : f32
          %parallel_loop3A_934 = vector.broadcast %parallel_loop3A_933 : f32 to vector<16xf32>
          %parallel_loop3A_935 = arith.minimumf %parallel_loop3A_932, %parallel_loop3A_934 : vector<16xf32>
          %parallel_loop3A_936 = arith.sitofp %parallel_loop3A_927 : vector<16xi32> to vector<16xf32>
          %parallel_loop3A_937 = arith.subf %parallel_loop3A_913, %parallel_loop3A_936 : vector<16xf32>
          %parallel_loop3A_938 = arith.constant 0.000000e+00 : f32
          %parallel_loop3A_939 = vector.broadcast %parallel_loop3A_938 : f32 to vector<16xf32>
          %parallel_loop3A_940 = arith.maximumf %parallel_loop3A_937, %parallel_loop3A_939 : vector<16xf32>
          %parallel_loop3A_941 = arith.constant 1.000000e+00 : f32
          %parallel_loop3A_942 = vector.broadcast %parallel_loop3A_941 : f32 to vector<16xf32>
          %parallel_loop3A_943 = arith.minimumf %parallel_loop3A_940, %parallel_loop3A_942 : vector<16xf32>
          %parallel_loop3A_944 = arith.constant 1 : i32
          %parallel_loop3A_945 = vector.broadcast %parallel_loop3A_944 : i32 to vector<16xi32>
          %parallel_loop3A_946 = arith.addi %parallel_loop3A_927, %parallel_loop3A_945 : vector<16xi32>
          %parallel_loop3A_947 = arith.constant 1 : i32
          %parallel_loop3A_948 = vector.broadcast %parallel_loop3A_947 : i32 to vector<16xi32>
          %parallel_loop3A_949 = arith.addi %parallel_loop3A_926, %parallel_loop3A_948 : vector<16xi32>
          %parallel_loop3A_950 = tpu.vector_load_idx %arg5[%parallel_loop3A_926, %parallel_loop3A_927] : memref<160x192xf32, #tpu.memory_space<vmem>>[vector<16xi32>, vector<16xi32>], vector<16xf32>,
          %parallel_loop3A_951 = tpu.vector_load_idx %arg6[%parallel_loop3A_926, %parallel_loop3A_927] : memref<160x192xf32, #tpu.memory_space<vmem>>[vector<16xi32>, vector<16xi32>], vector<16xf32>,
          %parallel_loop3A_952 = tpu.vector_load_idx %arg5[%parallel_loop3A_926, %parallel_loop3A_946] : memref<160x192xf32, #tpu.memory_space<vmem>>[vector<16xi32>, vector<16xi32>], vector<16xf32>,
          %parallel_loop3A_953 = tpu.vector_load_idx %arg6[%parallel_loop3A_926, %parallel_loop3A_946] : memref<160x192xf32, #tpu.memory_space<vmem>>[vector<16xi32>, vector<16xi32>], vector<16xf32>,
          %parallel_loop3A_954 = tpu.vector_load_idx %arg5[%parallel_loop3A_949, %parallel_loop3A_927] : memref<160x192xf32, #tpu.memory_space<vmem>>[vector<16xi32>, vector<16xi32>], vector<16xf32>,
          %parallel_loop3A_955 = tpu.vector_load_idx %arg6[%parallel_loop3A_949, %parallel_loop3A_927] : memref<160x192xf32, #tpu.memory_space<vmem>>[vector<16xi32>, vector<16xi32>], vector<16xf32>,
          %parallel_loop3A_956 = tpu.vector_load_idx %arg5[%parallel_loop3A_949, %parallel_loop3A_946] : memref<160x192xf32, #tpu.memory_space<vmem>>[vector<16xi32>, vector<16xi32>], vector<16xf32>,
          %parallel_loop3A_957 = tpu.vector_load_idx %arg6[%parallel_loop3A_949, %parallel_loop3A_946] : memref<160x192xf32, #tpu.memory_space<vmem>>[vector<16xi32>, vector<16xi32>], vector<16xf32>,
          %parallel_loop3A_958 = arith.subf %parallel_loop3A_952, %parallel_loop3A_950 : vector<16xf32>
          %parallel_loop3A_959 = arith.mulf %parallel_loop3A_943, %parallel_loop3A_958 : vector<16xf32>
          %parallel_loop3A_960 = arith.addf %parallel_loop3A_950, %parallel_loop3A_959 : vector<16xf32>
          %parallel_loop3A_961 = arith.subf %parallel_loop3A_953, %parallel_loop3A_951 : vector<16xf32>
          %parallel_loop3A_962 = arith.mulf %parallel_loop3A_943, %parallel_loop3A_961 : vector<16xf32>
          %parallel_loop3A_963 = arith.addf %parallel_loop3A_951, %parallel_loop3A_962 : vector<16xf32>
          %parallel_loop3A_964 = arith.subf %parallel_loop3A_956, %parallel_loop3A_954 : vector<16xf32>
          %parallel_loop3A_965 = arith.mulf %parallel_loop3A_943, %parallel_loop3A_964 : vector<16xf32>
          %parallel_loop3A_966 = arith.addf %parallel_loop3A_954, %parallel_loop3A_965 : vector<16xf32>
          %parallel_loop3A_967 = arith.subf %parallel_loop3A_957, %parallel_loop3A_955 : vector<16xf32>
          %parallel_loop3A_968 = arith.mulf %parallel_loop3A_943, %parallel_loop3A_967 : vector<16xf32>
          %parallel_loop3A_969 = arith.addf %parallel_loop3A_955, %parallel_loop3A_968 : vector<16xf32>
          %parallel_loop3A_970 = arith.subf %parallel_loop3A_966, %parallel_loop3A_960 : vector<16xf32>
          %parallel_loop3A_971 = arith.mulf %parallel_loop3A_935, %parallel_loop3A_970 : vector<16xf32>
          %parallel_loop3A_972 = arith.addf %parallel_loop3A_960, %parallel_loop3A_971 : vector<16xf32>
          %parallel_loop3A_973 = arith.constant 1 : i32
          %parallel_loop3A_974 = arith.index_cast %parallel_loop3A_973 : i32 to index
          %parallel_loop3A_975 = arith.index_cast %parallel_loop3A_368 : i32 to index
          %parallel_loop3A_976 = arith.constant 96 : index
          %parallel_loop3A_977 = tpu.vector_load %arg9[%parallel_loop3A_974, %parallel_loop3A_975, %parallel_loop3A_976] {strides = array<i32>} : memref<2x16x192xf32, #tpu.memory_space<vmem>>, vector<16xf32>,
          tpu.vector_store %arg9[%parallel_loop3A_974, %parallel_loop3A_975, %parallel_loop3A_976], %parallel_loop3A_972 {strides = array<i32>} : memref<2x16x192xf32, #tpu.memory_space<vmem>>, vector<16xf32>,
          %parallel_loop3A_978 = arith.subf %parallel_loop3A_969, %parallel_loop3A_963 : vector<16xf32>
          %parallel_loop3A_979 = arith.mulf %parallel_loop3A_935, %parallel_loop3A_978 : vector<16xf32>
          %parallel_loop3A_980 = arith.addf %parallel_loop3A_963, %parallel_loop3A_979 : vector<16xf32>
          %parallel_loop3A_981 = arith.constant 1 : i32
          %parallel_loop3A_982 = arith.index_cast %parallel_loop3A_981 : i32 to index
          %parallel_loop3A_983 = arith.index_cast %parallel_loop3A_368 : i32 to index
          %parallel_loop3A_984 = arith.constant 96 : index
          %parallel_loop3A_985 = tpu.vector_load %arg10[%parallel_loop3A_982, %parallel_loop3A_983, %parallel_loop3A_984] {strides = array<i32>} : memref<2x16x192xf32, #tpu.memory_space<vmem>>, vector<16xf32>,
          tpu.vector_store %arg10[%parallel_loop3A_982, %parallel_loop3A_983, %parallel_loop3A_984], %parallel_loop3A_980 {strides = array<i32>} : memref<2x16x192xf32, #tpu.memory_space<vmem>>, vector<16xf32>,
          %parallel_loop3A_986 = arith.constant 1 : i32
          %parallel_loop3A_987 = arith.index_cast %parallel_loop3A_986 : i32 to index
          %parallel_loop3A_988 = arith.index_cast %parallel_loop3A_368 : i32 to index
          %parallel_loop3A_989 = arith.constant 112 : index
          %parallel_loop3A_990 = tpu.vector_load %arg7[%parallel_loop3A_987, %parallel_loop3A_988, %parallel_loop3A_989] {strides = array<i32>} : memref<2x16x192xf32, #tpu.memory_space<vmem>>, vector<16xf32>,
          %parallel_loop3A_991 = arith.constant 1 : i32
          %parallel_loop3A_992 = arith.index_cast %parallel_loop3A_991 : i32 to index
          %parallel_loop3A_993 = arith.index_cast %parallel_loop3A_368 : i32 to index
          %parallel_loop3A_994 = arith.constant 112 : index
          %parallel_loop3A_995 = tpu.vector_load %arg8[%parallel_loop3A_992, %parallel_loop3A_993, %parallel_loop3A_994] {strides = array<i32>} : memref<2x16x192xf32, #tpu.memory_space<vmem>>, vector<16xf32>,
          %parallel_loop3A_996 = arith.subf %parallel_loop3A_376, %parallel_loop3A_990 : vector<16xf32>
          %parallel_loop3A_997 = arith.subf %convert_element_type3A, %parallel_loop3A_995 : vector<16xf32>
          %parallel_loop3A_998 = arith.constant 1.120000e+02 : f32
          %parallel_loop3A_999 = vector.broadcast %parallel_loop3A_998 : f32 to vector<16xf32>
          %parallel_loop3A_1000 = arith.addf %parallel_loop3A_997, %parallel_loop3A_999 : vector<16xf32>
          %parallel_loop3A_1001 = arith.constant 0.000000e+00 : f32
          %parallel_loop3A_1002 = vector.broadcast %parallel_loop3A_1001 : f32 to vector<16xf32>
          %parallel_loop3A_1003 = arith.maximumf %parallel_loop3A_996, %parallel_loop3A_1002 : vector<16xf32>
          %parallel_loop3A_1004 = arith.constant 1.580000e+02 : f32
          %parallel_loop3A_1005 = vector.broadcast %parallel_loop3A_1004 : f32 to vector<16xf32>
          %parallel_loop3A_1006 = arith.minimumf %parallel_loop3A_1003, %parallel_loop3A_1005 : vector<16xf32>
          %parallel_loop3A_1007 = arith.constant 0.000000e+00 : f32
          %parallel_loop3A_1008 = vector.broadcast %parallel_loop3A_1007 : f32 to vector<16xf32>
          %parallel_loop3A_1009 = arith.maximumf %parallel_loop3A_1000, %parallel_loop3A_1008 : vector<16xf32>
          %parallel_loop3A_1010 = arith.constant 1.900000e+02 : f32
          %parallel_loop3A_1011 = vector.broadcast %parallel_loop3A_1010 : f32 to vector<16xf32>
          %parallel_loop3A_1012 = arith.minimumf %parallel_loop3A_1009, %parallel_loop3A_1011 : vector<16xf32>
          %parallel_loop3A_1013 = arith.fptosi %parallel_loop3A_1006 : vector<16xf32> to vector<16xi32>
          %parallel_loop3A_1014 = arith.fptosi %parallel_loop3A_1012 : vector<16xf32> to vector<16xi32>
          %parallel_loop3A_1015 = arith.sitofp %parallel_loop3A_1013 : vector<16xi32> to vector<16xf32>
          %parallel_loop3A_1016 = arith.subf %parallel_loop3A_996, %parallel_loop3A_1015 : vector<16xf32>
          %parallel_loop3A_1017 = arith.constant 0.000000e+00 : f32
          %parallel_loop3A_1018 = vector.broadcast %parallel_loop3A_1017 : f32 to vector<16xf32>
          %parallel_loop3A_1019 = arith.maximumf %parallel_loop3A_1016, %parallel_loop3A_1018 : vector<16xf32>
          %parallel_loop3A_1020 = arith.constant 1.000000e+00 : f32
          %parallel_loop3A_1021 = vector.broadcast %parallel_loop3A_1020 : f32 to vector<16xf32>
          %parallel_loop3A_1022 = arith.minimumf %parallel_loop3A_1019, %parallel_loop3A_1021 : vector<16xf32>
          %parallel_loop3A_1023 = arith.sitofp %parallel_loop3A_1014 : vector<16xi32> to vector<16xf32>
          %parallel_loop3A_1024 = arith.subf %parallel_loop3A_1000, %parallel_loop3A_1023 : vector<16xf32>
          %parallel_loop3A_1025 = arith.constant 0.000000e+00 : f32
          %parallel_loop3A_1026 = vector.broadcast %parallel_loop3A_1025 : f32 to vector<16xf32>
          %parallel_loop3A_1027 = arith.maximumf %parallel_loop3A_1024, %parallel_loop3A_1026 : vector<16xf32>
          %parallel_loop3A_1028 = arith.constant 1.000000e+00 : f32
          %parallel_loop3A_1029 = vector.broadcast %parallel_loop3A_1028 : f32 to vector<16xf32>
          %parallel_loop3A_1030 = arith.minimumf %parallel_loop3A_1027, %parallel_loop3A_1029 : vector<16xf32>
          %parallel_loop3A_1031 = arith.constant 1 : i32
          %parallel_loop3A_1032 = vector.broadcast %parallel_loop3A_1031 : i32 to vector<16xi32>
          %parallel_loop3A_1033 = arith.addi %parallel_loop3A_1014, %parallel_loop3A_1032 : vector<16xi32>
          %parallel_loop3A_1034 = arith.constant 1 : i32
          %parallel_loop3A_1035 = vector.broadcast %parallel_loop3A_1034 : i32 to vector<16xi32>
          %parallel_loop3A_1036 = arith.addi %parallel_loop3A_1013, %parallel_loop3A_1035 : vector<16xi32>
          %parallel_loop3A_1037 = tpu.vector_load_idx %arg5[%parallel_loop3A_1013, %parallel_loop3A_1014] : memref<160x192xf32, #tpu.memory_space<vmem>>[vector<16xi32>, vector<16xi32>], vector<16xf32>,
          %parallel_loop3A_1038 = tpu.vector_load_idx %arg6[%parallel_loop3A_1013, %parallel_loop3A_1014] : memref<160x192xf32, #tpu.memory_space<vmem>>[vector<16xi32>, vector<16xi32>], vector<16xf32>,
          %parallel_loop3A_1039 = tpu.vector_load_idx %arg5[%parallel_loop3A_1013, %parallel_loop3A_1033] : memref<160x192xf32, #tpu.memory_space<vmem>>[vector<16xi32>, vector<16xi32>], vector<16xf32>,
          %parallel_loop3A_1040 = tpu.vector_load_idx %arg6[%parallel_loop3A_1013, %parallel_loop3A_1033] : memref<160x192xf32, #tpu.memory_space<vmem>>[vector<16xi32>, vector<16xi32>], vector<16xf32>,
          %parallel_loop3A_1041 = tpu.vector_load_idx %arg5[%parallel_loop3A_1036, %parallel_loop3A_1014] : memref<160x192xf32, #tpu.memory_space<vmem>>[vector<16xi32>, vector<16xi32>], vector<16xf32>,
          %parallel_loop3A_1042 = tpu.vector_load_idx %arg6[%parallel_loop3A_1036, %parallel_loop3A_1014] : memref<160x192xf32, #tpu.memory_space<vmem>>[vector<16xi32>, vector<16xi32>], vector<16xf32>,
          %parallel_loop3A_1043 = tpu.vector_load_idx %arg5[%parallel_loop3A_1036, %parallel_loop3A_1033] : memref<160x192xf32, #tpu.memory_space<vmem>>[vector<16xi32>, vector<16xi32>], vector<16xf32>,
          %parallel_loop3A_1044 = tpu.vector_load_idx %arg6[%parallel_loop3A_1036, %parallel_loop3A_1033] : memref<160x192xf32, #tpu.memory_space<vmem>>[vector<16xi32>, vector<16xi32>], vector<16xf32>,
          %parallel_loop3A_1045 = arith.subf %parallel_loop3A_1039, %parallel_loop3A_1037 : vector<16xf32>
          %parallel_loop3A_1046 = arith.mulf %parallel_loop3A_1030, %parallel_loop3A_1045 : vector<16xf32>
          %parallel_loop3A_1047 = arith.addf %parallel_loop3A_1037, %parallel_loop3A_1046 : vector<16xf32>
          %parallel_loop3A_1048 = arith.subf %parallel_loop3A_1040, %parallel_loop3A_1038 : vector<16xf32>
          %parallel_loop3A_1049 = arith.mulf %parallel_loop3A_1030, %parallel_loop3A_1048 : vector<16xf32>
          %parallel_loop3A_1050 = arith.addf %parallel_loop3A_1038, %parallel_loop3A_1049 : vector<16xf32>
          %parallel_loop3A_1051 = arith.subf %parallel_loop3A_1043, %parallel_loop3A_1041 : vector<16xf32>
          %parallel_loop3A_1052 = arith.mulf %parallel_loop3A_1030, %parallel_loop3A_1051 : vector<16xf32>
          %parallel_loop3A_1053 = arith.addf %parallel_loop3A_1041, %parallel_loop3A_1052 : vector<16xf32>
          %parallel_loop3A_1054 = arith.subf %parallel_loop3A_1044, %parallel_loop3A_1042 : vector<16xf32>
          %parallel_loop3A_1055 = arith.mulf %parallel_loop3A_1030, %parallel_loop3A_1054 : vector<16xf32>
          %parallel_loop3A_1056 = arith.addf %parallel_loop3A_1042, %parallel_loop3A_1055 : vector<16xf32>
          %parallel_loop3A_1057 = arith.subf %parallel_loop3A_1053, %parallel_loop3A_1047 : vector<16xf32>
          %parallel_loop3A_1058 = arith.mulf %parallel_loop3A_1022, %parallel_loop3A_1057 : vector<16xf32>
          %parallel_loop3A_1059 = arith.addf %parallel_loop3A_1047, %parallel_loop3A_1058 : vector<16xf32>
          %parallel_loop3A_1060 = arith.constant 1 : i32
          %parallel_loop3A_1061 = arith.index_cast %parallel_loop3A_1060 : i32 to index
          %parallel_loop3A_1062 = arith.index_cast %parallel_loop3A_368 : i32 to index
          %parallel_loop3A_1063 = arith.constant 112 : index
          %parallel_loop3A_1064 = tpu.vector_load %arg9[%parallel_loop3A_1061, %parallel_loop3A_1062, %parallel_loop3A_1063] {strides = array<i32>} : memref<2x16x192xf32, #tpu.memory_space<vmem>>, vector<16xf32>,
          tpu.vector_store %arg9[%parallel_loop3A_1061, %parallel_loop3A_1062, %parallel_loop3A_1063], %parallel_loop3A_1059 {strides = array<i32>} : memref<2x16x192xf32, #tpu.memory_space<vmem>>, vector<16xf32>,
          %parallel_loop3A_1065 = arith.subf %parallel_loop3A_1056, %parallel_loop3A_1050 : vector<16xf32>
          %parallel_loop3A_1066 = arith.mulf %parallel_loop3A_1022, %parallel_loop3A_1065 : vector<16xf32>
          %parallel_loop3A_1067 = arith.addf %parallel_loop3A_1050, %parallel_loop3A_1066 : vector<16xf32>
          %parallel_loop3A_1068 = arith.constant 1 : i32
          %parallel_loop3A_1069 = arith.index_cast %parallel_loop3A_1068 : i32 to index
          %parallel_loop3A_1070 = arith.index_cast %parallel_loop3A_368 : i32 to index
          %parallel_loop3A_1071 = arith.constant 112 : index
          %parallel_loop3A_1072 = tpu.vector_load %arg10[%parallel_loop3A_1069, %parallel_loop3A_1070, %parallel_loop3A_1071] {strides = array<i32>} : memref<2x16x192xf32, #tpu.memory_space<vmem>>, vector<16xf32>,
          tpu.vector_store %arg10[%parallel_loop3A_1069, %parallel_loop3A_1070, %parallel_loop3A_1071], %parallel_loop3A_1067 {strides = array<i32>} : memref<2x16x192xf32, #tpu.memory_space<vmem>>, vector<16xf32>,
          %parallel_loop3A_1073 = arith.constant 1 : i32
          %parallel_loop3A_1074 = arith.index_cast %parallel_loop3A_1073 : i32 to index
          %parallel_loop3A_1075 = arith.index_cast %parallel_loop3A_368 : i32 to index
          %parallel_loop3A_1076 = arith.constant 128 : index
          %parallel_loop3A_1077 = tpu.vector_load %arg7[%parallel_loop3A_1074, %parallel_loop3A_1075, %parallel_loop3A_1076] {strides = array<i32>} : memref<2x16x192xf32, #tpu.memory_space<vmem>>, vector<16xf32>,
          %parallel_loop3A_1078 = arith.constant 1 : i32
          %parallel_loop3A_1079 = arith.index_cast %parallel_loop3A_1078 : i32 to index
          %parallel_loop3A_1080 = arith.index_cast %parallel_loop3A_368 : i32 to index
          %parallel_loop3A_1081 = arith.constant 128 : index
          %parallel_loop3A_1082 = tpu.vector_load %arg8[%parallel_loop3A_1079, %parallel_loop3A_1080, %parallel_loop3A_1081] {strides = array<i32>} : memref<2x16x192xf32, #tpu.memory_space<vmem>>, vector<16xf32>,
          %parallel_loop3A_1083 = arith.subf %parallel_loop3A_376, %parallel_loop3A_1077 : vector<16xf32>
          %parallel_loop3A_1084 = arith.subf %convert_element_type3A, %parallel_loop3A_1082 : vector<16xf32>
          %parallel_loop3A_1085 = arith.constant 1.280000e+02 : f32
          %parallel_loop3A_1086 = vector.broadcast %parallel_loop3A_1085 : f32 to vector<16xf32>
          %parallel_loop3A_1087 = arith.addf %parallel_loop3A_1084, %parallel_loop3A_1086 : vector<16xf32>
          %parallel_loop3A_1088 = arith.constant 0.000000e+00 : f32
          %parallel_loop3A_1089 = vector.broadcast %parallel_loop3A_1088 : f32 to vector<16xf32>
          %parallel_loop3A_1090 = arith.maximumf %parallel_loop3A_1083, %parallel_loop3A_1089 : vector<16xf32>
          %parallel_loop3A_1091 = arith.constant 1.580000e+02 : f32
          %parallel_loop3A_1092 = vector.broadcast %parallel_loop3A_1091 : f32 to vector<16xf32>
          %parallel_loop3A_1093 = arith.minimumf %parallel_loop3A_1090, %parallel_loop3A_1092 : vector<16xf32>
          %parallel_loop3A_1094 = arith.constant 0.000000e+00 : f32
          %parallel_loop3A_1095 = vector.broadcast %parallel_loop3A_1094 : f32 to vector<16xf32>
          %parallel_loop3A_1096 = arith.maximumf %parallel_loop3A_1087, %parallel_loop3A_1095 : vector<16xf32>
          %parallel_loop3A_1097 = arith.constant 1.900000e+02 : f32
          %parallel_loop3A_1098 = vector.broadcast %parallel_loop3A_1097 : f32 to vector<16xf32>
          %parallel_loop3A_1099 = arith.minimumf %parallel_loop3A_1096, %parallel_loop3A_1098 : vector<16xf32>
          %parallel_loop3A_1100 = arith.fptosi %parallel_loop3A_1093 : vector<16xf32> to vector<16xi32>
          %parallel_loop3A_1101 = arith.fptosi %parallel_loop3A_1099 : vector<16xf32> to vector<16xi32>
          %parallel_loop3A_1102 = arith.sitofp %parallel_loop3A_1100 : vector<16xi32> to vector<16xf32>
          %parallel_loop3A_1103 = arith.subf %parallel_loop3A_1083, %parallel_loop3A_1102 : vector<16xf32>
          %parallel_loop3A_1104 = arith.constant 0.000000e+00 : f32
          %parallel_loop3A_1105 = vector.broadcast %parallel_loop3A_1104 : f32 to vector<16xf32>
          %parallel_loop3A_1106 = arith.maximumf %parallel_loop3A_1103, %parallel_loop3A_1105 : vector<16xf32>
          %parallel_loop3A_1107 = arith.constant 1.000000e+00 : f32
          %parallel_loop3A_1108 = vector.broadcast %parallel_loop3A_1107 : f32 to vector<16xf32>
          %parallel_loop3A_1109 = arith.minimumf %parallel_loop3A_1106, %parallel_loop3A_1108 : vector<16xf32>
          %parallel_loop3A_1110 = arith.sitofp %parallel_loop3A_1101 : vector<16xi32> to vector<16xf32>
          %parallel_loop3A_1111 = arith.subf %parallel_loop3A_1087, %parallel_loop3A_1110 : vector<16xf32>
          %parallel_loop3A_1112 = arith.constant 0.000000e+00 : f32
          %parallel_loop3A_1113 = vector.broadcast %parallel_loop3A_1112 : f32 to vector<16xf32>
          %parallel_loop3A_1114 = arith.maximumf %parallel_loop3A_1111, %parallel_loop3A_1113 : vector<16xf32>
          %parallel_loop3A_1115 = arith.constant 1.000000e+00 : f32
          %parallel_loop3A_1116 = vector.broadcast %parallel_loop3A_1115 : f32 to vector<16xf32>
          %parallel_loop3A_1117 = arith.minimumf %parallel_loop3A_1114, %parallel_loop3A_1116 : vector<16xf32>
          %parallel_loop3A_1118 = arith.constant 1 : i32
          %parallel_loop3A_1119 = vector.broadcast %parallel_loop3A_1118 : i32 to vector<16xi32>
          %parallel_loop3A_1120 = arith.addi %parallel_loop3A_1101, %parallel_loop3A_1119 : vector<16xi32>
          %parallel_loop3A_1121 = arith.constant 1 : i32
          %parallel_loop3A_1122 = vector.broadcast %parallel_loop3A_1121 : i32 to vector<16xi32>
          %parallel_loop3A_1123 = arith.addi %parallel_loop3A_1100, %parallel_loop3A_1122 : vector<16xi32>
          %parallel_loop3A_1124 = tpu.vector_load_idx %arg5[%parallel_loop3A_1100, %parallel_loop3A_1101] : memref<160x192xf32, #tpu.memory_space<vmem>>[vector<16xi32>, vector<16xi32>], vector<16xf32>,
          %parallel_loop3A_1125 = tpu.vector_load_idx %arg6[%parallel_loop3A_1100, %parallel_loop3A_1101] : memref<160x192xf32, #tpu.memory_space<vmem>>[vector<16xi32>, vector<16xi32>], vector<16xf32>,
          %parallel_loop3A_1126 = tpu.vector_load_idx %arg5[%parallel_loop3A_1100, %parallel_loop3A_1120] : memref<160x192xf32, #tpu.memory_space<vmem>>[vector<16xi32>, vector<16xi32>], vector<16xf32>,
          %parallel_loop3A_1127 = tpu.vector_load_idx %arg6[%parallel_loop3A_1100, %parallel_loop3A_1120] : memref<160x192xf32, #tpu.memory_space<vmem>>[vector<16xi32>, vector<16xi32>], vector<16xf32>,
          %parallel_loop3A_1128 = tpu.vector_load_idx %arg5[%parallel_loop3A_1123, %parallel_loop3A_1101] : memref<160x192xf32, #tpu.memory_space<vmem>>[vector<16xi32>, vector<16xi32>], vector<16xf32>,
          %parallel_loop3A_1129 = tpu.vector_load_idx %arg6[%parallel_loop3A_1123, %parallel_loop3A_1101] : memref<160x192xf32, #tpu.memory_space<vmem>>[vector<16xi32>, vector<16xi32>], vector<16xf32>,
          %parallel_loop3A_1130 = tpu.vector_load_idx %arg5[%parallel_loop3A_1123, %parallel_loop3A_1120] : memref<160x192xf32, #tpu.memory_space<vmem>>[vector<16xi32>, vector<16xi32>], vector<16xf32>,
          %parallel_loop3A_1131 = tpu.vector_load_idx %arg6[%parallel_loop3A_1123, %parallel_loop3A_1120] : memref<160x192xf32, #tpu.memory_space<vmem>>[vector<16xi32>, vector<16xi32>], vector<16xf32>,
          %parallel_loop3A_1132 = arith.subf %parallel_loop3A_1126, %parallel_loop3A_1124 : vector<16xf32>
          %parallel_loop3A_1133 = arith.mulf %parallel_loop3A_1117, %parallel_loop3A_1132 : vector<16xf32>
          %parallel_loop3A_1134 = arith.addf %parallel_loop3A_1124, %parallel_loop3A_1133 : vector<16xf32>
          %parallel_loop3A_1135 = arith.subf %parallel_loop3A_1127, %parallel_loop3A_1125 : vector<16xf32>
          %parallel_loop3A_1136 = arith.mulf %parallel_loop3A_1117, %parallel_loop3A_1135 : vector<16xf32>
          %parallel_loop3A_1137 = arith.addf %parallel_loop3A_1125, %parallel_loop3A_1136 : vector<16xf32>
          %parallel_loop3A_1138 = arith.subf %parallel_loop3A_1130, %parallel_loop3A_1128 : vector<16xf32>
          %parallel_loop3A_1139 = arith.mulf %parallel_loop3A_1117, %parallel_loop3A_1138 : vector<16xf32>
          %parallel_loop3A_1140 = arith.addf %parallel_loop3A_1128, %parallel_loop3A_1139 : vector<16xf32>
          %parallel_loop3A_1141 = arith.subf %parallel_loop3A_1131, %parallel_loop3A_1129 : vector<16xf32>
          %parallel_loop3A_1142 = arith.mulf %parallel_loop3A_1117, %parallel_loop3A_1141 : vector<16xf32>
          %parallel_loop3A_1143 = arith.addf %parallel_loop3A_1129, %parallel_loop3A_1142 : vector<16xf32>
          %parallel_loop3A_1144 = arith.subf %parallel_loop3A_1140, %parallel_loop3A_1134 : vector<16xf32>
          %parallel_loop3A_1145 = arith.mulf %parallel_loop3A_1109, %parallel_loop3A_1144 : vector<16xf32>
          %parallel_loop3A_1146 = arith.addf %parallel_loop3A_1134, %parallel_loop3A_1145 : vector<16xf32>
          %parallel_loop3A_1147 = arith.constant 1 : i32
          %parallel_loop3A_1148 = arith.index_cast %parallel_loop3A_1147 : i32 to index
          %parallel_loop3A_1149 = arith.index_cast %parallel_loop3A_368 : i32 to index
          %parallel_loop3A_1150 = arith.constant 128 : index
          %parallel_loop3A_1151 = tpu.vector_load %arg9[%parallel_loop3A_1148, %parallel_loop3A_1149, %parallel_loop3A_1150] {strides = array<i32>} : memref<2x16x192xf32, #tpu.memory_space<vmem>>, vector<16xf32>,
          tpu.vector_store %arg9[%parallel_loop3A_1148, %parallel_loop3A_1149, %parallel_loop3A_1150], %parallel_loop3A_1146 {strides = array<i32>} : memref<2x16x192xf32, #tpu.memory_space<vmem>>, vector<16xf32>,
          %parallel_loop3A_1152 = arith.subf %parallel_loop3A_1143, %parallel_loop3A_1137 : vector<16xf32>
          %parallel_loop3A_1153 = arith.mulf %parallel_loop3A_1109, %parallel_loop3A_1152 : vector<16xf32>
          %parallel_loop3A_1154 = arith.addf %parallel_loop3A_1137, %parallel_loop3A_1153 : vector<16xf32>
          %parallel_loop3A_1155 = arith.constant 1 : i32
          %parallel_loop3A_1156 = arith.index_cast %parallel_loop3A_1155 : i32 to index
          %parallel_loop3A_1157 = arith.index_cast %parallel_loop3A_368 : i32 to index
          %parallel_loop3A_1158 = arith.constant 128 : index
          %parallel_loop3A_1159 = tpu.vector_load %arg10[%parallel_loop3A_1156, %parallel_loop3A_1157, %parallel_loop3A_1158] {strides = array<i32>} : memref<2x16x192xf32, #tpu.memory_space<vmem>>, vector<16xf32>,
          tpu.vector_store %arg10[%parallel_loop3A_1156, %parallel_loop3A_1157, %parallel_loop3A_1158], %parallel_loop3A_1154 {strides = array<i32>} : memref<2x16x192xf32, #tpu.memory_space<vmem>>, vector<16xf32>,
          %parallel_loop3A_1160 = arith.constant 1 : i32
          %parallel_loop3A_1161 = arith.index_cast %parallel_loop3A_1160 : i32 to index
          %parallel_loop3A_1162 = arith.index_cast %parallel_loop3A_368 : i32 to index
          %parallel_loop3A_1163 = arith.constant 144 : index
          %parallel_loop3A_1164 = tpu.vector_load %arg7[%parallel_loop3A_1161, %parallel_loop3A_1162, %parallel_loop3A_1163] {strides = array<i32>} : memref<2x16x192xf32, #tpu.memory_space<vmem>>, vector<16xf32>,
          %parallel_loop3A_1165 = arith.constant 1 : i32
          %parallel_loop3A_1166 = arith.index_cast %parallel_loop3A_1165 : i32 to index
          %parallel_loop3A_1167 = arith.index_cast %parallel_loop3A_368 : i32 to index
          %parallel_loop3A_1168 = arith.constant 144 : index
          %parallel_loop3A_1169 = tpu.vector_load %arg8[%parallel_loop3A_1166, %parallel_loop3A_1167, %parallel_loop3A_1168] {strides = array<i32>} : memref<2x16x192xf32, #tpu.memory_space<vmem>>, vector<16xf32>,
          %parallel_loop3A_1170 = arith.subf %parallel_loop3A_376, %parallel_loop3A_1164 : vector<16xf32>
          %parallel_loop3A_1171 = arith.subf %convert_element_type3A, %parallel_loop3A_1169 : vector<16xf32>
          %parallel_loop3A_1172 = arith.constant 1.440000e+02 : f32
          %parallel_loop3A_1173 = vector.broadcast %parallel_loop3A_1172 : f32 to vector<16xf32>
          %parallel_loop3A_1174 = arith.addf %parallel_loop3A_1171, %parallel_loop3A_1173 : vector<16xf32>
          %parallel_loop3A_1175 = arith.constant 0.000000e+00 : f32
          %parallel_loop3A_1176 = vector.broadcast %parallel_loop3A_1175 : f32 to vector<16xf32>
          %parallel_loop3A_1177 = arith.maximumf %parallel_loop3A_1170, %parallel_loop3A_1176 : vector<16xf32>
          %parallel_loop3A_1178 = arith.constant 1.580000e+02 : f32
          %parallel_loop3A_1179 = vector.broadcast %parallel_loop3A_1178 : f32 to vector<16xf32>
          %parallel_loop3A_1180 = arith.minimumf %parallel_loop3A_1177, %parallel_loop3A_1179 : vector<16xf32>
          %parallel_loop3A_1181 = arith.constant 0.000000e+00 : f32
          %parallel_loop3A_1182 = vector.broadcast %parallel_loop3A_1181 : f32 to vector<16xf32>
          %parallel_loop3A_1183 = arith.maximumf %parallel_loop3A_1174, %parallel_loop3A_1182 : vector<16xf32>
          %parallel_loop3A_1184 = arith.constant 1.900000e+02 : f32
          %parallel_loop3A_1185 = vector.broadcast %parallel_loop3A_1184 : f32 to vector<16xf32>
          %parallel_loop3A_1186 = arith.minimumf %parallel_loop3A_1183, %parallel_loop3A_1185 : vector<16xf32>
          %parallel_loop3A_1187 = arith.fptosi %parallel_loop3A_1180 : vector<16xf32> to vector<16xi32>
          %parallel_loop3A_1188 = arith.fptosi %parallel_loop3A_1186 : vector<16xf32> to vector<16xi32>
          %parallel_loop3A_1189 = arith.sitofp %parallel_loop3A_1187 : vector<16xi32> to vector<16xf32>
          %parallel_loop3A_1190 = arith.subf %parallel_loop3A_1170, %parallel_loop3A_1189 : vector<16xf32>
          %parallel_loop3A_1191 = arith.constant 0.000000e+00 : f32
          %parallel_loop3A_1192 = vector.broadcast %parallel_loop3A_1191 : f32 to vector<16xf32>
          %parallel_loop3A_1193 = arith.maximumf %parallel_loop3A_1190, %parallel_loop3A_1192 : vector<16xf32>
          %parallel_loop3A_1194 = arith.constant 1.000000e+00 : f32
          %parallel_loop3A_1195 = vector.broadcast %parallel_loop3A_1194 : f32 to vector<16xf32>
          %parallel_loop3A_1196 = arith.minimumf %parallel_loop3A_1193, %parallel_loop3A_1195 : vector<16xf32>
          %parallel_loop3A_1197 = arith.sitofp %parallel_loop3A_1188 : vector<16xi32> to vector<16xf32>
          %parallel_loop3A_1198 = arith.subf %parallel_loop3A_1174, %parallel_loop3A_1197 : vector<16xf32>
          %parallel_loop3A_1199 = arith.constant 0.000000e+00 : f32
          %parallel_loop3A_1200 = vector.broadcast %parallel_loop3A_1199 : f32 to vector<16xf32>
          %parallel_loop3A_1201 = arith.maximumf %parallel_loop3A_1198, %parallel_loop3A_1200 : vector<16xf32>
          %parallel_loop3A_1202 = arith.constant 1.000000e+00 : f32
          %parallel_loop3A_1203 = vector.broadcast %parallel_loop3A_1202 : f32 to vector<16xf32>
          %parallel_loop3A_1204 = arith.minimumf %parallel_loop3A_1201, %parallel_loop3A_1203 : vector<16xf32>
          %parallel_loop3A_1205 = arith.constant 1 : i32
          %parallel_loop3A_1206 = vector.broadcast %parallel_loop3A_1205 : i32 to vector<16xi32>
          %parallel_loop3A_1207 = arith.addi %parallel_loop3A_1188, %parallel_loop3A_1206 : vector<16xi32>
          %parallel_loop3A_1208 = arith.constant 1 : i32
          %parallel_loop3A_1209 = vector.broadcast %parallel_loop3A_1208 : i32 to vector<16xi32>
          %parallel_loop3A_1210 = arith.addi %parallel_loop3A_1187, %parallel_loop3A_1209 : vector<16xi32>
          %parallel_loop3A_1211 = tpu.vector_load_idx %arg5[%parallel_loop3A_1187, %parallel_loop3A_1188] : memref<160x192xf32, #tpu.memory_space<vmem>>[vector<16xi32>, vector<16xi32>], vector<16xf32>,
          %parallel_loop3A_1212 = tpu.vector_load_idx %arg6[%parallel_loop3A_1187, %parallel_loop3A_1188] : memref<160x192xf32, #tpu.memory_space<vmem>>[vector<16xi32>, vector<16xi32>], vector<16xf32>,
          %parallel_loop3A_1213 = tpu.vector_load_idx %arg5[%parallel_loop3A_1187, %parallel_loop3A_1207] : memref<160x192xf32, #tpu.memory_space<vmem>>[vector<16xi32>, vector<16xi32>], vector<16xf32>,
          %parallel_loop3A_1214 = tpu.vector_load_idx %arg6[%parallel_loop3A_1187, %parallel_loop3A_1207] : memref<160x192xf32, #tpu.memory_space<vmem>>[vector<16xi32>, vector<16xi32>], vector<16xf32>,
          %parallel_loop3A_1215 = tpu.vector_load_idx %arg5[%parallel_loop3A_1210, %parallel_loop3A_1188] : memref<160x192xf32, #tpu.memory_space<vmem>>[vector<16xi32>, vector<16xi32>], vector<16xf32>,
          %parallel_loop3A_1216 = tpu.vector_load_idx %arg6[%parallel_loop3A_1210, %parallel_loop3A_1188] : memref<160x192xf32, #tpu.memory_space<vmem>>[vector<16xi32>, vector<16xi32>], vector<16xf32>,
          %parallel_loop3A_1217 = tpu.vector_load_idx %arg5[%parallel_loop3A_1210, %parallel_loop3A_1207] : memref<160x192xf32, #tpu.memory_space<vmem>>[vector<16xi32>, vector<16xi32>], vector<16xf32>,
          %parallel_loop3A_1218 = tpu.vector_load_idx %arg6[%parallel_loop3A_1210, %parallel_loop3A_1207] : memref<160x192xf32, #tpu.memory_space<vmem>>[vector<16xi32>, vector<16xi32>], vector<16xf32>,
          %parallel_loop3A_1219 = arith.subf %parallel_loop3A_1213, %parallel_loop3A_1211 : vector<16xf32>
          %parallel_loop3A_1220 = arith.mulf %parallel_loop3A_1204, %parallel_loop3A_1219 : vector<16xf32>
          %parallel_loop3A_1221 = arith.addf %parallel_loop3A_1211, %parallel_loop3A_1220 : vector<16xf32>
          %parallel_loop3A_1222 = arith.subf %parallel_loop3A_1214, %parallel_loop3A_1212 : vector<16xf32>
          %parallel_loop3A_1223 = arith.mulf %parallel_loop3A_1204, %parallel_loop3A_1222 : vector<16xf32>
          %parallel_loop3A_1224 = arith.addf %parallel_loop3A_1212, %parallel_loop3A_1223 : vector<16xf32>
          %parallel_loop3A_1225 = arith.subf %parallel_loop3A_1217, %parallel_loop3A_1215 : vector<16xf32>
          %parallel_loop3A_1226 = arith.mulf %parallel_loop3A_1204, %parallel_loop3A_1225 : vector<16xf32>
          %parallel_loop3A_1227 = arith.addf %parallel_loop3A_1215, %parallel_loop3A_1226 : vector<16xf32>
          %parallel_loop3A_1228 = arith.subf %parallel_loop3A_1218, %parallel_loop3A_1216 : vector<16xf32>
          %parallel_loop3A_1229 = arith.mulf %parallel_loop3A_1204, %parallel_loop3A_1228 : vector<16xf32>
          %parallel_loop3A_1230 = arith.addf %parallel_loop3A_1216, %parallel_loop3A_1229 : vector<16xf32>
          %parallel_loop3A_1231 = arith.subf %parallel_loop3A_1227, %parallel_loop3A_1221 : vector<16xf32>
          %parallel_loop3A_1232 = arith.mulf %parallel_loop3A_1196, %parallel_loop3A_1231 : vector<16xf32>
          %parallel_loop3A_1233 = arith.addf %parallel_loop3A_1221, %parallel_loop3A_1232 : vector<16xf32>
          %parallel_loop3A_1234 = arith.constant 1 : i32
          %parallel_loop3A_1235 = arith.index_cast %parallel_loop3A_1234 : i32 to index
          %parallel_loop3A_1236 = arith.index_cast %parallel_loop3A_368 : i32 to index
          %parallel_loop3A_1237 = arith.constant 144 : index
          %parallel_loop3A_1238 = tpu.vector_load %arg9[%parallel_loop3A_1235, %parallel_loop3A_1236, %parallel_loop3A_1237] {strides = array<i32>} : memref<2x16x192xf32, #tpu.memory_space<vmem>>, vector<16xf32>,
          tpu.vector_store %arg9[%parallel_loop3A_1235, %parallel_loop3A_1236, %parallel_loop3A_1237], %parallel_loop3A_1233 {strides = array<i32>} : memref<2x16x192xf32, #tpu.memory_space<vmem>>, vector<16xf32>,
          %parallel_loop3A_1239 = arith.subf %parallel_loop3A_1230, %parallel_loop3A_1224 : vector<16xf32>
          %parallel_loop3A_1240 = arith.mulf %parallel_loop3A_1196, %parallel_loop3A_1239 : vector<16xf32>
          %parallel_loop3A_1241 = arith.addf %parallel_loop3A_1224, %parallel_loop3A_1240 : vector<16xf32>
          %parallel_loop3A_1242 = arith.constant 1 : i32
          %parallel_loop3A_1243 = arith.index_cast %parallel_loop3A_1242 : i32 to index
          %parallel_loop3A_1244 = arith.index_cast %parallel_loop3A_368 : i32 to index
          %parallel_loop3A_1245 = arith.constant 144 : index
          %parallel_loop3A_1246 = tpu.vector_load %arg10[%parallel_loop3A_1243, %parallel_loop3A_1244, %parallel_loop3A_1245] {strides = array<i32>} : memref<2x16x192xf32, #tpu.memory_space<vmem>>, vector<16xf32>,
          tpu.vector_store %arg10[%parallel_loop3A_1243, %parallel_loop3A_1244, %parallel_loop3A_1245], %parallel_loop3A_1241 {strides = array<i32>} : memref<2x16x192xf32, #tpu.memory_space<vmem>>, vector<16xf32>,
          %parallel_loop3A_1247 = arith.constant 1 : i32
          %parallel_loop3A_1248 = arith.index_cast %parallel_loop3A_1247 : i32 to index
          %parallel_loop3A_1249 = arith.index_cast %parallel_loop3A_368 : i32 to index
          %parallel_loop3A_1250 = arith.constant 160 : index
          %parallel_loop3A_1251 = tpu.vector_load %arg7[%parallel_loop3A_1248, %parallel_loop3A_1249, %parallel_loop3A_1250] {strides = array<i32>} : memref<2x16x192xf32, #tpu.memory_space<vmem>>, vector<16xf32>,
          %parallel_loop3A_1252 = arith.constant 1 : i32
          %parallel_loop3A_1253 = arith.index_cast %parallel_loop3A_1252 : i32 to index
          %parallel_loop3A_1254 = arith.index_cast %parallel_loop3A_368 : i32 to index
          %parallel_loop3A_1255 = arith.constant 160 : index
          %parallel_loop3A_1256 = tpu.vector_load %arg8[%parallel_loop3A_1253, %parallel_loop3A_1254, %parallel_loop3A_1255] {strides = array<i32>} : memref<2x16x192xf32, #tpu.memory_space<vmem>>, vector<16xf32>,
          %parallel_loop3A_1257 = arith.subf %parallel_loop3A_376, %parallel_loop3A_1251 : vector<16xf32>
          %parallel_loop3A_1258 = arith.subf %convert_element_type3A, %parallel_loop3A_1256 : vector<16xf32>
          %parallel_loop3A_1259 = arith.constant 1.600000e+02 : f32
          %parallel_loop3A_1260 = vector.broadcast %parallel_loop3A_1259 : f32 to vector<16xf32>
          %parallel_loop3A_1261 = arith.addf %parallel_loop3A_1258, %parallel_loop3A_1260 : vector<16xf32>
          %parallel_loop3A_1262 = arith.constant 0.000000e+00 : f32
          %parallel_loop3A_1263 = vector.broadcast %parallel_loop3A_1262 : f32 to vector<16xf32>
          %parallel_loop3A_1264 = arith.maximumf %parallel_loop3A_1257, %parallel_loop3A_1263 : vector<16xf32>
          %parallel_loop3A_1265 = arith.constant 1.580000e+02 : f32
          %parallel_loop3A_1266 = vector.broadcast %parallel_loop3A_1265 : f32 to vector<16xf32>
          %parallel_loop3A_1267 = arith.minimumf %parallel_loop3A_1264, %parallel_loop3A_1266 : vector<16xf32>
          %parallel_loop3A_1268 = arith.constant 0.000000e+00 : f32
          %parallel_loop3A_1269 = vector.broadcast %parallel_loop3A_1268 : f32 to vector<16xf32>
          %parallel_loop3A_1270 = arith.maximumf %parallel_loop3A_1261, %parallel_loop3A_1269 : vector<16xf32>
          %parallel_loop3A_1271 = arith.constant 1.900000e+02 : f32
          %parallel_loop3A_1272 = vector.broadcast %parallel_loop3A_1271 : f32 to vector<16xf32>
          %parallel_loop3A_1273 = arith.minimumf %parallel_loop3A_1270, %parallel_loop3A_1272 : vector<16xf32>
          %parallel_loop3A_1274 = arith.fptosi %parallel_loop3A_1267 : vector<16xf32> to vector<16xi32>
          %parallel_loop3A_1275 = arith.fptosi %parallel_loop3A_1273 : vector<16xf32> to vector<16xi32>
          %parallel_loop3A_1276 = arith.sitofp %parallel_loop3A_1274 : vector<16xi32> to vector<16xf32>
          %parallel_loop3A_1277 = arith.subf %parallel_loop3A_1257, %parallel_loop3A_1276 : vector<16xf32>
          %parallel_loop3A_1278 = arith.constant 0.000000e+00 : f32
          %parallel_loop3A_1279 = vector.broadcast %parallel_loop3A_1278 : f32 to vector<16xf32>
          %parallel_loop3A_1280 = arith.maximumf %parallel_loop3A_1277, %parallel_loop3A_1279 : vector<16xf32>
          %parallel_loop3A_1281 = arith.constant 1.000000e+00 : f32
          %parallel_loop3A_1282 = vector.broadcast %parallel_loop3A_1281 : f32 to vector<16xf32>
          %parallel_loop3A_1283 = arith.minimumf %parallel_loop3A_1280, %parallel_loop3A_1282 : vector<16xf32>
          %parallel_loop3A_1284 = arith.sitofp %parallel_loop3A_1275 : vector<16xi32> to vector<16xf32>
          %parallel_loop3A_1285 = arith.subf %parallel_loop3A_1261, %parallel_loop3A_1284 : vector<16xf32>
          %parallel_loop3A_1286 = arith.constant 0.000000e+00 : f32
          %parallel_loop3A_1287 = vector.broadcast %parallel_loop3A_1286 : f32 to vector<16xf32>
          %parallel_loop3A_1288 = arith.maximumf %parallel_loop3A_1285, %parallel_loop3A_1287 : vector<16xf32>
          %parallel_loop3A_1289 = arith.constant 1.000000e+00 : f32
          %parallel_loop3A_1290 = vector.broadcast %parallel_loop3A_1289 : f32 to vector<16xf32>
          %parallel_loop3A_1291 = arith.minimumf %parallel_loop3A_1288, %parallel_loop3A_1290 : vector<16xf32>
          %parallel_loop3A_1292 = arith.constant 1 : i32
          %parallel_loop3A_1293 = vector.broadcast %parallel_loop3A_1292 : i32 to vector<16xi32>
          %parallel_loop3A_1294 = arith.addi %parallel_loop3A_1275, %parallel_loop3A_1293 : vector<16xi32>
          %parallel_loop3A_1295 = arith.constant 1 : i32
          %parallel_loop3A_1296 = vector.broadcast %parallel_loop3A_1295 : i32 to vector<16xi32>
          %parallel_loop3A_1297 = arith.addi %parallel_loop3A_1274, %parallel_loop3A_1296 : vector<16xi32>
          %parallel_loop3A_1298 = tpu.vector_load_idx %arg5[%parallel_loop3A_1274, %parallel_loop3A_1275] : memref<160x192xf32, #tpu.memory_space<vmem>>[vector<16xi32>, vector<16xi32>], vector<16xf32>,
          %parallel_loop3A_1299 = tpu.vector_load_idx %arg6[%parallel_loop3A_1274, %parallel_loop3A_1275] : memref<160x192xf32, #tpu.memory_space<vmem>>[vector<16xi32>, vector<16xi32>], vector<16xf32>,
          %parallel_loop3A_1300 = tpu.vector_load_idx %arg5[%parallel_loop3A_1274, %parallel_loop3A_1294] : memref<160x192xf32, #tpu.memory_space<vmem>>[vector<16xi32>, vector<16xi32>], vector<16xf32>,
          %parallel_loop3A_1301 = tpu.vector_load_idx %arg6[%parallel_loop3A_1274, %parallel_loop3A_1294] : memref<160x192xf32, #tpu.memory_space<vmem>>[vector<16xi32>, vector<16xi32>], vector<16xf32>,
          %parallel_loop3A_1302 = tpu.vector_load_idx %arg5[%parallel_loop3A_1297, %parallel_loop3A_1275] : memref<160x192xf32, #tpu.memory_space<vmem>>[vector<16xi32>, vector<16xi32>], vector<16xf32>,
          %parallel_loop3A_1303 = tpu.vector_load_idx %arg6[%parallel_loop3A_1297, %parallel_loop3A_1275] : memref<160x192xf32, #tpu.memory_space<vmem>>[vector<16xi32>, vector<16xi32>], vector<16xf32>,
          %parallel_loop3A_1304 = tpu.vector_load_idx %arg5[%parallel_loop3A_1297, %parallel_loop3A_1294] : memref<160x192xf32, #tpu.memory_space<vmem>>[vector<16xi32>, vector<16xi32>], vector<16xf32>,
          %parallel_loop3A_1305 = tpu.vector_load_idx %arg6[%parallel_loop3A_1297, %parallel_loop3A_1294] : memref<160x192xf32, #tpu.memory_space<vmem>>[vector<16xi32>, vector<16xi32>], vector<16xf32>,
          %parallel_loop3A_1306 = arith.subf %parallel_loop3A_1300, %parallel_loop3A_1298 : vector<16xf32>
          %parallel_loop3A_1307 = arith.mulf %parallel_loop3A_1291, %parallel_loop3A_1306 : vector<16xf32>
          %parallel_loop3A_1308 = arith.addf %parallel_loop3A_1298, %parallel_loop3A_1307 : vector<16xf32>
          %parallel_loop3A_1309 = arith.subf %parallel_loop3A_1301, %parallel_loop3A_1299 : vector<16xf32>
          %parallel_loop3A_1310 = arith.mulf %parallel_loop3A_1291, %parallel_loop3A_1309 : vector<16xf32>
          %parallel_loop3A_1311 = arith.addf %parallel_loop3A_1299, %parallel_loop3A_1310 : vector<16xf32>
          %parallel_loop3A_1312 = arith.subf %parallel_loop3A_1304, %parallel_loop3A_1302 : vector<16xf32>
          %parallel_loop3A_1313 = arith.mulf %parallel_loop3A_1291, %parallel_loop3A_1312 : vector<16xf32>
          %parallel_loop3A_1314 = arith.addf %parallel_loop3A_1302, %parallel_loop3A_1313 : vector<16xf32>
          %parallel_loop3A_1315 = arith.subf %parallel_loop3A_1305, %parallel_loop3A_1303 : vector<16xf32>
          %parallel_loop3A_1316 = arith.mulf %parallel_loop3A_1291, %parallel_loop3A_1315 : vector<16xf32>
          %parallel_loop3A_1317 = arith.addf %parallel_loop3A_1303, %parallel_loop3A_1316 : vector<16xf32>
          %parallel_loop3A_1318 = arith.subf %parallel_loop3A_1314, %parallel_loop3A_1308 : vector<16xf32>
          %parallel_loop3A_1319 = arith.mulf %parallel_loop3A_1283, %parallel_loop3A_1318 : vector<16xf32>
          %parallel_loop3A_1320 = arith.addf %parallel_loop3A_1308, %parallel_loop3A_1319 : vector<16xf32>
          %parallel_loop3A_1321 = arith.constant 1 : i32
          %parallel_loop3A_1322 = arith.index_cast %parallel_loop3A_1321 : i32 to index
          %parallel_loop3A_1323 = arith.index_cast %parallel_loop3A_368 : i32 to index
          %parallel_loop3A_1324 = arith.constant 160 : index
          %parallel_loop3A_1325 = tpu.vector_load %arg9[%parallel_loop3A_1322, %parallel_loop3A_1323, %parallel_loop3A_1324] {strides = array<i32>} : memref<2x16x192xf32, #tpu.memory_space<vmem>>, vector<16xf32>,
          tpu.vector_store %arg9[%parallel_loop3A_1322, %parallel_loop3A_1323, %parallel_loop3A_1324], %parallel_loop3A_1320 {strides = array<i32>} : memref<2x16x192xf32, #tpu.memory_space<vmem>>, vector<16xf32>,
          %parallel_loop3A_1326 = arith.subf %parallel_loop3A_1317, %parallel_loop3A_1311 : vector<16xf32>
          %parallel_loop3A_1327 = arith.mulf %parallel_loop3A_1283, %parallel_loop3A_1326 : vector<16xf32>
          %parallel_loop3A_1328 = arith.addf %parallel_loop3A_1311, %parallel_loop3A_1327 : vector<16xf32>
          %parallel_loop3A_1329 = arith.constant 1 : i32
          %parallel_loop3A_1330 = arith.index_cast %parallel_loop3A_1329 : i32 to index
          %parallel_loop3A_1331 = arith.index_cast %parallel_loop3A_368 : i32 to index
          %parallel_loop3A_1332 = arith.constant 160 : index
          %parallel_loop3A_1333 = tpu.vector_load %arg10[%parallel_loop3A_1330, %parallel_loop3A_1331, %parallel_loop3A_1332] {strides = array<i32>} : memref<2x16x192xf32, #tpu.memory_space<vmem>>, vector<16xf32>,
          tpu.vector_store %arg10[%parallel_loop3A_1330, %parallel_loop3A_1331, %parallel_loop3A_1332], %parallel_loop3A_1328 {strides = array<i32>} : memref<2x16x192xf32, #tpu.memory_space<vmem>>, vector<16xf32>,
          %parallel_loop3A_1334 = arith.constant 1 : i32
          %parallel_loop3A_1335 = arith.index_cast %parallel_loop3A_1334 : i32 to index
          %parallel_loop3A_1336 = arith.index_cast %parallel_loop3A_368 : i32 to index
          %parallel_loop3A_1337 = arith.constant 176 : index
          %parallel_loop3A_1338 = tpu.vector_load %arg7[%parallel_loop3A_1335, %parallel_loop3A_1336, %parallel_loop3A_1337] {strides = array<i32>} : memref<2x16x192xf32, #tpu.memory_space<vmem>>, vector<16xf32>,
          %parallel_loop3A_1339 = arith.constant 1 : i32
          %parallel_loop3A_1340 = arith.index_cast %parallel_loop3A_1339 : i32 to index
          %parallel_loop3A_1341 = arith.index_cast %parallel_loop3A_368 : i32 to index
          %parallel_loop3A_1342 = arith.constant 176 : index
          %parallel_loop3A_1343 = tpu.vector_load %arg8[%parallel_loop3A_1340, %parallel_loop3A_1341, %parallel_loop3A_1342] {strides = array<i32>} : memref<2x16x192xf32, #tpu.memory_space<vmem>>, vector<16xf32>,
          %parallel_loop3A_1344 = arith.subf %parallel_loop3A_376, %parallel_loop3A_1338 : vector<16xf32>
          %parallel_loop3A_1345 = arith.subf %convert_element_type3A, %parallel_loop3A_1343 : vector<16xf32>
          %parallel_loop3A_1346 = arith.constant 1.760000e+02 : f32
          %parallel_loop3A_1347 = vector.broadcast %parallel_loop3A_1346 : f32 to vector<16xf32>
          %parallel_loop3A_1348 = arith.addf %parallel_loop3A_1345, %parallel_loop3A_1347 : vector<16xf32>
          %parallel_loop3A_1349 = arith.constant 0.000000e+00 : f32
          %parallel_loop3A_1350 = vector.broadcast %parallel_loop3A_1349 : f32 to vector<16xf32>
          %parallel_loop3A_1351 = arith.maximumf %parallel_loop3A_1344, %parallel_loop3A_1350 : vector<16xf32>
          %parallel_loop3A_1352 = arith.constant 1.580000e+02 : f32
          %parallel_loop3A_1353 = vector.broadcast %parallel_loop3A_1352 : f32 to vector<16xf32>
          %parallel_loop3A_1354 = arith.minimumf %parallel_loop3A_1351, %parallel_loop3A_1353 : vector<16xf32>
          %parallel_loop3A_1355 = arith.constant 0.000000e+00 : f32
          %parallel_loop3A_1356 = vector.broadcast %parallel_loop3A_1355 : f32 to vector<16xf32>
          %parallel_loop3A_1357 = arith.maximumf %parallel_loop3A_1348, %parallel_loop3A_1356 : vector<16xf32>
          %parallel_loop3A_1358 = arith.constant 1.900000e+02 : f32
          %parallel_loop3A_1359 = vector.broadcast %parallel_loop3A_1358 : f32 to vector<16xf32>
          %parallel_loop3A_1360 = arith.minimumf %parallel_loop3A_1357, %parallel_loop3A_1359 : vector<16xf32>
          %parallel_loop3A_1361 = arith.fptosi %parallel_loop3A_1354 : vector<16xf32> to vector<16xi32>
          %parallel_loop3A_1362 = arith.fptosi %parallel_loop3A_1360 : vector<16xf32> to vector<16xi32>
          %parallel_loop3A_1363 = arith.sitofp %parallel_loop3A_1361 : vector<16xi32> to vector<16xf32>
          %parallel_loop3A_1364 = arith.subf %parallel_loop3A_1344, %parallel_loop3A_1363 : vector<16xf32>
          %parallel_loop3A_1365 = arith.constant 0.000000e+00 : f32
          %parallel_loop3A_1366 = vector.broadcast %parallel_loop3A_1365 : f32 to vector<16xf32>
          %parallel_loop3A_1367 = arith.maximumf %parallel_loop3A_1364, %parallel_loop3A_1366 : vector<16xf32>
          %parallel_loop3A_1368 = arith.constant 1.000000e+00 : f32
          %parallel_loop3A_1369 = vector.broadcast %parallel_loop3A_1368 : f32 to vector<16xf32>
          %parallel_loop3A_1370 = arith.minimumf %parallel_loop3A_1367, %parallel_loop3A_1369 : vector<16xf32>
          %parallel_loop3A_1371 = arith.sitofp %parallel_loop3A_1362 : vector<16xi32> to vector<16xf32>
          %parallel_loop3A_1372 = arith.subf %parallel_loop3A_1348, %parallel_loop3A_1371 : vector<16xf32>
          %parallel_loop3A_1373 = arith.constant 0.000000e+00 : f32
          %parallel_loop3A_1374 = vector.broadcast %parallel_loop3A_1373 : f32 to vector<16xf32>
          %parallel_loop3A_1375 = arith.maximumf %parallel_loop3A_1372, %parallel_loop3A_1374 : vector<16xf32>
          %parallel_loop3A_1376 = arith.constant 1.000000e+00 : f32
          %parallel_loop3A_1377 = vector.broadcast %parallel_loop3A_1376 : f32 to vector<16xf32>
          %parallel_loop3A_1378 = arith.minimumf %parallel_loop3A_1375, %parallel_loop3A_1377 : vector<16xf32>
          %parallel_loop3A_1379 = arith.constant 1 : i32
          %parallel_loop3A_1380 = vector.broadcast %parallel_loop3A_1379 : i32 to vector<16xi32>
          %parallel_loop3A_1381 = arith.addi %parallel_loop3A_1362, %parallel_loop3A_1380 : vector<16xi32>
          %parallel_loop3A_1382 = arith.constant 1 : i32
          %parallel_loop3A_1383 = vector.broadcast %parallel_loop3A_1382 : i32 to vector<16xi32>
          %parallel_loop3A_1384 = arith.addi %parallel_loop3A_1361, %parallel_loop3A_1383 : vector<16xi32>
          %parallel_loop3A_1385 = tpu.vector_load_idx %arg5[%parallel_loop3A_1361, %parallel_loop3A_1362] : memref<160x192xf32, #tpu.memory_space<vmem>>[vector<16xi32>, vector<16xi32>], vector<16xf32>,
          %parallel_loop3A_1386 = tpu.vector_load_idx %arg6[%parallel_loop3A_1361, %parallel_loop3A_1362] : memref<160x192xf32, #tpu.memory_space<vmem>>[vector<16xi32>, vector<16xi32>], vector<16xf32>,
          %parallel_loop3A_1387 = tpu.vector_load_idx %arg5[%parallel_loop3A_1361, %parallel_loop3A_1381] : memref<160x192xf32, #tpu.memory_space<vmem>>[vector<16xi32>, vector<16xi32>], vector<16xf32>,
          %parallel_loop3A_1388 = tpu.vector_load_idx %arg6[%parallel_loop3A_1361, %parallel_loop3A_1381] : memref<160x192xf32, #tpu.memory_space<vmem>>[vector<16xi32>, vector<16xi32>], vector<16xf32>,
          %parallel_loop3A_1389 = tpu.vector_load_idx %arg5[%parallel_loop3A_1384, %parallel_loop3A_1362] : memref<160x192xf32, #tpu.memory_space<vmem>>[vector<16xi32>, vector<16xi32>], vector<16xf32>,
          %parallel_loop3A_1390 = tpu.vector_load_idx %arg6[%parallel_loop3A_1384, %parallel_loop3A_1362] : memref<160x192xf32, #tpu.memory_space<vmem>>[vector<16xi32>, vector<16xi32>], vector<16xf32>,
          %parallel_loop3A_1391 = tpu.vector_load_idx %arg5[%parallel_loop3A_1384, %parallel_loop3A_1381] : memref<160x192xf32, #tpu.memory_space<vmem>>[vector<16xi32>, vector<16xi32>], vector<16xf32>,
          %parallel_loop3A_1392 = tpu.vector_load_idx %arg6[%parallel_loop3A_1384, %parallel_loop3A_1381] : memref<160x192xf32, #tpu.memory_space<vmem>>[vector<16xi32>, vector<16xi32>], vector<16xf32>,
          %parallel_loop3A_1393 = arith.subf %parallel_loop3A_1387, %parallel_loop3A_1385 : vector<16xf32>
          %parallel_loop3A_1394 = arith.mulf %parallel_loop3A_1378, %parallel_loop3A_1393 : vector<16xf32>
          %parallel_loop3A_1395 = arith.addf %parallel_loop3A_1385, %parallel_loop3A_1394 : vector<16xf32>
          %parallel_loop3A_1396 = arith.subf %parallel_loop3A_1388, %parallel_loop3A_1386 : vector<16xf32>
          %parallel_loop3A_1397 = arith.mulf %parallel_loop3A_1378, %parallel_loop3A_1396 : vector<16xf32>
          %parallel_loop3A_1398 = arith.addf %parallel_loop3A_1386, %parallel_loop3A_1397 : vector<16xf32>
          %parallel_loop3A_1399 = arith.subf %parallel_loop3A_1391, %parallel_loop3A_1389 : vector<16xf32>
          %parallel_loop3A_1400 = arith.mulf %parallel_loop3A_1378, %parallel_loop3A_1399 : vector<16xf32>
          %parallel_loop3A_1401 = arith.addf %parallel_loop3A_1389, %parallel_loop3A_1400 : vector<16xf32>
          %parallel_loop3A_1402 = arith.subf %parallel_loop3A_1392, %parallel_loop3A_1390 : vector<16xf32>
          %parallel_loop3A_1403 = arith.mulf %parallel_loop3A_1378, %parallel_loop3A_1402 : vector<16xf32>
          %parallel_loop3A_1404 = arith.addf %parallel_loop3A_1390, %parallel_loop3A_1403 : vector<16xf32>
          %parallel_loop3A_1405 = arith.subf %parallel_loop3A_1401, %parallel_loop3A_1395 : vector<16xf32>
          %parallel_loop3A_1406 = arith.mulf %parallel_loop3A_1370, %parallel_loop3A_1405 : vector<16xf32>
          %parallel_loop3A_1407 = arith.addf %parallel_loop3A_1395, %parallel_loop3A_1406 : vector<16xf32>
          %parallel_loop3A_1408 = arith.constant 1 : i32
          %parallel_loop3A_1409 = arith.index_cast %parallel_loop3A_1408 : i32 to index
          %parallel_loop3A_1410 = arith.index_cast %parallel_loop3A_368 : i32 to index
          %parallel_loop3A_1411 = arith.constant 176 : index
          %parallel_loop3A_1412 = tpu.vector_load %arg9[%parallel_loop3A_1409, %parallel_loop3A_1410, %parallel_loop3A_1411] {strides = array<i32>} : memref<2x16x192xf32, #tpu.memory_space<vmem>>, vector<16xf32>,
          tpu.vector_store %arg9[%parallel_loop3A_1409, %parallel_loop3A_1410, %parallel_loop3A_1411], %parallel_loop3A_1407 {strides = array<i32>} : memref<2x16x192xf32, #tpu.memory_space<vmem>>, vector<16xf32>,
          %parallel_loop3A_1413 = arith.subf %parallel_loop3A_1404, %parallel_loop3A_1398 : vector<16xf32>
          %parallel_loop3A_1414 = arith.mulf %parallel_loop3A_1370, %parallel_loop3A_1413 : vector<16xf32>
          %parallel_loop3A_1415 = arith.addf %parallel_loop3A_1398, %parallel_loop3A_1414 : vector<16xf32>
          %parallel_loop3A_1416 = arith.constant 1 : i32
          %parallel_loop3A_1417 = arith.index_cast %parallel_loop3A_1416 : i32 to index
          %parallel_loop3A_1418 = arith.index_cast %parallel_loop3A_368 : i32 to index
          %parallel_loop3A_1419 = arith.constant 176 : index
          %parallel_loop3A_1420 = tpu.vector_load %arg10[%parallel_loop3A_1417, %parallel_loop3A_1418, %parallel_loop3A_1419] {strides = array<i32>} : memref<2x16x192xf32, #tpu.memory_space<vmem>>, vector<16xf32>,
          tpu.vector_store %arg10[%parallel_loop3A_1417, %parallel_loop3A_1418, %parallel_loop3A_1419], %parallel_loop3A_1415 {strides = array<i32>} : memref<2x16x192xf32, #tpu.memory_space<vmem>>, vector<16xf32>,
        } {sc.loop_unroll_factor = 2 : i64, sc.parallel_access}
        %mul3A_332 = arith.constant 16 : i32
        %mul3A_333 = arith.muli %add3A_283, %mul3A_332 : i32
        %mul3A_334 = arith.constant 16 : i32
        %mul3A_335 = arith.muli %add3A_283, %mul3A_334 : i32
        %dma_start3A_336 = arith.constant 1 : i32
        %dma_start3A_337 = arith.constant 0 : i32
        %dma_start3A_338 = arith.constant 0 : i32
        %dma_start3A_339 = arith.constant 0 : i32
        %dma_start3A_340 = tpu.memref_slice %arg9[%dma_start3A_336, %dma_start3A_338, %dma_start3A_339] : memref<2x16x192xf32, #tpu.memory_space<vmem>> -> memref<1x16x192xf32, #tpu.memory_space<vmem>>
        %dma_start3A_341 = tpu.memref_squeeze %dma_start3A_340 : memref<1x16x192xf32, #tpu.memory_space<vmem>> -> memref<16x192xf32, #tpu.memory_space<vmem>>
        %dma_start3A_342 = arith.constant 0 : i32
        %dma_start3A_343 = tpu.memref_slice %arg4[%add3A_12, %dma_start3A_337, %mul3A_333, %dma_start3A_342] : memref<192x2x160x192xf32, #tpu.memory_space<hbm>> -> memref<1x1x16x192xf32, #tpu.memory_space<hbm>>
        %dma_start3A_344 = tpu.memref_squeeze %dma_start3A_343 : memref<1x1x16x192xf32, #tpu.memory_space<hbm>> -> memref<16x192xf32, #tpu.memory_space<hbm>>
        %dma_start3A_345 = arith.constant 0 : i32
        %dma_start3A_346 = tpu.memref_slice %arg4[%add3A_12, %dma_start3A_337, %mul3A_333, %dma_start3A_345] : memref<192x2x160x192xf32, #tpu.memory_space<hbm>> -> memref<1x1x16x192xf32, #tpu.memory_space<hbm>>
        %dma_start3A_347 = tpu.memref_squeeze %dma_start3A_346 : memref<1x1x16x192xf32, #tpu.memory_space<hbm>> -> memref<16x192xf32, #tpu.memory_space<hbm>>
        %dma_start3A_348 = arith.constant 0 : i32
        %dma_start3A_349 = arith.constant 0 : i32
        %dma_start3A_350 = tpu.memref_slice %arg9[%dma_start3A_336, %dma_start3A_348, %dma_start3A_349] : memref<2x16x192xf32, #tpu.memory_space<vmem>> -> memref<1x16x192xf32, #tpu.memory_space<vmem>>
        %dma_start3A_351 = tpu.memref_squeeze %dma_start3A_350 : memref<1x16x192xf32, #tpu.memory_space<vmem>> -> memref<16x192xf32, #tpu.memory_space<vmem>>
        tpu.enqueue_dma source(%dma_start3A_351 : memref<16x192xf32, #tpu.memory_space<vmem>>) target(%dma_start3A_347 : memref<16x192xf32, #tpu.memory_space<hbm>>) target_semaphore(%arg15 : memref<!tpu.dma_semaphore, #tpu.memory_space<semaphore_mem>>)
        %dma_start3A_352 = arith.constant 1 : i32
        %dma_start3A_353 = arith.constant 1 : i32
        %dma_start3A_354 = arith.constant 0 : i32
        %dma_start3A_355 = arith.constant 0 : i32
        %dma_start3A_356 = tpu.memref_slice %arg10[%dma_start3A_352, %dma_start3A_354, %dma_start3A_355] : memref<2x16x192xf32, #tpu.memory_space<vmem>> -> memref<1x16x192xf32, #tpu.memory_space<vmem>>
        %dma_start3A_357 = tpu.memref_squeeze %dma_start3A_356 : memref<1x16x192xf32, #tpu.memory_space<vmem>> -> memref<16x192xf32, #tpu.memory_space<vmem>>
        %dma_start3A_358 = arith.constant 0 : i32
        %dma_start3A_359 = tpu.memref_slice %arg4[%add3A_12, %dma_start3A_353, %mul3A_335, %dma_start3A_358] : memref<192x2x160x192xf32, #tpu.memory_space<hbm>> -> memref<1x1x16x192xf32, #tpu.memory_space<hbm>>
        %dma_start3A_360 = tpu.memref_squeeze %dma_start3A_359 : memref<1x1x16x192xf32, #tpu.memory_space<hbm>> -> memref<16x192xf32, #tpu.memory_space<hbm>>
        %dma_start3A_361 = arith.constant 0 : i32
        %dma_start3A_362 = tpu.memref_slice %arg4[%add3A_12, %dma_start3A_353, %mul3A_335, %dma_start3A_361] : memref<192x2x160x192xf32, #tpu.memory_space<hbm>> -> memref<1x1x16x192xf32, #tpu.memory_space<hbm>>
        %dma_start3A_363 = tpu.memref_squeeze %dma_start3A_362 : memref<1x1x16x192xf32, #tpu.memory_space<hbm>> -> memref<16x192xf32, #tpu.memory_space<hbm>>
        %dma_start3A_364 = arith.constant 0 : i32
        %dma_start3A_365 = arith.constant 0 : i32
        %dma_start3A_366 = tpu.memref_slice %arg10[%dma_start3A_352, %dma_start3A_364, %dma_start3A_365] : memref<2x16x192xf32, #tpu.memory_space<vmem>> -> memref<1x16x192xf32, #tpu.memory_space<vmem>>
        %dma_start3A_367 = tpu.memref_squeeze %dma_start3A_366 : memref<1x16x192xf32, #tpu.memory_space<vmem>> -> memref<16x192xf32, #tpu.memory_space<vmem>>
        tpu.enqueue_dma source(%dma_start3A_367 : memref<16x192xf32, #tpu.memory_space<vmem>>) target(%dma_start3A_363 : memref<16x192xf32, #tpu.memory_space<hbm>>) target_semaphore(%arg15 : memref<!tpu.dma_semaphore, #tpu.memory_space<semaphore_mem>>)
      }
      %scan3A_87 = arith.constant 5 : i32
      %dma_wait3A_88 = arith.constant 0 : i32
      %dma_wait3A_89 = arith.constant 0 : i32
      %dma_wait3A_90 = arith.constant 0 : i32
      %dma_wait3A_91 = arith.constant 0 : i32
      %dma_wait3A_92 = tpu.memref_slice %arg9[%dma_wait3A_88, %dma_wait3A_90, %dma_wait3A_91] : memref<2x16x192xf32, #tpu.memory_space<vmem>> -> memref<1x16x192xf32, #tpu.memory_space<vmem>>
      %dma_wait3A_93 = tpu.memref_squeeze %dma_wait3A_92 : memref<1x16x192xf32, #tpu.memory_space<vmem>> -> memref<16x192xf32, #tpu.memory_space<vmem>>
      %dma_wait3A_94 = arith.constant 128 : i32
      %dma_wait3A_95 = arith.constant 0 : i32
      %dma_wait3A_96 = tpu.memref_slice %arg4[%add3A_12, %dma_wait3A_89, %dma_wait3A_94, %dma_wait3A_95] : memref<192x2x160x192xf32, #tpu.memory_space<hbm>> -> memref<1x1x16x192xf32, #tpu.memory_space<hbm>>
      %dma_wait3A_97 = tpu.memref_squeeze %dma_wait3A_96 : memref<1x1x16x192xf32, #tpu.memory_space<hbm>> -> memref<16x192xf32, #tpu.memory_space<hbm>>
      %dma_wait3A_98 = arith.constant 128 : i32
      %dma_wait3A_99 = arith.constant 0 : i32
      %dma_wait3A_100 = tpu.memref_slice %arg4[%add3A_12, %dma_wait3A_89, %dma_wait3A_98, %dma_wait3A_99] : memref<192x2x160x192xf32, #tpu.memory_space<hbm>> -> memref<1x1x16x192xf32, #tpu.memory_space<hbm>>
      %dma_wait3A_101 = tpu.memref_squeeze %dma_wait3A_100 : memref<1x1x16x192xf32, #tpu.memory_space<hbm>> -> memref<16x192xf32, #tpu.memory_space<hbm>>
      %dma_wait3A_102 = arith.constant 0 : i32
      %dma_wait3A_103 = arith.constant 0 : i32
      %dma_wait3A_104 = tpu.memref_slice %arg9[%dma_wait3A_88, %dma_wait3A_102, %dma_wait3A_103] : memref<2x16x192xf32, #tpu.memory_space<vmem>> -> memref<1x16x192xf32, #tpu.memory_space<vmem>>
      %dma_wait3A_105 = tpu.memref_squeeze %dma_wait3A_104 : memref<1x16x192xf32, #tpu.memory_space<vmem>> -> memref<16x192xf32, #tpu.memory_space<vmem>>
      tpu.wait_dma2 semaphore(%arg14 : memref<!tpu.dma_semaphore, #tpu.memory_space<semaphore_mem>>) src(%dma_wait3A_105 : memref<16x192xf32, #tpu.memory_space<vmem>>) dst(%dma_wait3A_101 : memref<16x192xf32, #tpu.memory_space<hbm>>)
      %dma_wait3A_106 = arith.constant 0 : i32
      %dma_wait3A_107 = arith.constant 1 : i32
      %dma_wait3A_108 = arith.constant 0 : i32
      %dma_wait3A_109 = arith.constant 0 : i32
      %dma_wait3A_110 = tpu.memref_slice %arg10[%dma_wait3A_106, %dma_wait3A_108, %dma_wait3A_109] : memref<2x16x192xf32, #tpu.memory_space<vmem>> -> memref<1x16x192xf32, #tpu.memory_space<vmem>>
      %dma_wait3A_111 = tpu.memref_squeeze %dma_wait3A_110 : memref<1x16x192xf32, #tpu.memory_space<vmem>> -> memref<16x192xf32, #tpu.memory_space<vmem>>
      %dma_wait3A_112 = arith.constant 128 : i32
      %dma_wait3A_113 = arith.constant 0 : i32
      %dma_wait3A_114 = tpu.memref_slice %arg4[%add3A_12, %dma_wait3A_107, %dma_wait3A_112, %dma_wait3A_113] : memref<192x2x160x192xf32, #tpu.memory_space<hbm>> -> memref<1x1x16x192xf32, #tpu.memory_space<hbm>>
      %dma_wait3A_115 = tpu.memref_squeeze %dma_wait3A_114 : memref<1x1x16x192xf32, #tpu.memory_space<hbm>> -> memref<16x192xf32, #tpu.memory_space<hbm>>
      %dma_wait3A_116 = arith.constant 128 : i32
      %dma_wait3A_117 = arith.constant 0 : i32
      %dma_wait3A_118 = tpu.memref_slice %arg4[%add3A_12, %dma_wait3A_107, %dma_wait3A_116, %dma_wait3A_117] : memref<192x2x160x192xf32, #tpu.memory_space<hbm>> -> memref<1x1x16x192xf32, #tpu.memory_space<hbm>>
      %dma_wait3A_119 = tpu.memref_squeeze %dma_wait3A_118 : memref<1x1x16x192xf32, #tpu.memory_space<hbm>> -> memref<16x192xf32, #tpu.memory_space<hbm>>
      %dma_wait3A_120 = arith.constant 0 : i32
      %dma_wait3A_121 = arith.constant 0 : i32
      %dma_wait3A_122 = tpu.memref_slice %arg10[%dma_wait3A_106, %dma_wait3A_120, %dma_wait3A_121] : memref<2x16x192xf32, #tpu.memory_space<vmem>> -> memref<1x16x192xf32, #tpu.memory_space<vmem>>
      %dma_wait3A_123 = tpu.memref_squeeze %dma_wait3A_122 : memref<1x16x192xf32, #tpu.memory_space<vmem>> -> memref<16x192xf32, #tpu.memory_space<vmem>>
      tpu.wait_dma2 semaphore(%arg14 : memref<!tpu.dma_semaphore, #tpu.memory_space<semaphore_mem>>) src(%dma_wait3A_123 : memref<16x192xf32, #tpu.memory_space<vmem>>) dst(%dma_wait3A_119 : memref<16x192xf32, #tpu.memory_space<hbm>>)
      %dma_wait3A_124 = arith.constant 1 : i32
      %dma_wait3A_125 = arith.constant 0 : i32
      %dma_wait3A_126 = arith.constant 0 : i32
      %dma_wait3A_127 = arith.constant 0 : i32
      %dma_wait3A_128 = tpu.memref_slice %arg9[%dma_wait3A_124, %dma_wait3A_126, %dma_wait3A_127] : memref<2x16x192xf32, #tpu.memory_space<vmem>> -> memref<1x16x192xf32, #tpu.memory_space<vmem>>
      %dma_wait3A_129 = tpu.memref_squeeze %dma_wait3A_128 : memref<1x16x192xf32, #tpu.memory_space<vmem>> -> memref<16x192xf32, #tpu.memory_space<vmem>>
      %dma_wait3A_130 = arith.constant 144 : i32
      %dma_wait3A_131 = arith.constant 0 : i32
      %dma_wait3A_132 = tpu.memref_slice %arg4[%add3A_12, %dma_wait3A_125, %dma_wait3A_130, %dma_wait3A_131] : memref<192x2x160x192xf32, #tpu.memory_space<hbm>> -> memref<1x1x16x192xf32, #tpu.memory_space<hbm>>
      %dma_wait3A_133 = tpu.memref_squeeze %dma_wait3A_132 : memref<1x1x16x192xf32, #tpu.memory_space<hbm>> -> memref<16x192xf32, #tpu.memory_space<hbm>>
      %dma_wait3A_134 = arith.constant 144 : i32
      %dma_wait3A_135 = arith.constant 0 : i32
      %dma_wait3A_136 = tpu.memref_slice %arg4[%add3A_12, %dma_wait3A_125, %dma_wait3A_134, %dma_wait3A_135] : memref<192x2x160x192xf32, #tpu.memory_space<hbm>> -> memref<1x1x16x192xf32, #tpu.memory_space<hbm>>
      %dma_wait3A_137 = tpu.memref_squeeze %dma_wait3A_136 : memref<1x1x16x192xf32, #tpu.memory_space<hbm>> -> memref<16x192xf32, #tpu.memory_space<hbm>>
      %dma_wait3A_138 = arith.constant 0 : i32
      %dma_wait3A_139 = arith.constant 0 : i32
      %dma_wait3A_140 = tpu.memref_slice %arg9[%dma_wait3A_124, %dma_wait3A_138, %dma_wait3A_139] : memref<2x16x192xf32, #tpu.memory_space<vmem>> -> memref<1x16x192xf32, #tpu.memory_space<vmem>>
      %dma_wait3A_141 = tpu.memref_squeeze %dma_wait3A_140 : memref<1x16x192xf32, #tpu.memory_space<vmem>> -> memref<16x192xf32, #tpu.memory_space<vmem>>
      tpu.wait_dma2 semaphore(%arg15 : memref<!tpu.dma_semaphore, #tpu.memory_space<semaphore_mem>>) src(%dma_wait3A_141 : memref<16x192xf32, #tpu.memory_space<vmem>>) dst(%dma_wait3A_137 : memref<16x192xf32, #tpu.memory_space<hbm>>)
      %dma_wait3A_142 = arith.constant 1 : i32
      %dma_wait3A_143 = arith.constant 1 : i32
      %dma_wait3A_144 = arith.constant 0 : i32
      %dma_wait3A_145 = arith.constant 0 : i32
      %dma_wait3A_146 = tpu.memref_slice %arg10[%dma_wait3A_142, %dma_wait3A_144, %dma_wait3A_145] : memref<2x16x192xf32, #tpu.memory_space<vmem>> -> memref<1x16x192xf32, #tpu.memory_space<vmem>>
      %dma_wait3A_147 = tpu.memref_squeeze %dma_wait3A_146 : memref<1x16x192xf32, #tpu.memory_space<vmem>> -> memref<16x192xf32, #tpu.memory_space<vmem>>
      %dma_wait3A_148 = arith.constant 144 : i32
      %dma_wait3A_149 = arith.constant 0 : i32
      %dma_wait3A_150 = tpu.memref_slice %arg4[%add3A_12, %dma_wait3A_143, %dma_wait3A_148, %dma_wait3A_149] : memref<192x2x160x192xf32, #tpu.memory_space<hbm>> -> memref<1x1x16x192xf32, #tpu.memory_space<hbm>>
      %dma_wait3A_151 = tpu.memref_squeeze %dma_wait3A_150 : memref<1x1x16x192xf32, #tpu.memory_space<hbm>> -> memref<16x192xf32, #tpu.memory_space<hbm>>
      %dma_wait3A_152 = arith.constant 144 : i32
      %dma_wait3A_153 = arith.constant 0 : i32
      %dma_wait3A_154 = tpu.memref_slice %arg4[%add3A_12, %dma_wait3A_143, %dma_wait3A_152, %dma_wait3A_153] : memref<192x2x160x192xf32, #tpu.memory_space<hbm>> -> memref<1x1x16x192xf32, #tpu.memory_space<hbm>>
      %dma_wait3A_155 = tpu.memref_squeeze %dma_wait3A_154 : memref<1x1x16x192xf32, #tpu.memory_space<hbm>> -> memref<16x192xf32, #tpu.memory_space<hbm>>
      %dma_wait3A_156 = arith.constant 0 : i32
      %dma_wait3A_157 = arith.constant 0 : i32
      %dma_wait3A_158 = tpu.memref_slice %arg10[%dma_wait3A_142, %dma_wait3A_156, %dma_wait3A_157] : memref<2x16x192xf32, #tpu.memory_space<vmem>> -> memref<1x16x192xf32, #tpu.memory_space<vmem>>
      %dma_wait3A_159 = tpu.memref_squeeze %dma_wait3A_158 : memref<1x16x192xf32, #tpu.memory_space<vmem>> -> memref<16x192xf32, #tpu.memory_space<vmem>>
      tpu.wait_dma2 semaphore(%arg15 : memref<!tpu.dma_semaphore, #tpu.memory_space<semaphore_mem>>) src(%dma_wait3A_159 : memref<16x192xf32, #tpu.memory_space<vmem>>) dst(%dma_wait3A_155 : memref<16x192xf32, #tpu.memory_space<hbm>>)
    }
    %scan3A_4 = arith.constant 6 : i32
    return
  }
}

</mosaic_0001>

<sc_bundles>
// kernel: kernel.3.cloned.1.call-start
scs
__scs_entry_jumppad:
0x0: {  	(pc) =	sbr.rel $0x88, $3  }
0x1: {  	(tag) =	ssettag $0x0;
	lr =	simm.s32 $0x1  }
0x2: {  	[smem:$0x3F9F] =	sst lr;
	_ =	strace $0xD0000000  }
0x3: {  	_ = 	snop  }
0x4: {  	_ = 	snop  }
0x5: {  	_ = 	snop  }
0x6: {  	_ = 	snop  }
0x7: {  	_ = 	snop  }
__scs_overlays_trampoline_lowered:
0x8: {  	[smem:$0x3FAE] =	sst s0  }
0x9: {  	[smem:$0x3FAF] =	sst s1  }
0xa: {  	[smem:$0x3FB0] =	sst s2  }
0xb: {  	[smem:$0x3FB1] =	sst s3  }
0xc: {  	[smem:$0x3FB2] =	sst s4  }
0xd: {  	[smem:$0x3FB3] =	sst s5  }
0xe: {  	[smem:$0x3FB4] =	sst s6  }
0xf: {  	[smem:$0x3FB5] =	sst s7  }
0x10: {  	[smem:$0x3FB6] =	sst s8  }
0x11: {  	[smem:$0x3FB7] =	sst s9;
	s0 =	simm.s32 @!p0 $0x0  }
0x12: {  	s1 =	sld [smem:$0x3F9D];
	s0 =	simm.s32 @p0 $0x1  }
0x13: {  	[smem:$0x3FB8] =	sst s0;
	s0 =	simm.s32 @!p1 $0x0  }
0x14: {  	s2 =	sld [smem:$0x3F9C];
	s0 =	simm.s32 @p1 $0x1  }
0x15: {  	[smem:$0x3FB9] =	sst s0;
	s0 =	simm.s32 @!p2 $0x0  }
0x16: {  	s3 =	sld [smem:$0x3FDB];
	s0 =	simm.s32 @p2 $0x1  }
0x17: {  	s4 =	simm.s32 $0x1BF5;
	[smem:$0x3FBB] =	sst s0  }
0x18: {  	s0 =	sld [smem:$0x3F9E];
	_ =	swait.ge [sflag:s4], $0x0  }
0x19: {  	s7 =	sld [smem:$0x3F9F]  }
0x1a: {  	s8 =	sadd.s32 $0xFFFFE003, lr  }
0x1b: {  	s9 =	sadd.s32 $0xFFFFFEF7, lr;
	s5 =	simm.s32 $0xFFFFFFFF;
	p2 =	slt.u32 s8, $0xFFFFF086  }
0x1c: {  	p1 =	slt.u32 s9, $0xF7A;
	s5 =	simm.s32 @!p2 $0x0  }
0x1d: {  	s5 =	simm.s32 @p1 $0x1;
	p0 =	seq.s32 s7, s2  }
0x1e: {  	s7 =	smul.u32 @!p0 $0xF7A, s2;
	p2 =	seq.s32 @!p0 s5, $0x0  }
0x1f: {  	s9 =	smul.u32 $0xF7A, s1;
	s8 =	simm.s32 @!p0 $0x1BF5;
	p2 =	por !p2, p0  }
0x20: {  	[sflag:s8] =	ssyncset.s32 @!p0 $0xFFFFF086;
	s6 =	sadd.s32 @!p0 s3, s7;
	s7 =	simm.s32 @!p0 $0x108  }
0x21: {  	s3 =	sadd.s32 s3, s9;
	s6 =	sadd.s32 @!p0 $0x88, s6;
	s7 =	simm.s32 @p2 $0x1082  }
0x22: {  	[simem:s7], [sflag:s8] =	dma.local @!p0 [hbm:s6], $0xF7A  }
0x23: {  	s9 =	sor.u32 $0xD0000000, s2;
	s6 =	simm.s32 $0x108;
	_ =	swait.ge @!p0 [sflag:s8], $0x0  }
0x24: {  	s3 =	sadd.s32 $0x88, s3;
	s6 =	simm.s32 @!p1 $0x1082;
	[sflag:s4] =	ssyncset.s32 $0xFFFFF086  }
0x25: {  	[simem:s6], [sflag:s4] =	dma.local [hbm:s3], $0xF7A  }
0x26: {  	[smem:$0x3F9F] =	sst s1;
	(tag) =	ssettag s2;
	_ =	strace s9  }
0x27: {  	s1 =	sld [smem:$0x3FAF]  }
0x28: {  	s2 =	sld [smem:$0x3FB0]  }
0x29: {  	s4 =	sld [smem:$0x3FB2]  }
0x2a: {  	p0 =	seq.s32 s5, $0x0;
	s5 =	sld [smem:$0x3FB3]  }
0x2b: {  	s6 =	sld [smem:$0x3FB4]  }
0x2c: {  	s7 =	sld [smem:$0x3FB5]  }
0x2d: {  	s3 =	simm.s32 $0x108;
	s8 =	sld [smem:$0x3FB6]  }
0x2e: {  	s3 =	simm.s32 @!p0 $0x1082;
	s9 =	sld [smem:$0x3FB7]  }
0x2f: {  	lr =	sadd.s32 s0, s3;
	s0 =	sld [smem:$0x3FAE]  }
0x30: {  	s3 =	sld [smem:$0x3FB1]  }
0x31: {  	[smem:$0x3FBA] =	sst s10  }
0x32: {  	s10 =	sld [smem:$0x3FB8];
	_ =	sdelay $0x3  }
0x33: {  	p0 =	seq.s32 s10, $0x1;
	s10 =	sld [smem:$0x3FBA];
	_ =	sdelay $0x3  }
0x34: {  	[smem:$0x3FBA] =	sst s10  }
0x35: {  	s10 =	sld [smem:$0x3FB9];
	_ =	sdelay $0x3  }
0x36: {  	p1 =	seq.s32 s10, $0x1;
	s10 =	sld [smem:$0x3FBA];
	_ =	sdelay $0x3  }
0x37: {  	[smem:$0x3FBA] =	sst s10  }
0x38: {  	s10 =	sld [smem:$0x3FBB]  }
0x39: {  	_ = 	snop;
	(pc) =	sbr.ind lr, $3  }
0x3a: {  	_ = 	snop  }
0x3b: {  	_ = 	snop  }
0x3c: {  	p2 =	seq.s32 s10, $0x1;
	s10 =	sld [smem:$0x3FBA]  }
0x3d: {  	_ =	shalt  }
0x3e: {  	_ =	shalt  }
0x3f: {  	_ =	shalt  }
0x40: {  	_ =	shalt  }
0x41: {  	_ =	shalt  }
0x42: {  	_ =	shalt  }
0x43: {  	_ =	shalt  }
0x44: {  	_ =	shalt  }
0x45: {  	_ =	shalt  }
0x46: {  	_ =	shalt  }
0x47: {  	_ =	shalt  }
0x48: {  	_ =	shalt  }
0x49: {  	_ =	shalt  }
0x4a: {  	_ =	shalt  }
0x4b: {  	_ =	shalt  }
0x4c: {  	_ =	shalt  }
0x4d: {  	_ =	shalt  }
0x4e: {  	_ =	shalt  }
0x4f: {  	_ =	shalt  }
0x50: {  	_ =	shalt  }
0x51: {  	_ =	shalt  }
0x52: {  	_ =	shalt  }
0x53: {  	_ =	shalt  }
0x54: {  	_ =	shalt  }
0x55: {  	_ =	shalt  }
0x56: {  	_ =	shalt  }
0x57: {  	_ =	shalt  }
0x58: {  	_ =	shalt  }
0x59: {  	_ =	shalt  }
0x5a: {  	_ =	shalt  }
0x5b: {  	_ =	shalt  }
0x5c: {  	_ =	shalt  }
0x5d: {  	_ =	shalt  }
0x5e: {  	_ =	shalt  }
0x5f: {  	_ =	shalt  }
0x60: {  	_ =	shalt  }
0x61: {  	_ =	shalt  }
0x62: {  	_ =	shalt  }
0x63: {  	_ =	shalt  }
0x64: {  	_ =	shalt  }
0x65: {  	_ =	shalt  }
0x66: {  	_ =	shalt  }
0x67: {  	_ =	shalt  }
0x68: {  	_ =	shalt  }
0x69: {  	_ =	shalt  }
0x6a: {  	_ =	shalt  }
0x6b: {  	_ =	shalt  }
0x6c: {  	_ =	shalt  }
0x6d: {  	_ =	shalt  }
0x6e: {  	_ =	shalt  }
0x6f: {  	_ =	shalt  }
0x70: {  	_ =	shalt  }
0x71: {  	_ =	shalt  }
0x72: {  	_ =	shalt  }
0x73: {  	_ =	shalt  }
0x74: {  	_ =	shalt  }
0x75: {  	_ =	shalt  }
0x76: {  	_ =	shalt  }
0x77: {  	_ =	shalt  }
0x78: {  	_ =	shalt  }
0x79: {  	_ =	shalt  }
0x7a: {  	_ =	shalt  }
0x7b: {  	_ =	shalt  }
0x7c: {  	_ =	shalt  }
0x7d: {  	_ =	shalt  }
0x7e: {  	_ =	shalt  }
0x7f: {  	_ =	shalt  }
0x80: {  	_ =	shalt  }
0x81: {  	_ =	shalt  }
0x82: {  	_ =	shalt  }
0x83: {  	_ =	shalt  }
0x84: {  	_ =	shalt  }
0x85: {  	_ =	shalt  }
0x86: {  	_ =	shalt  }
0x87: {  	_ =	shalt  }
.Lfunc_end0:
.L_simem_size_0:
called_computation.1_lowered:
.L_overlay_start_0:
0x88: {  	s2 =	sld [smem:$0x3FD9]  }
0x89: {  	s3 =	sld [smem:$0x3FFE];
	_ =	sdelay $0x1  }
0x8a: {  	s1 =	srdreg.scid  }
0x8b: {  	s0 =	sand.u32 $0x1, s1  }
0x8c: {  	s17 =	sshll.u32 s0, $0xA;
	s2 =	sadd.s32 s3, s2  }
0x8d: {  	s2 =	sadd.s32 s2, s17  }
0x8e: {  	[smem:$0x3FC6] =	sst s2  }
0x8f: {  	_ = 	snop  }
0x90: {  	s2 =	sld [smem:$0x3FD0];
	(tm) =	ssettm $0x1  }
0x91: {  	s18 =	sld [smem:$0x3FFB];
	_ =	sdelay $0x3  }
0x92: {  	_ =	strace s18  }
0x93: {  	s3 =	sld [smem:$0x3FFC];
	_ =	sdelay $0x3  }
0x94: {  	_ =	strace s3  }
0x95: {  	s3 =	sld [smem:$0x3FFD];
	_ =	sdelay $0x3  }
0x96: {  	_ =	strace s3  }
0x97: {  	_ =	strace $0x8FFFFFFF  }
0x98: {  	s19 =	sld [smem:$0x3FDB];
	_ =	sdelay $0x1  }
0x99: {  	s4 =	simm.s32 $_scs_section_size  }
0x9a: {  	s5 =	simm.s32 $_size__tile_overlayer_lowered;
	s6 =	simm.s32 $_tile_overlayer_lowered  }
0x9b: {  	s22 =	simm.s32 $0x1BFF;
	s21 =	sshll.u32 s6, $0x1;
	s3 =	sadd.s32 s4, s19  }
0x9c: {  	s7 =	simm.s32 $0x0;
	s20 =	sshll.u32 s5, $0x1;
	s5 =	sadd.s32 s21, s3  }
0x9d: {  	[timem:s7], [sflag:s22] =	dma.local [hbm:s5], s20  }
0x9e: {  	_ =	swait.ge [sflag:s22], s20  }
0x9f: {  	s4 =	ssub.s32 $0x0, s20;
	[sflag:s22] =	ssyncset.done $0x0  }
0xa0: {  	[sflag:s22] =	ssyncadd.s32 s4;
	_ =	sdelay $0x1  }
0xa1: {  	s23 =	simm.s32 $0x1B8B  }
0xa2: {  	_ =	swait.ge [sflag:s23], $0x1  }
0xa3: {  	[sflag:s23] =	ssyncset.done $0x0  }
0xa4: {  	s25 =	simm.s32 $0x1B8E;
	s24 =	sld [smem:$0x3FFE];
	[sflag:s23] =	ssyncadd.s32 $0xFFFFFFFF  }
0xa5: {  	s26 =	simm.s32 $execute0_lowered;
	[smem:$0x3FD2] =	sst s25  }
0xa6: {  	s5 =	sshll.u32 s26, $0x1;
	_ =	strace $0x80000046;
	[dreg:$0x1] =	wrdreg $0xFFFFFFFF  }
0xa7: {  	s28 =	simm.s32 $_size_execute0_lowered;
	s3 =	sadd.s32 s3, s5;
	[dreg:$0x0] =	wrdreg $0x0  }
0xa8: {  	s5 =	sshll.u32 s28, $0x1;
	[dreg:$0x2] =	wrdreg s3  }
0xa9: {  	[dreg:$0x3] =	wrdreg s5  }
0xaa: {  	[dreg:$0x4] =	wrdreg $0xC0  }
0xab: {  	_ =	task [dreg:s7], $0x5FFFF  }
0xac: {  	[dreg:$0x1] =	wrdreg $0xFFFFFFFF  }
0xad: {  	[dreg:$0x0] =	wrdreg $0x60  }
0xae: {  	[dreg:$0x2] =	wrdreg s24  }
0xaf: {  	[dreg:$0x3] =	wrdreg s2  }
0xb0: {  	[dreg:$0x4] =	wrdreg $0x9  }
0xb1: {  	_ =	task.clear_ibuf [dreg:s7], $0x5FFFF;
	_ =	strace $0x90000046  }
0xb2: {  	s29 =	simm.s32 $0x9;
	_ =	strace $0x80000048  }
0xb3: {  	_ =	swait.ge [sflag:s29], $0x1  }
0xb4: {  	[sflag:s29] =	ssyncadd.s32 $0xFFFFFFFF  }
0xb5: {  	_ =	strace $0x90000048  }
0xb6: {  	_ =	sfence  }
0xb7: {  	s30 =	sld [smem:$0x0];
	_ =	sdelay $0x2  }
0xb8: {  	s31 =	sshll.u32 s1, $0xD;
	s1 =	sshrl.u32 s1, $0x2  }
0xb9: {  	s3 =	sand.u32 $0x4000, s31;
	s1 =	sadd.s32 s1, s30  }
0xba: {  	s0 =	sor.u32 s3, s0;
	s1 =	sshll.u32 s1, $0x11  }
0xbb: {  	s0 =	sor.u32 s1, s0  }
0xbc: {  	s0 =	sadd.s32 $0x8F2B, s0  }
0xbd: {  	[sflag:s0] =	ssyncadd.remote.s32 $0x1  }
0xbe: {  	_ =	sfence.sel $0xFFFF  }
0xbf: {  	[dreg:$0x0] =	wrdreg $0xFFFFFFFF;
	(pc) =	sbr.abs _section_cstart, $3  }
0xc0: {  	[dreg:$0x1] =	wrdreg $0xFFFFFFFF  }
0xc1: {  	_ =	task.clear_ibuf [dreg:s7], $0x2FFFF;
	_ =	strace $0x9FFFFFFF  }
0xc2: {  	(tm) =	ssettm $0x7FFFFFFF  }
0xc3: {  	_ =	shalt  }
tec
execute0_lowered:
.L_overlay_start_1:
0x0: {  	(tag) =	ssettag $0x1  }
0x1: {  	v0 =	vimm.f32 $1.500000000e+01;
	vm0 =	vcmask $0x300  }
0x2: {  	vm14 =	vcmask $0x704;
	v0 =	vsel vm0, $0x0, v0  }
0x3: {  	vm15 =	vcmask $0xB08;
	v0 =	vsel vm14, $0x3F800000, v0  }
0x4: {  	vm4 =	vcmask $0xF0C;
	v0 =	vsel vm15, $0x40000000, v0  }
0x5: {  	vm5 =	vcmask $0x1310;
	v0 =	vsel vm4, $0x40400000, v0  }
0x6: {  	s0 =	rddreg [dreg:$0x0];
	vm6 =	vcmask $0x1714;
	v0 =	vsel vm5, $0x40800000, v0  }
0x7: {  	s1 =	rddreg [dreg:$0x1];
	s3 =	srdreg.scid;
	s2 =	simm.s32 $0x0;
	vm7 =	vcmask $0x1B18;
	v0 =	vsel vm6, $0x40A00000, v0  }
0x8: {  	s4 =	stileid.u32;
	vm8 =	vcmask $0x1F1C;
	s11 =	simm.s32 $0x1;
	s12 =	simm.s32 $0xFC00;
	v0 =	vsel vm7, $0x40C00000, v0  }
0x9: {  	vm9 =	vcmask $0x2320;
	s13 =	simm.s32 $0x11400;
	s14 =	simm.s32 $0x2;
	s15 =	simm.s32 $0x12000;
	v0 =	vsel vm8, $0x40E00000, v0  }
0xa: {  	vm10 =	vcmask $0x2724;
	s16 =	simm.s32 $0x13800;
	s17 =	simm.s32 $0x3;
	s18 =	simm.s32 $0x12C00;
	v0 =	vsel vm9, $0x41000000, v0  }
0xb: {  	vm11 =	vcmask $0x2B28;
	s19 =	simm.s32 $0x14400;
	s20 =	simm.s32 $0x4;
	s3 =	sand.u32 $0x1, s3;
	v0 =	vsel vm10, $0x41100000, v0  }
0xc: {  	vm12 =	vcmask $0x2F2C;
	s21 =	simm.s32 $0x5;
	[smem:$0x7FF] =	sst s2;
	s5 =	ssub.s32 $0x2, s3;
	v0 =	vsel vm11, $0x41200000, v0  }
0xd: {  	vm13 =	vcmask $0x3330;
	s7 =	sshll.u32 s4, $0x1;
	s4 =	sadd.s32 $0x800, s0;
	s6 =	sshrl.u32 s5, $0x1;
	v0 =	vsel vm12, $0x41300000, v0  }
0xe: {  	_ =	strace $0x80000047;
	s3 =	sor.u32 s3, s7;
	vm14 =	vcmask $0x3734;
	s8 =	ssub.s32 s5, s6;
	v0 =	vsel vm13, $0x41400000, v0  }
0xf: {  	vm15 =	vcmask $0x3B38;
	s5 =	sadd.s32 $0x168800, s0;
	s6 =	smul.u32 $0x6, s3;
	s31 =	smax.u32 s8, $0x1;
	v0 =	vsel vm14, $0x41500000, v0  }
0x10: {  	s3 =	simm.s32 $0x0;
	s8 =	simm.s32 $0x7800;
	[dreg:$0x3] =	wrdreg s31;
	v0 =	vsel vm15, $0x41600000, v0  }
.LBB2_1:
0x11: {  	[dreg:$0x4] =	wrdreg s3;
	s23 =	simm.s32 $0x0  }
.LBB2_2:
0x12: {  	s0 =	sadd.s32 s6, s23  }
0x13: {  	s24 =	smul.u32 $0xF000, s0;
	_ =	sdelay $0x1  }
0x14: {  	s3 =	sshrl.u32 s24, $0x3  }
0x15: {  	s25 =	simm.s32 $0x0;
	s26 =	smul.u32 $0x16800, s0;
	s3 =	sadd.s32 s4, s3  }
0x16: {  	[tilespmem:s25], [sflag:$0x1] =	stream.linear.gather [hbm4b:s3+s25], $0x7800, $0x38;
	[tilespmem:$0x15000] =	vst v63  }
0x17: {  	s0 =	sshrl.u32 s26, $0x3;
	s3 =	sadd.s32 $0xF00, s3  }
0x18: {  	[tilespmem:s8], [sflag:$0x1] =	stream.linear.gather [hbm4b:s3+s25], $0x7800, $0x38;
	[tilespmem:$0x15000] =	vst v63  }
0x19: {  	s30 =	simm.s32 $0xF000;
	s0 =	sadd.s32 s5, s0  }
0x1a: {  	[tilespmem:s30], [sflag:$0x2] =	stream.linear.gather [hbm4b:s0+s25], $0xC00, $0x38;
	[tilespmem:$0x15000] =	vst v63  }
0x1b: {  	s31 =	simm.s32 $0x10800;
	s0 =	sadd.s32 $0xF00, s0  }
0x1c: {  	[tilespmem:s31], [sflag:$0x2] =	stream.linear.gather [hbm4b:s0+s25], $0xC00, $0x38;
	[tilespmem:$0x15000] =	vst v63  }
0x1d: {  	_ =	swait.ge [sflag:s11], $0x7800  }
0x1e: {  	[sflag:s11] =	ssyncset.done $0x0  }
0x1f: {  	[sflag:s11] =	ssyncadd.s32 $0xFFFF8800  }
0x20: {  	_ =	swait.ge [sflag:s11], $0x7800  }
0x21: {  	[sflag:s11] =	ssyncset.done $0x0  }
0x22: {  	s29 =	simm.s32 $0x0;
	s28 =	sadd.s32 $0x1800, s26;
	[sflag:s11] =	ssyncadd.s32 $0xFFFF8800  }
.LBB2_3:
0x23: {  	s0 =	sshll.u32 s29, $0x5  }
0x24: {  	s0 =	sor.u32 $0x10, s0  }
0x25: {  	s30 =	smul.u32 $0xC0, s0;
	_ =	sdelay $0x1  }
0x26: {  	s0 =	sadd.s32 s26, s30  }
0x27: {  	s0 =	sshrl.u32 s0, $0x3  }
0x28: {  	s0 =	sadd.s32 s5, s0  }
0x29: {  	[tilespmem:s12], [sflag:$0x3] =	stream.linear.gather [hbm4b:s0+s2], $0xC00, $0x38;
	[tilespmem:$0x15000] =	vst v63  }
0x2a: {  	s0 =	sadd.s32 $0xF00, s0  }
0x2b: {  	[tilespmem:s13], [sflag:$0x3] =	stream.linear.gather [hbm4b:s0+s2], $0xC00, $0x38;
	[tilespmem:$0x15000] =	vst v63  }
0x2c: {  	_ =	swait.ge [sflag:s14], $0xC00  }
0x2d: {  	[sflag:s14] =	ssyncset.done $0x0  }
0x2e: {  	[sflag:s14] =	ssyncadd.s32 $0xFFFFF400  }
0x2f: {  	_ =	swait.ge [sflag:s14], $0xC00  }
0x30: {  	p0 =	seq.s32 s29, $0x0;
	[sflag:s14] =	ssyncset.done $0x0  }
0x31: {  	s0 =	simm.s32 @!p0 $0x4;
	[sflag:s14] =	ssyncadd.s32 $0xFFFFF400  }
0x32: {  	_ =	swait.ge @!p0 [sflag:s0], $0xC00  }
0x33: {  	[sflag:s0] =	ssyncset.done @!p0 $0x0  }
0x34: {  	[sflag:s0] =	ssyncadd.s32 @!p0 $0xFFFFF400  }
0x35: {  	s31 =	simm.s32 $0xFFFFFFFE;
	_ =	swait.ge @!p0 [sflag:s0], $0xC00  }
0x36: {  	s3 =	simm.s32 $0x108C0;
	s7 =	simm.s32 $0x120C0;
	[sflag:s0] =	ssyncset.done @!p0 $0x0  }
0x37: {  	s22 =	simm.s32 $0x138C0;
	[sflag:s0] =	ssyncadd.s32 @!p0 $0xFFFFF400;
	s0 =	simm.s32 $0xF0C0  }
.LBB2_4:
0x38: {  	s9 =	sadd.s32 s31, s25  }
0x39: {  	s10 =	sadd.s32 $0x2, s9  }
0x3a: {  	v2 =	vld [tilespmem:s0+$0xFFFFFF40];
	v1 =	vmov s10  }
0x3b: {  	v3 =	vld [tilespmem:s3+$0xFFFFFF40];
	v1 =	vcvt.s32.f32 v1;
	_ =	sdelay $0x1  }
0x3c: {  	v1 =	vbroadcast v1, $0x0;
	_ =	sdelay $0x1  }
0x3d: {  	v4 =	vsub.f32 v1, v2  }
0x3e: {  	v3 =	vsub.f32 v0, v3  }
0x3f: {  	v2 =	vmax.f32 v4, $0.0e+00  }
0x40: {  	v5 =	vmax.f32 v3, $0.0e+00;
	v2 =	vmin.f32 v2, $1.580000000e+02  }
0x41: {  	v5 =	vmin.f32 v5, $1.900000000e+02;
	v2 =	vtrunc.f32 v2  }
0x42: {  	v6 =	vcvt.f32.s32 v2;
	v2 =	vtrunc.f32 v5  }
0x43: {  	s9 =	sadd.s32 $0x3, s9;
	v5 =	vcvt.f32.s32 v2  }
0x44: {  	v8 =	vld [tilespmem:s0+$0x0];
	v2 =	vmov s9;
	v7 =	vmul.u32 $0xC0, v6  }
0x45: {  	v10 =	vld [tilespmem:s3+$0x0];
	v2 =	vcvt.s32.f32 v2;
	v9 =	vand.u32 $0xFFFFFFF8, v5  }
0x46: {  	v11 =	vadd.s32 $0x1, v5;
	v12 =	vand.u32 $0x7, v5;
	v13 =	vadd.s32 v7, v9  }
0x47: {  	v14 =	vand.u32 $0xFFFFFFF8, v11;
	v2 =	vbroadcast v2, $0x0;
	v13 =	vor.u32 v12, v13  }
0x48: {  	v11 =	vand.u32 $0x7, v11;
	v15 =	vadd.s32 v7, v14  }
0x49: {  	v7 =	vadd.s32 $0xC0, v7;
	v15 =	vor.u32 v11, v15;
	v8 =	vsub.f32 v2, v8  }
0x4a: {  	v10 =	vsub.f32 v0, v10;
	v9 =	vadd.s32 v9, v7  }
0x4b: {  	v9 =	vor.u32 v12, v9;
	v48 =	vmax.f32 v8, $0.0e+00  }
0x4c: {  	v49 =	vmax.f32 v10, $0.0e+00;
	v7 =	vadd.s32 v7, v14;
	v12 =	vmin.f32 v48, $1.580000000e+02;
	v16 =	vld.idx.msk [tilespmem:v13+s2+$0x0], $0xffff  }
0x4d: {  	v50 =	vmin.f32 v49, $1.900000000e+02;
	v7 =	vor.u32 v11, v7;
	v13 =	vld.idx.msk [tilespmem:v13+s8+$0x0], $0xffff;
	v12 =	vtrunc.f32 v12  }
0x4e: {  	v11 =	vtrunc.f32 v50;
	v51 =	vld.idx.msk [tilespmem:v15+s2+$0x0], $0xffff;
	v12 =	vcvt.f32.s32 v12  }
0x4f: {  	v11 =	vcvt.f32.s32 v11;
	v15 =	vld.idx.msk [tilespmem:v15+s8+$0x0], $0xffff  }
0x50: {  	v17 =	vld.idx.msk [tilespmem:v9+s2+$0x0], $0xffff;
	v18 =	vmul.u32 $0xC0, v12  }
0x51: {  	v5 =	vcvt.s32.f32 v5;
	v19 =	vand.u32 $0xFFFFFFF8, v11;
	v9 =	vld.idx.msk [tilespmem:v9+s8+$0x0], $0xffff  }
0x52: {  	v21 =	vadd.s32 $0x1, v11;
	v22 =	vand.u32 $0x7, v11;
	v20 =	vld.idx.msk [tilespmem:v7+s2+$0x0], $0xffff;
	v23 =	vadd.s32 v18, v19  }
0x53: {  	v3 =	vsub.f32 v3, v5;
	v54 =	vand.u32 $0xFFFFFFF8, v21;
	v52 =	vld.idx.msk [tilespmem:v7+s8+$0x0], $0xffff;
	v53 =	vor.u32 v22, v23  }
0x54: {  	v21 =	vand.u32 $0x7, v21;
	v24 =	vadd.s32 v18, v54  }
0x55: {  	v3 =	vmax.f32 v3, $0.0e+00;
	v18 =	vadd.s32 $0xC0, v18;
	v24 =	vor.u32 v21, v24  }
0x56: {  	v6 =	vcvt.s32.f32 v6;
	v3 =	vmin.f32 v3, $1.000000000e+00;
	v19 =	vadd.s32 v19, v18  }
0x57: {  	v14 =	vsub.f32 v51, v16;
	v20 =	vsub.f32 v20, v17;
	v19 =	vor.u32 v22, v19  }
0x58: {  	v15 =	vsub.f32 v15, v13;
	v18 =	vadd.s32 v18, v54;
	v5 =	vsub.f32 v52, v9;
	v55 =	vld.idx.msk [tilespmem:v53+s2+$0x0], $0xffff  }
0x59: {  	v18 =	vor.u32 v21, v18;
	v14 =	vmul.f32 v3, v14;
	v20 =	vmul.f32 v20, v3;
	v7 =	vld.idx.msk [tilespmem:v53+s8+$0x0], $0xffff  }
0x5a: {  	v4 =	vsub.f32 v4, v6;
	v56 =	vmul.f32 v3, v15;
	v3 =	vmul.f32 v5, v3;
	v57 =	vld.idx.msk [tilespmem:v24+s2+$0x0], $0xffff  }
0x5b: {  	v14 =	vadd.f32 v14, v16;
	v58 =	vadd.f32 v20, v17;
	v59 =	vld.idx.msk [tilespmem:v24+s8+$0x0], $0xffff  }
0x5c: {  	v6 =	vadd.f32 v56, v13;
	v3 =	vadd.f32 v3, v9;
	v60 =	vld.idx.msk [tilespmem:v19+s2+$0x0], $0xffff  }
0x5d: {  	v4 =	vmax.f32 v4, $0.0e+00;
	v62 =	vld.idx.msk [tilespmem:v19+s8+$0x0], $0xffff;
	v61 =	vsub.f32 v58, v14  }
0x5e: {  	v4 =	vmin.f32 v4, $1.000000000e+00;
	v63 =	vld.idx.msk [tilespmem:v18+s2+$0x0], $0xffff;
	v3 =	vsub.f32 v3, v6  }
0x5f: {  	v11 =	vcvt.s32.f32 v11;
	v18 =	vld.idx.msk [tilespmem:v18+s8+$0x0], $0xffff;
	v13 =	vmul.f32 v61, v4  }
0x60: {  	v3 =	vmul.f32 v3, v4  }
0x61: {  	v10 =	vsub.f32 v10, v11;
	v21 =	vadd.f32 v13, v14  }
0x62: {  	v23 =	vcvt.s32.f32 v12;
	v3 =	vadd.f32 v3, v6  }
0x63: {  	v24 =	vmax.f32 v10, $0.0e+00;
	v5 =	vsub.f32 v57, v55;
	v25 =	vsub.f32 v63, v60;
	[tilespmem:s7+$0xFFFFFF40] =	vst v21  }
0x64: {  	v26 =	vsub.f32 v59, v7;
	v27 =	vsub.f32 v18, v62;
	[tilespmem:s22+$0xFFFFFF40] =	vst v3;
	v3 =	vmin.f32 v24, $1.000000000e+00  }
0x65: {  	v28 =	vld [tilespmem:s3+$0xFFFFFF50];
	v5 =	vmul.f32 v3, v5;
	v10 =	vmul.f32 v25, v3  }
0x66: {  	v6 =	vsub.f32 v8, v23;
	v29 =	vld [tilespmem:s0+$0xFFFFFF50];
	v4 =	vmul.f32 v3, v26;
	v3 =	vmul.f32 v27, v3  }
0x67: {  	v5 =	vadd.f32 v5, v55;
	v30 =	vadd.f32 v10, v60  }
0x68: {  	v4 =	vadd.f32 v4, v7;
	v3 =	vadd.f32 v3, v62  }
0x69: {  	v6 =	vmax.f32 v6, $0.0e+00;
	v31 =	vsub.f32 v30, v5  }
0x6a: {  	v6 =	vmin.f32 v6, $1.000000000e+00;
	v3 =	vsub.f32 v3, v4;
	v32 =	vsub.f32 v0, v28  }
0x6b: {  	v33 =	vsub.f32 v1, v29;
	v7 =	vmul.f32 v31, v6  }
0x6c: {  	v3 =	vmul.f32 v3, v6;
	v8 =	vadd.f32 $1.600000000e+01, v32  }
0x6d: {  	v34 =	vmax.f32 v33, $0.0e+00;
	v5 =	vadd.f32 v7, v5  }
0x6e: {  	v6 =	vmin.f32 v34, $1.580000000e+02;
	v3 =	vadd.f32 v3, v4;
	v35 =	vmax.f32 v8, $0.0e+00  }
0x6f: {  	v6 =	vtrunc.f32 v6;
	v36 =	vmin.f32 v35, $1.900000000e+02;
	[tilespmem:s7+$0x0] =	vst v5  }
0x70: {  	v37 =	vcvt.f32.s32 v6;
	v4 =	vtrunc.f32 v36;
	[tilespmem:s22+$0x0] =	vst v3  }
0x71: {  	v3 =	vcvt.f32.s32 v4;
	v38 =	vld [tilespmem:s3+$0x10]  }
0x72: {  	v6 =	vmul.u32 $0xC0, v37;
	v39 =	vld [tilespmem:s0+$0x10]  }
0x73: {  	v40 =	vand.u32 $0xFFFFFFF8, v3  }
0x74: {  	v41 =	vadd.s32 $0x1, v3;
	v42 =	vand.u32 $0x7, v3;
	v43 =	vadd.s32 v6, v40  }
0x75: {  	v44 =	vand.u32 $0xFFFFFFF8, v41;
	v13 =	vor.u32 v42, v43  }
0x76: {  	v11 =	vand.u32 $0x7, v41;
	v45 =	vadd.s32 v6, v44;
	v4 =	vsub.f32 v0, v38  }
0x77: {  	v6 =	vadd.s32 $0xC0, v6;
	v15 =	vor.u32 v11, v45;
	v7 =	vsub.f32 v2, v39  }
0x78: {  	v10 =	vadd.s32 v6, v40;
	v4 =	vadd.f32 $1.600000000e+01, v4  }
0x79: {  	v10 =	vor.u32 v42, v10;
	v46 =	vmax.f32 v7, $0.0e+00  }
0x7a: {  	v6 =	vadd.s32 v6, v44;
	v12 =	vmin.f32 v46, $1.580000000e+02;
	v47 =	vld.idx.msk [tilespmem:v13+s2+$0x0], $0xffff;
	v48 =	vmax.f32 v4, $0.0e+00  }
0x7b: {  	v6 =	vor.u32 v11, v6;
	v13 =	vld.idx.msk [tilespmem:v13+s8+$0x0], $0xffff;
	v12 =	vtrunc.f32 v12;
	v49 =	vmin.f32 v48, $1.900000000e+02  }
0x7c: {  	v50 =	vld.idx.msk [tilespmem:v15+s2+$0x0], $0xffff;
	v12 =	vcvt.f32.s32 v12;
	v11 =	vtrunc.f32 v49  }
0x7d: {  	v15 =	vld.idx.msk [tilespmem:v15+s8+$0x0], $0xffff;
	v11 =	vcvt.f32.s32 v11  }
0x7e: {  	v51 =	vld.idx.msk [tilespmem:v10+s2+$0x0], $0xffff;
	v52 =	vmul.u32 $0xC0, v12  }
0x7f: {  	v10 =	vld.idx.msk [tilespmem:v10+s8+$0x0], $0xffff;
	v53 =	vand.u32 $0xFFFFFFF8, v11  }
0x80: {  	v3 =	vcvt.s32.f32 v3;
	v54 =	vld.idx.msk [tilespmem:v6+s2+$0x0], $0xffff;
	v56 =	vand.u32 $0x7, v11;
	v57 =	vadd.s32 v52, v53  }
0x81: {  	v6 =	vld.idx.msk [tilespmem:v6+s8+$0x0], $0xffff;
	v55 =	vadd.s32 $0x1, v11;
	v18 =	vadd.s32 $0xC0, v52;
	v58 =	vor.u32 v56, v57  }
0x82: {  	v3 =	vsub.f32 v8, v3;
	v59 =	vand.u32 $0xFFFFFFF8, v55;
	v19 =	vadd.s32 v18, v53  }
0x83: {  	v21 =	vand.u32 $0x7, v55;
	v60 =	vadd.s32 v52, v59;
	v19 =	vor.u32 v56, v19  }
0x84: {  	v5 =	vcvt.s32.f32 v37;
	v3 =	vmax.f32 v3, $0.0e+00;
	v24 =	vor.u32 v21, v60  }
0x85: {  	v3 =	vmin.f32 v3, $1.000000000e+00;
	v14 =	vsub.f32 v50, v47;
	v20 =	vsub.f32 v54, v51  }
0x86: {  	v15 =	vsub.f32 v15, v13;
	v6 =	vsub.f32 v6, v10;
	v18 =	vadd.s32 v18, v59;
	v61 =	vld.idx.msk [tilespmem:v58+s2+$0x0], $0xffff  }
0x87: {  	v14 =	vmul.f32 v3, v14;
	v18 =	vor.u32 v21, v18;
	v20 =	vmul.f32 v3, v20;
	v8 =	vld.idx.msk [tilespmem:v58+s8+$0x0], $0xffff  }
0x88: {  	v5 =	vsub.f32 v33, v5;
	v62 =	vmul.f32 v3, v15;
	v3 =	vmul.f32 v6, v3;
	v26 =	vld.idx.msk [tilespmem:v19+s8+$0x0], $0xffff  }
0x89: {  	v14 =	vadd.f32 v14, v47;
	v21 =	vadd.f32 v20, v51;
	v63 =	vld.idx.msk [tilespmem:v24+s2+$0x0], $0xffff  }
0x8a: {  	v9 =	vadd.f32 v62, v13;
	v3 =	vadd.f32 v3, v10;
	v23 =	vld.idx.msk [tilespmem:v24+s8+$0x0], $0xffff  }
0x8b: {  	v5 =	vmax.f32 v5, $0.0e+00;
	v24 =	vld.idx.msk [tilespmem:v19+s2+$0x0], $0xffff;
	v25 =	vsub.f32 v21, v14  }
0x8c: {  	v5 =	vmin.f32 v5, $1.000000000e+00;
	v3 =	vsub.f32 v3, v9;
	v27 =	vld.idx.msk [tilespmem:v18+s2+$0x0], $0xffff  }
0x8d: {  	v11 =	vcvt.s32.f32 v11;
	v18 =	vld.idx.msk [tilespmem:v18+s8+$0x0], $0xffff;
	v13 =	vmul.f32 v25, v5  }
0x8e: {  	v3 =	vmul.f32 v3, v5  }
0x8f: {  	v4 =	vsub.f32 v4, v11;
	v28 =	vadd.f32 v13, v14  }
0x90: {  	v29 =	vcvt.s32.f32 v12;
	v3 =	vadd.f32 v3, v9  }
0x91: {  	v4 =	vmax.f32 v4, $0.0e+00;
	v30 =	vsub.f32 v63, v61;
	v31 =	vsub.f32 v27, v24;
	[tilespmem:s7+$0xFFFFFF50] =	vst v28  }
0x92: {  	v32 =	vsub.f32 v23, v8;
	v33 =	vsub.f32 v18, v26;
	[tilespmem:s22+$0xFFFFFF50] =	vst v3;
	v3 =	vmin.f32 v4, $1.000000000e+00  }
0x93: {  	v34 =	vld [tilespmem:s3+$0xFFFFFF60];
	v5 =	vmul.f32 v3, v30;
	v6 =	vmul.f32 v3, v31  }
0x94: {  	v7 =	vsub.f32 v7, v29;
	v35 =	vld [tilespmem:s0+$0xFFFFFF60];
	v4 =	vmul.f32 v3, v32;
	v3 =	vmul.f32 v33, v3  }
0x95: {  	v5 =	vadd.f32 v5, v61;
	v6 =	vadd.f32 v6, v24  }
0x96: {  	v4 =	vadd.f32 v4, v8;
	v3 =	vadd.f32 v3, v26  }
0x97: {  	v7 =	vmax.f32 v7, $0.0e+00;
	v6 =	vsub.f32 v6, v5  }
0x98: {  	v7 =	vmin.f32 v7, $1.000000000e+00;
	v3 =	vsub.f32 v3, v4;
	v36 =	vsub.f32 v0, v34  }
0x99: {  	v37 =	vsub.f32 v1, v35;
	v6 =	vmul.f32 v6, v7  }
0x9a: {  	v3 =	vmul.f32 v3, v7;
	v8 =	vadd.f32 $3.200000000e+01, v36  }
0x9b: {  	v38 =	vmax.f32 v37, $0.0e+00;
	v5 =	vadd.f32 v6, v5  }
0x9c: {  	v39 =	vmin.f32 v38, $1.580000000e+02;
	v3 =	vadd.f32 v3, v4;
	v40 =	vmax.f32 v8, $0.0e+00  }
0x9d: {  	v6 =	vtrunc.f32 v39;
	v41 =	vmin.f32 v40, $1.900000000e+02;
	[tilespmem:s7+$0x10] =	vst v5  }
0x9e: {  	v42 =	vcvt.f32.s32 v6;
	v4 =	vtrunc.f32 v41;
	[tilespmem:s22+$0x10] =	vst v3  }
0x9f: {  	v3 =	vcvt.f32.s32 v4;
	v43 =	vld [tilespmem:s3+$0x20]  }
0xa0: {  	v6 =	vmul.u32 $0xC0, v42;
	v44 =	vld [tilespmem:s0+$0x20]  }
0xa1: {  	v45 =	vand.u32 $0xFFFFFFF8, v3  }
0xa2: {  	v46 =	vadd.s32 $0x1, v3;
	v47 =	vand.u32 $0x7, v3;
	v48 =	vadd.s32 v6, v45  }
0xa3: {  	v49 =	vand.u32 $0xFFFFFFF8, v46;
	v13 =	vor.u32 v47, v48  }
0xa4: {  	v11 =	vand.u32 $0x7, v46;
	v50 =	vadd.s32 v6, v49;
	v4 =	vsub.f32 v0, v43  }
0xa5: {  	v6 =	vadd.s32 $0xC0, v6;
	v15 =	vor.u32 v11, v50;
	v7 =	vsub.f32 v2, v44  }
0xa6: {  	v10 =	vadd.s32 v6, v45;
	v4 =	vadd.f32 $3.200000000e+01, v4  }
0xa7: {  	v10 =	vor.u32 v47, v10;
	v51 =	vmax.f32 v7, $0.0e+00  }
0xa8: {  	v6 =	vadd.s32 v6, v49;
	v12 =	vmin.f32 v51, $1.580000000e+02;
	v52 =	vld.idx.msk [tilespmem:v13+s2+$0x0], $0xffff;
	v53 =	vmax.f32 v4, $0.0e+00  }
0xa9: {  	v6 =	vor.u32 v11, v6;
	v13 =	vld.idx.msk [tilespmem:v13+s8+$0x0], $0xffff;
	v12 =	vtrunc.f32 v12;
	v54 =	vmin.f32 v53, $1.900000000e+02  }
0xaa: {  	v55 =	vld.idx.msk [tilespmem:v15+s2+$0x0], $0xffff;
	v12 =	vcvt.f32.s32 v12;
	v11 =	vtrunc.f32 v54  }
0xab: {  	v15 =	vld.idx.msk [tilespmem:v15+s8+$0x0], $0xffff;
	v11 =	vcvt.f32.s32 v11  }
0xac: {  	v56 =	vld.idx.msk [tilespmem:v10+s2+$0x0], $0xffff;
	v57 =	vmul.u32 $0xC0, v12  }
0xad: {  	v3 =	vcvt.s32.f32 v3;
	v10 =	vld.idx.msk [tilespmem:v10+s8+$0x0], $0xffff;
	v58 =	vand.u32 $0xFFFFFFF8, v11  }
0xae: {  	v59 =	vld.idx.msk [tilespmem:v6+s2+$0x0], $0xffff;
	v61 =	vand.u32 $0x7, v11;
	v62 =	vadd.s32 v57, v58  }
0xaf: {  	v3 =	vsub.f32 v8, v3;
	v6 =	vld.idx.msk [tilespmem:v6+s8+$0x0], $0xffff;
	v18 =	vadd.s32 $0xC0, v57;
	v63 =	vor.u32 v61, v62  }
0xb0: {  	v5 =	vcvt.s32.f32 v42;
	v60 =	vadd.s32 $0x1, v11;
	v19 =	vadd.s32 v18, v58  }
0xb1: {  	v3 =	vmax.f32 v3, $0.0e+00;
	v28 =	vand.u32 $0xFFFFFFF8, v60;
	v19 =	vor.u32 v61, v19  }
0xb2: {  	v3 =	vmin.f32 v3, $1.000000000e+00;
	v21 =	vand.u32 $0x7, v60;
	v29 =	vadd.s32 v57, v28  }
0xb3: {  	v14 =	vsub.f32 v55, v52;
	v20 =	vsub.f32 v59, v56;
	v24 =	vor.u32 v21, v29  }
0xb4: {  	v15 =	vsub.f32 v15, v13;
	v6 =	vsub.f32 v6, v10;
	v18 =	vadd.s32 v18, v28;
	v30 =	vld.idx.msk [tilespmem:v63+s2+$0x0], $0xffff  }
0xb5: {  	v14 =	vmul.f32 v3, v14;
	v18 =	vor.u32 v21, v18;
	v20 =	vmul.f32 v3, v20;
	v8 =	vld.idx.msk [tilespmem:v63+s8+$0x0], $0xffff  }
0xb6: {  	v5 =	vsub.f32 v37, v5;
	v31 =	vmul.f32 v3, v15;
	v3 =	vmul.f32 v6, v3;
	v35 =	vld.idx.msk [tilespmem:v19+s2+$0x0], $0xffff  }
0xb7: {  	v14 =	vadd.f32 v14, v52;
	v33 =	vadd.f32 v20, v56;
	v37 =	vld.idx.msk [tilespmem:v19+s8+$0x0], $0xffff  }
0xb8: {  	v9 =	vadd.f32 v31, v13;
	v3 =	vadd.f32 v3, v10;
	v32 =	vld.idx.msk [tilespmem:v24+s2+$0x0], $0xffff  }
0xb9: {  	v5 =	vmax.f32 v5, $0.0e+00;
	v34 =	vld.idx.msk [tilespmem:v24+s8+$0x0], $0xffff;
	v36 =	vsub.f32 v33, v14  }
0xba: {  	v5 =	vmin.f32 v5, $1.000000000e+00;
	v3 =	vsub.f32 v3, v9;
	v38 =	vld.idx.msk [tilespmem:v18+s2+$0x0], $0xffff  }
0xbb: {  	v11 =	vcvt.s32.f32 v11;
	v18 =	vld.idx.msk [tilespmem:v18+s8+$0x0], $0xffff;
	v13 =	vmul.f32 v36, v5  }
0xbc: {  	v3 =	vmul.f32 v3, v5  }
0xbd: {  	v4 =	vsub.f32 v4, v11;
	v39 =	vadd.f32 v13, v14  }
0xbe: {  	v40 =	vcvt.s32.f32 v12;
	v3 =	vadd.f32 v3, v9  }
0xbf: {  	v4 =	vmax.f32 v4, $0.0e+00;
	v41 =	vsub.f32 v32, v30;
	v42 =	vsub.f32 v38, v35;
	[tilespmem:s7+$0xFFFFFF60] =	vst v39  }
0xc0: {  	v43 =	vsub.f32 v34, v8;
	v44 =	vsub.f32 v18, v37;
	[tilespmem:s22+$0xFFFFFF60] =	vst v3;
	v3 =	vmin.f32 v4, $1.000000000e+00  }
0xc1: {  	v45 =	vld [tilespmem:s3+$0xFFFFFF70];
	v5 =	vmul.f32 v3, v41;
	v6 =	vmul.f32 v3, v42  }
0xc2: {  	v7 =	vsub.f32 v7, v40;
	v46 =	vld [tilespmem:s0+$0xFFFFFF70];
	v4 =	vmul.f32 v3, v43;
	v3 =	vmul.f32 v44, v3  }
0xc3: {  	v5 =	vadd.f32 v5, v30;
	v6 =	vadd.f32 v6, v35  }
0xc4: {  	v4 =	vadd.f32 v4, v8;
	v3 =	vadd.f32 v3, v37  }
0xc5: {  	v7 =	vmax.f32 v7, $0.0e+00;
	v6 =	vsub.f32 v6, v5  }
0xc6: {  	v7 =	vmin.f32 v7, $1.000000000e+00;
	v3 =	vsub.f32 v3, v4;
	v47 =	vsub.f32 v0, v45  }
0xc7: {  	v48 =	vsub.f32 v1, v46;
	v6 =	vmul.f32 v6, v7  }
0xc8: {  	v3 =	vmul.f32 v3, v7;
	v8 =	vadd.f32 $4.800000000e+01, v47  }
0xc9: {  	v49 =	vmax.f32 v48, $0.0e+00;
	v5 =	vadd.f32 v6, v5  }
0xca: {  	v50 =	vmin.f32 v49, $1.580000000e+02;
	v3 =	vadd.f32 v3, v4;
	v51 =	vmax.f32 v8, $0.0e+00  }
0xcb: {  	v6 =	vtrunc.f32 v50;
	v52 =	vmin.f32 v51, $1.900000000e+02;
	[tilespmem:s7+$0x20] =	vst v5  }
0xcc: {  	v53 =	vcvt.f32.s32 v6;
	v4 =	vtrunc.f32 v52;
	[tilespmem:s22+$0x20] =	vst v3  }
0xcd: {  	v3 =	vcvt.f32.s32 v4;
	v54 =	vld [tilespmem:s3+$0x30]  }
0xce: {  	v6 =	vmul.u32 $0xC0, v53;
	v55 =	vld [tilespmem:s0+$0x30]  }
0xcf: {  	v56 =	vand.u32 $0xFFFFFFF8, v3  }
0xd0: {  	v57 =	vadd.s32 $0x1, v3;
	v58 =	vand.u32 $0x7, v3;
	v59 =	vadd.s32 v6, v56  }
0xd1: {  	v60 =	vand.u32 $0xFFFFFFF8, v57;
	v13 =	vor.u32 v58, v59  }
0xd2: {  	v11 =	vand.u32 $0x7, v57;
	v61 =	vadd.s32 v6, v60;
	v4 =	vsub.f32 v0, v54  }
0xd3: {  	v6 =	vadd.s32 $0xC0, v6;
	v15 =	vor.u32 v11, v61;
	v7 =	vsub.f32 v2, v55  }
0xd4: {  	v10 =	vadd.s32 v6, v56;
	v4 =	vadd.f32 $4.800000000e+01, v4  }
0xd5: {  	v10 =	vor.u32 v58, v10;
	v62 =	vmax.f32 v7, $0.0e+00  }
0xd6: {  	v6 =	vadd.s32 v6, v60;
	v12 =	vmin.f32 v62, $1.580000000e+02;
	v63 =	vld.idx.msk [tilespmem:v13+s2+$0x0], $0xffff;
	v27 =	vmax.f32 v4, $0.0e+00  }
0xd7: {  	v6 =	vor.u32 v11, v6;
	v13 =	vld.idx.msk [tilespmem:v13+s8+$0x0], $0xffff;
	v12 =	vtrunc.f32 v12;
	v28 =	vmin.f32 v27, $1.900000000e+02  }
0xd8: {  	v29 =	vld.idx.msk [tilespmem:v15+s2+$0x0], $0xffff;
	v12 =	vcvt.f32.s32 v12;
	v11 =	vtrunc.f32 v28  }
0xd9: {  	v15 =	vld.idx.msk [tilespmem:v15+s8+$0x0], $0xffff;
	v11 =	vcvt.f32.s32 v11  }
0xda: {  	v30 =	vld.idx.msk [tilespmem:v10+s2+$0x0], $0xffff;
	v31 =	vmul.u32 $0xC0, v12  }
0xdb: {  	v3 =	vcvt.s32.f32 v3;
	v10 =	vld.idx.msk [tilespmem:v10+s8+$0x0], $0xffff;
	v32 =	vand.u32 $0xFFFFFFF8, v11  }
0xdc: {  	v33 =	vld.idx.msk [tilespmem:v6+s2+$0x0], $0xffff;
	v35 =	vand.u32 $0x7, v11;
	v36 =	vadd.s32 v31, v32  }
0xdd: {  	v3 =	vsub.f32 v8, v3;
	v6 =	vld.idx.msk [tilespmem:v6+s8+$0x0], $0xffff;
	v18 =	vadd.s32 $0xC0, v31;
	v37 =	vor.u32 v35, v36  }
0xde: {  	v5 =	vcvt.s32.f32 v53;
	v34 =	vadd.s32 $0x1, v11;
	v19 =	vadd.s32 v18, v32  }
0xdf: {  	v3 =	vmax.f32 v3, $0.0e+00;
	v38 =	vand.u32 $0xFFFFFFF8, v34;
	v19 =	vor.u32 v35, v19  }
0xe0: {  	v3 =	vmin.f32 v3, $1.000000000e+00;
	v21 =	vand.u32 $0x7, v34;
	v39 =	vadd.s32 v31, v38  }
0xe1: {  	v14 =	vsub.f32 v29, v63;
	v20 =	vsub.f32 v33, v30;
	v24 =	vor.u32 v21, v39  }
0xe2: {  	v15 =	vsub.f32 v15, v13;
	v6 =	vsub.f32 v6, v10;
	v18 =	vadd.s32 v18, v38;
	v40 =	vld.idx.msk [tilespmem:v37+s2+$0x0], $0xffff  }
0xe3: {  	v14 =	vmul.f32 v3, v14;
	v18 =	vor.u32 v21, v18;
	v20 =	vmul.f32 v3, v20;
	v8 =	vld.idx.msk [tilespmem:v37+s8+$0x0], $0xffff  }
0xe4: {  	v5 =	vsub.f32 v48, v5;
	v41 =	vmul.f32 v3, v15;
	v3 =	vmul.f32 v6, v3;
	v45 =	vld.idx.msk [tilespmem:v19+s2+$0x0], $0xffff  }
0xe5: {  	v14 =	vadd.f32 v14, v63;
	v43 =	vadd.f32 v20, v30;
	v47 =	vld.idx.msk [tilespmem:v19+s8+$0x0], $0xffff  }
0xe6: {  	v9 =	vadd.f32 v41, v13;
	v3 =	vadd.f32 v3, v10;
	v42 =	vld.idx.msk [tilespmem:v24+s2+$0x0], $0xffff  }
0xe7: {  	v5 =	vmax.f32 v5, $0.0e+00;
	v44 =	vld.idx.msk [tilespmem:v24+s8+$0x0], $0xffff;
	v46 =	vsub.f32 v43, v14  }
0xe8: {  	v5 =	vmin.f32 v5, $1.000000000e+00;
	v3 =	vsub.f32 v3, v9;
	v48 =	vld.idx.msk [tilespmem:v18+s2+$0x0], $0xffff  }
0xe9: {  	v11 =	vcvt.s32.f32 v11;
	v18 =	vld.idx.msk [tilespmem:v18+s8+$0x0], $0xffff;
	v13 =	vmul.f32 v46, v5  }
0xea: {  	v3 =	vmul.f32 v3, v5  }
0xeb: {  	v4 =	vsub.f32 v4, v11;
	v49 =	vadd.f32 v13, v14  }
0xec: {  	v50 =	vcvt.s32.f32 v12;
	v3 =	vadd.f32 v3, v9  }
0xed: {  	v4 =	vmax.f32 v4, $0.0e+00;
	v51 =	vsub.f32 v42, v40;
	v52 =	vsub.f32 v48, v45;
	[tilespmem:s7+$0xFFFFFF70] =	vst v49  }
0xee: {  	v53 =	vsub.f32 v44, v8;
	v54 =	vsub.f32 v18, v47;
	[tilespmem:s22+$0xFFFFFF70] =	vst v3;
	v3 =	vmin.f32 v4, $1.000000000e+00  }
0xef: {  	v55 =	vld [tilespmem:s3+$0xFFFFFF80];
	v5 =	vmul.f32 v3, v51;
	v6 =	vmul.f32 v3, v52  }
0xf0: {  	v7 =	vsub.f32 v7, v50;
	v56 =	vld [tilespmem:s0+$0xFFFFFF80];
	v4 =	vmul.f32 v3, v53;
	v3 =	vmul.f32 v54, v3  }
0xf1: {  	v5 =	vadd.f32 v5, v40;
	v6 =	vadd.f32 v6, v45  }
0xf2: {  	v4 =	vadd.f32 v4, v8;
	v3 =	vadd.f32 v3, v47  }
0xf3: {  	v7 =	vmax.f32 v7, $0.0e+00;
	v6 =	vsub.f32 v6, v5  }
0xf4: {  	v7 =	vmin.f32 v7, $1.000000000e+00;
	v3 =	vsub.f32 v3, v4;
	v57 =	vsub.f32 v0, v55  }
0xf5: {  	v58 =	vsub.f32 v1, v56;
	v6 =	vmul.f32 v6, v7  }
0xf6: {  	v3 =	vmul.f32 v3, v7;
	v8 =	vadd.f32 $6.400000000e+01, v57  }
0xf7: {  	v59 =	vmax.f32 v58, $0.0e+00;
	v5 =	vadd.f32 v6, v5  }
0xf8: {  	v60 =	vmin.f32 v59, $1.580000000e+02;
	v3 =	vadd.f32 v3, v4;
	v61 =	vmax.f32 v8, $0.0e+00  }
0xf9: {  	v6 =	vtrunc.f32 v60;
	v62 =	vmin.f32 v61, $1.900000000e+02;
	[tilespmem:s7+$0x30] =	vst v5  }
0xfa: {  	v63 =	vcvt.f32.s32 v6;
	v4 =	vtrunc.f32 v62;
	[tilespmem:s22+$0x30] =	vst v3  }
0xfb: {  	v3 =	vcvt.f32.s32 v4;
	v22 =	vld [tilespmem:s3+$0x40]  }
0xfc: {  	v6 =	vmul.u32 $0xC0, v63;
	v23 =	vld [tilespmem:s0+$0x40]  }
0xfd: {  	v24 =	vand.u32 $0xFFFFFFF8, v3  }
0xfe: {  	v25 =	vadd.s32 $0x1, v3;
	v26 =	vand.u32 $0x7, v3;
	v27 =	vadd.s32 v6, v24  }
0xff: {  	v28 =	vand.u32 $0xFFFFFFF8, v25;
	v13 =	vor.u32 v26, v27  }
0x100: {  	v11 =	vand.u32 $0x7, v25;
	v29 =	vadd.s32 v6, v28;
	v4 =	vsub.f32 v0, v22  }
0x101: {  	v6 =	vadd.s32 $0xC0, v6;
	v15 =	vor.u32 v11, v29;
	v7 =	vsub.f32 v2, v23  }
0x102: {  	v10 =	vadd.s32 v6, v24;
	v4 =	vadd.f32 $6.400000000e+01, v4  }
0x103: {  	v10 =	vor.u32 v26, v10;
	v30 =	vmax.f32 v7, $0.0e+00  }
0x104: {  	v6 =	vadd.s32 v6, v28;
	v12 =	vmin.f32 v30, $1.580000000e+02;
	v31 =	vld.idx.msk [tilespmem:v13+s2+$0x0], $0xffff;
	v32 =	vmax.f32 v4, $0.0e+00  }
0x105: {  	v6 =	vor.u32 v11, v6;
	v13 =	vld.idx.msk [tilespmem:v13+s8+$0x0], $0xffff;
	v12 =	vtrunc.f32 v12;
	v33 =	vmin.f32 v32, $1.900000000e+02  }
0x106: {  	v34 =	vld.idx.msk [tilespmem:v15+s2+$0x0], $0xffff;
	v12 =	vcvt.f32.s32 v12;
	v11 =	vtrunc.f32 v33  }
0x107: {  	v15 =	vld.idx.msk [tilespmem:v15+s8+$0x0], $0xffff;
	v11 =	vcvt.f32.s32 v11  }
0x108: {  	v35 =	vld.idx.msk [tilespmem:v10+s2+$0x0], $0xffff;
	v36 =	vmul.u32 $0xC0, v12  }
0x109: {  	v3 =	vcvt.s32.f32 v3;
	v10 =	vld.idx.msk [tilespmem:v10+s8+$0x0], $0xffff;
	v37 =	vand.u32 $0xFFFFFFF8, v11  }
0x10a: {  	v38 =	vld.idx.msk [tilespmem:v6+s2+$0x0], $0xffff;
	v40 =	vand.u32 $0x7, v11;
	v41 =	vadd.s32 v36, v37  }
0x10b: {  	v3 =	vsub.f32 v8, v3;
	v6 =	vld.idx.msk [tilespmem:v6+s8+$0x0], $0xffff;
	v18 =	vadd.s32 $0xC0, v36;
	v42 =	vor.u32 v40, v41  }
0x10c: {  	v5 =	vcvt.s32.f32 v63;
	v39 =	vadd.s32 $0x1, v11;
	v19 =	vadd.s32 v18, v37  }
0x10d: {  	v3 =	vmax.f32 v3, $0.0e+00;
	v43 =	vand.u32 $0xFFFFFFF8, v39;
	v19 =	vor.u32 v40, v19  }
0x10e: {  	v3 =	vmin.f32 v3, $1.000000000e+00;
	v21 =	vand.u32 $0x7, v39;
	v44 =	vadd.s32 v36, v43  }
0x10f: {  	v14 =	vsub.f32 v34, v31;
	v20 =	vsub.f32 v38, v35;
	v24 =	vor.u32 v21, v44  }
0x110: {  	v15 =	vsub.f32 v15, v13;
	v6 =	vsub.f32 v6, v10;
	v18 =	vadd.s32 v18, v43;
	v45 =	vld.idx.msk [tilespmem:v42+s2+$0x0], $0xffff  }
0x111: {  	v14 =	vmul.f32 v3, v14;
	v18 =	vor.u32 v21, v18;
	v20 =	vmul.f32 v3, v20;
	v8 =	vld.idx.msk [tilespmem:v42+s8+$0x0], $0xffff  }
0x112: {  	v5 =	vsub.f32 v58, v5;
	v46 =	vmul.f32 v3, v15;
	v3 =	vmul.f32 v6, v3;
	v50 =	vld.idx.msk [tilespmem:v19+s2+$0x0], $0xffff  }
0x113: {  	v14 =	vadd.f32 v14, v31;
	v48 =	vadd.f32 v20, v35;
	v52 =	vld.idx.msk [tilespmem:v19+s8+$0x0], $0xffff  }
0x114: {  	v9 =	vadd.f32 v46, v13;
	v3 =	vadd.f32 v3, v10;
	v47 =	vld.idx.msk [tilespmem:v24+s2+$0x0], $0xffff  }
0x115: {  	v5 =	vmax.f32 v5, $0.0e+00;
	v49 =	vld.idx.msk [tilespmem:v24+s8+$0x0], $0xffff;
	v51 =	vsub.f32 v48, v14  }
0x116: {  	v5 =	vmin.f32 v5, $1.000000000e+00;
	v3 =	vsub.f32 v3, v9;
	v53 =	vld.idx.msk [tilespmem:v18+s2+$0x0], $0xffff  }
0x117: {  	v11 =	vcvt.s32.f32 v11;
	v18 =	vld.idx.msk [tilespmem:v18+s8+$0x0], $0xffff;
	v13 =	vmul.f32 v51, v5  }
0x118: {  	v3 =	vmul.f32 v3, v5  }
0x119: {  	v4 =	vsub.f32 v4, v11;
	v54 =	vadd.f32 v13, v14  }
0x11a: {  	v55 =	vcvt.s32.f32 v12;
	v3 =	vadd.f32 v3, v9  }
0x11b: {  	v4 =	vmax.f32 v4, $0.0e+00;
	v56 =	vsub.f32 v47, v45;
	v57 =	vsub.f32 v53, v50;
	[tilespmem:s7+$0xFFFFFF80] =	vst v54  }
0x11c: {  	v58 =	vsub.f32 v49, v8;
	v59 =	vsub.f32 v18, v52;
	[tilespmem:s22+$0xFFFFFF80] =	vst v3;
	v3 =	vmin.f32 v4, $1.000000000e+00  }
0x11d: {  	v60 =	vld [tilespmem:s3+$0xFFFFFF90];
	v5 =	vmul.f32 v3, v56;
	v6 =	vmul.f32 v3, v57  }
0x11e: {  	v7 =	vsub.f32 v7, v55;
	v61 =	vld [tilespmem:s0+$0xFFFFFF90];
	v4 =	vmul.f32 v3, v58;
	v3 =	vmul.f32 v59, v3  }
0x11f: {  	v5 =	vadd.f32 v5, v45;
	v6 =	vadd.f32 v6, v50  }
0x120: {  	v4 =	vadd.f32 v4, v8;
	v3 =	vadd.f32 v3, v52  }
0x121: {  	v7 =	vmax.f32 v7, $0.0e+00;
	v6 =	vsub.f32 v6, v5  }
0x122: {  	v7 =	vmin.f32 v7, $1.000000000e+00;
	v3 =	vsub.f32 v3, v4;
	v62 =	vsub.f32 v0, v60  }
0x123: {  	v63 =	vsub.f32 v1, v61;
	v6 =	vmul.f32 v6, v7  }
0x124: {  	v3 =	vmul.f32 v3, v7;
	v8 =	vadd.f32 $8.000000000e+01, v62  }
0x125: {  	v28 =	vmax.f32 v63, $0.0e+00;
	v5 =	vadd.f32 v6, v5  }
0x126: {  	v29 =	vmin.f32 v28, $1.580000000e+02;
	v3 =	vadd.f32 v3, v4;
	v30 =	vmax.f32 v8, $0.0e+00  }
0x127: {  	v6 =	vtrunc.f32 v29;
	v31 =	vmin.f32 v30, $1.900000000e+02;
	[tilespmem:s7+$0x40] =	vst v5  }
0x128: {  	v32 =	vcvt.f32.s32 v6;
	v4 =	vtrunc.f32 v31;
	[tilespmem:s22+$0x40] =	vst v3  }
0x129: {  	v3 =	vcvt.f32.s32 v4;
	v33 =	vld [tilespmem:s3+$0x50]  }
0x12a: {  	v6 =	vmul.u32 $0xC0, v32;
	v34 =	vld [tilespmem:s0+$0x50]  }
0x12b: {  	v35 =	vand.u32 $0xFFFFFFF8, v3  }
0x12c: {  	v36 =	vadd.s32 $0x1, v3;
	v37 =	vand.u32 $0x7, v3;
	v38 =	vadd.s32 v6, v35  }
0x12d: {  	v39 =	vand.u32 $0xFFFFFFF8, v36;
	v13 =	vor.u32 v37, v38  }
0x12e: {  	v11 =	vand.u32 $0x7, v36;
	v40 =	vadd.s32 v6, v39;
	v4 =	vsub.f32 v0, v33  }
0x12f: {  	v6 =	vadd.s32 $0xC0, v6;
	v15 =	vor.u32 v11, v40;
	v7 =	vsub.f32 v2, v34  }
0x130: {  	v10 =	vadd.s32 v6, v35;
	v4 =	vadd.f32 $8.000000000e+01, v4  }
0x131: {  	v10 =	vor.u32 v37, v10;
	v41 =	vmax.f32 v7, $0.0e+00  }
0x132: {  	v6 =	vadd.s32 v6, v39;
	v12 =	vmin.f32 v41, $1.580000000e+02;
	v42 =	vld.idx.msk [tilespmem:v13+s2+$0x0], $0xffff;
	v43 =	vmax.f32 v4, $0.0e+00  }
0x133: {  	v6 =	vor.u32 v11, v6;
	v13 =	vld.idx.msk [tilespmem:v13+s8+$0x0], $0xffff;
	v12 =	vtrunc.f32 v12;
	v44 =	vmin.f32 v43, $1.900000000e+02  }
0x134: {  	v45 =	vld.idx.msk [tilespmem:v15+s2+$0x0], $0xffff;
	v12 =	vcvt.f32.s32 v12;
	v11 =	vtrunc.f32 v44  }
0x135: {  	v15 =	vld.idx.msk [tilespmem:v15+s8+$0x0], $0xffff;
	v11 =	vcvt.f32.s32 v11  }
0x136: {  	v46 =	vld.idx.msk [tilespmem:v10+s2+$0x0], $0xffff;
	v47 =	vmul.u32 $0xC0, v12  }
0x137: {  	v3 =	vcvt.s32.f32 v3;
	v10 =	vld.idx.msk [tilespmem:v10+s8+$0x0], $0xffff;
	v48 =	vand.u32 $0xFFFFFFF8, v11  }
0x138: {  	v49 =	vld.idx.msk [tilespmem:v6+s2+$0x0], $0xffff;
	v51 =	vand.u32 $0x7, v11;
	v52 =	vadd.s32 v47, v48  }
0x139: {  	v3 =	vsub.f32 v8, v3;
	v6 =	vld.idx.msk [tilespmem:v6+s8+$0x0], $0xffff;
	v18 =	vadd.s32 $0xC0, v47;
	v53 =	vor.u32 v51, v52  }
0x13a: {  	v5 =	vcvt.s32.f32 v32;
	v50 =	vadd.s32 $0x1, v11;
	v19 =	vadd.s32 v18, v48  }
0x13b: {  	v3 =	vmax.f32 v3, $0.0e+00;
	v54 =	vand.u32 $0xFFFFFFF8, v50;
	v19 =	vor.u32 v51, v19  }
0x13c: {  	v3 =	vmin.f32 v3, $1.000000000e+00;
	v21 =	vand.u32 $0x7, v50;
	v55 =	vadd.s32 v47, v54  }
0x13d: {  	v14 =	vsub.f32 v45, v42;
	v20 =	vsub.f32 v49, v46;
	v24 =	vor.u32 v21, v55  }
0x13e: {  	v15 =	vsub.f32 v15, v13;
	v6 =	vsub.f32 v6, v10;
	v18 =	vadd.s32 v18, v54;
	v56 =	vld.idx.msk [tilespmem:v53+s2+$0x0], $0xffff  }
0x13f: {  	v14 =	vmul.f32 v3, v14;
	v18 =	vor.u32 v21, v18;
	v20 =	vmul.f32 v3, v20;
	v8 =	vld.idx.msk [tilespmem:v53+s8+$0x0], $0xffff  }
0x140: {  	v5 =	vsub.f32 v63, v5;
	v57 =	vmul.f32 v3, v15;
	v3 =	vmul.f32 v6, v3;
	v61 =	vld.idx.msk [tilespmem:v19+s2+$0x0], $0xffff  }
0x141: {  	v14 =	vadd.f32 v14, v42;
	v59 =	vadd.f32 v20, v46;
	v63 =	vld.idx.msk [tilespmem:v19+s8+$0x0], $0xffff  }
0x142: {  	v9 =	vadd.f32 v57, v13;
	v3 =	vadd.f32 v3, v10;
	v58 =	vld.idx.msk [tilespmem:v24+s2+$0x0], $0xffff  }
0x143: {  	v5 =	vmax.f32 v5, $0.0e+00;
	v60 =	vld.idx.msk [tilespmem:v24+s8+$0x0], $0xffff;
	v62 =	vsub.f32 v59, v14  }
0x144: {  	v5 =	vmin.f32 v5, $1.000000000e+00;
	v11 =	vcvt.s32.f32 v11;
	v3 =	vsub.f32 v3, v9;
	v21 =	vld.idx.msk [tilespmem:v18+s2+$0x0], $0xffff  }
0x145: {  	v18 =	vld.idx.msk [tilespmem:v18+s8+$0x0], $0xffff;
	v13 =	vmul.f32 v62, v5  }
0x146: {  	v4 =	vsub.f32 v4, v11;
	v3 =	vmul.f32 v3, v5  }
0x147: {  	v23 =	vadd.f32 v13, v14  }
0x148: {  	v4 =	vmax.f32 v4, $0.0e+00;
	v3 =	vadd.f32 v3, v9  }
0x149: {  	v24 =	vcvt.s32.f32 v12;
	v25 =	vsub.f32 v58, v56;
	v26 =	vsub.f32 v21, v61;
	[tilespmem:s7+$0xFFFFFF90] =	vst v23  }
0x14a: {  	v27 =	vsub.f32 v60, v8;
	v28 =	vsub.f32 v18, v63;
	[tilespmem:s22+$0xFFFFFF90] =	vst v3;
	v3 =	vmin.f32 v4, $1.000000000e+00  }
0x14b: {  	v29 =	vld [tilespmem:s3+$0xFFFFFFA0];
	v5 =	vmul.f32 v3, v25;
	v6 =	vmul.f32 v3, v26  }
0x14c: {  	v7 =	vsub.f32 v7, v24;
	v30 =	vld [tilespmem:s0+$0xFFFFFFA0];
	v4 =	vmul.f32 v3, v27;
	v3 =	vmul.f32 v28, v3  }
0x14d: {  	v5 =	vadd.f32 v5, v56;
	v6 =	vadd.f32 v6, v61  }
0x14e: {  	v4 =	vadd.f32 v4, v8;
	v3 =	vadd.f32 v3, v63  }
0x14f: {  	v7 =	vmax.f32 v7, $0.0e+00;
	v6 =	vsub.f32 v6, v5  }
0x150: {  	v7 =	vmin.f32 v7, $1.000000000e+00;
	v3 =	vsub.f32 v3, v4;
	v31 =	vsub.f32 v0, v29  }
0x151: {  	v32 =	vsub.f32 v1, v30;
	v6 =	vmul.f32 v6, v7  }
0x152: {  	v3 =	vmul.f32 v3, v7;
	v8 =	vadd.f32 $9.600000000e+01, v31  }
0x153: {  	v33 =	vmax.f32 v32, $0.0e+00;
	v5 =	vadd.f32 v6, v5  }
0x154: {  	v34 =	vmin.f32 v33, $1.580000000e+02;
	v3 =	vadd.f32 v3, v4;
	v35 =	vmax.f32 v8, $0.0e+00  }
0x155: {  	v6 =	vtrunc.f32 v34;
	v36 =	vmin.f32 v35, $1.900000000e+02;
	[tilespmem:s7+$0x50] =	vst v5  }
0x156: {  	v37 =	vcvt.f32.s32 v6;
	v4 =	vtrunc.f32 v36;
	[tilespmem:s22+$0x50] =	vst v3  }
0x157: {  	v3 =	vcvt.f32.s32 v4;
	v38 =	vld [tilespmem:s3+$0x60]  }
0x158: {  	v6 =	vmul.u32 $0xC0, v37;
	v39 =	vld [tilespmem:s0+$0x60]  }
0x159: {  	v40 =	vand.u32 $0xFFFFFFF8, v3  }
0x15a: {  	v41 =	vadd.s32 $0x1, v3;
	v42 =	vand.u32 $0x7, v3;
	v43 =	vadd.s32 v6, v40  }
0x15b: {  	v44 =	vand.u32 $0xFFFFFFF8, v41;
	v13 =	vor.u32 v42, v43  }
0x15c: {  	v11 =	vand.u32 $0x7, v41;
	v45 =	vadd.s32 v6, v44;
	v4 =	vsub.f32 v0, v38  }
0x15d: {  	v6 =	vadd.s32 $0xC0, v6;
	v15 =	vor.u32 v11, v45;
	v7 =	vsub.f32 v2, v39  }
0x15e: {  	v10 =	vadd.s32 v6, v40;
	v4 =	vadd.f32 $9.600000000e+01, v4  }
0x15f: {  	v10 =	vor.u32 v42, v10;
	v46 =	vmax.f32 v7, $0.0e+00  }
0x160: {  	v6 =	vadd.s32 v6, v44;
	v12 =	vmin.f32 v46, $1.580000000e+02;
	v47 =	vld.idx.msk [tilespmem:v13+s2+$0x0], $0xffff;
	v48 =	vmax.f32 v4, $0.0e+00  }
0x161: {  	v6 =	vor.u32 v11, v6;
	v13 =	vld.idx.msk [tilespmem:v13+s8+$0x0], $0xffff;
	v12 =	vtrunc.f32 v12;
	v49 =	vmin.f32 v48, $1.900000000e+02  }
0x162: {  	v50 =	vld.idx.msk [tilespmem:v15+s2+$0x0], $0xffff;
	v12 =	vcvt.f32.s32 v12;
	v11 =	vtrunc.f32 v49  }
0x163: {  	v15 =	vld.idx.msk [tilespmem:v15+s8+$0x0], $0xffff;
	v11 =	vcvt.f32.s32 v11  }
0x164: {  	v51 =	vld.idx.msk [tilespmem:v10+s2+$0x0], $0xffff;
	v52 =	vmul.u32 $0xC0, v12  }
0x165: {  	v10 =	vld.idx.msk [tilespmem:v10+s8+$0x0], $0xffff;
	v53 =	vand.u32 $0xFFFFFFF8, v11  }
0x166: {  	v3 =	vcvt.s32.f32 v3;
	v54 =	vld.idx.msk [tilespmem:v6+s2+$0x0], $0xffff;
	v56 =	vand.u32 $0x7, v11;
	v57 =	vadd.s32 v52, v53  }
0x167: {  	v6 =	vld.idx.msk [tilespmem:v6+s8+$0x0], $0xffff;
	v55 =	vadd.s32 $0x1, v11;
	v18 =	vadd.s32 $0xC0, v52;
	v58 =	vor.u32 v56, v57  }
0x168: {  	v3 =	vsub.f32 v8, v3;
	v59 =	vand.u32 $0xFFFFFFF8, v55;
	v19 =	vadd.s32 v18, v53  }
0x169: {  	v21 =	vand.u32 $0x7, v55;
	v60 =	vadd.s32 v52, v59;
	v19 =	vor.u32 v56, v19  }
0x16a: {  	v5 =	vcvt.s32.f32 v37;
	v3 =	vmax.f32 v3, $0.0e+00;
	v24 =	vor.u32 v21, v60  }
0x16b: {  	v3 =	vmin.f32 v3, $1.000000000e+00;
	v14 =	vsub.f32 v50, v47;
	v20 =	vsub.f32 v54, v51  }
0x16c: {  	v15 =	vsub.f32 v15, v13;
	v6 =	vsub.f32 v6, v10;
	v18 =	vadd.s32 v18, v59;
	v61 =	vld.idx.msk [tilespmem:v58+s2+$0x0], $0xffff  }
0x16d: {  	v14 =	vmul.f32 v3, v14;
	v18 =	vor.u32 v21, v18;
	v20 =	vmul.f32 v3, v20;
	v8 =	vld.idx.msk [tilespmem:v58+s8+$0x0], $0xffff  }
0x16e: {  	v5 =	vsub.f32 v32, v5;
	v62 =	vmul.f32 v3, v15;
	v3 =	vmul.f32 v6, v3;
	v26 =	vld.idx.msk [tilespmem:v19+s8+$0x0], $0xffff  }
0x16f: {  	v14 =	vadd.f32 v14, v47;
	v21 =	vadd.f32 v20, v51;
	v63 =	vld.idx.msk [tilespmem:v24+s2+$0x0], $0xffff  }
0x170: {  	v9 =	vadd.f32 v62, v13;
	v3 =	vadd.f32 v3, v10;
	v23 =	vld.idx.msk [tilespmem:v24+s8+$0x0], $0xffff  }
0x171: {  	v5 =	vmax.f32 v5, $0.0e+00;
	v24 =	vld.idx.msk [tilespmem:v19+s2+$0x0], $0xffff;
	v25 =	vsub.f32 v21, v14  }
0x172: {  	v5 =	vmin.f32 v5, $1.000000000e+00;
	v3 =	vsub.f32 v3, v9;
	v27 =	vld.idx.msk [tilespmem:v18+s2+$0x0], $0xffff  }
0x173: {  	v11 =	vcvt.s32.f32 v11;
	v18 =	vld.idx.msk [tilespmem:v18+s8+$0x0], $0xffff;
	v13 =	vmul.f32 v25, v5  }
0x174: {  	v3 =	vmul.f32 v3, v5  }
0x175: {  	v4 =	vsub.f32 v4, v11;
	v28 =	vadd.f32 v13, v14  }
0x176: {  	v29 =	vcvt.s32.f32 v12;
	v3 =	vadd.f32 v3, v9  }
0x177: {  	v4 =	vmax.f32 v4, $0.0e+00;
	v30 =	vsub.f32 v63, v61;
	v31 =	vsub.f32 v27, v24;
	[tilespmem:s7+$0xFFFFFFA0] =	vst v28  }
0x178: {  	v32 =	vsub.f32 v23, v8;
	v33 =	vsub.f32 v18, v26;
	[tilespmem:s22+$0xFFFFFFA0] =	vst v3;
	v3 =	vmin.f32 v4, $1.000000000e+00  }
0x179: {  	v34 =	vld [tilespmem:s3+$0xFFFFFFB0];
	v5 =	vmul.f32 v3, v30;
	v6 =	vmul.f32 v3, v31  }
0x17a: {  	v7 =	vsub.f32 v7, v29;
	v35 =	vld [tilespmem:s0+$0xFFFFFFB0];
	v4 =	vmul.f32 v3, v32;
	v3 =	vmul.f32 v33, v3  }
0x17b: {  	v5 =	vadd.f32 v5, v61;
	v6 =	vadd.f32 v6, v24  }
0x17c: {  	v4 =	vadd.f32 v4, v8;
	v3 =	vadd.f32 v3, v26  }
0x17d: {  	v7 =	vmax.f32 v7, $0.0e+00;
	v6 =	vsub.f32 v6, v5  }
0x17e: {  	v7 =	vmin.f32 v7, $1.000000000e+00;
	v3 =	vsub.f32 v3, v4;
	v36 =	vsub.f32 v0, v34  }
0x17f: {  	v37 =	vsub.f32 v1, v35;
	v6 =	vmul.f32 v6, v7  }
0x180: {  	v3 =	vmul.f32 v3, v7;
	v8 =	vadd.f32 $1.120000000e+02, v36  }
0x181: {  	v38 =	vmax.f32 v37, $0.0e+00;
	v5 =	vadd.f32 v6, v5  }
0x182: {  	v39 =	vmin.f32 v38, $1.580000000e+02;
	v3 =	vadd.f32 v3, v4;
	v40 =	vmax.f32 v8, $0.0e+00  }
0x183: {  	v6 =	vtrunc.f32 v39;
	v41 =	vmin.f32 v40, $1.900000000e+02;
	[tilespmem:s7+$0x60] =	vst v5  }
0x184: {  	v42 =	vcvt.f32.s32 v6;
	v4 =	vtrunc.f32 v41;
	[tilespmem:s22+$0x60] =	vst v3  }
0x185: {  	v3 =	vcvt.f32.s32 v4;
	v43 =	vld [tilespmem:s3+$0x70]  }
0x186: {  	v6 =	vmul.u32 $0xC0, v42;
	v44 =	vld [tilespmem:s0+$0x70]  }
0x187: {  	v45 =	vand.u32 $0xFFFFFFF8, v3  }
0x188: {  	v46 =	vadd.s32 $0x1, v3;
	v47 =	vand.u32 $0x7, v3;
	v48 =	vadd.s32 v6, v45  }
0x189: {  	v49 =	vand.u32 $0xFFFFFFF8, v46;
	v13 =	vor.u32 v47, v48  }
0x18a: {  	v11 =	vand.u32 $0x7, v46;
	v50 =	vadd.s32 v6, v49;
	v4 =	vsub.f32 v0, v43  }
0x18b: {  	v6 =	vadd.s32 $0xC0, v6;
	v15 =	vor.u32 v11, v50;
	v7 =	vsub.f32 v2, v44  }
0x18c: {  	v10 =	vadd.s32 v6, v45;
	v4 =	vadd.f32 $1.120000000e+02, v4  }
0x18d: {  	v10 =	vor.u32 v47, v10;
	v51 =	vmax.f32 v7, $0.0e+00  }
0x18e: {  	v6 =	vadd.s32 v6, v49;
	v12 =	vmin.f32 v51, $1.580000000e+02;
	v52 =	vld.idx.msk [tilespmem:v13+s2+$0x0], $0xffff;
	v53 =	vmax.f32 v4, $0.0e+00  }
0x18f: {  	v6 =	vor.u32 v11, v6;
	v13 =	vld.idx.msk [tilespmem:v13+s8+$0x0], $0xffff;
	v12 =	vtrunc.f32 v12;
	v54 =	vmin.f32 v53, $1.900000000e+02  }
0x190: {  	v55 =	vld.idx.msk [tilespmem:v15+s2+$0x0], $0xffff;
	v12 =	vcvt.f32.s32 v12;
	v11 =	vtrunc.f32 v54  }
0x191: {  	v15 =	vld.idx.msk [tilespmem:v15+s8+$0x0], $0xffff;
	v11 =	vcvt.f32.s32 v11  }
0x192: {  	v56 =	vld.idx.msk [tilespmem:v10+s2+$0x0], $0xffff;
	v57 =	vmul.u32 $0xC0, v12  }
0x193: {  	v3 =	vcvt.s32.f32 v3;
	v10 =	vld.idx.msk [tilespmem:v10+s8+$0x0], $0xffff;
	v58 =	vand.u32 $0xFFFFFFF8, v11  }
0x194: {  	v59 =	vld.idx.msk [tilespmem:v6+s2+$0x0], $0xffff;
	v61 =	vand.u32 $0x7, v11;
	v62 =	vadd.s32 v57, v58  }
0x195: {  	v3 =	vsub.f32 v8, v3;
	v6 =	vld.idx.msk [tilespmem:v6+s8+$0x0], $0xffff;
	v18 =	vadd.s32 $0xC0, v57;
	v63 =	vor.u32 v61, v62  }
0x196: {  	v5 =	vcvt.s32.f32 v42;
	v60 =	vadd.s32 $0x1, v11;
	v19 =	vadd.s32 v18, v58  }
0x197: {  	v3 =	vmax.f32 v3, $0.0e+00;
	v28 =	vand.u32 $0xFFFFFFF8, v60;
	v19 =	vor.u32 v61, v19  }
0x198: {  	v3 =	vmin.f32 v3, $1.000000000e+00;
	v21 =	vand.u32 $0x7, v60;
	v29 =	vadd.s32 v57, v28  }
0x199: {  	v14 =	vsub.f32 v55, v52;
	v20 =	vsub.f32 v59, v56;
	v24 =	vor.u32 v21, v29  }
0x19a: {  	v15 =	vsub.f32 v15, v13;
	v6 =	vsub.f32 v6, v10;
	v18 =	vadd.s32 v18, v28;
	v30 =	vld.idx.msk [tilespmem:v63+s2+$0x0], $0xffff  }
0x19b: {  	v14 =	vmul.f32 v3, v14;
	v18 =	vor.u32 v21, v18;
	v20 =	vmul.f32 v3, v20;
	v8 =	vld.idx.msk [tilespmem:v63+s8+$0x0], $0xffff  }
0x19c: {  	v5 =	vsub.f32 v37, v5;
	v31 =	vmul.f32 v3, v15;
	v3 =	vmul.f32 v6, v3;
	v35 =	vld.idx.msk [tilespmem:v19+s2+$0x0], $0xffff  }
0x19d: {  	v14 =	vadd.f32 v14, v52;
	v33 =	vadd.f32 v20, v56;
	v37 =	vld.idx.msk [tilespmem:v19+s8+$0x0], $0xffff  }
0x19e: {  	v9 =	vadd.f32 v31, v13;
	v3 =	vadd.f32 v3, v10;
	v32 =	vld.idx.msk [tilespmem:v24+s2+$0x0], $0xffff  }
0x19f: {  	v5 =	vmax.f32 v5, $0.0e+00;
	v34 =	vld.idx.msk [tilespmem:v24+s8+$0x0], $0xffff;
	v36 =	vsub.f32 v33, v14  }
0x1a0: {  	v5 =	vmin.f32 v5, $1.000000000e+00;
	v3 =	vsub.f32 v3, v9;
	v38 =	vld.idx.msk [tilespmem:v18+s2+$0x0], $0xffff  }
0x1a1: {  	v11 =	vcvt.s32.f32 v11;
	v18 =	vld.idx.msk [tilespmem:v18+s8+$0x0], $0xffff;
	v13 =	vmul.f32 v36, v5  }
0x1a2: {  	v3 =	vmul.f32 v3, v5  }
0x1a3: {  	v4 =	vsub.f32 v4, v11;
	v39 =	vadd.f32 v13, v14  }
0x1a4: {  	v40 =	vcvt.s32.f32 v12;
	v3 =	vadd.f32 v3, v9  }
0x1a5: {  	v4 =	vmax.f32 v4, $0.0e+00;
	v41 =	vsub.f32 v32, v30;
	v42 =	vsub.f32 v38, v35;
	[tilespmem:s7+$0xFFFFFFB0] =	vst v39  }
0x1a6: {  	v43 =	vsub.f32 v34, v8;
	v44 =	vsub.f32 v18, v37;
	[tilespmem:s22+$0xFFFFFFB0] =	vst v3;
	v3 =	vmin.f32 v4, $1.000000000e+00  }
0x1a7: {  	v45 =	vld [tilespmem:s3+$0xFFFFFFC0];
	v5 =	vmul.f32 v3, v41;
	v6 =	vmul.f32 v3, v42  }
0x1a8: {  	v7 =	vsub.f32 v7, v40;
	v46 =	vld [tilespmem:s0+$0xFFFFFFC0];
	v4 =	vmul.f32 v3, v43;
	v3 =	vmul.f32 v44, v3  }
0x1a9: {  	v5 =	vadd.f32 v5, v30;
	v6 =	vadd.f32 v6, v35  }
0x1aa: {  	v4 =	vadd.f32 v4, v8;
	v3 =	vadd.f32 v3, v37  }
0x1ab: {  	v7 =	vmax.f32 v7, $0.0e+00;
	v6 =	vsub.f32 v6, v5  }
0x1ac: {  	v7 =	vmin.f32 v7, $1.000000000e+00;
	v3 =	vsub.f32 v3, v4;
	v47 =	vsub.f32 v0, v45  }
0x1ad: {  	v48 =	vsub.f32 v1, v46;
	v6 =	vmul.f32 v6, v7  }
0x1ae: {  	v3 =	vmul.f32 v3, v7;
	v8 =	vadd.f32 $1.280000000e+02, v47  }
0x1af: {  	v49 =	vmax.f32 v48, $0.0e+00;
	v5 =	vadd.f32 v6, v5  }
0x1b0: {  	v50 =	vmin.f32 v49, $1.580000000e+02;
	v3 =	vadd.f32 v3, v4;
	v51 =	vmax.f32 v8, $0.0e+00  }
0x1b1: {  	v6 =	vtrunc.f32 v50;
	v52 =	vmin.f32 v51, $1.900000000e+02;
	[tilespmem:s7+$0x70] =	vst v5  }
0x1b2: {  	v53 =	vcvt.f32.s32 v6;
	v4 =	vtrunc.f32 v52;
	[tilespmem:s22+$0x70] =	vst v3  }
0x1b3: {  	v3 =	vcvt.f32.s32 v4;
	v54 =	vld [tilespmem:s3+$0x80]  }
0x1b4: {  	v6 =	vmul.u32 $0xC0, v53;
	v55 =	vld [tilespmem:s0+$0x80]  }
0x1b5: {  	v56 =	vand.u32 $0xFFFFFFF8, v3  }
0x1b6: {  	v57 =	vadd.s32 $0x1, v3;
	v58 =	vand.u32 $0x7, v3;
	v59 =	vadd.s32 v6, v56  }
0x1b7: {  	v60 =	vand.u32 $0xFFFFFFF8, v57;
	v13 =	vor.u32 v58, v59  }
0x1b8: {  	v11 =	vand.u32 $0x7, v57;
	v61 =	vadd.s32 v6, v60;
	v4 =	vsub.f32 v0, v54  }
0x1b9: {  	v6 =	vadd.s32 $0xC0, v6;
	v15 =	vor.u32 v11, v61;
	v7 =	vsub.f32 v2, v55  }
0x1ba: {  	v10 =	vadd.s32 v6, v56;
	v4 =	vadd.f32 $1.280000000e+02, v4  }
0x1bb: {  	v10 =	vor.u32 v58, v10;
	v62 =	vmax.f32 v7, $0.0e+00  }
0x1bc: {  	v6 =	vadd.s32 v6, v60;
	v12 =	vmin.f32 v62, $1.580000000e+02;
	v63 =	vld.idx.msk [tilespmem:v13+s2+$0x0], $0xffff;
	v27 =	vmax.f32 v4, $0.0e+00  }
0x1bd: {  	v6 =	vor.u32 v11, v6;
	v13 =	vld.idx.msk [tilespmem:v13+s8+$0x0], $0xffff;
	v12 =	vtrunc.f32 v12;
	v28 =	vmin.f32 v27, $1.900000000e+02  }
0x1be: {  	v29 =	vld.idx.msk [tilespmem:v15+s2+$0x0], $0xffff;
	v12 =	vcvt.f32.s32 v12;
	v11 =	vtrunc.f32 v28  }
0x1bf: {  	v15 =	vld.idx.msk [tilespmem:v15+s8+$0x0], $0xffff;
	v11 =	vcvt.f32.s32 v11  }
0x1c0: {  	v30 =	vld.idx.msk [tilespmem:v10+s2+$0x0], $0xffff;
	v31 =	vmul.u32 $0xC0, v12  }
0x1c1: {  	v3 =	vcvt.s32.f32 v3;
	v10 =	vld.idx.msk [tilespmem:v10+s8+$0x0], $0xffff;
	v32 =	vand.u32 $0xFFFFFFF8, v11  }
0x1c2: {  	v33 =	vld.idx.msk [tilespmem:v6+s2+$0x0], $0xffff;
	v35 =	vand.u32 $0x7, v11;
	v36 =	vadd.s32 v31, v32  }
0x1c3: {  	v3 =	vsub.f32 v8, v3;
	v6 =	vld.idx.msk [tilespmem:v6+s8+$0x0], $0xffff;
	v18 =	vadd.s32 $0xC0, v31;
	v37 =	vor.u32 v35, v36  }
0x1c4: {  	v5 =	vcvt.s32.f32 v53;
	v34 =	vadd.s32 $0x1, v11;
	v19 =	vadd.s32 v18, v32  }
0x1c5: {  	v3 =	vmax.f32 v3, $0.0e+00;
	v38 =	vand.u32 $0xFFFFFFF8, v34;
	v19 =	vor.u32 v35, v19  }
0x1c6: {  	v3 =	vmin.f32 v3, $1.000000000e+00;
	v21 =	vand.u32 $0x7, v34;
	v39 =	vadd.s32 v31, v38  }
0x1c7: {  	v14 =	vsub.f32 v29, v63;
	v20 =	vsub.f32 v33, v30;
	v24 =	vor.u32 v21, v39  }
0x1c8: {  	v15 =	vsub.f32 v15, v13;
	v6 =	vsub.f32 v6, v10;
	v18 =	vadd.s32 v18, v38;
	v40 =	vld.idx.msk [tilespmem:v37+s2+$0x0], $0xffff  }
0x1c9: {  	v14 =	vmul.f32 v3, v14;
	v18 =	vor.u32 v21, v18;
	v20 =	vmul.f32 v3, v20;
	v8 =	vld.idx.msk [tilespmem:v37+s8+$0x0], $0xffff  }
0x1ca: {  	v5 =	vsub.f32 v48, v5;
	v41 =	vmul.f32 v3, v15;
	v3 =	vmul.f32 v6, v3;
	v45 =	vld.idx.msk [tilespmem:v19+s2+$0x0], $0xffff  }
0x1cb: {  	v14 =	vadd.f32 v14, v63;
	v43 =	vadd.f32 v20, v30;
	v47 =	vld.idx.msk [tilespmem:v19+s8+$0x0], $0xffff  }
0x1cc: {  	v9 =	vadd.f32 v41, v13;
	v3 =	vadd.f32 v3, v10;
	v42 =	vld.idx.msk [tilespmem:v24+s2+$0x0], $0xffff  }
0x1cd: {  	v5 =	vmax.f32 v5, $0.0e+00;
	v44 =	vld.idx.msk [tilespmem:v24+s8+$0x0], $0xffff;
	v46 =	vsub.f32 v43, v14  }
0x1ce: {  	v5 =	vmin.f32 v5, $1.000000000e+00;
	v3 =	vsub.f32 v3, v9;
	v48 =	vld.idx.msk [tilespmem:v18+s2+$0x0], $0xffff  }
0x1cf: {  	v11 =	vcvt.s32.f32 v11;
	v18 =	vld.idx.msk [tilespmem:v18+s8+$0x0], $0xffff;
	v13 =	vmul.f32 v46, v5  }
0x1d0: {  	v3 =	vmul.f32 v3, v5  }
0x1d1: {  	v4 =	vsub.f32 v4, v11;
	v49 =	vadd.f32 v13, v14  }
0x1d2: {  	v50 =	vcvt.s32.f32 v12;
	v3 =	vadd.f32 v3, v9  }
0x1d3: {  	v4 =	vmax.f32 v4, $0.0e+00;
	v51 =	vsub.f32 v42, v40;
	v52 =	vsub.f32 v48, v45;
	[tilespmem:s7+$0xFFFFFFC0] =	vst v49  }
0x1d4: {  	v53 =	vsub.f32 v44, v8;
	v54 =	vsub.f32 v18, v47;
	[tilespmem:s22+$0xFFFFFFC0] =	vst v3;
	v3 =	vmin.f32 v4, $1.000000000e+00  }
0x1d5: {  	v55 =	vld [tilespmem:s3+$0xFFFFFFD0];
	v5 =	vmul.f32 v3, v51;
	v6 =	vmul.f32 v3, v52  }
0x1d6: {  	v7 =	vsub.f32 v7, v50;
	v56 =	vld [tilespmem:s0+$0xFFFFFFD0];
	v4 =	vmul.f32 v3, v53;
	v3 =	vmul.f32 v54, v3  }
0x1d7: {  	v5 =	vadd.f32 v5, v40;
	v6 =	vadd.f32 v6, v45  }
0x1d8: {  	v4 =	vadd.f32 v4, v8;
	v3 =	vadd.f32 v3, v47  }
0x1d9: {  	v7 =	vmax.f32 v7, $0.0e+00;
	v6 =	vsub.f32 v6, v5  }
0x1da: {  	v7 =	vmin.f32 v7, $1.000000000e+00;
	v3 =	vsub.f32 v3, v4;
	v57 =	vsub.f32 v0, v55  }
0x1db: {  	v58 =	vsub.f32 v1, v56;
	v6 =	vmul.f32 v6, v7  }
0x1dc: {  	v3 =	vmul.f32 v3, v7;
	v8 =	vadd.f32 $1.440000000e+02, v57  }
0x1dd: {  	v59 =	vmax.f32 v58, $0.0e+00;
	v5 =	vadd.f32 v6, v5  }
0x1de: {  	v60 =	vmin.f32 v59, $1.580000000e+02;
	v3 =	vadd.f32 v3, v4;
	v61 =	vmax.f32 v8, $0.0e+00  }
0x1df: {  	v6 =	vtrunc.f32 v60;
	v62 =	vmin.f32 v61, $1.900000000e+02;
	[tilespmem:s7+$0x80] =	vst v5  }
0x1e0: {  	v63 =	vcvt.f32.s32 v6;
	v4 =	vtrunc.f32 v62;
	[tilespmem:s22+$0x80] =	vst v3  }
0x1e1: {  	v3 =	vcvt.f32.s32 v4;
	v20 =	vld [tilespmem:s3+$0x90]  }
0x1e2: {  	v6 =	vmul.u32 $0xC0, v63;
	v21 =	vld [tilespmem:s0+$0x90]  }
0x1e3: {  	v22 =	vand.u32 $0xFFFFFFF8, v3  }
0x1e4: {  	v23 =	vadd.s32 $0x1, v3;
	v24 =	vand.u32 $0x7, v3;
	v25 =	vadd.s32 v6, v22  }
0x1e5: {  	v26 =	vand.u32 $0xFFFFFFF8, v23;
	v13 =	vor.u32 v24, v25  }
0x1e6: {  	v11 =	vand.u32 $0x7, v23;
	v27 =	vadd.s32 v6, v26;
	v4 =	vsub.f32 v0, v20  }
0x1e7: {  	v6 =	vadd.s32 $0xC0, v6;
	v15 =	vor.u32 v11, v27;
	v7 =	vsub.f32 v2, v21  }
0x1e8: {  	v10 =	vadd.s32 v6, v22;
	v4 =	vadd.f32 $1.440000000e+02, v4  }
0x1e9: {  	v10 =	vor.u32 v24, v10;
	v28 =	vmax.f32 v7, $0.0e+00  }
0x1ea: {  	v6 =	vadd.s32 v6, v26;
	v12 =	vmin.f32 v28, $1.580000000e+02;
	v29 =	vld.idx.msk [tilespmem:v13+s2+$0x0], $0xffff;
	v30 =	vmax.f32 v4, $0.0e+00  }
0x1eb: {  	v6 =	vor.u32 v11, v6;
	v13 =	vld.idx.msk [tilespmem:v13+s8+$0x0], $0xffff;
	v12 =	vtrunc.f32 v12;
	v31 =	vmin.f32 v30, $1.900000000e+02  }
0x1ec: {  	v32 =	vld.idx.msk [tilespmem:v15+s2+$0x0], $0xffff;
	v12 =	vcvt.f32.s32 v12;
	v11 =	vtrunc.f32 v31  }
0x1ed: {  	v15 =	vld.idx.msk [tilespmem:v15+s8+$0x0], $0xffff;
	v11 =	vcvt.f32.s32 v11  }
0x1ee: {  	v33 =	vld.idx.msk [tilespmem:v10+s2+$0x0], $0xffff;
	v34 =	vmul.u32 $0xC0, v12  }
0x1ef: {  	v3 =	vcvt.s32.f32 v3;
	v10 =	vld.idx.msk [tilespmem:v10+s8+$0x0], $0xffff;
	v35 =	vand.u32 $0xFFFFFFF8, v11  }
0x1f0: {  	v36 =	vld.idx.msk [tilespmem:v6+s2+$0x0], $0xffff;
	v38 =	vand.u32 $0x7, v11;
	v39 =	vadd.s32 v34, v35  }
0x1f1: {  	v3 =	vsub.f32 v8, v3;
	v6 =	vld.idx.msk [tilespmem:v6+s8+$0x0], $0xffff;
	v18 =	vadd.s32 $0xC0, v34;
	v40 =	vor.u32 v38, v39  }
0x1f2: {  	v5 =	vcvt.s32.f32 v63;
	v37 =	vadd.s32 $0x1, v11;
	v19 =	vadd.s32 v18, v35  }
0x1f3: {  	v3 =	vmax.f32 v3, $0.0e+00;
	v41 =	vand.u32 $0xFFFFFFF8, v37;
	v19 =	vor.u32 v38, v19  }
0x1f4: {  	v3 =	vmin.f32 v3, $1.000000000e+00;
	v21 =	vand.u32 $0x7, v37;
	v42 =	vadd.s32 v34, v41  }
0x1f5: {  	v14 =	vsub.f32 v32, v29;
	v15 =	vsub.f32 v15, v13;
	v24 =	vor.u32 v21, v42  }
0x1f6: {  	v20 =	vsub.f32 v36, v33;
	v6 =	vsub.f32 v6, v10;
	v18 =	vadd.s32 v18, v41;
	v43 =	vld.idx.msk [tilespmem:v40+s2+$0x0], $0xffff  }
0x1f7: {  	v14 =	vmul.f32 v3, v14;
	v15 =	vmul.f32 v3, v15;
	v18 =	vor.u32 v21, v18;
	v8 =	vld.idx.msk [tilespmem:v40+s8+$0x0], $0xffff  }
0x1f8: {  	v5 =	vsub.f32 v58, v5;
	v44 =	vmul.f32 v3, v20;
	v3 =	vmul.f32 v6, v3;
	v47 =	vld.idx.msk [tilespmem:v19+s2+$0x0], $0xffff  }
0x1f9: {  	v14 =	vadd.f32 v14, v29;
	v13 =	vadd.f32 v15, v13;
	v48 =	vld.idx.msk [tilespmem:v19+s8+$0x0], $0xffff  }
0x1fa: {  	v9 =	vadd.f32 v44, v33;
	v3 =	vadd.f32 v3, v10;
	v45 =	vld.idx.msk [tilespmem:v24+s2+$0x0], $0xffff  }
0x1fb: {  	v46 =	vld.idx.msk [tilespmem:v24+s8+$0x0], $0xffff  }
0x1fc: {  	v5 =	vmax.f32 v5, $0.0e+00;
	v9 =	vsub.f32 v9, v14;
	v3 =	vsub.f32 v3, v13;
	v49 =	vld.idx.msk [tilespmem:v18+s2+$0x0], $0xffff  }
0x1fd: {  	v5 =	vmin.f32 v5, $1.000000000e+00;
	v11 =	vcvt.s32.f32 v11;
	v18 =	vld.idx.msk [tilespmem:v18+s8+$0x0], $0xffff  }
0x1fe: {  	v9 =	vmul.f32 v9, v5;
	v3 =	vmul.f32 v3, v5  }
0x1ff: {  	v4 =	vsub.f32 v4, v11  }
0x200: {  	v51 =	vcvt.s32.f32 v12;
	v50 =	vadd.f32 v9, v14;
	v3 =	vadd.f32 v3, v13  }
0x201: {  	v4 =	vmax.f32 v4, $0.0e+00;
	v6 =	vsub.f32 v45, v43;
	v52 =	vsub.f32 v49, v47  }
0x202: {  	v4 =	vmin.f32 v4, $1.000000000e+00;
	v53 =	vsub.f32 v46, v8;
	v54 =	vsub.f32 v18, v48;
	[tilespmem:s7+$0xFFFFFFD0] =	vst v50  }
0x203: {  	[tilespmem:s22+$0xFFFFFFD0] =	vst v3;
	v3 =	vmul.f32 v4, v6;
	v55 =	vmul.f32 v4, v52  }
0x204: {  	v7 =	vsub.f32 v7, v51;
	v5 =	vmul.f32 v4, v53;
	v4 =	vmul.f32 v54, v4  }
0x205: {  	v56 =	vld [tilespmem:s3+$0xFFFFFFE0];
	v3 =	vadd.f32 v3, v43;
	v6 =	vadd.f32 v55, v47  }
0x206: {  	v57 =	vld [tilespmem:s0+$0xFFFFFFE0];
	v5 =	vadd.f32 v5, v8;
	v4 =	vadd.f32 v4, v48  }
0x207: {  	v7 =	vmax.f32 v7, $0.0e+00;
	v6 =	vsub.f32 v6, v3  }
0x208: {  	v7 =	vmin.f32 v7, $1.000000000e+00;
	v4 =	vsub.f32 v4, v5  }
0x209: {  	v6 =	vmul.f32 v6, v7  }
0x20a: {  	v58 =	vsub.f32 v0, v56;
	v4 =	vmul.f32 v4, v7  }
0x20b: {  	v9 =	vsub.f32 v1, v57;
	v3 =	vadd.f32 v6, v3  }
0x20c: {  	v59 =	vadd.f32 $1.600000000e+02, v58;
	v4 =	vadd.f32 v4, v5  }
0x20d: {  	v60 =	vmax.f32 v9, $0.0e+00;
	[tilespmem:s7+$0x90] =	vst v3  }
0x20e: {  	v61 =	vmin.f32 v60, $1.580000000e+02;
	v62 =	vmax.f32 v59, $0.0e+00;
	[tilespmem:s22+$0x90] =	vst v4  }
0x20f: {  	v5 =	vtrunc.f32 v61;
	v3 =	vmin.f32 v62, $1.900000000e+02;
	v21 =	vld [tilespmem:s3+$0xA0]  }
0x210: {  	v63 =	vcvt.f32.s32 v5;
	v3 =	vtrunc.f32 v3;
	v22 =	vld [tilespmem:s0+$0xA0]  }
0x211: {  	v3 =	vcvt.f32.s32 v3  }
0x212: {  	v23 =	vmul.u32 $0xC0, v63  }
0x213: {  	v24 =	vand.u32 $0xFFFFFFF8, v3;
	v25 =	vand.u32 $0x7, v3;
	v27 =	vadd.s32 $0x1, v3  }
0x214: {  	v8 =	vadd.s32 $0xC0, v23;
	v26 =	vadd.s32 v23, v24;
	v5 =	vsub.f32 v0, v21  }
0x215: {  	v28 =	vand.u32 $0xFFFFFFF8, v27;
	v13 =	vand.u32 $0x7, v27;
	v6 =	vsub.f32 v2, v22  }
0x216: {  	v10 =	vadd.s32 v8, v24;
	v12 =	vor.u32 v25, v26;
	v5 =	vadd.f32 $1.600000000e+02, v5  }
0x217: {  	v29 =	vadd.s32 v23, v28;
	v10 =	vor.u32 v25, v10;
	v30 =	vmax.f32 v6, $0.0e+00  }
0x218: {  	v8 =	vadd.s32 v8, v28;
	v31 =	vmin.f32 v30, $1.580000000e+02;
	v32 =	vmax.f32 v5, $0.0e+00  }
0x219: {  	v15 =	vor.u32 v13, v29;
	v11 =	vtrunc.f32 v31;
	v33 =	vmin.f32 v32, $1.900000000e+02  }
0x21a: {  	v8 =	vor.u32 v13, v8;
	v11 =	vcvt.f32.s32 v11;
	v35 =	vtrunc.f32 v33  }
0x21b: {  	v34 =	vld.idx.msk [tilespmem:v12+s2+$0x0], $0xffff;
	v13 =	vcvt.f32.s32 v35  }
0x21c: {  	v12 =	vld.idx.msk [tilespmem:v12+s8+$0x0], $0xffff;
	v37 =	vmul.u32 $0xC0, v11  }
0x21d: {  	v39 =	vld.idx.msk [tilespmem:v10+s2+$0x0], $0xffff;
	v38 =	vand.u32 $0xFFFFFFF8, v13  }
0x21e: {  	v36 =	vld.idx.msk [tilespmem:v15+s2+$0x0], $0xffff;
	v41 =	vand.u32 $0x7, v13;
	v42 =	vadd.s32 v37, v38  }
0x21f: {  	v3 =	vcvt.s32.f32 v3;
	v43 =	vld.idx.msk [tilespmem:v8+s2+$0x0], $0xffff;
	v17 =	vadd.s32 $0xC0, v37;
	v22 =	vor.u32 v41, v42  }
0x220: {  	v10 =	vld.idx.msk [tilespmem:v10+s8+$0x0], $0xffff;
	v40 =	vadd.s32 $0x1, v13;
	v18 =	vadd.s32 v17, v38  }
0x221: {  	v3 =	vsub.f32 v59, v3;
	v15 =	vld.idx.msk [tilespmem:v15+s8+$0x0], $0xffff;
	v44 =	vand.u32 $0xFFFFFFF8, v40;
	v18 =	vor.u32 v41, v18  }
0x222: {  	v45 =	vld.idx.msk [tilespmem:v8+s8+$0x0], $0xffff;
	v20 =	vand.u32 $0x7, v40;
	v25 =	vadd.s32 v37, v44  }
0x223: {  	v4 =	vcvt.s32.f32 v63;
	v3 =	vmax.f32 v3, $0.0e+00;
	v46 =	vor.u32 v20, v25  }
0x224: {  	v14 =	vsub.f32 v36, v34;
	v47 =	vsub.f32 v43, v39;
	v17 =	vadd.s32 v17, v44;
	v48 =	vld.idx.msk [tilespmem:v22+s2+$0x0], $0xffff  }
0x225: {  	v3 =	vmin.f32 v3, $1.000000000e+00;
	v17 =	vor.u32 v20, v17;
	v22 =	vld.idx.msk [tilespmem:v22+s8+$0x0], $0xffff  }
0x226: {  	v4 =	vsub.f32 v9, v4;
	v14 =	vmul.f32 v3, v14;
	v49 =	vmul.f32 v3, v47;
	v53 =	vld.idx.msk [tilespmem:v18+s2+$0x0], $0xffff  }
0x227: {  	v15 =	vsub.f32 v15, v12;
	v7 =	vsub.f32 v45, v10;
	v54 =	vld.idx.msk [tilespmem:v18+s8+$0x0], $0xffff  }
0x228: {  	v14 =	vadd.f32 v14, v34;
	v52 =	vadd.f32 v49, v39;
	v50 =	vld.idx.msk [tilespmem:v46+s2+$0x0], $0xffff  }
0x229: {  	v51 =	vmul.f32 v3, v15;
	v3 =	vmul.f32 v7, v3;
	v8 =	vld.idx.msk [tilespmem:v46+s8+$0x0], $0xffff  }
0x22a: {  	v4 =	vmax.f32 v4, $0.0e+00;
	v13 =	vcvt.s32.f32 v13;
	v55 =	vsub.f32 v52, v14;
	v56 =	vld.idx.msk [tilespmem:v17+s2+$0x0], $0xffff  }
0x22b: {  	v4 =	vmin.f32 v4, $1.000000000e+00;
	v9 =	vadd.f32 v51, v12;
	v3 =	vadd.f32 v3, v10;
	v57 =	vld.idx.msk [tilespmem:v17+s8+$0x0], $0xffff  }
0x22c: {  	v5 =	vsub.f32 v5, v13;
	v10 =	vmul.f32 v55, v4  }
0x22d: {  	v3 =	vsub.f32 v3, v9  }
0x22e: {  	v58 =	vcvt.s32.f32 v11;
	v5 =	vmax.f32 v5, $0.0e+00;
	v10 =	vadd.f32 v10, v14  }
0x22f: {  	v3 =	vmul.f32 v3, v4;
	v59 =	vsub.f32 v50, v48;
	v60 =	vsub.f32 v56, v53  }
0x230: {  	v5 =	vmin.f32 v5, $1.000000000e+00;
	v8 =	vsub.f32 v8, v22;
	v61 =	vsub.f32 v57, v54  }
0x231: {  	v3 =	vadd.f32 v3, v9;
	v62 =	vmul.f32 v5, v59;
	v63 =	vmul.f32 v5, v60  }
0x232: {  	v4 =	vsub.f32 v6, v58;
	[tilespmem:s7+$0xFFFFFFE0] =	vst v10;
	v13 =	vmul.f32 v5, v8;
	v5 =	vmul.f32 v61, v5  }
0x233: {  	[tilespmem:s22+$0xFFFFFFE0] =	vst v3;
	v3 =	vadd.f32 v62, v48;
	v7 =	vadd.f32 v63, v53  }
0x234: {  	v15 =	vld [tilespmem:s3+$0xFFFFFFF0];
	v6 =	vadd.f32 v13, v22;
	v5 =	vadd.f32 v5, v54  }
0x235: {  	v4 =	vmax.f32 v4, $0.0e+00;
	v16 =	vld [tilespmem:s0+$0xFFFFFFF0];
	v7 =	vsub.f32 v7, v3  }
0x236: {  	v4 =	vmin.f32 v4, $1.000000000e+00;
	v5 =	vsub.f32 v5, v6  }
0x237: {  	v7 =	vmul.f32 v7, v4  }
0x238: {  	v4 =	vmul.f32 v5, v4  }
0x239: {  	v17 =	vsub.f32 v0, v15;
	v3 =	vadd.f32 v7, v3  }
0x23a: {  	v1 =	vsub.f32 v1, v16;
	v4 =	vadd.f32 v4, v6  }
0x23b: {  	v5 =	vadd.f32 $1.760000000e+02, v17;
	[tilespmem:s7+$0xA0] =	vst v3  }
0x23c: {  	v3 =	vmax.f32 v1, $0.0e+00;
	[tilespmem:s22+$0xA0] =	vst v4  }
0x23d: {  	v18 =	vmax.f32 v5, $0.0e+00;
	v3 =	vmin.f32 v3, $1.580000000e+02;
	v19 =	vld [tilespmem:s3+$0xB0]  }
0x23e: {  	v4 =	vmin.f32 v18, $1.900000000e+02;
	v3 =	vtrunc.f32 v3;
	v20 =	vld [tilespmem:s0+$0xB0]  }
0x23f: {  	v4 =	vtrunc.f32 v4;
	v3 =	vcvt.f32.s32 v3  }
0x240: {  	v4 =	vcvt.f32.s32 v4  }
0x241: {  	v21 =	vmul.u32 $0xC0, v3  }
0x242: {  	v22 =	vadd.s32 $0x1, v4;
	v23 =	vand.u32 $0xFFFFFFF8, v4;
	v6 =	vsub.f32 v0, v19  }
0x243: {  	v24 =	vand.u32 $0x7, v4;
	v27 =	vand.u32 $0xFFFFFFF8, v22;
	v2 =	vsub.f32 v2, v20  }
0x244: {  	v9 =	vand.u32 $0x7, v22;
	v25 =	vadd.s32 v21, v23;
	v6 =	vadd.f32 $1.760000000e+02, v6  }
0x245: {  	v28 =	vadd.s32 v21, v27;
	v26 =	vor.u32 v24, v25;
	v29 =	vmax.f32 v2, $0.0e+00  }
0x246: {  	v8 =	vadd.s32 $0xC0, v21;
	v14 =	vmin.f32 v29, $1.580000000e+02;
	v30 =	vmax.f32 v6, $0.0e+00  }
0x247: {  	v13 =	vor.u32 v9, v28;
	v14 =	vtrunc.f32 v14;
	v15 =	vmin.f32 v30, $1.900000000e+02  }
0x248: {  	v10 =	vadd.s32 v8, v23;
	v14 =	vcvt.f32.s32 v14;
	v15 =	vtrunc.f32 v15  }
0x249: {  	v10 =	vor.u32 v24, v10;
	v31 =	vcvt.f32.s32 v15  }
0x24a: {  	v8 =	vadd.s32 v8, v27;
	v32 =	vld.idx.msk [tilespmem:v26+s2+$0x0], $0xffff;
	v33 =	vmul.u32 $0xC0, v14  }
0x24b: {  	v8 =	vor.u32 v9, v8;
	v7 =	vld.idx.msk [tilespmem:v26+s8+$0x0], $0xffff;
	v34 =	vand.u32 $0xFFFFFFF8, v31  }
0x24c: {  	v35 =	vld.idx.msk [tilespmem:v13+s2+$0x0], $0xffff;
	v37 =	vand.u32 $0x7, v31;
	v38 =	vadd.s32 v33, v34  }
0x24d: {  	v13 =	vld.idx.msk [tilespmem:v13+s8+$0x0], $0xffff;
	v12 =	vadd.s32 $0xC0, v33;
	v19 =	vor.u32 v37, v38  }
0x24e: {  	v40 =	vld.idx.msk [tilespmem:v10+s2+$0x0], $0xffff;
	v36 =	vadd.s32 $0x1, v31;
	v9 =	vadd.s32 v12, v34  }
0x24f: {  	v10 =	vld.idx.msk [tilespmem:v10+s8+$0x0], $0xffff;
	v39 =	vand.u32 $0xFFFFFFF8, v36;
	v9 =	vor.u32 v37, v9  }
0x250: {  	v42 =	vld.idx.msk [tilespmem:v8+s2+$0x0], $0xffff;
	v17 =	vand.u32 $0x7, v36;
	v41 =	vadd.s32 v33, v39  }
0x251: {  	v4 =	vcvt.s32.f32 v4;
	v8 =	vld.idx.msk [tilespmem:v8+s8+$0x0], $0xffff;
	v22 =	vor.u32 v17, v41  }
0x252: {  	v12 =	vadd.s32 v12, v39;
	v43 =	vld.idx.msk [tilespmem:v19+s2+$0x0], $0xffff  }
0x253: {  	v4 =	vsub.f32 v5, v4;
	v12 =	vor.u32 v17, v12;
	v44 =	vld.idx.msk [tilespmem:v19+s8+$0x0], $0xffff  }
0x254: {  	v3 =	vcvt.s32.f32 v3;
	v47 =	vld.idx.msk [tilespmem:v9+s2+$0x0], $0xffff  }
0x255: {  	v4 =	vmax.f32 v4, $0.0e+00;
	v9 =	vld.idx.msk [tilespmem:v9+s8+$0x0], $0xffff  }
0x256: {  	v1 =	vsub.f32 v1, v3;
	v3 =	vmin.f32 v4, $1.000000000e+00;
	v45 =	vld.idx.msk [tilespmem:v22+s2+$0x0], $0xffff  }
0x257: {  	v56 =	vcvt.s32.f32 v14;
	v16 =	vsub.f32 v35, v32;
	v13 =	vsub.f32 v13, v7;
	v46 =	vld.idx.msk [tilespmem:v22+s8+$0x0], $0xffff  }
0x258: {  	v48 =	vcvt.s32.f32 v31;
	v50 =	vsub.f32 v42, v40;
	v51 =	vsub.f32 v8, v10;
	v49 =	vld.idx.msk [tilespmem:v12+s2+$0x0], $0xffff  }
0x259: {  	v2 =	vsub.f32 v2, v56;
	v16 =	vmul.f32 v3, v16;
	v13 =	vmul.f32 v3, v13;
	v52 =	vld.idx.msk [tilespmem:v12+s8+$0x0], $0xffff  }
0x25a: {  	v4 =	vsub.f32 v6, v48;
	v54 =	vmul.f32 v3, v50;
	v3 =	vmul.f32 v51, v3  }
0x25b: {  	v53 =	vadd.f32 v16, v32;
	v7 =	vadd.f32 v13, v7  }
0x25c: {  	v55 =	vadd.f32 v54, v40;
	v3 =	vadd.f32 v3, v10  }
0x25d: {  	v4 =	vmax.f32 v4, $0.0e+00;
	v5 =	vsub.f32 v45, v43;
	v11 =	vsub.f32 v49, v47  }
0x25e: {  	v4 =	vmin.f32 v4, $1.000000000e+00;
	v57 =	vsub.f32 v46, v44;
	v8 =	vsub.f32 v52, v9  }
0x25f: {  	v6 =	vsub.f32 v55, v53;
	v5 =	vmul.f32 v4, v5;
	v11 =	vmul.f32 v4, v11  }
0x260: {  	v3 =	vsub.f32 v3, v7;
	v59 =	vmul.f32 v4, v57;
	v4 =	vmul.f32 v8, v4  }
0x261: {  	v1 =	vmax.f32 v1, $0.0e+00;
	v5 =	vadd.f32 v5, v43;
	v58 =	vadd.f32 v11, v47  }
0x262: {  	v1 =	vmin.f32 v1, $1.000000000e+00;
	v60 =	vadd.f32 v59, v44;
	v4 =	vadd.f32 v4, v9  }
0x263: {  	v2 =	vmax.f32 v2, $0.0e+00;
	v6 =	vmul.f32 v6, v1;
	v61 =	vsub.f32 v58, v5  }
0x264: {  	s31 =	sadd.s32 $0x2, s31;
	v2 =	vmin.f32 v2, $1.000000000e+00;
	v1 =	vmul.f32 v3, v1;
	v3 =	vsub.f32 v4, v60  }
0x265: {  	p1 =	slt.u32 s31, $0xE;
	v62 =	vadd.f32 v6, v53;
	v63 =	vmul.f32 v61, v2  }
.Ltmp0:
0x266: {  	v1 =	vadd.f32 v1, v7;
	v2 =	vmul.f32 v3, v2;
	(pc) =	sbr.rel @p1 .LBB2_4-.Ltmp0, $4  }
0x267: {  	[tilespmem:s7+$0xFFFFFFF0] =	vst v62;
	v3 =	vadd.f32 v63, v5  }
0x268: {  	[tilespmem:s22+$0xFFFFFFF0] =	vst v1;
	v1 =	vadd.f32 v2, v60  }
0x269: {  	s0 =	sadd.s32 $0x180, s0;
	[tilespmem:s7+$0xB0] =	vst v3  }
0x26a: {  	s3 =	sadd.s32 $0x180, s3;
	s7 =	sadd.s32 $0x180, s7;
	[tilespmem:s22+$0xB0] =	vst v1;
	s22 =	sadd.s32 $0x180, s22  }
0x26b: {  	s0 =	smul.u32 $0x1800, s29;
	_ =	sdelay $0x1  }
0x26c: {  	s3 =	sadd.s32 s24, s0  }
0x26d: {  	p1 =	seq.s32 s29, $0x4;
	s3 =	sshrl.u32 s3, $0x3  }
0x26e: {  	s0 =	sadd.s32 @!p1 s0, s28;
	s3 =	sadd.s32 s1, s3  }
0x26f: {  	[hbm4b:s3+s2] =	stream.linear.scatter [tilespmem:s15], [sflag:$0x4], $0xC00, $0x38;
	[tilespmem:$0x15000] =	vst v63  }
0x270: {  	s0 =	sshrl.u32 @!p1 s0, $0x3;
	s3 =	sadd.s32 $0xF00, s3  }
0x271: {  	[hbm4b:s3+s2] =	stream.linear.scatter [tilespmem:s16], [sflag:$0x4], $0xC00, $0x38;
	[tilespmem:$0x15000] =	vst v63  }
0x272: {  	s7 =	simm.s32 @!p1 $0xF000;
	s0 =	sadd.s32 @!p1 s5, s0;
	s3 =	simm.s32 @!p1 $0x0  }
0x273: {  	[tilespmem:s7], [sflag:$0x2] =	stream.linear.gather @!p1 [hbm4b:s0+s3], $0xC00, $0x38;
	[tilespmem:$0x15000] =	vst v63  }
0x274: {  	s0 =	sadd.s32 @!p1 $0xF00, s0;
	s7 =	simm.s32 @!p1 $0x10800  }
0x275: {  	[tilespmem:s7], [sflag:$0x2] =	stream.linear.gather @!p1 [hbm4b:s0+s3], $0xC00, $0x38;
	[tilespmem:$0x15000] =	vst v63  }
0x276: {  	_ =	swait.ge [sflag:s17], $0xC00  }
0x277: {  	[sflag:s17] =	ssyncset.done $0x0  }
0x278: {  	[sflag:s17] =	ssyncadd.s32 $0xFFFFF400  }
0x279: {  	_ =	swait.ge [sflag:s17], $0xC00  }
0x27a: {  	[sflag:s17] =	ssyncset.done $0x0  }
0x27b: {  	s0 =	simm.s32 @!p0 $0x5;
	[sflag:s17] =	ssyncadd.s32 $0xFFFFF400  }
0x27c: {  	_ =	swait.ge @!p0 [sflag:s0], $0xC00  }
0x27d: {  	[sflag:s0] =	ssyncset.done @!p0 $0x0  }
0x27e: {  	[sflag:s0] =	ssyncadd.s32 @!p0 $0xFFFFF400  }
0x27f: {  	s31 =	simm.s32 $0xFFFFFFFE;
	_ =	swait.ge @!p0 [sflag:s0], $0xC00  }
0x280: {  	s22 =	simm.s32 $0x14570;
	s3 =	simm.s32 $0x11570;
	[sflag:s0] =	ssyncset.done @!p0 $0x0  }
0x281: {  	s7 =	simm.s32 $0xFD70;
	[sflag:s0] =	ssyncadd.s32 @!p0 $0xFFFFF400;
	s0 =	simm.s32 $0x12D70  }
.LBB2_6:
0x282: {  	s9 =	sadd.s32 s31, s25  }
0x283: {  	s10 =	sadd.s32 $0x12, s9  }
0x284: {  	v2 =	vld [tilespmem:s7+$0xFFFFFE90];
	v1 =	vmov s10  }
0x285: {  	v3 =	vld [tilespmem:s3+$0xFFFFFE90];
	v1 =	vcvt.s32.f32 v1;
	_ =	sdelay $0x1  }
0x286: {  	v1 =	vbroadcast v1, $0x0;
	_ =	sdelay $0x1  }
0x287: {  	v4 =	vsub.f32 v1, v2  }
0x288: {  	v3 =	vsub.f32 v0, v3  }
0x289: {  	v2 =	vmax.f32 v4, $0.0e+00  }
0x28a: {  	v5 =	vmax.f32 v3, $0.0e+00;
	v2 =	vmin.f32 v2, $1.580000000e+02  }
0x28b: {  	v5 =	vmin.f32 v5, $1.900000000e+02;
	v2 =	vtrunc.f32 v2  }
0x28c: {  	v6 =	vcvt.f32.s32 v2;
	v2 =	vtrunc.f32 v5  }
0x28d: {  	s9 =	sadd.s32 $0x13, s9;
	v5 =	vcvt.f32.s32 v2  }
0x28e: {  	v8 =	vld [tilespmem:s7+$0xFFFFFF50];
	v2 =	vmov s9;
	v7 =	vmul.u32 $0xC0, v6  }
0x28f: {  	v10 =	vld [tilespmem:s3+$0xFFFFFF50];
	v2 =	vcvt.s32.f32 v2;
	v9 =	vand.u32 $0xFFFFFFF8, v5  }
0x290: {  	v11 =	vadd.s32 $0x1, v5;
	v12 =	vand.u32 $0x7, v5;
	v13 =	vadd.s32 v7, v9  }
0x291: {  	v14 =	vand.u32 $0xFFFFFFF8, v11;
	v2 =	vbroadcast v2, $0x0;
	v13 =	vor.u32 v12, v13  }
0x292: {  	v11 =	vand.u32 $0x7, v11;
	v15 =	vadd.s32 v7, v14  }
0x293: {  	v7 =	vadd.s32 $0xC0, v7;
	v15 =	vor.u32 v11, v15;
	v8 =	vsub.f32 v2, v8  }
0x294: {  	v10 =	vsub.f32 v0, v10;
	v9 =	vadd.s32 v9, v7  }
0x295: {  	v9 =	vor.u32 v12, v9;
	v48 =	vmax.f32 v8, $0.0e+00  }
0x296: {  	v49 =	vmax.f32 v10, $0.0e+00;
	v7 =	vadd.s32 v7, v14;
	v12 =	vmin.f32 v48, $1.580000000e+02;
	v16 =	vld.idx.msk [tilespmem:v13+s2+$0x0], $0xffff  }
0x297: {  	v50 =	vmin.f32 v49, $1.900000000e+02;
	v7 =	vor.u32 v11, v7;
	v13 =	vld.idx.msk [tilespmem:v13+s8+$0x0], $0xffff;
	v12 =	vtrunc.f32 v12  }
0x298: {  	v11 =	vtrunc.f32 v50;
	v51 =	vld.idx.msk [tilespmem:v15+s2+$0x0], $0xffff;
	v12 =	vcvt.f32.s32 v12  }
0x299: {  	v11 =	vcvt.f32.s32 v11;
	v15 =	vld.idx.msk [tilespmem:v15+s8+$0x0], $0xffff  }
0x29a: {  	v17 =	vld.idx.msk [tilespmem:v9+s2+$0x0], $0xffff;
	v18 =	vmul.u32 $0xC0, v12  }
0x29b: {  	v5 =	vcvt.s32.f32 v5;
	v19 =	vand.u32 $0xFFFFFFF8, v11;
	v9 =	vld.idx.msk [tilespmem:v9+s8+$0x0], $0xffff  }
0x29c: {  	v21 =	vadd.s32 $0x1, v11;
	v22 =	vand.u32 $0x7, v11;
	v20 =	vld.idx.msk [tilespmem:v7+s2+$0x0], $0xffff;
	v23 =	vadd.s32 v18, v19  }
0x29d: {  	v3 =	vsub.f32 v3, v5;
	v54 =	vand.u32 $0xFFFFFFF8, v21;
	v52 =	vld.idx.msk [tilespmem:v7+s8+$0x0], $0xffff;
	v53 =	vor.u32 v22, v23  }
0x29e: {  	v21 =	vand.u32 $0x7, v21;
	v24 =	vadd.s32 v18, v54  }
0x29f: {  	v3 =	vmax.f32 v3, $0.0e+00;
	v18 =	vadd.s32 $0xC0, v18;
	v24 =	vor.u32 v21, v24  }
0x2a0: {  	v6 =	vcvt.s32.f32 v6;
	v3 =	vmin.f32 v3, $1.000000000e+00;
	v19 =	vadd.s32 v19, v18  }
0x2a1: {  	v14 =	vsub.f32 v51, v16;
	v20 =	vsub.f32 v20, v17;
	v19 =	vor.u32 v22, v19  }
0x2a2: {  	v15 =	vsub.f32 v15, v13;
	v18 =	vadd.s32 v18, v54;
	v5 =	vsub.f32 v52, v9;
	v55 =	vld.idx.msk [tilespmem:v53+s2+$0x0], $0xffff  }
0x2a3: {  	v18 =	vor.u32 v21, v18;
	v14 =	vmul.f32 v3, v14;
	v20 =	vmul.f32 v20, v3;
	v7 =	vld.idx.msk [tilespmem:v53+s8+$0x0], $0xffff  }
0x2a4: {  	v4 =	vsub.f32 v4, v6;
	v56 =	vmul.f32 v3, v15;
	v3 =	vmul.f32 v5, v3;
	v57 =	vld.idx.msk [tilespmem:v24+s2+$0x0], $0xffff  }
0x2a5: {  	v14 =	vadd.f32 v14, v16;
	v58 =	vadd.f32 v20, v17;
	v59 =	vld.idx.msk [tilespmem:v24+s8+$0x0], $0xffff  }
0x2a6: {  	v6 =	vadd.f32 v56, v13;
	v3 =	vadd.f32 v3, v9;
	v60 =	vld.idx.msk [tilespmem:v19+s2+$0x0], $0xffff  }
0x2a7: {  	v4 =	vmax.f32 v4, $0.0e+00;
	v62 =	vld.idx.msk [tilespmem:v19+s8+$0x0], $0xffff;
	v61 =	vsub.f32 v58, v14  }
0x2a8: {  	v4 =	vmin.f32 v4, $1.000000000e+00;
	v63 =	vld.idx.msk [tilespmem:v18+s2+$0x0], $0xffff;
	v3 =	vsub.f32 v3, v6  }
0x2a9: {  	v11 =	vcvt.s32.f32 v11;
	v18 =	vld.idx.msk [tilespmem:v18+s8+$0x0], $0xffff;
	v13 =	vmul.f32 v61, v4  }
0x2aa: {  	v3 =	vmul.f32 v3, v4  }
0x2ab: {  	v10 =	vsub.f32 v10, v11;
	v21 =	vadd.f32 v13, v14  }
0x2ac: {  	v23 =	vcvt.s32.f32 v12;
	v3 =	vadd.f32 v3, v6  }
0x2ad: {  	v24 =	vmax.f32 v10, $0.0e+00;
	v5 =	vsub.f32 v57, v55;
	v25 =	vsub.f32 v63, v60;
	[tilespmem:s0+$0xFFFFFE90] =	vst v21  }
0x2ae: {  	v26 =	vsub.f32 v59, v7;
	v27 =	vsub.f32 v18, v62;
	[tilespmem:s22+$0xFFFFFE90] =	vst v3;
	v3 =	vmin.f32 v24, $1.000000000e+00  }
0x2af: {  	v28 =	vld [tilespmem:s3+$0xFFFFFEA0];
	v5 =	vmul.f32 v3, v5;
	v10 =	vmul.f32 v25, v3  }
0x2b0: {  	v6 =	vsub.f32 v8, v23;
	v29 =	vld [tilespmem:s7+$0xFFFFFEA0];
	v4 =	vmul.f32 v3, v26;
	v3 =	vmul.f32 v27, v3  }
0x2b1: {  	v5 =	vadd.f32 v5, v55;
	v30 =	vadd.f32 v10, v60  }
0x2b2: {  	v4 =	vadd.f32 v4, v7;
	v3 =	vadd.f32 v3, v62  }
0x2b3: {  	v6 =	vmax.f32 v6, $0.0e+00;
	v31 =	vsub.f32 v30, v5  }
0x2b4: {  	v6 =	vmin.f32 v6, $1.000000000e+00;
	v3 =	vsub.f32 v3, v4;
	v32 =	vsub.f32 v0, v28  }
0x2b5: {  	v33 =	vsub.f32 v1, v29;
	v7 =	vmul.f32 v31, v6  }
0x2b6: {  	v3 =	vmul.f32 v3, v6;
	v8 =	vadd.f32 $1.600000000e+01, v32  }
0x2b7: {  	v34 =	vmax.f32 v33, $0.0e+00;
	v5 =	vadd.f32 v7, v5  }
0x2b8: {  	v6 =	vmin.f32 v34, $1.580000000e+02;
	v3 =	vadd.f32 v3, v4;
	v35 =	vmax.f32 v8, $0.0e+00  }
0x2b9: {  	v6 =	vtrunc.f32 v6;
	v36 =	vmin.f32 v35, $1.900000000e+02;
	[tilespmem:s0+$0xFFFFFF50] =	vst v5  }
0x2ba: {  	v37 =	vcvt.f32.s32 v6;
	v4 =	vtrunc.f32 v36;
	[tilespmem:s22+$0xFFFFFF50] =	vst v3  }
0x2bb: {  	v3 =	vcvt.f32.s32 v4;
	v38 =	vld [tilespmem:s3+$0xFFFFFF60]  }
0x2bc: {  	v6 =	vmul.u32 $0xC0, v37;
	v39 =	vld [tilespmem:s7+$0xFFFFFF60]  }
0x2bd: {  	v40 =	vand.u32 $0xFFFFFFF8, v3  }
0x2be: {  	v41 =	vadd.s32 $0x1, v3;
	v42 =	vand.u32 $0x7, v3;
	v43 =	vadd.s32 v6, v40  }
0x2bf: {  	v44 =	vand.u32 $0xFFFFFFF8, v41;
	v13 =	vor.u32 v42, v43  }
0x2c0: {  	v11 =	vand.u32 $0x7, v41;
	v45 =	vadd.s32 v6, v44;
	v4 =	vsub.f32 v0, v38  }
0x2c1: {  	v6 =	vadd.s32 $0xC0, v6;
	v15 =	vor.u32 v11, v45;
	v7 =	vsub.f32 v2, v39  }
0x2c2: {  	v10 =	vadd.s32 v6, v40;
	v4 =	vadd.f32 $1.600000000e+01, v4  }
0x2c3: {  	v10 =	vor.u32 v42, v10;
	v46 =	vmax.f32 v7, $0.0e+00  }
0x2c4: {  	v6 =	vadd.s32 v6, v44;
	v12 =	vmin.f32 v46, $1.580000000e+02;
	v47 =	vld.idx.msk [tilespmem:v13+s2+$0x0], $0xffff;
	v48 =	vmax.f32 v4, $0.0e+00  }
0x2c5: {  	v6 =	vor.u32 v11, v6;
	v13 =	vld.idx.msk [tilespmem:v13+s8+$0x0], $0xffff;
	v12 =	vtrunc.f32 v12;
	v49 =	vmin.f32 v48, $1.900000000e+02  }
0x2c6: {  	v50 =	vld.idx.msk [tilespmem:v15+s2+$0x0], $0xffff;
	v12 =	vcvt.f32.s32 v12;
	v11 =	vtrunc.f32 v49  }
0x2c7: {  	v15 =	vld.idx.msk [tilespmem:v15+s8+$0x0], $0xffff;
	v11 =	vcvt.f32.s32 v11  }
0x2c8: {  	v51 =	vld.idx.msk [tilespmem:v10+s2+$0x0], $0xffff;
	v52 =	vmul.u32 $0xC0, v12  }
0x2c9: {  	v10 =	vld.idx.msk [tilespmem:v10+s8+$0x0], $0xffff;
	v53 =	vand.u32 $0xFFFFFFF8, v11  }
0x2ca: {  	v3 =	vcvt.s32.f32 v3;
	v54 =	vld.idx.msk [tilespmem:v6+s2+$0x0], $0xffff;
	v56 =	vand.u32 $0x7, v11;
	v57 =	vadd.s32 v52, v53  }
0x2cb: {  	v6 =	vld.idx.msk [tilespmem:v6+s8+$0x0], $0xffff;
	v55 =	vadd.s32 $0x1, v11;
	v18 =	vadd.s32 $0xC0, v52;
	v58 =	vor.u32 v56, v57  }
0x2cc: {  	v3 =	vsub.f32 v8, v3;
	v59 =	vand.u32 $0xFFFFFFF8, v55;
	v19 =	vadd.s32 v18, v53  }
0x2cd: {  	v21 =	vand.u32 $0x7, v55;
	v60 =	vadd.s32 v52, v59;
	v19 =	vor.u32 v56, v19  }
0x2ce: {  	v5 =	vcvt.s32.f32 v37;
	v3 =	vmax.f32 v3, $0.0e+00;
	v24 =	vor.u32 v21, v60  }
0x2cf: {  	v3 =	vmin.f32 v3, $1.000000000e+00;
	v14 =	vsub.f32 v50, v47;
	v20 =	vsub.f32 v54, v51  }
0x2d0: {  	v15 =	vsub.f32 v15, v13;
	v6 =	vsub.f32 v6, v10;
	v18 =	vadd.s32 v18, v59;
	v61 =	vld.idx.msk [tilespmem:v58+s2+$0x0], $0xffff  }
0x2d1: {  	v14 =	vmul.f32 v3, v14;
	v18 =	vor.u32 v21, v18;
	v20 =	vmul.f32 v3, v20;
	v8 =	vld.idx.msk [tilespmem:v58+s8+$0x0], $0xffff  }
0x2d2: {  	v5 =	vsub.f32 v33, v5;
	v62 =	vmul.f32 v3, v15;
	v3 =	vmul.f32 v6, v3;
	v26 =	vld.idx.msk [tilespmem:v19+s8+$0x0], $0xffff  }
0x2d3: {  	v14 =	vadd.f32 v14, v47;
	v21 =	vadd.f32 v20, v51;
	v63 =	vld.idx.msk [tilespmem:v24+s2+$0x0], $0xffff  }
0x2d4: {  	v9 =	vadd.f32 v62, v13;
	v3 =	vadd.f32 v3, v10;
	v23 =	vld.idx.msk [tilespmem:v24+s8+$0x0], $0xffff  }
0x2d5: {  	v5 =	vmax.f32 v5, $0.0e+00;
	v24 =	vld.idx.msk [tilespmem:v19+s2+$0x0], $0xffff;
	v25 =	vsub.f32 v21, v14  }
0x2d6: {  	v5 =	vmin.f32 v5, $1.000000000e+00;
	v3 =	vsub.f32 v3, v9;
	v27 =	vld.idx.msk [tilespmem:v18+s2+$0x0], $0xffff  }
0x2d7: {  	v11 =	vcvt.s32.f32 v11;
	v18 =	vld.idx.msk [tilespmem:v18+s8+$0x0], $0xffff;
	v13 =	vmul.f32 v25, v5  }
0x2d8: {  	v3 =	vmul.f32 v3, v5  }
0x2d9: {  	v4 =	vsub.f32 v4, v11;
	v28 =	vadd.f32 v13, v14  }
0x2da: {  	v29 =	vcvt.s32.f32 v12;
	v3 =	vadd.f32 v3, v9  }
0x2db: {  	v4 =	vmax.f32 v4, $0.0e+00;
	v30 =	vsub.f32 v63, v61;
	v31 =	vsub.f32 v27, v24;
	[tilespmem:s0+$0xFFFFFEA0] =	vst v28  }
0x2dc: {  	v32 =	vsub.f32 v23, v8;
	v33 =	vsub.f32 v18, v26;
	[tilespmem:s22+$0xFFFFFEA0] =	vst v3;
	v3 =	vmin.f32 v4, $1.000000000e+00  }
0x2dd: {  	v34 =	vld [tilespmem:s3+$0xFFFFFEB0];
	v5 =	vmul.f32 v3, v30;
	v6 =	vmul.f32 v3, v31  }
0x2de: {  	v7 =	vsub.f32 v7, v29;
	v35 =	vld [tilespmem:s7+$0xFFFFFEB0];
	v4 =	vmul.f32 v3, v32;
	v3 =	vmul.f32 v33, v3  }
0x2df: {  	v5 =	vadd.f32 v5, v61;
	v6 =	vadd.f32 v6, v24  }
0x2e0: {  	v4 =	vadd.f32 v4, v8;
	v3 =	vadd.f32 v3, v26  }
0x2e1: {  	v7 =	vmax.f32 v7, $0.0e+00;
	v6 =	vsub.f32 v6, v5  }
0x2e2: {  	v7 =	vmin.f32 v7, $1.000000000e+00;
	v3 =	vsub.f32 v3, v4;
	v36 =	vsub.f32 v0, v34  }
0x2e3: {  	v37 =	vsub.f32 v1, v35;
	v6 =	vmul.f32 v6, v7  }
0x2e4: {  	v3 =	vmul.f32 v3, v7;
	v8 =	vadd.f32 $3.200000000e+01, v36  }
0x2e5: {  	v38 =	vmax.f32 v37, $0.0e+00;
	v5 =	vadd.f32 v6, v5  }
0x2e6: {  	v39 =	vmin.f32 v38, $1.580000000e+02;
	v3 =	vadd.f32 v3, v4;
	v40 =	vmax.f32 v8, $0.0e+00  }
0x2e7: {  	v6 =	vtrunc.f32 v39;
	v41 =	vmin.f32 v40, $1.900000000e+02;
	[tilespmem:s0+$0xFFFFFF60] =	vst v5  }
0x2e8: {  	v42 =	vcvt.f32.s32 v6;
	v4 =	vtrunc.f32 v41;
	[tilespmem:s22+$0xFFFFFF60] =	vst v3  }
0x2e9: {  	v3 =	vcvt.f32.s32 v4;
	v43 =	vld [tilespmem:s3+$0xFFFFFF70]  }
0x2ea: {  	v6 =	vmul.u32 $0xC0, v42;
	v44 =	vld [tilespmem:s7+$0xFFFFFF70]  }
0x2eb: {  	v45 =	vand.u32 $0xFFFFFFF8, v3  }
0x2ec: {  	v46 =	vadd.s32 $0x1, v3;
	v47 =	vand.u32 $0x7, v3;
	v48 =	vadd.s32 v6, v45  }
0x2ed: {  	v49 =	vand.u32 $0xFFFFFFF8, v46;
	v13 =	vor.u32 v47, v48  }
0x2ee: {  	v11 =	vand.u32 $0x7, v46;
	v50 =	vadd.s32 v6, v49;
	v4 =	vsub.f32 v0, v43  }
0x2ef: {  	v6 =	vadd.s32 $0xC0, v6;
	v15 =	vor.u32 v11, v50;
	v7 =	vsub.f32 v2, v44  }
0x2f0: {  	v10 =	vadd.s32 v6, v45;
	v4 =	vadd.f32 $3.200000000e+01, v4  }
0x2f1: {  	v10 =	vor.u32 v47, v10;
	v51 =	vmax.f32 v7, $0.0e+00  }
0x2f2: {  	v6 =	vadd.s32 v6, v49;
	v12 =	vmin.f32 v51, $1.580000000e+02;
	v52 =	vld.idx.msk [tilespmem:v13+s2+$0x0], $0xffff;
	v53 =	vmax.f32 v4, $0.0e+00  }
0x2f3: {  	v6 =	vor.u32 v11, v6;
	v13 =	vld.idx.msk [tilespmem:v13+s8+$0x0], $0xffff;
	v12 =	vtrunc.f32 v12;
	v54 =	vmin.f32 v53, $1.900000000e+02  }
0x2f4: {  	v55 =	vld.idx.msk [tilespmem:v15+s2+$0x0], $0xffff;
	v12 =	vcvt.f32.s32 v12;
	v11 =	vtrunc.f32 v54  }
0x2f5: {  	v15 =	vld.idx.msk [tilespmem:v15+s8+$0x0], $0xffff;
	v11 =	vcvt.f32.s32 v11  }
0x2f6: {  	v56 =	vld.idx.msk [tilespmem:v10+s2+$0x0], $0xffff;
	v57 =	vmul.u32 $0xC0, v12  }
0x2f7: {  	v3 =	vcvt.s32.f32 v3;
	v10 =	vld.idx.msk [tilespmem:v10+s8+$0x0], $0xffff;
	v58 =	vand.u32 $0xFFFFFFF8, v11  }
0x2f8: {  	v59 =	vld.idx.msk [tilespmem:v6+s2+$0x0], $0xffff;
	v61 =	vand.u32 $0x7, v11;
	v62 =	vadd.s32 v57, v58  }
0x2f9: {  	v3 =	vsub.f32 v8, v3;
	v6 =	vld.idx.msk [tilespmem:v6+s8+$0x0], $0xffff;
	v18 =	vadd.s32 $0xC0, v57;
	v63 =	vor.u32 v61, v62  }
0x2fa: {  	v5 =	vcvt.s32.f32 v42;
	v60 =	vadd.s32 $0x1, v11;
	v19 =	vadd.s32 v18, v58  }
0x2fb: {  	v3 =	vmax.f32 v3, $0.0e+00;
	v28 =	vand.u32 $0xFFFFFFF8, v60;
	v19 =	vor.u32 v61, v19  }
0x2fc: {  	v3 =	vmin.f32 v3, $1.000000000e+00;
	v21 =	vand.u32 $0x7, v60;
	v29 =	vadd.s32 v57, v28  }
0x2fd: {  	v14 =	vsub.f32 v55, v52;
	v20 =	vsub.f32 v59, v56;
	v24 =	vor.u32 v21, v29  }
0x2fe: {  	v15 =	vsub.f32 v15, v13;
	v6 =	vsub.f32 v6, v10;
	v18 =	vadd.s32 v18, v28;
	v30 =	vld.idx.msk [tilespmem:v63+s2+$0x0], $0xffff  }
0x2ff: {  	v14 =	vmul.f32 v3, v14;
	v18 =	vor.u32 v21, v18;
	v20 =	vmul.f32 v3, v20;
	v8 =	vld.idx.msk [tilespmem:v63+s8+$0x0], $0xffff  }
0x300: {  	v5 =	vsub.f32 v37, v5;
	v31 =	vmul.f32 v3, v15;
	v3 =	vmul.f32 v6, v3;
	v35 =	vld.idx.msk [tilespmem:v19+s2+$0x0], $0xffff  }
0x301: {  	v14 =	vadd.f32 v14, v52;
	v33 =	vadd.f32 v20, v56;
	v37 =	vld.idx.msk [tilespmem:v19+s8+$0x0], $0xffff  }
0x302: {  	v9 =	vadd.f32 v31, v13;
	v3 =	vadd.f32 v3, v10;
	v32 =	vld.idx.msk [tilespmem:v24+s2+$0x0], $0xffff  }
0x303: {  	v5 =	vmax.f32 v5, $0.0e+00;
	v34 =	vld.idx.msk [tilespmem:v24+s8+$0x0], $0xffff;
	v36 =	vsub.f32 v33, v14  }
0x304: {  	v5 =	vmin.f32 v5, $1.000000000e+00;
	v3 =	vsub.f32 v3, v9;
	v38 =	vld.idx.msk [tilespmem:v18+s2+$0x0], $0xffff  }
0x305: {  	v11 =	vcvt.s32.f32 v11;
	v18 =	vld.idx.msk [tilespmem:v18+s8+$0x0], $0xffff;
	v13 =	vmul.f32 v36, v5  }
0x306: {  	v3 =	vmul.f32 v3, v5  }
0x307: {  	v4 =	vsub.f32 v4, v11;
	v39 =	vadd.f32 v13, v14  }
0x308: {  	v40 =	vcvt.s32.f32 v12;
	v3 =	vadd.f32 v3, v9  }
0x309: {  	v4 =	vmax.f32 v4, $0.0e+00;
	v41 =	vsub.f32 v32, v30;
	v42 =	vsub.f32 v38, v35;
	[tilespmem:s0+$0xFFFFFEB0] =	vst v39  }
0x30a: {  	v43 =	vsub.f32 v34, v8;
	v44 =	vsub.f32 v18, v37;
	[tilespmem:s22+$0xFFFFFEB0] =	vst v3;
	v3 =	vmin.f32 v4, $1.000000000e+00  }
0x30b: {  	v45 =	vld [tilespmem:s3+$0xFFFFFEC0];
	v5 =	vmul.f32 v3, v41;
	v6 =	vmul.f32 v3, v42  }
0x30c: {  	v7 =	vsub.f32 v7, v40;
	v46 =	vld [tilespmem:s7+$0xFFFFFEC0];
	v4 =	vmul.f32 v3, v43;
	v3 =	vmul.f32 v44, v3  }
0x30d: {  	v5 =	vadd.f32 v5, v30;
	v6 =	vadd.f32 v6, v35  }
0x30e: {  	v4 =	vadd.f32 v4, v8;
	v3 =	vadd.f32 v3, v37  }
0x30f: {  	v7 =	vmax.f32 v7, $0.0e+00;
	v6 =	vsub.f32 v6, v5  }
0x310: {  	v7 =	vmin.f32 v7, $1.000000000e+00;
	v3 =	vsub.f32 v3, v4;
	v47 =	vsub.f32 v0, v45  }
0x311: {  	v48 =	vsub.f32 v1, v46;
	v6 =	vmul.f32 v6, v7  }
0x312: {  	v3 =	vmul.f32 v3, v7;
	v8 =	vadd.f32 $4.800000000e+01, v47  }
0x313: {  	v49 =	vmax.f32 v48, $0.0e+00;
	v5 =	vadd.f32 v6, v5  }
0x314: {  	v50 =	vmin.f32 v49, $1.580000000e+02;
	v3 =	vadd.f32 v3, v4;
	v51 =	vmax.f32 v8, $0.0e+00  }
0x315: {  	v6 =	vtrunc.f32 v50;
	v52 =	vmin.f32 v51, $1.900000000e+02;
	[tilespmem:s0+$0xFFFFFF70] =	vst v5  }
0x316: {  	v53 =	vcvt.f32.s32 v6;
	v4 =	vtrunc.f32 v52;
	[tilespmem:s22+$0xFFFFFF70] =	vst v3  }
0x317: {  	v3 =	vcvt.f32.s32 v4;
	v54 =	vld [tilespmem:s3+$0xFFFFFF80]  }
0x318: {  	v6 =	vmul.u32 $0xC0, v53;
	v55 =	vld [tilespmem:s7+$0xFFFFFF80]  }
0x319: {  	v56 =	vand.u32 $0xFFFFFFF8, v3  }
0x31a: {  	v57 =	vadd.s32 $0x1, v3;
	v58 =	vand.u32 $0x7, v3;
	v59 =	vadd.s32 v6, v56  }
0x31b: {  	v60 =	vand.u32 $0xFFFFFFF8, v57;
	v13 =	vor.u32 v58, v59  }
0x31c: {  	v11 =	vand.u32 $0x7, v57;
	v61 =	vadd.s32 v6, v60;
	v4 =	vsub.f32 v0, v54  }
0x31d: {  	v6 =	vadd.s32 $0xC0, v6;
	v15 =	vor.u32 v11, v61;
	v7 =	vsub.f32 v2, v55  }
0x31e: {  	v10 =	vadd.s32 v6, v56;
	v4 =	vadd.f32 $4.800000000e+01, v4  }
0x31f: {  	v10 =	vor.u32 v58, v10;
	v62 =	vmax.f32 v7, $0.0e+00  }
0x320: {  	v6 =	vadd.s32 v6, v60;
	v12 =	vmin.f32 v62, $1.580000000e+02;
	v63 =	vld.idx.msk [tilespmem:v13+s2+$0x0], $0xffff;
	v27 =	vmax.f32 v4, $0.0e+00  }
0x321: {  	v6 =	vor.u32 v11, v6;
	v13 =	vld.idx.msk [tilespmem:v13+s8+$0x0], $0xffff;
	v12 =	vtrunc.f32 v12;
	v28 =	vmin.f32 v27, $1.900000000e+02  }
0x322: {  	v29 =	vld.idx.msk [tilespmem:v15+s2+$0x0], $0xffff;
	v12 =	vcvt.f32.s32 v12;
	v11 =	vtrunc.f32 v28  }
0x323: {  	v15 =	vld.idx.msk [tilespmem:v15+s8+$0x0], $0xffff;
	v11 =	vcvt.f32.s32 v11  }
0x324: {  	v30 =	vld.idx.msk [tilespmem:v10+s2+$0x0], $0xffff;
	v31 =	vmul.u32 $0xC0, v12  }
0x325: {  	v3 =	vcvt.s32.f32 v3;
	v10 =	vld.idx.msk [tilespmem:v10+s8+$0x0], $0xffff;
	v32 =	vand.u32 $0xFFFFFFF8, v11  }
0x326: {  	v33 =	vld.idx.msk [tilespmem:v6+s2+$0x0], $0xffff;
	v35 =	vand.u32 $0x7, v11;
	v36 =	vadd.s32 v31, v32  }
0x327: {  	v3 =	vsub.f32 v8, v3;
	v6 =	vld.idx.msk [tilespmem:v6+s8+$0x0], $0xffff;
	v18 =	vadd.s32 $0xC0, v31;
	v37 =	vor.u32 v35, v36  }
0x328: {  	v5 =	vcvt.s32.f32 v53;
	v34 =	vadd.s32 $0x1, v11;
	v19 =	vadd.s32 v18, v32  }
0x329: {  	v3 =	vmax.f32 v3, $0.0e+00;
	v38 =	vand.u32 $0xFFFFFFF8, v34;
	v19 =	vor.u32 v35, v19  }
0x32a: {  	v3 =	vmin.f32 v3, $1.000000000e+00;
	v21 =	vand.u32 $0x7, v34;
	v39 =	vadd.s32 v31, v38  }
0x32b: {  	v14 =	vsub.f32 v29, v63;
	v20 =	vsub.f32 v33, v30;
	v24 =	vor.u32 v21, v39  }
0x32c: {  	v15 =	vsub.f32 v15, v13;
	v6 =	vsub.f32 v6, v10;
	v18 =	vadd.s32 v18, v38;
	v40 =	vld.idx.msk [tilespmem:v37+s2+$0x0], $0xffff  }
0x32d: {  	v14 =	vmul.f32 v3, v14;
	v18 =	vor.u32 v21, v18;
	v20 =	vmul.f32 v3, v20;
	v8 =	vld.idx.msk [tilespmem:v37+s8+$0x0], $0xffff  }
0x32e: {  	v5 =	vsub.f32 v48, v5;
	v41 =	vmul.f32 v3, v15;
	v3 =	vmul.f32 v6, v3;
	v45 =	vld.idx.msk [tilespmem:v19+s2+$0x0], $0xffff  }
0x32f: {  	v14 =	vadd.f32 v14, v63;
	v43 =	vadd.f32 v20, v30;
	v47 =	vld.idx.msk [tilespmem:v19+s8+$0x0], $0xffff  }
0x330: {  	v9 =	vadd.f32 v41, v13;
	v3 =	vadd.f32 v3, v10;
	v42 =	vld.idx.msk [tilespmem:v24+s2+$0x0], $0xffff  }
0x331: {  	v5 =	vmax.f32 v5, $0.0e+00;
	v44 =	vld.idx.msk [tilespmem:v24+s8+$0x0], $0xffff;
	v46 =	vsub.f32 v43, v14  }
0x332: {  	v5 =	vmin.f32 v5, $1.000000000e+00;
	v3 =	vsub.f32 v3, v9;
	v48 =	vld.idx.msk [tilespmem:v18+s2+$0x0], $0xffff  }
0x333: {  	v11 =	vcvt.s32.f32 v11;
	v18 =	vld.idx.msk [tilespmem:v18+s8+$0x0], $0xffff;
	v13 =	vmul.f32 v46, v5  }
0x334: {  	v3 =	vmul.f32 v3, v5  }
0x335: {  	v4 =	vsub.f32 v4, v11;
	v49 =	vadd.f32 v13, v14  }
0x336: {  	v50 =	vcvt.s32.f32 v12;
	v3 =	vadd.f32 v3, v9  }
0x337: {  	v4 =	vmax.f32 v4, $0.0e+00;
	v51 =	vsub.f32 v42, v40;
	v52 =	vsub.f32 v48, v45;
	[tilespmem:s0+$0xFFFFFEC0] =	vst v49  }
0x338: {  	v53 =	vsub.f32 v44, v8;
	v54 =	vsub.f32 v18, v47;
	[tilespmem:s22+$0xFFFFFEC0] =	vst v3;
	v3 =	vmin.f32 v4, $1.000000000e+00  }
0x339: {  	v55 =	vld [tilespmem:s3+$0xFFFFFED0];
	v5 =	vmul.f32 v3, v51;
	v6 =	vmul.f32 v3, v52  }
0x33a: {  	v7 =	vsub.f32 v7, v50;
	v56 =	vld [tilespmem:s7+$0xFFFFFED0];
	v4 =	vmul.f32 v3, v53;
	v3 =	vmul.f32 v54, v3  }
0x33b: {  	v5 =	vadd.f32 v5, v40;
	v6 =	vadd.f32 v6, v45  }
0x33c: {  	v4 =	vadd.f32 v4, v8;
	v3 =	vadd.f32 v3, v47  }
0x33d: {  	v7 =	vmax.f32 v7, $0.0e+00;
	v6 =	vsub.f32 v6, v5  }
0x33e: {  	v7 =	vmin.f32 v7, $1.000000000e+00;
	v3 =	vsub.f32 v3, v4;
	v57 =	vsub.f32 v0, v55  }
0x33f: {  	v58 =	vsub.f32 v1, v56;
	v6 =	vmul.f32 v6, v7  }
0x340: {  	v3 =	vmul.f32 v3, v7;
	v8 =	vadd.f32 $6.400000000e+01, v57  }
0x341: {  	v59 =	vmax.f32 v58, $0.0e+00;
	v5 =	vadd.f32 v6, v5  }
0x342: {  	v60 =	vmin.f32 v59, $1.580000000e+02;
	v3 =	vadd.f32 v3, v4;
	v61 =	vmax.f32 v8, $0.0e+00  }
0x343: {  	v6 =	vtrunc.f32 v60;
	v62 =	vmin.f32 v61, $1.900000000e+02;
	[tilespmem:s0+$0xFFFFFF80] =	vst v5  }
0x344: {  	v63 =	vcvt.f32.s32 v6;
	v4 =	vtrunc.f32 v62;
	[tilespmem:s22+$0xFFFFFF80] =	vst v3  }
0x345: {  	v3 =	vcvt.f32.s32 v4;
	v22 =	vld [tilespmem:s3+$0xFFFFFF90]  }
0x346: {  	v6 =	vmul.u32 $0xC0, v63;
	v23 =	vld [tilespmem:s7+$0xFFFFFF90]  }
0x347: {  	v24 =	vand.u32 $0xFFFFFFF8, v3  }
0x348: {  	v25 =	vadd.s32 $0x1, v3;
	v26 =	vand.u32 $0x7, v3;
	v27 =	vadd.s32 v6, v24  }
0x349: {  	v28 =	vand.u32 $0xFFFFFFF8, v25;
	v13 =	vor.u32 v26, v27  }
0x34a: {  	v11 =	vand.u32 $0x7, v25;
	v29 =	vadd.s32 v6, v28;
	v4 =	vsub.f32 v0, v22  }
0x34b: {  	v6 =	vadd.s32 $0xC0, v6;
	v15 =	vor.u32 v11, v29;
	v7 =	vsub.f32 v2, v23  }
0x34c: {  	v10 =	vadd.s32 v6, v24;
	v4 =	vadd.f32 $6.400000000e+01, v4  }
0x34d: {  	v10 =	vor.u32 v26, v10;
	v30 =	vmax.f32 v7, $0.0e+00  }
0x34e: {  	v6 =	vadd.s32 v6, v28;
	v12 =	vmin.f32 v30, $1.580000000e+02;
	v31 =	vld.idx.msk [tilespmem:v13+s2+$0x0], $0xffff;
	v32 =	vmax.f32 v4, $0.0e+00  }
0x34f: {  	v6 =	vor.u32 v11, v6;
	v13 =	vld.idx.msk [tilespmem:v13+s8+$0x0], $0xffff;
	v12 =	vtrunc.f32 v12;
	v33 =	vmin.f32 v32, $1.900000000e+02  }
0x350: {  	v34 =	vld.idx.msk [tilespmem:v15+s2+$0x0], $0xffff;
	v12 =	vcvt.f32.s32 v12;
	v11 =	vtrunc.f32 v33  }
0x351: {  	v15 =	vld.idx.msk [tilespmem:v15+s8+$0x0], $0xffff;
	v11 =	vcvt.f32.s32 v11  }
0x352: {  	v35 =	vld.idx.msk [tilespmem:v10+s2+$0x0], $0xffff;
	v36 =	vmul.u32 $0xC0, v12  }
0x353: {  	v3 =	vcvt.s32.f32 v3;
	v10 =	vld.idx.msk [tilespmem:v10+s8+$0x0], $0xffff;
	v37 =	vand.u32 $0xFFFFFFF8, v11  }
0x354: {  	v38 =	vld.idx.msk [tilespmem:v6+s2+$0x0], $0xffff;
	v40 =	vand.u32 $0x7, v11;
	v41 =	vadd.s32 v36, v37  }
0x355: {  	v3 =	vsub.f32 v8, v3;
	v6 =	vld.idx.msk [tilespmem:v6+s8+$0x0], $0xffff;
	v18 =	vadd.s32 $0xC0, v36;
	v42 =	vor.u32 v40, v41  }
0x356: {  	v5 =	vcvt.s32.f32 v63;
	v39 =	vadd.s32 $0x1, v11;
	v19 =	vadd.s32 v18, v37  }
0x357: {  	v3 =	vmax.f32 v3, $0.0e+00;
	v43 =	vand.u32 $0xFFFFFFF8, v39;
	v19 =	vor.u32 v40, v19  }
0x358: {  	v3 =	vmin.f32 v3, $1.000000000e+00;
	v21 =	vand.u32 $0x7, v39;
	v44 =	vadd.s32 v36, v43  }
0x359: {  	v14 =	vsub.f32 v34, v31;
	v20 =	vsub.f32 v38, v35;
	v24 =	vor.u32 v21, v44  }
0x35a: {  	v15 =	vsub.f32 v15, v13;
	v6 =	vsub.f32 v6, v10;
	v18 =	vadd.s32 v18, v43;
	v45 =	vld.idx.msk [tilespmem:v42+s2+$0x0], $0xffff  }
0x35b: {  	v14 =	vmul.f32 v3, v14;
	v18 =	vor.u32 v21, v18;
	v20 =	vmul.f32 v3, v20;
	v8 =	vld.idx.msk [tilespmem:v42+s8+$0x0], $0xffff  }
0x35c: {  	v5 =	vsub.f32 v58, v5;
	v46 =	vmul.f32 v3, v15;
	v3 =	vmul.f32 v6, v3;
	v50 =	vld.idx.msk [tilespmem:v19+s2+$0x0], $0xffff  }
0x35d: {  	v14 =	vadd.f32 v14, v31;
	v48 =	vadd.f32 v20, v35;
	v52 =	vld.idx.msk [tilespmem:v19+s8+$0x0], $0xffff  }
0x35e: {  	v9 =	vadd.f32 v46, v13;
	v3 =	vadd.f32 v3, v10;
	v47 =	vld.idx.msk [tilespmem:v24+s2+$0x0], $0xffff  }
0x35f: {  	v5 =	vmax.f32 v5, $0.0e+00;
	v49 =	vld.idx.msk [tilespmem:v24+s8+$0x0], $0xffff;
	v51 =	vsub.f32 v48, v14  }
0x360: {  	v5 =	vmin.f32 v5, $1.000000000e+00;
	v3 =	vsub.f32 v3, v9;
	v53 =	vld.idx.msk [tilespmem:v18+s2+$0x0], $0xffff  }
0x361: {  	v11 =	vcvt.s32.f32 v11;
	v18 =	vld.idx.msk [tilespmem:v18+s8+$0x0], $0xffff;
	v13 =	vmul.f32 v51, v5  }
0x362: {  	v3 =	vmul.f32 v3, v5  }
0x363: {  	v4 =	vsub.f32 v4, v11;
	v54 =	vadd.f32 v13, v14  }
0x364: {  	v55 =	vcvt.s32.f32 v12;
	v3 =	vadd.f32 v3, v9  }
0x365: {  	v4 =	vmax.f32 v4, $0.0e+00;
	v56 =	vsub.f32 v47, v45;
	v57 =	vsub.f32 v53, v50;
	[tilespmem:s0+$0xFFFFFED0] =	vst v54  }
0x366: {  	v58 =	vsub.f32 v49, v8;
	v59 =	vsub.f32 v18, v52;
	[tilespmem:s22+$0xFFFFFED0] =	vst v3;
	v3 =	vmin.f32 v4, $1.000000000e+00  }
0x367: {  	v60 =	vld [tilespmem:s3+$0xFFFFFEE0];
	v5 =	vmul.f32 v3, v56;
	v6 =	vmul.f32 v3, v57  }
0x368: {  	v7 =	vsub.f32 v7, v55;
	v61 =	vld [tilespmem:s7+$0xFFFFFEE0];
	v4 =	vmul.f32 v3, v58;
	v3 =	vmul.f32 v59, v3  }
0x369: {  	v5 =	vadd.f32 v5, v45;
	v6 =	vadd.f32 v6, v50  }
0x36a: {  	v4 =	vadd.f32 v4, v8;
	v3 =	vadd.f32 v3, v52  }
0x36b: {  	v7 =	vmax.f32 v7, $0.0e+00;
	v6 =	vsub.f32 v6, v5  }
0x36c: {  	v7 =	vmin.f32 v7, $1.000000000e+00;
	v3 =	vsub.f32 v3, v4;
	v62 =	vsub.f32 v0, v60  }
0x36d: {  	v63 =	vsub.f32 v1, v61;
	v6 =	vmul.f32 v6, v7  }
0x36e: {  	v3 =	vmul.f32 v3, v7;
	v8 =	vadd.f32 $8.000000000e+01, v62  }
0x36f: {  	v28 =	vmax.f32 v63, $0.0e+00;
	v5 =	vadd.f32 v6, v5  }
0x370: {  	v29 =	vmin.f32 v28, $1.580000000e+02;
	v3 =	vadd.f32 v3, v4;
	v30 =	vmax.f32 v8, $0.0e+00  }
0x371: {  	v6 =	vtrunc.f32 v29;
	v31 =	vmin.f32 v30, $1.900000000e+02;
	[tilespmem:s0+$0xFFFFFF90] =	vst v5  }
0x372: {  	v32 =	vcvt.f32.s32 v6;
	v4 =	vtrunc.f32 v31;
	[tilespmem:s22+$0xFFFFFF90] =	vst v3  }
0x373: {  	v3 =	vcvt.f32.s32 v4;
	v33 =	vld [tilespmem:s3+$0xFFFFFFA0]  }
0x374: {  	v6 =	vmul.u32 $0xC0, v32;
	v34 =	vld [tilespmem:s7+$0xFFFFFFA0]  }
0x375: {  	v35 =	vand.u32 $0xFFFFFFF8, v3  }
0x376: {  	v36 =	vadd.s32 $0x1, v3;
	v37 =	vand.u32 $0x7, v3;
	v38 =	vadd.s32 v6, v35  }
0x377: {  	v39 =	vand.u32 $0xFFFFFFF8, v36;
	v13 =	vor.u32 v37, v38  }
0x378: {  	v11 =	vand.u32 $0x7, v36;
	v40 =	vadd.s32 v6, v39;
	v4 =	vsub.f32 v0, v33  }
0x379: {  	v6 =	vadd.s32 $0xC0, v6;
	v15 =	vor.u32 v11, v40;
	v7 =	vsub.f32 v2, v34  }
0x37a: {  	v10 =	vadd.s32 v6, v35;
	v4 =	vadd.f32 $8.000000000e+01, v4  }
0x37b: {  	v10 =	vor.u32 v37, v10;
	v41 =	vmax.f32 v7, $0.0e+00  }
0x37c: {  	v6 =	vadd.s32 v6, v39;
	v12 =	vmin.f32 v41, $1.580000000e+02;
	v42 =	vld.idx.msk [tilespmem:v13+s2+$0x0], $0xffff;
	v43 =	vmax.f32 v4, $0.0e+00  }
0x37d: {  	v6 =	vor.u32 v11, v6;
	v13 =	vld.idx.msk [tilespmem:v13+s8+$0x0], $0xffff;
	v12 =	vtrunc.f32 v12;
	v44 =	vmin.f32 v43, $1.900000000e+02  }
0x37e: {  	v45 =	vld.idx.msk [tilespmem:v15+s2+$0x0], $0xffff;
	v12 =	vcvt.f32.s32 v12;
	v11 =	vtrunc.f32 v44  }
0x37f: {  	v15 =	vld.idx.msk [tilespmem:v15+s8+$0x0], $0xffff;
	v11 =	vcvt.f32.s32 v11  }
0x380: {  	v46 =	vld.idx.msk [tilespmem:v10+s2+$0x0], $0xffff;
	v47 =	vmul.u32 $0xC0, v12  }
0x381: {  	v3 =	vcvt.s32.f32 v3;
	v10 =	vld.idx.msk [tilespmem:v10+s8+$0x0], $0xffff;
	v48 =	vand.u32 $0xFFFFFFF8, v11  }
0x382: {  	v49 =	vld.idx.msk [tilespmem:v6+s2+$0x0], $0xffff;
	v51 =	vand.u32 $0x7, v11;
	v52 =	vadd.s32 v47, v48  }
0x383: {  	v3 =	vsub.f32 v8, v3;
	v6 =	vld.idx.msk [tilespmem:v6+s8+$0x0], $0xffff;
	v18 =	vadd.s32 $0xC0, v47;
	v53 =	vor.u32 v51, v52  }
0x384: {  	v5 =	vcvt.s32.f32 v32;
	v50 =	vadd.s32 $0x1, v11;
	v19 =	vadd.s32 v18, v48  }
0x385: {  	v3 =	vmax.f32 v3, $0.0e+00;
	v54 =	vand.u32 $0xFFFFFFF8, v50;
	v19 =	vor.u32 v51, v19  }
0x386: {  	v3 =	vmin.f32 v3, $1.000000000e+00;
	v21 =	vand.u32 $0x7, v50;
	v55 =	vadd.s32 v47, v54  }
0x387: {  	v14 =	vsub.f32 v45, v42;
	v20 =	vsub.f32 v49, v46;
	v24 =	vor.u32 v21, v55  }
0x388: {  	v15 =	vsub.f32 v15, v13;
	v6 =	vsub.f32 v6, v10;
	v18 =	vadd.s32 v18, v54;
	v56 =	vld.idx.msk [tilespmem:v53+s2+$0x0], $0xffff  }
0x389: {  	v14 =	vmul.f32 v3, v14;
	v18 =	vor.u32 v21, v18;
	v20 =	vmul.f32 v3, v20;
	v8 =	vld.idx.msk [tilespmem:v53+s8+$0x0], $0xffff  }
0x38a: {  	v5 =	vsub.f32 v63, v5;
	v57 =	vmul.f32 v3, v15;
	v3 =	vmul.f32 v6, v3;
	v61 =	vld.idx.msk [tilespmem:v19+s2+$0x0], $0xffff  }
0x38b: {  	v14 =	vadd.f32 v14, v42;
	v59 =	vadd.f32 v20, v46;
	v63 =	vld.idx.msk [tilespmem:v19+s8+$0x0], $0xffff  }
0x38c: {  	v9 =	vadd.f32 v57, v13;
	v3 =	vadd.f32 v3, v10;
	v58 =	vld.idx.msk [tilespmem:v24+s2+$0x0], $0xffff  }
0x38d: {  	v5 =	vmax.f32 v5, $0.0e+00;
	v60 =	vld.idx.msk [tilespmem:v24+s8+$0x0], $0xffff;
	v62 =	vsub.f32 v59, v14  }
0x38e: {  	v5 =	vmin.f32 v5, $1.000000000e+00;
	v11 =	vcvt.s32.f32 v11;
	v3 =	vsub.f32 v3, v9;
	v21 =	vld.idx.msk [tilespmem:v18+s2+$0x0], $0xffff  }
0x38f: {  	v18 =	vld.idx.msk [tilespmem:v18+s8+$0x0], $0xffff;
	v13 =	vmul.f32 v62, v5  }
0x390: {  	v4 =	vsub.f32 v4, v11;
	v3 =	vmul.f32 v3, v5  }
0x391: {  	v23 =	vadd.f32 v13, v14  }
0x392: {  	v4 =	vmax.f32 v4, $0.0e+00;
	v3 =	vadd.f32 v3, v9  }
0x393: {  	v24 =	vcvt.s32.f32 v12;
	v25 =	vsub.f32 v58, v56;
	v26 =	vsub.f32 v21, v61;
	[tilespmem:s0+$0xFFFFFEE0] =	vst v23  }
0x394: {  	v27 =	vsub.f32 v60, v8;
	v28 =	vsub.f32 v18, v63;
	[tilespmem:s22+$0xFFFFFEE0] =	vst v3;
	v3 =	vmin.f32 v4, $1.000000000e+00  }
0x395: {  	v29 =	vld [tilespmem:s3+$0xFFFFFEF0];
	v5 =	vmul.f32 v3, v25;
	v6 =	vmul.f32 v3, v26  }
0x396: {  	v7 =	vsub.f32 v7, v24;
	v30 =	vld [tilespmem:s7+$0xFFFFFEF0];
	v4 =	vmul.f32 v3, v27;
	v3 =	vmul.f32 v28, v3  }
0x397: {  	v5 =	vadd.f32 v5, v56;
	v6 =	vadd.f32 v6, v61  }
0x398: {  	v4 =	vadd.f32 v4, v8;
	v3 =	vadd.f32 v3, v63  }
0x399: {  	v7 =	vmax.f32 v7, $0.0e+00;
	v6 =	vsub.f32 v6, v5  }
0x39a: {  	v7 =	vmin.f32 v7, $1.000000000e+00;
	v3 =	vsub.f32 v3, v4;
	v31 =	vsub.f32 v0, v29  }
0x39b: {  	v32 =	vsub.f32 v1, v30;
	v6 =	vmul.f32 v6, v7  }
0x39c: {  	v3 =	vmul.f32 v3, v7;
	v8 =	vadd.f32 $9.600000000e+01, v31  }
0x39d: {  	v33 =	vmax.f32 v32, $0.0e+00;
	v5 =	vadd.f32 v6, v5  }
0x39e: {  	v34 =	vmin.f32 v33, $1.580000000e+02;
	v3 =	vadd.f32 v3, v4;
	v35 =	vmax.f32 v8, $0.0e+00  }
0x39f: {  	v6 =	vtrunc.f32 v34;
	v36 =	vmin.f32 v35, $1.900000000e+02;
	[tilespmem:s0+$0xFFFFFFA0] =	vst v5  }
0x3a0: {  	v37 =	vcvt.f32.s32 v6;
	v4 =	vtrunc.f32 v36;
	[tilespmem:s22+$0xFFFFFFA0] =	vst v3  }
0x3a1: {  	v3 =	vcvt.f32.s32 v4;
	v38 =	vld [tilespmem:s3+$0xFFFFFFB0]  }
0x3a2: {  	v6 =	vmul.u32 $0xC0, v37;
	v39 =	vld [tilespmem:s7+$0xFFFFFFB0]  }
0x3a3: {  	v40 =	vand.u32 $0xFFFFFFF8, v3  }
0x3a4: {  	v41 =	vadd.s32 $0x1, v3;
	v42 =	vand.u32 $0x7, v3;
	v43 =	vadd.s32 v6, v40  }
0x3a5: {  	v44 =	vand.u32 $0xFFFFFFF8, v41;
	v13 =	vor.u32 v42, v43  }
0x3a6: {  	v11 =	vand.u32 $0x7, v41;
	v45 =	vadd.s32 v6, v44;
	v4 =	vsub.f32 v0, v38  }
0x3a7: {  	v6 =	vadd.s32 $0xC0, v6;
	v15 =	vor.u32 v11, v45;
	v7 =	vsub.f32 v2, v39  }
0x3a8: {  	v10 =	vadd.s32 v6, v40;
	v4 =	vadd.f32 $9.600000000e+01, v4  }
0x3a9: {  	v10 =	vor.u32 v42, v10;
	v46 =	vmax.f32 v7, $0.0e+00  }
0x3aa: {  	v6 =	vadd.s32 v6, v44;
	v12 =	vmin.f32 v46, $1.580000000e+02;
	v47 =	vld.idx.msk [tilespmem:v13+s2+$0x0], $0xffff;
	v48 =	vmax.f32 v4, $0.0e+00  }
0x3ab: {  	v6 =	vor.u32 v11, v6;
	v13 =	vld.idx.msk [tilespmem:v13+s8+$0x0], $0xffff;
	v12 =	vtrunc.f32 v12;
	v49 =	vmin.f32 v48, $1.900000000e+02  }
0x3ac: {  	v50 =	vld.idx.msk [tilespmem:v15+s2+$0x0], $0xffff;
	v12 =	vcvt.f32.s32 v12;
	v11 =	vtrunc.f32 v49  }
0x3ad: {  	v15 =	vld.idx.msk [tilespmem:v15+s8+$0x0], $0xffff;
	v11 =	vcvt.f32.s32 v11  }
0x3ae: {  	v51 =	vld.idx.msk [tilespmem:v10+s2+$0x0], $0xffff;
	v52 =	vmul.u32 $0xC0, v12  }
0x3af: {  	v10 =	vld.idx.msk [tilespmem:v10+s8+$0x0], $0xffff;
	v53 =	vand.u32 $0xFFFFFFF8, v11  }
0x3b0: {  	v3 =	vcvt.s32.f32 v3;
	v54 =	vld.idx.msk [tilespmem:v6+s2+$0x0], $0xffff;
	v56 =	vand.u32 $0x7, v11;
	v57 =	vadd.s32 v52, v53  }
0x3b1: {  	v6 =	vld.idx.msk [tilespmem:v6+s8+$0x0], $0xffff;
	v55 =	vadd.s32 $0x1, v11;
	v18 =	vadd.s32 $0xC0, v52;
	v58 =	vor.u32 v56, v57  }
0x3b2: {  	v3 =	vsub.f32 v8, v3;
	v59 =	vand.u32 $0xFFFFFFF8, v55;
	v19 =	vadd.s32 v18, v53  }
0x3b3: {  	v21 =	vand.u32 $0x7, v55;
	v60 =	vadd.s32 v52, v59;
	v19 =	vor.u32 v56, v19  }
0x3b4: {  	v5 =	vcvt.s32.f32 v37;
	v3 =	vmax.f32 v3, $0.0e+00;
	v24 =	vor.u32 v21, v60  }
0x3b5: {  	v3 =	vmin.f32 v3, $1.000000000e+00;
	v14 =	vsub.f32 v50, v47;
	v20 =	vsub.f32 v54, v51  }
0x3b6: {  	v15 =	vsub.f32 v15, v13;
	v6 =	vsub.f32 v6, v10;
	v18 =	vadd.s32 v18, v59;
	v61 =	vld.idx.msk [tilespmem:v58+s2+$0x0], $0xffff  }
0x3b7: {  	v14 =	vmul.f32 v3, v14;
	v18 =	vor.u32 v21, v18;
	v20 =	vmul.f32 v3, v20;
	v8 =	vld.idx.msk [tilespmem:v58+s8+$0x0], $0xffff  }
0x3b8: {  	v5 =	vsub.f32 v32, v5;
	v62 =	vmul.f32 v3, v15;
	v3 =	vmul.f32 v6, v3;
	v26 =	vld.idx.msk [tilespmem:v19+s8+$0x0], $0xffff  }
0x3b9: {  	v14 =	vadd.f32 v14, v47;
	v21 =	vadd.f32 v20, v51;
	v63 =	vld.idx.msk [tilespmem:v24+s2+$0x0], $0xffff  }
0x3ba: {  	v9 =	vadd.f32 v62, v13;
	v3 =	vadd.f32 v3, v10;
	v23 =	vld.idx.msk [tilespmem:v24+s8+$0x0], $0xffff  }
0x3bb: {  	v5 =	vmax.f32 v5, $0.0e+00;
	v24 =	vld.idx.msk [tilespmem:v19+s2+$0x0], $0xffff;
	v25 =	vsub.f32 v21, v14  }
0x3bc: {  	v5 =	vmin.f32 v5, $1.000000000e+00;
	v3 =	vsub.f32 v3, v9;
	v27 =	vld.idx.msk [tilespmem:v18+s2+$0x0], $0xffff  }
0x3bd: {  	v11 =	vcvt.s32.f32 v11;
	v18 =	vld.idx.msk [tilespmem:v18+s8+$0x0], $0xffff;
	v13 =	vmul.f32 v25, v5  }
0x3be: {  	v3 =	vmul.f32 v3, v5  }
0x3bf: {  	v4 =	vsub.f32 v4, v11;
	v28 =	vadd.f32 v13, v14  }
0x3c0: {  	v29 =	vcvt.s32.f32 v12;
	v3 =	vadd.f32 v3, v9  }
0x3c1: {  	v4 =	vmax.f32 v4, $0.0e+00;
	v30 =	vsub.f32 v63, v61;
	v31 =	vsub.f32 v27, v24;
	[tilespmem:s0+$0xFFFFFEF0] =	vst v28  }
0x3c2: {  	v32 =	vsub.f32 v23, v8;
	v33 =	vsub.f32 v18, v26;
	[tilespmem:s22+$0xFFFFFEF0] =	vst v3;
	v3 =	vmin.f32 v4, $1.000000000e+00  }
0x3c3: {  	v34 =	vld [tilespmem:s3+$0xFFFFFF00];
	v5 =	vmul.f32 v3, v30;
	v6 =	vmul.f32 v3, v31  }
0x3c4: {  	v7 =	vsub.f32 v7, v29;
	v35 =	vld [tilespmem:s7+$0xFFFFFF00];
	v4 =	vmul.f32 v3, v32;
	v3 =	vmul.f32 v33, v3  }
0x3c5: {  	v5 =	vadd.f32 v5, v61;
	v6 =	vadd.f32 v6, v24  }
0x3c6: {  	v4 =	vadd.f32 v4, v8;
	v3 =	vadd.f32 v3, v26  }
0x3c7: {  	v7 =	vmax.f32 v7, $0.0e+00;
	v6 =	vsub.f32 v6, v5  }
0x3c8: {  	v7 =	vmin.f32 v7, $1.000000000e+00;
	v3 =	vsub.f32 v3, v4;
	v36 =	vsub.f32 v0, v34  }
0x3c9: {  	v37 =	vsub.f32 v1, v35;
	v6 =	vmul.f32 v6, v7  }
0x3ca: {  	v3 =	vmul.f32 v3, v7;
	v8 =	vadd.f32 $1.120000000e+02, v36  }
0x3cb: {  	v38 =	vmax.f32 v37, $0.0e+00;
	v5 =	vadd.f32 v6, v5  }
0x3cc: {  	v39 =	vmin.f32 v38, $1.580000000e+02;
	v3 =	vadd.f32 v3, v4;
	v40 =	vmax.f32 v8, $0.0e+00  }
0x3cd: {  	v6 =	vtrunc.f32 v39;
	v41 =	vmin.f32 v40, $1.900000000e+02;
	[tilespmem:s0+$0xFFFFFFB0] =	vst v5  }
0x3ce: {  	v42 =	vcvt.f32.s32 v6;
	v4 =	vtrunc.f32 v41;
	[tilespmem:s22+$0xFFFFFFB0] =	vst v3  }
0x3cf: {  	v3 =	vcvt.f32.s32 v4;
	v43 =	vld [tilespmem:s3+$0xFFFFFFC0]  }
0x3d0: {  	v6 =	vmul.u32 $0xC0, v42;
	v44 =	vld [tilespmem:s7+$0xFFFFFFC0]  }
0x3d1: {  	v45 =	vand.u32 $0xFFFFFFF8, v3  }
0x3d2: {  	v46 =	vadd.s32 $0x1, v3;
	v47 =	vand.u32 $0x7, v3;
	v48 =	vadd.s32 v6, v45  }
0x3d3: {  	v49 =	vand.u32 $0xFFFFFFF8, v46;
	v13 =	vor.u32 v47, v48  }
0x3d4: {  	v11 =	vand.u32 $0x7, v46;
	v50 =	vadd.s32 v6, v49;
	v4 =	vsub.f32 v0, v43  }
0x3d5: {  	v6 =	vadd.s32 $0xC0, v6;
	v15 =	vor.u32 v11, v50;
	v7 =	vsub.f32 v2, v44  }
0x3d6: {  	v10 =	vadd.s32 v6, v45;
	v4 =	vadd.f32 $1.120000000e+02, v4  }
0x3d7: {  	v10 =	vor.u32 v47, v10;
	v51 =	vmax.f32 v7, $0.0e+00  }
0x3d8: {  	v6 =	vadd.s32 v6, v49;
	v12 =	vmin.f32 v51, $1.580000000e+02;
	v52 =	vld.idx.msk [tilespmem:v13+s2+$0x0], $0xffff;
	v53 =	vmax.f32 v4, $0.0e+00  }
0x3d9: {  	v6 =	vor.u32 v11, v6;
	v13 =	vld.idx.msk [tilespmem:v13+s8+$0x0], $0xffff;
	v12 =	vtrunc.f32 v12;
	v54 =	vmin.f32 v53, $1.900000000e+02  }
0x3da: {  	v55 =	vld.idx.msk [tilespmem:v15+s2+$0x0], $0xffff;
	v12 =	vcvt.f32.s32 v12;
	v11 =	vtrunc.f32 v54  }
0x3db: {  	v15 =	vld.idx.msk [tilespmem:v15+s8+$0x0], $0xffff;
	v11 =	vcvt.f32.s32 v11  }
0x3dc: {  	v56 =	vld.idx.msk [tilespmem:v10+s2+$0x0], $0xffff;
	v57 =	vmul.u32 $0xC0, v12  }
0x3dd: {  	v3 =	vcvt.s32.f32 v3;
	v10 =	vld.idx.msk [tilespmem:v10+s8+$0x0], $0xffff;
	v58 =	vand.u32 $0xFFFFFFF8, v11  }
0x3de: {  	v59 =	vld.idx.msk [tilespmem:v6+s2+$0x0], $0xffff;
	v61 =	vand.u32 $0x7, v11;
	v62 =	vadd.s32 v57, v58  }
0x3df: {  	v3 =	vsub.f32 v8, v3;
	v6 =	vld.idx.msk [tilespmem:v6+s8+$0x0], $0xffff;
	v18 =	vadd.s32 $0xC0, v57;
	v63 =	vor.u32 v61, v62  }
0x3e0: {  	v5 =	vcvt.s32.f32 v42;
	v60 =	vadd.s32 $0x1, v11;
	v19 =	vadd.s32 v18, v58  }
0x3e1: {  	v3 =	vmax.f32 v3, $0.0e+00;
	v28 =	vand.u32 $0xFFFFFFF8, v60;
	v19 =	vor.u32 v61, v19  }
0x3e2: {  	v3 =	vmin.f32 v3, $1.000000000e+00;
	v21 =	vand.u32 $0x7, v60;
	v29 =	vadd.s32 v57, v28  }
0x3e3: {  	v14 =	vsub.f32 v55, v52;
	v20 =	vsub.f32 v59, v56;
	v24 =	vor.u32 v21, v29  }
0x3e4: {  	v15 =	vsub.f32 v15, v13;
	v6 =	vsub.f32 v6, v10;
	v18 =	vadd.s32 v18, v28;
	v30 =	vld.idx.msk [tilespmem:v63+s2+$0x0], $0xffff  }
0x3e5: {  	v14 =	vmul.f32 v3, v14;
	v18 =	vor.u32 v21, v18;
	v20 =	vmul.f32 v3, v20;
	v8 =	vld.idx.msk [tilespmem:v63+s8+$0x0], $0xffff  }
0x3e6: {  	v5 =	vsub.f32 v37, v5;
	v31 =	vmul.f32 v3, v15;
	v3 =	vmul.f32 v6, v3;
	v35 =	vld.idx.msk [tilespmem:v19+s2+$0x0], $0xffff  }
0x3e7: {  	v14 =	vadd.f32 v14, v52;
	v33 =	vadd.f32 v20, v56;
	v37 =	vld.idx.msk [tilespmem:v19+s8+$0x0], $0xffff  }
0x3e8: {  	v9 =	vadd.f32 v31, v13;
	v3 =	vadd.f32 v3, v10;
	v32 =	vld.idx.msk [tilespmem:v24+s2+$0x0], $0xffff  }
0x3e9: {  	v5 =	vmax.f32 v5, $0.0e+00;
	v34 =	vld.idx.msk [tilespmem:v24+s8+$0x0], $0xffff;
	v36 =	vsub.f32 v33, v14  }
0x3ea: {  	v5 =	vmin.f32 v5, $1.000000000e+00;
	v3 =	vsub.f32 v3, v9;
	v38 =	vld.idx.msk [tilespmem:v18+s2+$0x0], $0xffff  }
0x3eb: {  	v11 =	vcvt.s32.f32 v11;
	v18 =	vld.idx.msk [tilespmem:v18+s8+$0x0], $0xffff;
	v13 =	vmul.f32 v36, v5  }
0x3ec: {  	v3 =	vmul.f32 v3, v5  }
0x3ed: {  	v4 =	vsub.f32 v4, v11;
	v39 =	vadd.f32 v13, v14  }
0x3ee: {  	v40 =	vcvt.s32.f32 v12;
	v3 =	vadd.f32 v3, v9  }
0x3ef: {  	v4 =	vmax.f32 v4, $0.0e+00;
	v41 =	vsub.f32 v32, v30;
	v42 =	vsub.f32 v38, v35;
	[tilespmem:s0+$0xFFFFFF00] =	vst v39  }
0x3f0: {  	v43 =	vsub.f32 v34, v8;
	v44 =	vsub.f32 v18, v37;
	[tilespmem:s22+$0xFFFFFF00] =	vst v3;
	v3 =	vmin.f32 v4, $1.000000000e+00  }
0x3f1: {  	v45 =	vld [tilespmem:s3+$0xFFFFFF10];
	v5 =	vmul.f32 v3, v41;
	v6 =	vmul.f32 v3, v42  }
0x3f2: {  	v7 =	vsub.f32 v7, v40;
	v46 =	vld [tilespmem:s7+$0xFFFFFF10];
	v4 =	vmul.f32 v3, v43;
	v3 =	vmul.f32 v44, v3  }
0x3f3: {  	v5 =	vadd.f32 v5, v30;
	v6 =	vadd.f32 v6, v35  }
0x3f4: {  	v4 =	vadd.f32 v4, v8;
	v3 =	vadd.f32 v3, v37  }
0x3f5: {  	v7 =	vmax.f32 v7, $0.0e+00;
	v6 =	vsub.f32 v6, v5  }
0x3f6: {  	v7 =	vmin.f32 v7, $1.000000000e+00;
	v3 =	vsub.f32 v3, v4;
	v47 =	vsub.f32 v0, v45  }
0x3f7: {  	v48 =	vsub.f32 v1, v46;
	v6 =	vmul.f32 v6, v7  }
0x3f8: {  	v3 =	vmul.f32 v3, v7;
	v8 =	vadd.f32 $1.280000000e+02, v47  }
0x3f9: {  	v49 =	vmax.f32 v48, $0.0e+00;
	v5 =	vadd.f32 v6, v5  }
0x3fa: {  	v50 =	vmin.f32 v49, $1.580000000e+02;
	v3 =	vadd.f32 v3, v4;
	v51 =	vmax.f32 v8, $0.0e+00  }
0x3fb: {  	v6 =	vtrunc.f32 v50;
	v52 =	vmin.f32 v51, $1.900000000e+02;
	[tilespmem:s0+$0xFFFFFFC0] =	vst v5  }
0x3fc: {  	v53 =	vcvt.f32.s32 v6;
	v4 =	vtrunc.f32 v52;
	[tilespmem:s22+$0xFFFFFFC0] =	vst v3  }
0x3fd: {  	v3 =	vcvt.f32.s32 v4;
	v54 =	vld [tilespmem:s3+$0xFFFFFFD0]  }
0x3fe: {  	v6 =	vmul.u32 $0xC0, v53;
	v55 =	vld [tilespmem:s7+$0xFFFFFFD0]  }
0x3ff: {  	v56 =	vand.u32 $0xFFFFFFF8, v3  }
0x400: {  	v57 =	vadd.s32 $0x1, v3;
	v58 =	vand.u32 $0x7, v3;
	v59 =	vadd.s32 v6, v56  }
0x401: {  	v60 =	vand.u32 $0xFFFFFFF8, v57;
	v13 =	vor.u32 v58, v59  }
0x402: {  	v11 =	vand.u32 $0x7, v57;
	v61 =	vadd.s32 v6, v60;
	v4 =	vsub.f32 v0, v54  }
0x403: {  	v6 =	vadd.s32 $0xC0, v6;
	v15 =	vor.u32 v11, v61;
	v7 =	vsub.f32 v2, v55  }
0x404: {  	v10 =	vadd.s32 v6, v56;
	v4 =	vadd.f32 $1.280000000e+02, v4  }
0x405: {  	v10 =	vor.u32 v58, v10;
	v62 =	vmax.f32 v7, $0.0e+00  }
0x406: {  	v6 =	vadd.s32 v6, v60;
	v12 =	vmin.f32 v62, $1.580000000e+02;
	v63 =	vld.idx.msk [tilespmem:v13+s2+$0x0], $0xffff;
	v27 =	vmax.f32 v4, $0.0e+00  }
0x407: {  	v6 =	vor.u32 v11, v6;
	v13 =	vld.idx.msk [tilespmem:v13+s8+$0x0], $0xffff;
	v12 =	vtrunc.f32 v12;
	v28 =	vmin.f32 v27, $1.900000000e+02  }
0x408: {  	v29 =	vld.idx.msk [tilespmem:v15+s2+$0x0], $0xffff;
	v12 =	vcvt.f32.s32 v12;
	v11 =	vtrunc.f32 v28  }
0x409: {  	v15 =	vld.idx.msk [tilespmem:v15+s8+$0x0], $0xffff;
	v11 =	vcvt.f32.s32 v11  }
0x40a: {  	v30 =	vld.idx.msk [tilespmem:v10+s2+$0x0], $0xffff;
	v31 =	vmul.u32 $0xC0, v12  }
0x40b: {  	v3 =	vcvt.s32.f32 v3;
	v10 =	vld.idx.msk [tilespmem:v10+s8+$0x0], $0xffff;
	v32 =	vand.u32 $0xFFFFFFF8, v11  }
0x40c: {  	v33 =	vld.idx.msk [tilespmem:v6+s2+$0x0], $0xffff;
	v35 =	vand.u32 $0x7, v11;
	v36 =	vadd.s32 v31, v32  }
0x40d: {  	v3 =	vsub.f32 v8, v3;
	v6 =	vld.idx.msk [tilespmem:v6+s8+$0x0], $0xffff;
	v18 =	vadd.s32 $0xC0, v31;
	v37 =	vor.u32 v35, v36  }
0x40e: {  	v5 =	vcvt.s32.f32 v53;
	v34 =	vadd.s32 $0x1, v11;
	v19 =	vadd.s32 v18, v32  }
0x40f: {  	v3 =	vmax.f32 v3, $0.0e+00;
	v38 =	vand.u32 $0xFFFFFFF8, v34;
	v19 =	vor.u32 v35, v19  }
0x410: {  	v3 =	vmin.f32 v3, $1.000000000e+00;
	v21 =	vand.u32 $0x7, v34;
	v39 =	vadd.s32 v31, v38  }
0x411: {  	v14 =	vsub.f32 v29, v63;
	v20 =	vsub.f32 v33, v30;
	v24 =	vor.u32 v21, v39  }
0x412: {  	v15 =	vsub.f32 v15, v13;
	v6 =	vsub.f32 v6, v10;
	v18 =	vadd.s32 v18, v38;
	v40 =	vld.idx.msk [tilespmem:v37+s2+$0x0], $0xffff  }
0x413: {  	v14 =	vmul.f32 v3, v14;
	v18 =	vor.u32 v21, v18;
	v20 =	vmul.f32 v3, v20;
	v8 =	vld.idx.msk [tilespmem:v37+s8+$0x0], $0xffff  }
0x414: {  	v5 =	vsub.f32 v48, v5;
	v41 =	vmul.f32 v3, v15;
	v3 =	vmul.f32 v6, v3;
	v45 =	vld.idx.msk [tilespmem:v19+s2+$0x0], $0xffff  }
0x415: {  	v14 =	vadd.f32 v14, v63;
	v43 =	vadd.f32 v20, v30;
	v47 =	vld.idx.msk [tilespmem:v19+s8+$0x0], $0xffff  }
0x416: {  	v9 =	vadd.f32 v41, v13;
	v3 =	vadd.f32 v3, v10;
	v42 =	vld.idx.msk [tilespmem:v24+s2+$0x0], $0xffff  }
0x417: {  	v5 =	vmax.f32 v5, $0.0e+00;
	v44 =	vld.idx.msk [tilespmem:v24+s8+$0x0], $0xffff;
	v46 =	vsub.f32 v43, v14  }
0x418: {  	v5 =	vmin.f32 v5, $1.000000000e+00;
	v3 =	vsub.f32 v3, v9;
	v48 =	vld.idx.msk [tilespmem:v18+s2+$0x0], $0xffff  }
0x419: {  	v11 =	vcvt.s32.f32 v11;
	v18 =	vld.idx.msk [tilespmem:v18+s8+$0x0], $0xffff;
	v13 =	vmul.f32 v46, v5  }
0x41a: {  	v3 =	vmul.f32 v3, v5  }
0x41b: {  	v4 =	vsub.f32 v4, v11;
	v49 =	vadd.f32 v13, v14  }
0x41c: {  	v50 =	vcvt.s32.f32 v12;
	v3 =	vadd.f32 v3, v9  }
0x41d: {  	v4 =	vmax.f32 v4, $0.0e+00;
	v51 =	vsub.f32 v42, v40;
	v52 =	vsub.f32 v48, v45;
	[tilespmem:s0+$0xFFFFFF10] =	vst v49  }
0x41e: {  	v53 =	vsub.f32 v44, v8;
	v54 =	vsub.f32 v18, v47;
	[tilespmem:s22+$0xFFFFFF10] =	vst v3;
	v3 =	vmin.f32 v4, $1.000000000e+00  }
0x41f: {  	v55 =	vld [tilespmem:s3+$0xFFFFFF20];
	v5 =	vmul.f32 v3, v51;
	v6 =	vmul.f32 v3, v52  }
0x420: {  	v7 =	vsub.f32 v7, v50;
	v56 =	vld [tilespmem:s7+$0xFFFFFF20];
	v4 =	vmul.f32 v3, v53;
	v3 =	vmul.f32 v54, v3  }
0x421: {  	v5 =	vadd.f32 v5, v40;
	v6 =	vadd.f32 v6, v45  }
0x422: {  	v4 =	vadd.f32 v4, v8;
	v3 =	vadd.f32 v3, v47  }
0x423: {  	v7 =	vmax.f32 v7, $0.0e+00;
	v6 =	vsub.f32 v6, v5  }
0x424: {  	v7 =	vmin.f32 v7, $1.000000000e+00;
	v3 =	vsub.f32 v3, v4;
	v57 =	vsub.f32 v0, v55  }
0x425: {  	v58 =	vsub.f32 v1, v56;
	v6 =	vmul.f32 v6, v7  }
0x426: {  	v3 =	vmul.f32 v3, v7;
	v8 =	vadd.f32 $1.440000000e+02, v57  }
0x427: {  	v59 =	vmax.f32 v58, $0.0e+00;
	v5 =	vadd.f32 v6, v5  }
0x428: {  	v60 =	vmin.f32 v59, $1.580000000e+02;
	v3 =	vadd.f32 v3, v4;
	v61 =	vmax.f32 v8, $0.0e+00  }
0x429: {  	v6 =	vtrunc.f32 v60;
	v62 =	vmin.f32 v61, $1.900000000e+02;
	[tilespmem:s0+$0xFFFFFFD0] =	vst v5  }
0x42a: {  	v63 =	vcvt.f32.s32 v6;
	v4 =	vtrunc.f32 v62;
	[tilespmem:s22+$0xFFFFFFD0] =	vst v3  }
0x42b: {  	v3 =	vcvt.f32.s32 v4;
	v20 =	vld [tilespmem:s3+$0xFFFFFFE0]  }
0x42c: {  	v6 =	vmul.u32 $0xC0, v63;
	v21 =	vld [tilespmem:s7+$0xFFFFFFE0]  }
0x42d: {  	v22 =	vand.u32 $0xFFFFFFF8, v3  }
0x42e: {  	v23 =	vadd.s32 $0x1, v3;
	v24 =	vand.u32 $0x7, v3;
	v25 =	vadd.s32 v6, v22  }
0x42f: {  	v26 =	vand.u32 $0xFFFFFFF8, v23;
	v13 =	vor.u32 v24, v25  }
0x430: {  	v11 =	vand.u32 $0x7, v23;
	v27 =	vadd.s32 v6, v26;
	v4 =	vsub.f32 v0, v20  }
0x431: {  	v6 =	vadd.s32 $0xC0, v6;
	v15 =	vor.u32 v11, v27;
	v7 =	vsub.f32 v2, v21  }
0x432: {  	v10 =	vadd.s32 v6, v22;
	v4 =	vadd.f32 $1.440000000e+02, v4  }
0x433: {  	v10 =	vor.u32 v24, v10;
	v28 =	vmax.f32 v7, $0.0e+00  }
0x434: {  	v6 =	vadd.s32 v6, v26;
	v12 =	vmin.f32 v28, $1.580000000e+02;
	v29 =	vld.idx.msk [tilespmem:v13+s2+$0x0], $0xffff;
	v30 =	vmax.f32 v4, $0.0e+00  }
0x435: {  	v6 =	vor.u32 v11, v6;
	v13 =	vld.idx.msk [tilespmem:v13+s8+$0x0], $0xffff;
	v12 =	vtrunc.f32 v12;
	v31 =	vmin.f32 v30, $1.900000000e+02  }
0x436: {  	v32 =	vld.idx.msk [tilespmem:v15+s2+$0x0], $0xffff;
	v12 =	vcvt.f32.s32 v12;
	v11 =	vtrunc.f32 v31  }
0x437: {  	v15 =	vld.idx.msk [tilespmem:v15+s8+$0x0], $0xffff;
	v11 =	vcvt.f32.s32 v11  }
0x438: {  	v33 =	vld.idx.msk [tilespmem:v10+s2+$0x0], $0xffff;
	v34 =	vmul.u32 $0xC0, v12  }
0x439: {  	v3 =	vcvt.s32.f32 v3;
	v10 =	vld.idx.msk [tilespmem:v10+s8+$0x0], $0xffff;
	v35 =	vand.u32 $0xFFFFFFF8, v11  }
0x43a: {  	v36 =	vld.idx.msk [tilespmem:v6+s2+$0x0], $0xffff;
	v38 =	vand.u32 $0x7, v11;
	v39 =	vadd.s32 v34, v35  }
0x43b: {  	v3 =	vsub.f32 v8, v3;
	v6 =	vld.idx.msk [tilespmem:v6+s8+$0x0], $0xffff;
	v18 =	vadd.s32 $0xC0, v34;
	v40 =	vor.u32 v38, v39  }
0x43c: {  	v5 =	vcvt.s32.f32 v63;
	v37 =	vadd.s32 $0x1, v11;
	v19 =	vadd.s32 v18, v35  }
0x43d: {  	v3 =	vmax.f32 v3, $0.0e+00;
	v41 =	vand.u32 $0xFFFFFFF8, v37;
	v19 =	vor.u32 v38, v19  }
0x43e: {  	v3 =	vmin.f32 v3, $1.000000000e+00;
	v21 =	vand.u32 $0x7, v37;
	v42 =	vadd.s32 v34, v41  }
0x43f: {  	v14 =	vsub.f32 v32, v29;
	v15 =	vsub.f32 v15, v13;
	v24 =	vor.u32 v21, v42  }
0x440: {  	v20 =	vsub.f32 v36, v33;
	v6 =	vsub.f32 v6, v10;
	v18 =	vadd.s32 v18, v41;
	v43 =	vld.idx.msk [tilespmem:v40+s2+$0x0], $0xffff  }
0x441: {  	v14 =	vmul.f32 v3, v14;
	v15 =	vmul.f32 v3, v15;
	v18 =	vor.u32 v21, v18;
	v8 =	vld.idx.msk [tilespmem:v40+s8+$0x0], $0xffff  }
0x442: {  	v5 =	vsub.f32 v58, v5;
	v44 =	vmul.f32 v3, v20;
	v3 =	vmul.f32 v6, v3;
	v47 =	vld.idx.msk [tilespmem:v19+s2+$0x0], $0xffff  }
0x443: {  	v14 =	vadd.f32 v14, v29;
	v13 =	vadd.f32 v15, v13;
	v48 =	vld.idx.msk [tilespmem:v19+s8+$0x0], $0xffff  }
0x444: {  	v9 =	vadd.f32 v44, v33;
	v3 =	vadd.f32 v3, v10;
	v45 =	vld.idx.msk [tilespmem:v24+s2+$0x0], $0xffff  }
0x445: {  	v46 =	vld.idx.msk [tilespmem:v24+s8+$0x0], $0xffff  }
0x446: {  	v5 =	vmax.f32 v5, $0.0e+00;
	v9 =	vsub.f32 v9, v14;
	v3 =	vsub.f32 v3, v13;
	v49 =	vld.idx.msk [tilespmem:v18+s2+$0x0], $0xffff  }
0x447: {  	v5 =	vmin.f32 v5, $1.000000000e+00;
	v11 =	vcvt.s32.f32 v11;
	v18 =	vld.idx.msk [tilespmem:v18+s8+$0x0], $0xffff  }
0x448: {  	v9 =	vmul.f32 v9, v5;
	v3 =	vmul.f32 v3, v5  }
0x449: {  	v4 =	vsub.f32 v4, v11  }
0x44a: {  	v51 =	vcvt.s32.f32 v12;
	v50 =	vadd.f32 v9, v14;
	v3 =	vadd.f32 v3, v13  }
0x44b: {  	v4 =	vmax.f32 v4, $0.0e+00;
	v6 =	vsub.f32 v45, v43;
	v52 =	vsub.f32 v49, v47  }
0x44c: {  	v4 =	vmin.f32 v4, $1.000000000e+00;
	v53 =	vsub.f32 v46, v8;
	v54 =	vsub.f32 v18, v48;
	[tilespmem:s0+$0xFFFFFF20] =	vst v50  }
0x44d: {  	[tilespmem:s22+$0xFFFFFF20] =	vst v3;
	v3 =	vmul.f32 v4, v6;
	v55 =	vmul.f32 v4, v52  }
0x44e: {  	v7 =	vsub.f32 v7, v51;
	v5 =	vmul.f32 v4, v53;
	v4 =	vmul.f32 v54, v4  }
0x44f: {  	v56 =	vld [tilespmem:s3+$0xFFFFFF30];
	v3 =	vadd.f32 v3, v43;
	v6 =	vadd.f32 v55, v47  }
0x450: {  	v57 =	vld [tilespmem:s7+$0xFFFFFF30];
	v5 =	vadd.f32 v5, v8;
	v4 =	vadd.f32 v4, v48  }
0x451: {  	v7 =	vmax.f32 v7, $0.0e+00;
	v6 =	vsub.f32 v6, v3  }
0x452: {  	v7 =	vmin.f32 v7, $1.000000000e+00;
	v4 =	vsub.f32 v4, v5  }
0x453: {  	v6 =	vmul.f32 v6, v7  }
0x454: {  	v58 =	vsub.f32 v0, v56;
	v4 =	vmul.f32 v4, v7  }
0x455: {  	v9 =	vsub.f32 v1, v57;
	v3 =	vadd.f32 v6, v3  }
0x456: {  	v59 =	vadd.f32 $1.600000000e+02, v58;
	v4 =	vadd.f32 v4, v5  }
0x457: {  	v60 =	vmax.f32 v9, $0.0e+00;
	[tilespmem:s0+$0xFFFFFFE0] =	vst v3  }
0x458: {  	v61 =	vmin.f32 v60, $1.580000000e+02;
	v62 =	vmax.f32 v59, $0.0e+00;
	[tilespmem:s22+$0xFFFFFFE0] =	vst v4  }
0x459: {  	v5 =	vtrunc.f32 v61;
	v3 =	vmin.f32 v62, $1.900000000e+02;
	v21 =	vld [tilespmem:s3+$0xFFFFFFF0]  }
0x45a: {  	v63 =	vcvt.f32.s32 v5;
	v3 =	vtrunc.f32 v3;
	v22 =	vld [tilespmem:s7+$0xFFFFFFF0]  }
0x45b: {  	v3 =	vcvt.f32.s32 v3  }
0x45c: {  	v23 =	vmul.u32 $0xC0, v63  }
0x45d: {  	v24 =	vand.u32 $0xFFFFFFF8, v3;
	v25 =	vand.u32 $0x7, v3;
	v27 =	vadd.s32 $0x1, v3  }
0x45e: {  	v8 =	vadd.s32 $0xC0, v23;
	v26 =	vadd.s32 v23, v24;
	v5 =	vsub.f32 v0, v21  }
0x45f: {  	v28 =	vand.u32 $0xFFFFFFF8, v27;
	v13 =	vand.u32 $0x7, v27;
	v6 =	vsub.f32 v2, v22  }
0x460: {  	v10 =	vadd.s32 v8, v24;
	v12 =	vor.u32 v25, v26;
	v5 =	vadd.f32 $1.600000000e+02, v5  }
0x461: {  	v29 =	vadd.s32 v23, v28;
	v10 =	vor.u32 v25, v10;
	v30 =	vmax.f32 v6, $0.0e+00  }
0x462: {  	v8 =	vadd.s32 v8, v28;
	v31 =	vmin.f32 v30, $1.580000000e+02;
	v32 =	vmax.f32 v5, $0.0e+00  }
0x463: {  	v15 =	vor.u32 v13, v29;
	v11 =	vtrunc.f32 v31;
	v33 =	vmin.f32 v32, $1.900000000e+02  }
0x464: {  	v8 =	vor.u32 v13, v8;
	v11 =	vcvt.f32.s32 v11;
	v35 =	vtrunc.f32 v33  }
0x465: {  	v34 =	vld.idx.msk [tilespmem:v12+s2+$0x0], $0xffff;
	v13 =	vcvt.f32.s32 v35  }
0x466: {  	v12 =	vld.idx.msk [tilespmem:v12+s8+$0x0], $0xffff;
	v37 =	vmul.u32 $0xC0, v11  }
0x467: {  	v39 =	vld.idx.msk [tilespmem:v10+s2+$0x0], $0xffff;
	v38 =	vand.u32 $0xFFFFFFF8, v13  }
0x468: {  	v36 =	vld.idx.msk [tilespmem:v15+s2+$0x0], $0xffff;
	v41 =	vand.u32 $0x7, v13;
	v42 =	vadd.s32 v37, v38  }
0x469: {  	v3 =	vcvt.s32.f32 v3;
	v43 =	vld.idx.msk [tilespmem:v8+s2+$0x0], $0xffff;
	v17 =	vadd.s32 $0xC0, v37;
	v22 =	vor.u32 v41, v42  }
0x46a: {  	v10 =	vld.idx.msk [tilespmem:v10+s8+$0x0], $0xffff;
	v40 =	vadd.s32 $0x1, v13;
	v18 =	vadd.s32 v17, v38  }
0x46b: {  	v3 =	vsub.f32 v59, v3;
	v15 =	vld.idx.msk [tilespmem:v15+s8+$0x0], $0xffff;
	v44 =	vand.u32 $0xFFFFFFF8, v40;
	v18 =	vor.u32 v41, v18  }
0x46c: {  	v45 =	vld.idx.msk [tilespmem:v8+s8+$0x0], $0xffff;
	v20 =	vand.u32 $0x7, v40;
	v25 =	vadd.s32 v37, v44  }
0x46d: {  	v4 =	vcvt.s32.f32 v63;
	v3 =	vmax.f32 v3, $0.0e+00;
	v46 =	vor.u32 v20, v25  }
0x46e: {  	v14 =	vsub.f32 v36, v34;
	v47 =	vsub.f32 v43, v39;
	v17 =	vadd.s32 v17, v44;
	v48 =	vld.idx.msk [tilespmem:v22+s2+$0x0], $0xffff  }
0x46f: {  	v3 =	vmin.f32 v3, $1.000000000e+00;
	v17 =	vor.u32 v20, v17;
	v22 =	vld.idx.msk [tilespmem:v22+s8+$0x0], $0xffff  }
0x470: {  	v4 =	vsub.f32 v9, v4;
	v14 =	vmul.f32 v3, v14;
	v49 =	vmul.f32 v3, v47;
	v53 =	vld.idx.msk [tilespmem:v18+s2+$0x0], $0xffff  }
0x471: {  	v15 =	vsub.f32 v15, v12;
	v7 =	vsub.f32 v45, v10;
	v54 =	vld.idx.msk [tilespmem:v18+s8+$0x0], $0xffff  }
0x472: {  	v14 =	vadd.f32 v14, v34;
	v52 =	vadd.f32 v49, v39;
	v50 =	vld.idx.msk [tilespmem:v46+s2+$0x0], $0xffff  }
0x473: {  	v51 =	vmul.f32 v3, v15;
	v3 =	vmul.f32 v7, v3;
	v8 =	vld.idx.msk [tilespmem:v46+s8+$0x0], $0xffff  }
0x474: {  	v4 =	vmax.f32 v4, $0.0e+00;
	v13 =	vcvt.s32.f32 v13;
	v55 =	vsub.f32 v52, v14;
	v56 =	vld.idx.msk [tilespmem:v17+s2+$0x0], $0xffff  }
0x475: {  	v4 =	vmin.f32 v4, $1.000000000e+00;
	v9 =	vadd.f32 v51, v12;
	v3 =	vadd.f32 v3, v10;
	v57 =	vld.idx.msk [tilespmem:v17+s8+$0x0], $0xffff  }
0x476: {  	v5 =	vsub.f32 v5, v13;
	v10 =	vmul.f32 v55, v4  }
0x477: {  	v3 =	vsub.f32 v3, v9  }
0x478: {  	v58 =	vcvt.s32.f32 v11;
	v5 =	vmax.f32 v5, $0.0e+00;
	v10 =	vadd.f32 v10, v14  }
0x479: {  	v3 =	vmul.f32 v3, v4;
	v59 =	vsub.f32 v50, v48;
	v60 =	vsub.f32 v56, v53  }
0x47a: {  	v5 =	vmin.f32 v5, $1.000000000e+00;
	v8 =	vsub.f32 v8, v22;
	v61 =	vsub.f32 v57, v54  }
0x47b: {  	v3 =	vadd.f32 v3, v9;
	v62 =	vmul.f32 v5, v59;
	v63 =	vmul.f32 v5, v60  }
0x47c: {  	v4 =	vsub.f32 v6, v58;
	[tilespmem:s0+$0xFFFFFF30] =	vst v10;
	v13 =	vmul.f32 v5, v8;
	v5 =	vmul.f32 v61, v5  }
0x47d: {  	[tilespmem:s22+$0xFFFFFF30] =	vst v3;
	v3 =	vadd.f32 v62, v48;
	v7 =	vadd.f32 v63, v53  }
0x47e: {  	v15 =	vld [tilespmem:s3+$0xFFFFFF40];
	v6 =	vadd.f32 v13, v22;
	v5 =	vadd.f32 v5, v54  }
0x47f: {  	v4 =	vmax.f32 v4, $0.0e+00;
	v16 =	vld [tilespmem:s7+$0xFFFFFF40];
	v7 =	vsub.f32 v7, v3  }
0x480: {  	v4 =	vmin.f32 v4, $1.000000000e+00;
	v5 =	vsub.f32 v5, v6  }
0x481: {  	v7 =	vmul.f32 v7, v4  }
0x482: {  	v4 =	vmul.f32 v5, v4  }
0x483: {  	v17 =	vsub.f32 v0, v15;
	v3 =	vadd.f32 v7, v3  }
0x484: {  	v1 =	vsub.f32 v1, v16;
	v4 =	vadd.f32 v4, v6  }
0x485: {  	v5 =	vadd.f32 $1.760000000e+02, v17;
	[tilespmem:s0+$0xFFFFFFF0] =	vst v3  }
0x486: {  	v3 =	vmax.f32 v1, $0.0e+00;
	[tilespmem:s22+$0xFFFFFFF0] =	vst v4  }
0x487: {  	v18 =	vmax.f32 v5, $0.0e+00;
	v3 =	vmin.f32 v3, $1.580000000e+02;
	v19 =	vld [tilespmem:s3+$0x0]  }
0x488: {  	v4 =	vmin.f32 v18, $1.900000000e+02;
	v3 =	vtrunc.f32 v3;
	v20 =	vld [tilespmem:s7+$0x0]  }
0x489: {  	v4 =	vtrunc.f32 v4;
	v3 =	vcvt.f32.s32 v3  }
0x48a: {  	v4 =	vcvt.f32.s32 v4  }
0x48b: {  	v21 =	vmul.u32 $0xC0, v3  }
0x48c: {  	v22 =	vadd.s32 $0x1, v4;
	v23 =	vand.u32 $0xFFFFFFF8, v4;
	v6 =	vsub.f32 v0, v19  }
0x48d: {  	v24 =	vand.u32 $0x7, v4;
	v27 =	vand.u32 $0xFFFFFFF8, v22;
	v2 =	vsub.f32 v2, v20  }
0x48e: {  	v9 =	vand.u32 $0x7, v22;
	v25 =	vadd.s32 v21, v23;
	v6 =	vadd.f32 $1.760000000e+02, v6  }
0x48f: {  	v28 =	vadd.s32 v21, v27;
	v26 =	vor.u32 v24, v25;
	v29 =	vmax.f32 v2, $0.0e+00  }
0x490: {  	v8 =	vadd.s32 $0xC0, v21;
	v14 =	vmin.f32 v29, $1.580000000e+02;
	v30 =	vmax.f32 v6, $0.0e+00  }
0x491: {  	v13 =	vor.u32 v9, v28;
	v14 =	vtrunc.f32 v14;
	v15 =	vmin.f32 v30, $1.900000000e+02  }
0x492: {  	v10 =	vadd.s32 v8, v23;
	v14 =	vcvt.f32.s32 v14;
	v15 =	vtrunc.f32 v15  }
0x493: {  	v10 =	vor.u32 v24, v10;
	v31 =	vcvt.f32.s32 v15  }
0x494: {  	v8 =	vadd.s32 v8, v27;
	v32 =	vld.idx.msk [tilespmem:v26+s2+$0x0], $0xffff;
	v33 =	vmul.u32 $0xC0, v14  }
0x495: {  	v8 =	vor.u32 v9, v8;
	v7 =	vld.idx.msk [tilespmem:v26+s8+$0x0], $0xffff;
	v34 =	vand.u32 $0xFFFFFFF8, v31  }
0x496: {  	v35 =	vld.idx.msk [tilespmem:v13+s2+$0x0], $0xffff;
	v37 =	vand.u32 $0x7, v31;
	v38 =	vadd.s32 v33, v34  }
0x497: {  	v13 =	vld.idx.msk [tilespmem:v13+s8+$0x0], $0xffff;
	v12 =	vadd.s32 $0xC0, v33;
	v19 =	vor.u32 v37, v38  }
0x498: {  	v40 =	vld.idx.msk [tilespmem:v10+s2+$0x0], $0xffff;
	v36 =	vadd.s32 $0x1, v31;
	v9 =	vadd.s32 v12, v34  }
0x499: {  	v10 =	vld.idx.msk [tilespmem:v10+s8+$0x0], $0xffff;
	v39 =	vand.u32 $0xFFFFFFF8, v36;
	v9 =	vor.u32 v37, v9  }
0x49a: {  	v42 =	vld.idx.msk [tilespmem:v8+s2+$0x0], $0xffff;
	v17 =	vand.u32 $0x7, v36;
	v41 =	vadd.s32 v33, v39  }
0x49b: {  	v4 =	vcvt.s32.f32 v4;
	v8 =	vld.idx.msk [tilespmem:v8+s8+$0x0], $0xffff;
	v22 =	vor.u32 v17, v41  }
0x49c: {  	v12 =	vadd.s32 v12, v39;
	v43 =	vld.idx.msk [tilespmem:v19+s2+$0x0], $0xffff  }
0x49d: {  	v4 =	vsub.f32 v5, v4;
	v12 =	vor.u32 v17, v12;
	v44 =	vld.idx.msk [tilespmem:v19+s8+$0x0], $0xffff  }
0x49e: {  	v3 =	vcvt.s32.f32 v3;
	v47 =	vld.idx.msk [tilespmem:v9+s2+$0x0], $0xffff  }
0x49f: {  	v4 =	vmax.f32 v4, $0.0e+00;
	v9 =	vld.idx.msk [tilespmem:v9+s8+$0x0], $0xffff  }
0x4a0: {  	v1 =	vsub.f32 v1, v3;
	v3 =	vmin.f32 v4, $1.000000000e+00;
	v45 =	vld.idx.msk [tilespmem:v22+s2+$0x0], $0xffff  }
0x4a1: {  	v56 =	vcvt.s32.f32 v14;
	v16 =	vsub.f32 v35, v32;
	v13 =	vsub.f32 v13, v7;
	v46 =	vld.idx.msk [tilespmem:v22+s8+$0x0], $0xffff  }
0x4a2: {  	v48 =	vcvt.s32.f32 v31;
	v50 =	vsub.f32 v42, v40;
	v51 =	vsub.f32 v8, v10;
	v49 =	vld.idx.msk [tilespmem:v12+s2+$0x0], $0xffff  }
0x4a3: {  	v2 =	vsub.f32 v2, v56;
	v16 =	vmul.f32 v3, v16;
	v13 =	vmul.f32 v3, v13;
	v52 =	vld.idx.msk [tilespmem:v12+s8+$0x0], $0xffff  }
0x4a4: {  	v4 =	vsub.f32 v6, v48;
	v54 =	vmul.f32 v3, v50;
	v3 =	vmul.f32 v51, v3  }
0x4a5: {  	v53 =	vadd.f32 v16, v32;
	v7 =	vadd.f32 v13, v7  }
0x4a6: {  	v55 =	vadd.f32 v54, v40;
	v3 =	vadd.f32 v3, v10  }
0x4a7: {  	v4 =	vmax.f32 v4, $0.0e+00;
	v5 =	vsub.f32 v45, v43;
	v11 =	vsub.f32 v49, v47  }
0x4a8: {  	v4 =	vmin.f32 v4, $1.000000000e+00;
	v57 =	vsub.f32 v46, v44;
	v8 =	vsub.f32 v52, v9  }
0x4a9: {  	v6 =	vsub.f32 v55, v53;
	v5 =	vmul.f32 v4, v5;
	v11 =	vmul.f32 v4, v11  }
0x4aa: {  	v3 =	vsub.f32 v3, v7;
	v59 =	vmul.f32 v4, v57;
	v4 =	vmul.f32 v8, v4  }
0x4ab: {  	v1 =	vmax.f32 v1, $0.0e+00;
	v5 =	vadd.f32 v5, v43;
	v58 =	vadd.f32 v11, v47  }
0x4ac: {  	v1 =	vmin.f32 v1, $1.000000000e+00;
	v60 =	vadd.f32 v59, v44;
	v4 =	vadd.f32 v4, v9  }
0x4ad: {  	v2 =	vmax.f32 v2, $0.0e+00;
	v6 =	vmul.f32 v6, v1;
	v61 =	vsub.f32 v58, v5  }
0x4ae: {  	s31 =	sadd.s32 $0x2, s31;
	v2 =	vmin.f32 v2, $1.000000000e+00;
	v1 =	vmul.f32 v3, v1;
	v3 =	vsub.f32 v4, v60  }
0x4af: {  	p0 =	slt.u32 s31, $0xE;
	v62 =	vadd.f32 v6, v53;
	v63 =	vmul.f32 v61, v2  }
.Ltmp1:
0x4b0: {  	v1 =	vadd.f32 v1, v7;
	v2 =	vmul.f32 v3, v2;
	(pc) =	sbr.rel @p0 .LBB2_6-.Ltmp1, $4  }
0x4b1: {  	[tilespmem:s0+$0xFFFFFF40] =	vst v62;
	v3 =	vadd.f32 v63, v5  }
0x4b2: {  	[tilespmem:s22+$0xFFFFFF40] =	vst v1;
	v1 =	vadd.f32 v2, v60  }
0x4b3: {  	s3 =	sadd.s32 $0x180, s3;
	[tilespmem:s0+$0x0] =	vst v3  }
0x4b4: {  	s7 =	sadd.s32 $0x180, s7;
	s0 =	sadd.s32 $0x180, s0;
	[tilespmem:s22+$0x0] =	vst v1;
	s22 =	sadd.s32 $0x180, s22  }
0x4b5: {  	s29 =	sadd.s32 $0x1, s29  }
0x4b6: {  	s0 =	sadd.s32 s24, s30;
	p0 =	sne.s32 s29, $0x5  }
.Ltmp2:
0x4b7: {  	s0 =	sshrl.u32 s0, $0x3;
	(pc) =	sbr.rel @p0 .LBB2_3-.Ltmp2, $4  }
0x4b8: {  	s0 =	sadd.s32 s1, s0  }
0x4b9: {  	[hbm4b:s0+s2] =	stream.linear.scatter [tilespmem:s18], [sflag:$0x5], $0xC00, $0x38;
	[tilespmem:$0x15000] =	vst v63  }
0x4ba: {  	s25 =	sadd.s32 $0x20, s25;
	s0 =	sadd.s32 $0xF00, s0  }
0x4bb: {  	[hbm4b:s0+s2] =	stream.linear.scatter [tilespmem:s19], [sflag:$0x5], $0xC00, $0x38;
	[tilespmem:$0x15000] =	vst v63  }
0x4bc: {  	_ =	swait.ge [sflag:s20], $0xC00  }
0x4bd: {  	[sflag:s20] =	ssyncset.done $0x0  }
0x4be: {  	[sflag:s20] =	ssyncadd.s32 $0xFFFFF400  }
0x4bf: {  	_ =	swait.ge [sflag:s20], $0xC00  }
0x4c0: {  	[sflag:s20] =	ssyncset.done $0x0  }
0x4c1: {  	s23 =	sadd.s32 $0x1, s23;
	[sflag:s20] =	ssyncadd.s32 $0xFFFFF400  }
0x4c2: {  	p0 =	sne.s32 s23, $0x6;
	_ =	swait.ge [sflag:s21], $0xC00  }
.Ltmp3:
0x4c3: {  	[sflag:s21] =	ssyncset.done $0x0;
	(pc) =	sbr.rel @p0 .LBB2_2-.Ltmp3, $4  }
0x4c4: {  	[sflag:s21] =	ssyncadd.s32 $0xFFFFF400  }
0x4c5: {  	_ =	swait.ge [sflag:s21], $0xC00  }
0x4c6: {  	[sflag:s21] =	ssyncset.done $0x0  }
0x4c7: {  	[sflag:s21] =	ssyncadd.s32 $0xFFFFF400  }
0x4c8: {  	s3 =	rddreg [dreg:$0x4]  }
0x4c9: {  	s0 =	rddreg [dreg:$0x3];
	s3 =	sadd.s32 $0x1, s3  }
0x4ca: {  	p0 =	sne.s32 s3, s0  }
.Ltmp4:
0x4cb: {  	_ = 	snop;
	(pc) =	sbr.rel @p0 .LBB2_1-.Ltmp4, $1  }
0x4cc: {  	_ =	sdelay $0x3  }
0x4cd: {  	_ =	sfence.sel $0x180000  }
0x4ce: {  	[bflag:$0x0] =	sbarrier.arrive $0xFFFF  }
0x4cf: {  	_ =	strace $0x90000047  }
0x4d0: {  	s0 =	stileid.u32;
	[bflag:$0x2] =	sbarrier.arrive $0xFFFF  }
0x4d1: {  	p0 =	sne.s32 s0, $0x0;
	s0 =	rddreg [dreg:$0x2]  }
0x4d2: {  	s0 =	sadd.s32 @!p0 $0x100000, s0  }
0x4d3: {  	[sflag:s0] =	ssyncadd.tile.s32 @!p0 $0x1;
	_ =	shalt  }
.Lfunc_end2:
_tile_overlayer_lowered:
.L_overlay_start_2:
0x4d4: {  	(tag) =	ssettag $0x2  }
0x4d5: {  	s0 =	rddreg [dreg:$0x0];
	s2 =	stileid.u32  }
0x4d6: {  	s1 =	rddreg [dreg:$0x1];
	p0 =	sne.s32 s2, $0x0  }
0x4d7: {  	s3 =	rddreg [dreg:$0x2];
	[bflag:$0x3] =	sbarrier.arrive $0xFFFF;
	s2 =	simm.s32 @!p0 $0x1C06  }
0x4d8: {  	[timem:s3], [sflag:s2] =	dma.local @!p0 [hbm:s0], s1  }
0x4d9: {  	s0 =	simm.s32 @!p0 $0x6  }
0x4da: {  	_ =	swait.ge @!p0 [sflag:s0], s1  }
0x4db: {  	s1 =	ssub.s32 @!p0 $0x0, s1;
	[sflag:s0] =	ssyncset.done @!p0 $0x0  }
0x4dc: {  	[sflag:s0] =	ssyncadd.s32 @!p0 s1  }
0x4dd: {  	[bflag:$0x3] =	sbarrier.arrive $0xFFFF  }
0x4de: {  	_ =	shalt  }

// kernel: sparse-core-data-format-call.cloned.1.call-start
scs
called_computation_lowered:
.L_overlay_start_0:
0x0: {  	s2 =	sld [smem:$0x3FD9]  }
0x1: {  	s3 =	sld [smem:$0x3FFE];
	_ =	sdelay $0x1  }
0x2: {  	s1 =	srdreg.scid  }
0x3: {  	s0 =	sand.u32 $0x1, s1  }
0x4: {  	s18 =	sshll.u32 s0, $0xA;
	s2 =	sadd.s32 s3, s2  }
0x5: {  	s2 =	sadd.s32 s2, s18  }
0x6: {  	[smem:$0x3FC6] =	sst s2  }
0x7: {  	_ = 	snop  }
0x8: {  	s2 =	sld [smem:$0x3FD0];
	(tm) =	ssettm $0x1  }
0x9: {  	s19 =	sld [smem:$0x3FFB];
	_ =	sdelay $0x3  }
0xa: {  	_ =	strace s19  }
0xb: {  	s3 =	sld [smem:$0x3FFC];
	_ =	sdelay $0x3  }
0xc: {  	_ =	strace s3  }
0xd: {  	s3 =	sld [smem:$0x3FFD];
	_ =	sdelay $0x3  }
0xe: {  	_ =	strace s3  }
0xf: {  	_ =	strace $0x8FFFFFFF  }
0x10: {  	s20 =	sld [smem:$0x3FDB];
	_ =	sdelay $0x1  }
0x11: {  	s4 =	simm.s32 $_scs_section_size  }
0x12: {  	s5 =	simm.s32 $_size__tile_overlayer_lowered;
	s6 =	simm.s32 $_tile_overlayer_lowered  }
0x13: {  	s23 =	simm.s32 $0x1BFF;
	s22 =	sshll.u32 s6, $0x1;
	s3 =	sadd.s32 s4, s20  }
0x14: {  	s7 =	simm.s32 $0x0;
	s21 =	sshll.u32 s5, $0x1;
	s5 =	sadd.s32 s22, s3  }
0x15: {  	[timem:s7], [sflag:s23] =	dma.local [hbm:s5], s21  }
0x16: {  	_ =	swait.ge [sflag:s23], s21  }
0x17: {  	s4 =	ssub.s32 $0x0, s21;
	[sflag:s23] =	ssyncset.done $0x0  }
0x18: {  	[sflag:s23] =	ssyncadd.s32 s4;
	_ =	sdelay $0x1  }
0x19: {  	s24 =	simm.s32 $0x1B8B  }
0x1a: {  	_ =	swait.ge [sflag:s24], $0x1  }
0x1b: {  	[sflag:s24] =	ssyncset.done $0x0  }
0x1c: {  	s26 =	simm.s32 $0x1B8E;
	s25 =	sld [smem:$0x3FFE];
	[sflag:s24] =	ssyncadd.s32 $0xFFFFFFFF  }
0x1d: {  	s27 =	simm.s32 $execute0_lowered;
	[smem:$0x3FD2] =	sst s26  }
0x1e: {  	s5 =	sshll.u32 s27, $0x1;
	_ =	strace $0x80000049;
	[dreg:$0x1] =	wrdreg $0xFFFFFFFF  }
0x1f: {  	s28 =	simm.s32 $_size_execute0_lowered;
	s3 =	sadd.s32 s3, s5;
	[dreg:$0x0] =	wrdreg $0x0  }
0x20: {  	s5 =	sshll.u32 s28, $0x1;
	[dreg:$0x2] =	wrdreg s3  }
0x21: {  	[dreg:$0x3] =	wrdreg s5  }
0x22: {  	[dreg:$0x4] =	wrdreg $0xC0  }
0x23: {  	_ =	task [dreg:s7], $0x5FFFF  }
0x24: {  	[dreg:$0x1] =	wrdreg $0xFFFFFFFF  }
0x25: {  	[dreg:$0x0] =	wrdreg $0x60  }
0x26: {  	[dreg:$0x2] =	wrdreg s25  }
0x27: {  	[dreg:$0x3] =	wrdreg s2  }
0x28: {  	[dreg:$0x4] =	wrdreg $0x9  }
0x29: {  	_ =	task.clear_ibuf [dreg:s7], $0x5FFFF;
	_ =	strace $0x90000049  }
0x2a: {  	s29 =	simm.s32 $0x9;
	_ =	strace $0x8000004B  }
0x2b: {  	_ =	swait.ge [sflag:s29], $0x1  }
0x2c: {  	[sflag:s29] =	ssyncadd.s32 $0xFFFFFFFF  }
0x2d: {  	_ =	strace $0x9000004B  }
0x2e: {  	_ =	sfence  }
0x2f: {  	s30 =	sld [smem:$0x0];
	_ =	sdelay $0x2  }
0x30: {  	s31 =	sshll.u32 s1, $0xD;
	s1 =	sshrl.u32 s1, $0x2  }
0x31: {  	s3 =	sand.u32 $0x4000, s31;
	s1 =	sadd.s32 s1, s30  }
0x32: {  	s0 =	sor.u32 s3, s0;
	s1 =	sshll.u32 s1, $0x11  }
0x33: {  	s0 =	sor.u32 s1, s0  }
0x34: {  	s0 =	sadd.s32 $0x8F2B, s0  }
0x35: {  	[sflag:s0] =	ssyncadd.remote.s32 $0x1  }
0x36: {  	_ =	sfence.sel $0xFFFF  }
0x37: {  	[dreg:$0x0] =	wrdreg $0xFFFFFFFF;
	(pc) =	sbr.abs _section_cstart, $3  }
0x38: {  	[dreg:$0x1] =	wrdreg $0xFFFFFFFF  }
0x39: {  	_ =	task.clear_ibuf [dreg:s7], $0x2FFFF;
	_ =	strace $0x9FFFFFFF  }
0x3a: {  	(tm) =	ssettm $0x7FFFFFFF  }
0x3b: {  	_ =	shalt  }
tec
execute0_lowered:
.L_overlay_start_1:
0x0: {  	(tag) =	ssettag $0x1  }
0x1: {  	s4 =	rddreg [dreg:$0x0]  }
0x2: {  	s2 =	rddreg [dreg:$0x1]  }
0x3: {  	s1 =	stileid.u32;
	s0 =	rddreg [dreg:$0x2]  }
0x4: {  	_ =	strace $0x8000004A;
	s6 =	srdreg.scid;
	s31 =	simm.s32 $0x2  }
0x5: {  	s9 =	simm.s32 $0x0;
	p0 =	por $0x0, $0x0;
	s15 =	simm.s32 $0x0  }
0x6: {  	s16 =	simm.s32 $0x0;
	s17 =	simm.s32 $0x0;
	s18 =	simm.s32 $0x0  }
0x7: {  	s10 =	simm.s32 $0x0;
	s11 =	simm.s32 $0x0;
	s3 =	sand.u32 $0x1, s1  }
0x8: {  	s14 =	simm.s32 $0x0;
	s6 =	sshll.u32 s6, $0x4;
	s5 =	ssub.s32 $0x2, s3  }
.Ltmp0:
0x9: {  	s7 =	sshrl.u32 s5, $0x1;
	s5 =	sand.u32 $0x1, s5;
	(pc) =	sbr.rel .LBB1_1-.Ltmp0, $4  }
0xa: {  	s4 =	sadd.s32 $0x800, s4;
	s8 =	sand.u32 $0x10, s6;
	s7 =	sadd.s32 s5, s7  }
0xb: {  	s30 =	sor.u32 s1, s8;
	s5 =	simm.s32 $0x1;
	s6 =	smul.u32 $0x1E, s7  }
0xc: {  	s13 =	smov.u32 s3;
	[sflag:s5] =	ssyncpa.u1 $0x0;
	s7 =	sshrl.u32 s30, $0x1  }
0xd: {  	[sflag:s31] =	ssyncpa.u1 $0x0;
	s12 =	smov.u32 s7;
	s8 =	sor.u32 $0x1, s6  }
.LBB1_7:
0xe: {  	s19 =	sadd.s32 $0x20, s10  }
0xf: {  	s15 =	sadd.s32 $0x2, s11;
	s20 =	smov.u32 s11;
	p2 =	sgt.s32 s19, $0x9F  }
0x10: {  	s20 =	smov.u32 @p2 s15  }
0x11: {  	s21 =	smov.u32 s12;
	s15 =	sadd.s32 $0x10, s12;
	p3 =	sgt.s32 s20, $0x1  }
0x12: {  	s21 =	smov.u32 @p3 s15  }
0x13: {  	s22 =	smov.u32 s13;
	s15 =	sadd.s32 $0x2, s13;
	p4 =	sgt.s32 s21, $0x5F  }
0x14: {  	p1 =	slt.u32 s14, $0x2;
	s22 =	smov.u32 @p4 s15  }
0x15: {  	s16 =	smov.u32 s11;
	s19 =	simm.s32 @p2 $0x0;
	p2 =	sgt.s32 s22, $0x1  }
0x16: {  	s23 =	simm.s32 @!p1 $0x2;
	s22 =	smov.u32 @p2 s3;
	p2 =	sne.s32 s14, s8  }
.Ltmp1:
0x17: {  	s17 =	smov.u32 s12;
	_ =	swait.ge @!p1 [sflag:s23], $0x4000;
	(pc) =	sbr.rel @!p2 .LBB1_8-.Ltmp1, $4  }
0x18: {  	s18 =	smov.u32 s13;
	[sflag:s23] =	ssyncset.done @!p1 $0x0;
	s20 =	simm.s32 @p3 $0x0  }
0x19: {  	p0 =	por !p0, !p0;
	[sflag:s23] =	ssyncadd.s32 @!p1 $0xFFFFC000;
	s11 =	smov.u32 s20  }
0x1a: {  	s21 =	smov.u32 @p4 s7;
	s15 =	smov.u32 s10;
	s10 =	smov.u32 s19  }
0x1b: {  	s12 =	smov.u32 s21;
	s14 =	sadd.s32 $0x1, s14;
	s13 =	smov.u32 s22  }
.LBB1_1:
0x1c: {  	p1 =	sge.u32 s14, s6  }
0x1d: {  	s19 =	sshll.u32 @!p1 s10, $0x8;
	s20 =	sshll.u32 @!p1 s10, $0x7  }
0x1e: {  	s19 =	sand.u32 @!p1 $0xFFFFF800, s19;
	s20 =	sand.u32 @!p1 $0x300, s20  }
0x1f: {  	s21 =	smul.u32 @!p1 $0xF0000, s13;
	s19 =	sor.u32 @!p1 s20, s19  }
0x20: {  	s22 =	smul.u32 @!p1 $0x2800, s12;
	s19 =	sshrl.u32 @!p1 s19, $0x8  }
0x21: {  	s20 =	smulhi.u32 @!p1 $0x199999A, s19  }
0x22: {  	s31 =	sadd.s32 $0xFFFFFFFF, s14;
	s24 =	smul.u32 @!p1 $0x1400, s11  }
0x23: {  	s23 =	sxor.u32 @!p1 $0xFFFFFFFF, s14;
	s21 =	sadd.s32 @!p1 s4, s21;
	s20 =	smul.u32 @!p1 $0xA0, s20  }
0x24: {  	s23 =	sshll.u32 @!p1 s23, $0xE;
	s21 =	sadd.s32 @!p1 s22, s21;
	s22 =	sshll.u32 @!p1 s10, $0x4  }
0x25: {  	s21 =	sadd.s32 @!p1 s24, s21;
	s19 =	ssub.s32 @!p1 s19, s20;
	s20 =	sand.u32 @!p1 $0x10, s22  }
0x26: {  	s22 =	sand.u32 @!p1 $0x4000, s23;
	s19 =	sshll.u32 @!p1 s19, $0x5;
	s20 =	sadd.s32 @!p1 s20, s21  }
0x27: {  	s21 =	simm.s32 @!p1 $0xA000;
	s19 =	sadd.s32 @!p1 s19, s20;
	s20 =	simm.s32 @!p1 $0x2000  }
0x28: {  	[tilespmem:s22], [sflag:$0x1] =	stream.strided.gather @!p1 [hbm4b:s19+s20], $0x4000, s21, s20, $0x38;
	[tilespmem:$0x10000] =	vst v63  }
0x29: {  	p1 =	sge.u32 s31, s6  }
.Ltmp2:
0x2a: {  	_ = 	snop;
	(pc) =	sbr.rel @p1 .LBB1_7-.Ltmp2, $1  }
0x2b: {  	_ =	sdelay $0x3  }
0x2c: {  	s19 =	simm.s32 $0x1;
	_ =	swait.ge [sflag:s5], $0x4000  }
0x2d: {  	s20 =	sshll.u32 s14, $0xE;
	s22 =	simm.s32 $0x0;
	s19 =	simm.s32 @!p0 $0x0  }
0x2e: {  	p2 =	por $0x1, $0x1;
	s24 =	simm.s32 $0x0;
	s19 =	sshll.u32 s19, $0x10  }
0x2f: {  	[sflag:s5] =	ssyncset.done $0x0;
	s20 =	sand.u32 $0x4000, s20;
	s21 =	sshrl.u32 s19, $0x2  }
0x30: {  	[sflag:s5] =	ssyncadd.s32 $0xFFFFC000;
	s19 =	sor.u32 $0x8000, s20;
	s21 =	sadd.s32 $0x8100, s21  }
.LBB1_3:
0x31: {  	s23 =	sshll.u32 s24, $0xD  }
0x32: {  	s26 =	sand.u32 $0x1800, s22;
	s29 =	sand.u32 $0x380, s22;
	v1 =	vmov s23  }
0x33: {  	s25 =	sadd.s32 s23, s20;
	s23 =	sor.u32 s29, s26  }
0x34: {  	v0 =	vmov s25;
	s25 =	sand.u32 $0x1B00, s23  }
0x35: {  	s26 =	sand.u32 $0x80, s22;
	s25 =	sadd.s32 s25, s20  }
0x36: {  	s25 =	sadd.s32 s26, s25  }
0x37: {  	v5 =	vld.idx.msk [tilespmem:v1+s25+$0x400 ss:$0x1], $0xffff  }
0x38: {  	v6 =	vld.idx.msk [tilespmem:v1+s25+$0x0 ss:$0x1], $0xffff  }
0x39: {  	v7 =	vld.idx.msk [tilespmem:v1+s25+$0x10 ss:$0x1], $0xffff  }
0x3a: {  	v11 =	vld.idx.msk [tilespmem:v1+s25+$0x20 ss:$0x1], $0xffff  }
0x3b: {  	v12 =	vld.idx.msk [tilespmem:v1+s25+$0x30 ss:$0x1], $0xffff  }
0x3c: {  	v13 =	vld.idx.msk [tilespmem:v1+s25+$0x40 ss:$0x1], $0xffff  }
0x3d: {  	s30 =	sshll.u32 s24, $0x7;
	v10 =	vld.idx.msk [tilespmem:v1+s25+$0x50 ss:$0x1], $0xffff  }
0x3e: {  	s24 =	sand.u32 $0x3FFFFF80, s30;
	v9 =	vld.idx.msk [tilespmem:v1+s25+$0x60 ss:$0x1], $0xffff  }
0x3f: {  	s24 =	sadd.s32 s24, s21;
	v8 =	vld.idx.msk [tilespmem:v1+s25+$0x70 ss:$0x1], $0xffff  }
0x40: {  	v2 =	vld.idx.msk [tilespmem:v0+s23+$0x410 ss:$0x1], $0xffff;
	[tilespmem:s24+$0x0] =	vst v5  }
0x41: {  	v3 =	vld.idx.msk [tilespmem:v0+s23+$0x420 ss:$0x1], $0xffff;
	[tilespmem:s24+$0xFFFFFF00] =	vst v6  }
0x42: {  	v4 =	vld.idx.msk [tilespmem:v0+s23+$0x430 ss:$0x1], $0xffff;
	[tilespmem:s24+$0xFFFFFF10] =	vst v7  }
0x43: {  	[tilespmem:s24+$0xFFFFFF20] =	vst v11;
	v5 =	vld.idx.msk [tilespmem:v0+s23+$0x440 ss:$0x1], $0xffff  }
0x44: {  	s31 =	simm.s32 $0x100;
	p1 =	por p2, p2;
	s25 =	simm.s32 $0x80;
	[tilespmem:s24+$0xFFFFFF30] =	vst v12;
	v6 =	vld.idx.msk [tilespmem:v0+s23+$0x450 ss:$0x1], $0xffff  }
0x45: {  	s27 =	sand.u32 $0x1800, s31;
	s26 =	simm.s32 $0x200;
	s28 =	sand.u32 $0x380, s25;
	[tilespmem:s24+$0xFFFFFF40] =	vst v13;
	v7 =	vld.idx.msk [tilespmem:v0+s23+$0x460 ss:$0x1], $0xffff  }
.LBB1_4:
0x46: {  	p2 =	sne.s32 s26, $0x1F00;
	[tilespmem:s24+$0xFFFFFF50] =	vst v10;
	v10 =	vld.idx.msk [tilespmem:v0+s23+$0x470 ss:$0x1], $0xffff;
	s23 =	sor.u32 s28, s27  }
0x47: {  	s27 =	sand.u32 $0x1B00, s23;
	v11 =	vld.idx.msk [tilespmem:v0+s23+$0x410 ss:$0x1], $0xffff;
	[tilespmem:s24+$0xFFFFFF60] =	vst v9  }
0x48: {  	s28 =	sand.u32 $0x80, s25;
	s27 =	sadd.s32 s27, s20;
	v9 =	vld.idx.msk [tilespmem:v0+s23+$0x420 ss:$0x1], $0xffff;
	[tilespmem:s24+$0xFFFFFF70] =	vst v8  }
0x49: {  	s27 =	sadd.s32 s28, s27;
	v8 =	vld.idx.msk [tilespmem:v0+s23+$0x430 ss:$0x1], $0xffff;
	[tilespmem:s24+$0x10] =	vst v2  }
0x4a: {  	v12 =	vld.idx.msk [tilespmem:v1+s27+$0x400 ss:$0x1], $0xffff;
	[tilespmem:s24+$0x20] =	vst v3  }
0x4b: {  	v13 =	vld.idx.msk [tilespmem:v1+s27+$0x0 ss:$0x1], $0xffff;
	[tilespmem:s24+$0x30] =	vst v4  }
0x4c: {  	v14 =	vld.idx.msk [tilespmem:v1+s27+$0x10 ss:$0x1], $0xffff;
	[tilespmem:s24+$0x40] =	vst v5  }
0x4d: {  	v2 =	vmov v11;
	v5 =	vld.idx.msk [tilespmem:v1+s27+$0x20 ss:$0x1], $0xffff;
	[tilespmem:s24+$0x50] =	vst v6  }
0x4e: {  	v3 =	vmov v9;
	v6 =	vld.idx.msk [tilespmem:v1+s27+$0x30 ss:$0x1], $0xffff;
	[tilespmem:s24+$0x60] =	vst v7  }
0x4f: {  	v4 =	vmov v8;
	v7 =	vld.idx.msk [tilespmem:v1+s27+$0x40 ss:$0x1], $0xffff;
	[tilespmem:s24+$0x70] =	vst v10;
	s24 =	sadd.s32 $0x200, s24  }
0x50: {  	v10 =	vld.idx.msk [tilespmem:v1+s27+$0x50 ss:$0x1], $0xffff;
	[tilespmem:s24+$0x0] =	vst v12  }
.Ltmp3:
0x51: {  	[tilespmem:s24+$0xFFFFFF00] =	vst v13;
	v9 =	vld.idx.msk [tilespmem:v1+s27+$0x60 ss:$0x1], $0xffff;
	(pc) =	sbr.rel @p2 .LBB1_4-.Ltmp3, $4  }
0x52: {  	[tilespmem:s24+$0xFFFFFF10] =	vst v14;
	v8 =	vld.idx.msk [tilespmem:v1+s27+$0x70 ss:$0x1], $0xffff  }
0x53: {  	[tilespmem:s24+$0xFFFFFF20] =	vst v5;
	v5 =	vld.idx.msk [tilespmem:v0+s23+$0x440 ss:$0x1], $0xffff  }
0x54: {  	s25 =	sadd.s32 $0x80, s25;
	[tilespmem:s24+$0xFFFFFF30] =	vst v6;
	v6 =	vld.idx.msk [tilespmem:v0+s23+$0x450 ss:$0x1], $0xffff  }
0x55: {  	s28 =	sand.u32 $0x380, s25;
	s27 =	sand.u32 $0x1800, s26;
	s26 =	sadd.s32 $0x100, s26;
	[tilespmem:s24+$0xFFFFFF40] =	vst v7;
	v7 =	vld.idx.msk [tilespmem:v0+s23+$0x460 ss:$0x1], $0xffff  }
0x56: {  	[tilespmem:s24+$0xFFFFFF50] =	vst v10  }
0x57: {  	[tilespmem:s24+$0xFFFFFF60] =	vst v9  }
0x58: {  	[tilespmem:s24+$0x10] =	vst v2  }
0x59: {  	[tilespmem:s24+$0x20] =	vst v3  }
0x5a: {  	s26 =	sor.u32 s28, s27;
	v47 =	vld.idx.msk [tilespmem:v0+s23+$0x470 ss:$0x1], $0xffff;
	[tilespmem:s24+$0x30] =	vst v4  }
0x5b: {  	[tilespmem:s24+$0xFFFFFF70] =	vst v8;
	v57 =	vld.idx.msk [tilespmem:v0+s26+$0x410 ss:$0x1], $0xffff  }
0x5c: {  	v58 =	vld.idx.msk [tilespmem:v0+s26+$0x420 ss:$0x1], $0xffff;
	[tilespmem:s24+$0x40] =	vst v5  }
0x5d: {  	v59 =	vld.idx.msk [tilespmem:v0+s26+$0x430 ss:$0x1], $0xffff;
	[tilespmem:s24+$0x50] =	vst v6  }
0x5e: {  	v60 =	vld.idx.msk [tilespmem:v0+s26+$0x440 ss:$0x1], $0xffff;
	[tilespmem:s24+$0x60] =	vst v7  }
0x5f: {  	s31 =	sadd.s32 $0x200, s24;
	s27 =	sand.u32 $0x1B00, s26;
	v61 =	vld.idx.msk [tilespmem:v0+s26+$0x450 ss:$0x1], $0xffff;
	[tilespmem:s24+$0x70] =	vst v47  }
0x60: {  	s25 =	sand.u32 $0x80, s25;
	v62 =	vld.idx.msk [tilespmem:v0+s26+$0x460 ss:$0x1], $0xffff;
	s27 =	sadd.s32 s27, s20;
	[tilespmem:s31+$0x10] =	vst v57  }
0x61: {  	v63 =	vld.idx.msk [tilespmem:v0+s26+$0x470 ss:$0x1], $0xffff;
	s30 =	sadd.s32 s25, s27;
	[tilespmem:s31+$0x20] =	vst v58  }
0x62: {  	v48 =	vld.idx.msk [tilespmem:v1+s30+$0x400 ss:$0x1], $0xffff;
	[tilespmem:s31+$0x30] =	vst v59  }
0x63: {  	v49 =	vld.idx.msk [tilespmem:v1+s30+$0x0 ss:$0x1], $0xffff;
	[tilespmem:s31+$0x40] =	vst v60  }
0x64: {  	v50 =	vld.idx.msk [tilespmem:v1+s30+$0x10 ss:$0x1], $0xffff;
	[tilespmem:s31+$0x50] =	vst v61  }
0x65: {  	v51 =	vld.idx.msk [tilespmem:v1+s30+$0x20 ss:$0x1], $0xffff;
	[tilespmem:s31+$0x60] =	vst v62  }
0x66: {  	v52 =	vld.idx.msk [tilespmem:v1+s30+$0x30 ss:$0x1], $0xffff;
	[tilespmem:s31+$0x70] =	vst v63  }
0x67: {  	v53 =	vld.idx.msk [tilespmem:v1+s30+$0x40 ss:$0x1], $0xffff;
	[tilespmem:s31+$0x0] =	vst v48  }
0x68: {  	v54 =	vld.idx.msk [tilespmem:v1+s30+$0x50 ss:$0x1], $0xffff;
	[tilespmem:s31+$0xFFFFFF00] =	vst v49  }
0x69: {  	v55 =	vld.idx.msk [tilespmem:v1+s30+$0x60 ss:$0x1], $0xffff;
	[tilespmem:s31+$0xFFFFFF10] =	vst v50  }
0x6a: {  	v56 =	vld.idx.msk [tilespmem:v1+s30+$0x70 ss:$0x1], $0xffff;
	[tilespmem:s31+$0xFFFFFF20] =	vst v51  }
.Ltmp4:
0x6b: {  	[tilespmem:s31+$0xFFFFFF30] =	vst v52;
	(pc) =	sbr.rel @p1 .LBB1_3-.Ltmp4, $4  }
0x6c: {  	[tilespmem:s31+$0xFFFFFF40] =	vst v53  }
0x6d: {  	[tilespmem:s31+$0xFFFFFF50] =	vst v54  }
0x6e: {  	[tilespmem:s31+$0xFFFFFF60] =	vst v55  }
0x6f: {  	p2 =	por $0x0, $0x0;
	s24 =	simm.s32 $0x1;
	[tilespmem:s31+$0xFFFFFF70] =	vst v56  }
0x70: {  	s18 =	smul.u32 $0xF0000, s18  }
0x71: {  	s17 =	smul.u32 $0x2800, s17  }
.Ltmp5:
0x72: {  	s18 =	sadd.s32 s2, s18;
	(pc) =	sbr.rel .LBB1_7-.Ltmp5, $4  }
0x73: {  	s15 =	sshll.u32 s15, $0x6;
	s16 =	sshll.u32 s16, $0x4;
	s17 =	sadd.s32 s17, s18  }
0x74: {  	s16 =	sand.u32 $0x10, s16;
	s15 =	sadd.s32 s15, s17  }
0x75: {  	s15 =	sadd.s32 s16, s15  }
0x76: {  	[hbm4b:s15+s9] =	stream.linear.scatter [tilespmem:s19], [sflag:$0x2], $0x4000, $0x38;
	[tilespmem:$0x10000] =	vst v63  }
.LBB1_8:
0x77: {  	_ =	sfence.sel $0x180000  }
0x78: {  	s2 =	simm.s32 $0x1;
	[bflag:$0x0] =	sbarrier.arrive $0xFFFF  }
0x79: {  	s31 =	simm.s32 $0x2;
	[sflag:s2] =	ssyncpa.u1 $0x1  }
0x7a: {  	[sflag:s31] =	ssyncpa.u1 $0x1  }
0x7b: {  	p0 =	sne.s32 s1, $0x0;
	_ =	strace $0x9000004A  }
0x7c: {  	s0 =	sadd.s32 @!p0 $0x100000, s0;
	[bflag:$0x2] =	sbarrier.arrive $0xFFFF  }
0x7d: {  	[sflag:s0] =	ssyncadd.tile.s32 @!p0 $0x1;
	_ =	shalt  }
.Lfunc_end1:
_tile_overlayer_lowered:
.L_overlay_start_2:
0x7e: {  	(tag) =	ssettag $0x2  }
0x7f: {  	s0 =	rddreg [dreg:$0x0];
	s2 =	stileid.u32  }
0x80: {  	s1 =	rddreg [dreg:$0x1];
	p0 =	sne.s32 s2, $0x0  }
0x81: {  	s3 =	rddreg [dreg:$0x2];
	[bflag:$0x3] =	sbarrier.arrive $0xFFFF;
	s2 =	simm.s32 @!p0 $0x1C01  }
0x82: {  	[timem:s3], [sflag:s2] =	dma.local @!p0 [hbm:s0], s1  }
0x83: {  	s0 =	simm.s32 @!p0 $0x1  }
0x84: {  	_ =	swait.ge @!p0 [sflag:s0], s1  }
0x85: {  	s1 =	ssub.s32 @!p0 $0x0, s1;
	[sflag:s0] =	ssyncset.done @!p0 $0x0  }
0x86: {  	[sflag:s0] =	ssyncadd.s32 @!p0 s1  }
0x87: {  	[bflag:$0x3] =	sbarrier.arrive $0xFFFF  }
0x88: {  	_ =	shalt  }

</sc_bundles>
